<compile_context>
chip_gen: v7x
topology: tpu7x:2x2x1
jax: 0.10.2.dev20260603
libtpu: 0.0.44.dev20260713+nightly
codegen_flags: <defaults>
</compile_context>

<pallas_src>
import functools
import jax
import jax.numpy as jnp
from jax import lax
from jax.experimental import pallas as pl
from jax.experimental.pallas import tpu as pltpu
from jax.experimental.pallas import tpu_sc as plsc

D = 128
R = 512
NP = 10240
NC = 1
NS = 16
NW = NC * NS
CH = 32
SUP = 8
ACC_R = 10112
DROWS = NP // 128



def _tc_transform(x, w, a_src, a_dst, n_valid):
    def body(x_ref, w_ref, as_ref, ad_ref, h_ref, sv_ref, dv_ref, mx_ref):
        i = pl.program_id(0)
        h = jnp.dot(x_ref[...], w_ref[...], preferred_element_type=jnp.float32)
        h_ref[...] = h
        sv = jnp.sum(h * as_ref[0, :][None, :], axis=1)
        dv = jnp.sum(h * ad_ref[0, :][None, :], axis=1)
        sv_ref[...] = sv
        dv_ref[...] = dv

        @pl.when(i == 0)
        def _():
            mx_ref[...] = jnp.full((1, 128), -1e30, jnp.float32)

        rows = i * R + lax.broadcasted_iota(jnp.int32, (R,), 0)
        valid = rows < n_valid
        svm = jnp.max(jnp.where(valid, sv, -1e30))
        dvm = jnp.max(jnp.where(valid, dv, -1e30))
        lanes = lax.broadcasted_iota(jnp.int32, (1, 128), 1)
        upd = jnp.where(lanes == 0, svm, jnp.where(lanes == 1, dvm, -1e30))
        mx_ref[...] = jnp.maximum(mx_ref[...], upd)

    return pl.pallas_call(
        body,
        grid=(NP // R,),
        in_specs=[
            pl.BlockSpec((R, D), lambda i: (i, 0)),
            pl.BlockSpec((D, D), lambda i: (0, 0)),
            pl.BlockSpec((1, D), lambda i: (0, 0)),
            pl.BlockSpec((1, D), lambda i: (0, 0)),
        ],
        out_specs=[
            pl.BlockSpec((R, D), lambda i: (i, 0)),
            pl.BlockSpec((R,), lambda i: (i,)),
            pl.BlockSpec((R,), lambda i: (i,)),
            pl.BlockSpec((1, 128), lambda i: (0, 0)),
        ],
        out_shape=[
            jax.ShapeDtypeStruct((NP, D), jnp.float32),
            jax.ShapeDtypeStruct((NP,), jnp.float32),
            jax.ShapeDtypeStruct((NP,), jnp.float32),
            jax.ShapeDtypeStruct((1, 128), jnp.float32),
        ],
    )(x, w, a_src.reshape(1, D), a_dst.reshape(1, D))


def _tc_combine_body(nf_ref, den_ref, b_ref, fl_ref, out_ref):
    n = nf_ref[0]
    den = den_ref[0, :]
    for c in range(1, NC):
        n = n + nf_ref[c]
        den = den + den_ref[c, :]
    y = n / (den[:, None] + 1e-16) + b_ref[0, :][None, :]
    out_ref[...] = jnp.where(fl_ref[...] > 0.0, jnp.maximum(y, 0.0), y)


def _tc_combine(nf, den, b, flag_row):
    return pl.pallas_call(
        _tc_combine_body,
        grid=(NP // R,),
        in_specs=[
            pl.BlockSpec((NC, R, D), lambda i: (0, i, 0)),
            pl.BlockSpec((NC, R), lambda i: (0, i)),
            pl.BlockSpec((1, D), lambda i: (0, 0)),
            pl.BlockSpec((1, D), lambda i: (0, 0)),
        ],
        out_specs=pl.BlockSpec((R, D), lambda i: (i, 0)),
        out_shape=jax.ShapeDtypeStruct((NP, D), jnp.float32),
    )(nf, den, b.reshape(1, D), flag_row)



_SC_KERNEL_CACHE = {}


def _sc_edge_pass(h, src2d, dst2d, sv, dv, mx, n_chunks, e_total):
    key = (n_chunks, e_total)
    if key not in _SC_KERNEL_CACHE:
        _SC_KERNEL_CACHE[key] = _build_sc_edge_pass(n_chunks, e_total)
    return _SC_KERNEL_CACHE[key](h, src2d, dst2d, sv, dv, mx)


def _build_sc_edge_pass(n_chunks, e_total):
    rows_per_tile = ACC_R // NS
    mesh = plsc.VectorSubcoreMesh(core_axis_name="c", subcore_axis_name="s",
                                  num_cores=NC)

    n_sup = n_chunks // SUP

    @functools.partial(
        pl.kernel,
        out_type=(
            jax.ShapeDtypeStruct((NC, ACC_R, D), jnp.float32),
            jax.ShapeDtypeStruct((NC, DROWS, 128), jnp.float32),
        ),
        mesh=mesh,
        scratch_types=[
            pltpu.VMEM((2, SUP, CH), jnp.int32),
            pltpu.VMEM((2, SUP, CH), jnp.int32),
            pltpu.VMEM((NP,), jnp.float32),
            pltpu.VMEM((NP,), jnp.float32),
            pltpu.VMEM((128,), jnp.float32),
            pltpu.VMEM((3, CH, D), jnp.float32),
            pltpu.VMEM((DROWS, 128), jnp.float32),
            pltpu.VMEM((DROWS,), jnp.int32),
            pltpu.VMEM_SHARED((ACC_R, D), jnp.float32),
            pltpu.VMEM_SHARED((DROWS, 128), jnp.float32),
            pltpu.SemaphoreType.DMA,
            pltpu.SemaphoreType.DMA,
            pltpu.SemaphoreType.DMA,
            pltpu.SemaphoreType.DMA,
        ],
        compiler_params=pltpu.CompilerParams(needs_layout_passes=False),
    )
    def body(h_hbm, src_hbm, dst_hbm, sv_hbm, dv_hbm, mx_hbm,
             out_hbm, den_hbm,
             src_l, dst_l, sv_l, dv_l, mx_l, gbuf,
             den_l, rowid, accum, den_sh, isem, gsem, ssem, vsem):
        ci = lax.axis_index("c")
        si = lax.axis_index("s")
        wid = si * NC + ci
        tile_edges = n_chunks * CH
        ebase = wid * tile_edges
        row0 = si * rows_per_tile

        lanes = lax.iota(jnp.int32, 16)
        zeros16f = jnp.zeros((16,), jnp.float32)
        zero16 = jnp.zeros((16,), jnp.int32)

        def zrow(r, _):
            for j in range(D // 16):
                gbuf[0, r, pl.ds(j * 16, 16)] = zeros16f
            return 0

        lax.fori_loop(0, CH, zrow, 0)

        def zden(r, _):
            for j in range(128 // 16):
                den_l[r, pl.ds(j * 16, 16)] = zeros16f
            return 0

        lax.fori_loop(0, DROWS, zden, 0)

        def zrid(r, _):
            rowid[pl.ds(r * 16, 16)] = r * 16 + lanes
            return 0

        lax.fori_loop(0, DROWS // 16, zrid, 0)

        n_rb = -(-rows_per_tile // 32)

        def zacc(z, _):
            off = jnp.minimum(z * 32, rows_per_tile - 32)
            pltpu.sync_copy(gbuf.at[0, pl.ds(0, 32)],
                            accum.at[pl.ds(row0 + off, 32)])
            return 0

        lax.fori_loop(0, n_rb, zacc, 0)

        @pl.when(si == 0)
        def _():
            pltpu.sync_copy(den_l, den_sh)

        pltpu.sync_copy(sv_hbm, sv_l)
        pltpu.sync_copy(dv_hbm, dv_l)
        pltpu.sync_copy(mx_hbm.at[0], mx_l)

        mxv = mx_l[pl.ds(0, 16)]
        c0 = mxv[0] + mxv[1]
        c = jnp.where(c0 >= 0.0, c0, 0.2 * c0)

        plsc.subcore_barrier()

        def issue_idx(s):
            sl = lax.rem(s, 2)
            pltpu.async_copy(src_hbm.at[wid, pl.ds(s * SUP, SUP)],
                             src_l.at[sl], isem)
            pltpu.async_copy(dst_hbm.at[wid, pl.ds(s * SUP, SUP)],
                             dst_l.at[sl], isem)

        def wait_idx(s):
            sl = lax.rem(s, 2)
            pltpu.make_async_copy(src_hbm.at[wid, pl.ds(s * SUP, SUP)],
                                  src_l.at[sl], isem).wait()
            pltpu.make_async_copy(dst_hbm.at[wid, pl.ds(s * SUP, SUP)],
                                  dst_l.at[sl], isem).wait()

        def issue_gather(g):
            sl = lax.rem(g, 3)
            isl = lax.rem(lax.div(g, SUP), 2)
            goff = lax.rem(g, SUP)
            pltpu.async_copy(h_hbm.at[src_l.at[isl, goff]],
                             gbuf.at[sl], gsem)

        def wait_gather(g):
            sl = lax.rem(g, 3)
            pltpu.make_async_copy(h_hbm.at[pl.ds(0, CH)], gbuf.at[sl],
                                  gsem).wait()

        def wait_scatter():
            pltpu.make_async_copy(h_hbm.at[pl.ds(0, CH)], gbuf.at[0],
                                  ssem).wait()

        issue_idx(0)
        wait_idx(0)
        issue_gather(0)
        issue_gather(1)

        def chunk(g, _):
            isl = lax.rem(lax.div(g, SUP), 2)
            gsl = lax.rem(g, 3)
            goff = lax.rem(g, SUP)

            @pl.when(jnp.logical_and(lax.rem(g, SUP) == 0,
                                     lax.div(g, SUP) + 1 < n_sup))
            def _():
                issue_idx(lax.div(g, SUP) + 1)

            @pl.when(jnp.logical_and(lax.rem(g + 2, SUP) == 0,
                                     g + 2 < n_chunks))
            def _():
                wait_idx(lax.div(g + 2, SUP))

            exs = []
            for j in range(CH // 16):
                s16 = src_l[isl, goff, pl.ds(j * 16, 16)]
                d16 = dst_l[isl, goff, pl.ds(j * 16, 16)]
                e = plsc.load_gather(sv_l, [s16]) + plsc.load_gather(dv_l, [d16])
                e = jnp.where(e >= 0.0, e, 0.2 * e) - c
                ex = jnp.exp(e)
                gid = ebase + g * CH + j * 16 + lanes
                ex = jnp.where(gid < e_total, ex, 0.0)
                exs.append(ex)
                plsc.addupdate_scatter(
                    den_l,
                    [lax.shift_right_arithmetic(d16, 7),
                     lax.bitwise_and(d16, 127)],
                    ex)

            @pl.when(g >= 1)
            def _():
                wait_scatter()

            @pl.when(g + 2 < n_chunks)
            def _():
                issue_gather(g + 2)

            wait_gather(g)

            for j in range(CH // 16):
                ex16 = exs[j]
                for i in range(16):
                    s = ex16[i]
                    row = j * 16 + i
                    for k in range(D // 16):
                        gbuf[gsl, row, pl.ds(k * 16, 16)] = (
                            gbuf[gsl, row, pl.ds(k * 16, 16)] * s)

            pltpu.async_copy(gbuf.at[gsl], accum.at[dst_l.at[isl, goff]],
                             ssem, add=True)
            return 0

        lax.fori_loop(0, n_chunks, chunk, 0)
        wait_scatter()

        pltpu.sync_copy(den_l, den_sh.at[rowid], add=True)
        plsc.subcore_barrier()

        def rback(z, _):
            off = jnp.minimum(z * 32, rows_per_tile - 32)
            pltpu.sync_copy(accum.at[pl.ds(row0 + off, 32)],
                            gbuf.at[0, pl.ds(0, 32)])
            pltpu.sync_copy(gbuf.at[0, pl.ds(0, 32)],
                            out_hbm.at[ci, pl.ds(row0 + off, 32)])
            return 0

        lax.fori_loop(0, n_rb, rback, 0)

        @pl.when(si < DROWS // 8)
        def _():
            pltpu.sync_copy(den_sh.at[pl.ds(si * 8, 8)], gbuf.at[0, pl.ds(0, 8)])
            pltpu.sync_copy(gbuf.at[0, pl.ds(0, 8)],
                            den_hbm.at[ci, pl.ds(si * 8, 8)])

    return body



def kernel(x, edge_index, W1, att_src1, att_dst1, b1,
           W2, att_src2, att_dst2, b2):
    n, d = x.shape
    assert d == D and n <= NP
    e = edge_index.shape[1]
    e_total = e + n
    n_chunks = -(-e_total // (NW * CH))
    n_chunks = -(-n_chunks // SUP) * SUP
    ep = n_chunks * NW * CH

    loops = jnp.arange(n, dtype=jnp.int32)
    pad = jnp.zeros((ep - e_total,), jnp.int32)
    src = jnp.concatenate([edge_index[0].astype(jnp.int32), loops, pad])
    dst = jnp.concatenate([edge_index[1].astype(jnp.int32), loops, pad])
    src2d = src.reshape(NW, n_chunks, CH)
    dst2d = dst.reshape(NW, n_chunks, CH)
    xp = jnp.pad(x, ((0, NP - n), (0, 0)))

    ws = jnp.stack([W1, W2])
    avs = jnp.stack([att_src1, att_src2])
    ads = jnp.stack([att_dst1, att_dst2])
    bs = jnp.stack([b1, b2])

    def layer(i, hcur):
        w = lax.dynamic_index_in_dim(ws, i, keepdims=False)
        av = lax.dynamic_index_in_dim(avs, i, keepdims=False)
        ad = lax.dynamic_index_in_dim(ads, i, keepdims=False)
        b = lax.dynamic_index_in_dim(bs, i, keepdims=False)
        hh, sv, dv, mx = _tc_transform(hcur, w, av, ad, n)
        nf, dn = _sc_edge_pass(hh, src2d, dst2d, sv, dv, mx,
                               n_chunks, e_total)
        flag = jnp.where(i == 0, 1.0, 0.0).astype(jnp.float32)
        flag_row = jnp.full((1, D), flag, jnp.float32)
        return _tc_combine(nf, dn.reshape(NC, NP), b, flag_row)

    nlayers = 2 + jnp.minimum(edge_index.ravel()[0] * 0, 0)
    out = lax.fori_loop(0, nlayers, layer, xp)
    return out[:n]

# --- scband reference (transcript-rebuilt; emitter-appended) ---
"""Pipeline reference for scband-gnn-78314433675849 (READ-ONLY COPY).

The authoritative reference and input builder live on the scoring server;
editing this copy changes nothing except your own understanding.
"""

import jax, jax.numpy as jnp
import numpy as np

N = 10000
E = 320000
D = 128


def setup_inputs(seed: int = 0) -> dict:
    key = jax.random.key(seed)
    ks = jax.random.split(key, 12)
    x = jax.random.normal(ks[0], (N, D), dtype=jnp.float32)
    edge_index = jax.random.randint(ks[1], (2, E), 0, N, dtype=jnp.int32)
    s = 1.0 / np.sqrt(D)
    W1 = jax.random.normal(ks[2], (D, D), dtype=jnp.float32) * s
    att_src1 = jax.random.normal(ks[3], (D,), dtype=jnp.float32) * s
    att_dst1 = jax.random.normal(ks[4], (D,), dtype=jnp.float32) * s
    b1 = jnp.zeros((D,), dtype=jnp.float32)
    W2 = jax.random.normal(ks[5], (D, D), dtype=jnp.float32) * s
    att_src2 = jax.random.normal(ks[6], (D,), dtype=jnp.float32) * s
    att_dst2 = jax.random.normal(ks[7], (D,), dtype=jnp.float32) * s
    b2 = jnp.zeros((D,), dtype=jnp.float32)
    return {"x": x, "edge_index": edge_index, "W1": W1, "att_src1": att_src1,
            "att_dst1": att_dst1, "b1": b1, "W2": W2, "att_src2": att_src2,
            "att_dst2": att_dst2, "b2": b2}


def gat_layer(x, src, dst, W, a_src, a_dst, b):
    # PyG GATConv semantics (heads=1): linear transform, edge attention
    # logits, LeakyReLU(0.2), softmax over incoming edges per dst node,
    # weighted scatter-add aggregation, plus bias.
    n = x.shape[0]
    h = x @ W
    alpha_src = jnp.sum(h * a_src, axis=-1)
    alpha_dst = jnp.sum(h * a_dst, axis=-1)
    e = jax.nn.leaky_relu(alpha_src[src] + alpha_dst[dst], negative_slope=0.2)
    m = jax.ops.segment_max(e, dst, num_segments=n)
    m = jnp.where(jnp.isfinite(m), m, 0.0)
    ex = jnp.exp(e - m[dst])
    denom = jax.ops.segment_sum(ex, dst, num_segments=n)
    alpha = ex / (denom[dst] + 1e-16)
    out = jax.ops.segment_sum(h[src] * alpha[:, None], dst, num_segments=n)
    return out + b


def reference(x, edge_index, W1, att_src1, att_dst1, b1, W2, att_src2, att_dst2, b2):
    n = x.shape[0]
    # GATConv adds self-loops by default
    loops = jnp.arange(n, dtype=edge_index.dtype)
    src = jnp.concatenate([edge_index[0], loops])
    dst = jnp.concatenate([edge_index[1], loops])
    h = gat_layer(x, src, dst, W1, att_src1, att_dst1, b1)
    h = jax.nn.relu(h)  # act() between layers; dropout inactive in eval
    out = gat_layer(h, src, dst, W2, att_src2, att_dst2, b2)
    return out

if __name__ == "__main__":
    import jax
    _d = setup_inputs()
    print(jax.jit(kernel)(*tuple(_d.values())))

</pallas_src>

<mosaic_0001>
#map = affine_map<(d0, d1) -> (0, 0)>
#map1 = affine_map<(d0, d1) -> (0, 0, 0)>
#map2 = affine_map<(d0, d1) -> (0)>
module attributes {stable_mosaic.version = 14 : i64} {
  func.func @body(%arg0: i32, %arg1: i32, %arg2: memref<10240x128xf32, #tpu.memory_space<hbm>>, %arg3: memref<16x648x32xi32, #tpu.memory_space<hbm>>, %arg4: memref<16x648x32xi32, #tpu.memory_space<hbm>>, %arg5: memref<10240xf32, #tpu.memory_space<hbm>>, %arg6: memref<10240xf32, #tpu.memory_space<hbm>>, %arg7: memref<1x128xf32, #tpu.memory_space<hbm>>, %arg8: memref<1x10112x128xf32, #tpu.memory_space<hbm>>, %arg9: memref<1x80x128xf32, #tpu.memory_space<hbm>>, %arg10: memref<2x8x32xi32, #tpu.memory_space<vmem>>, %arg11: memref<2x8x32xi32, #tpu.memory_space<vmem>>, %arg12: memref<10240xf32, #tpu.memory_space<vmem>>, %arg13: memref<10240xf32, #tpu.memory_space<vmem>>, %arg14: memref<128xf32, #tpu.memory_space<vmem>>, %arg15: memref<3x32x128xf32, #tpu.memory_space<vmem>>, %arg16: memref<80x128xf32, #tpu.memory_space<vmem>>, %arg17: memref<80xi32, #tpu.memory_space<vmem>>, %arg18: memref<10112x128xf32, #tpu.memory_space<vmem_shared>>, %arg19: memref<80x128xf32, #tpu.memory_space<vmem_shared>>, %arg20: memref<!tpu.dma_semaphore, #tpu.memory_space<semaphore_mem>>, %arg21: memref<!tpu.dma_semaphore, #tpu.memory_space<semaphore_mem>>, %arg22: memref<!tpu.dma_semaphore, #tpu.memory_space<semaphore_mem>>, %arg23: memref<!tpu.dma_semaphore, #tpu.memory_space<semaphore_mem>>) attributes {dimension_semantics = [#tpu.dimension_semantics<core_parallel>, #tpu.dimension_semantics<subcore_parallel>], iteration_bounds = array<i64: 1, 16>, scalar_prefetch = 0 : i64, scratch_operands = 14 : i64, tpu.core_type = #tpu.core_type<sc_vector_subcore>, window_params = [{transform_indices = #map}, {transform_indices = #map1}, {transform_indices = #map1}, {transform_indices = #map2}, {transform_indices = #map2}, {transform_indices = #map}, {transform_indices = #map1}, {transform_indices = #map1}]} {
    %mul3A = arith.constant 1 : i32
    %mul3A_0 = arith.muli %arg1, %mul3A : i32
    %add3A = arith.addi %mul3A_0, %arg0 : i32
    %mul3A_1 = arith.constant 20736 : i32
    %mul3A_2 = arith.muli %add3A, %mul3A_1 : i32
    %mul3A_3 = arith.constant 632 : i32
    %mul3A_4 = arith.muli %arg1, %mul3A_3 : i32
    %iota3A = tpu.iota {dimensions = array<i32: 0>} : vector<16xi32>
    %broadcast_in_dim3A = arith.constant 0.000000e+00 : f32
    %broadcast_in_dim3A_5 = vector.broadcast %broadcast_in_dim3A : f32 to vector<16xf32>
    %broadcast_in_dim3A_6 = arith.constant 0 : i32
    %broadcast_in_dim3A_7 = vector.broadcast %broadcast_in_dim3A_6 : i32 to vector<16xi32>
    %scan3A = arith.constant 0 : i32
    %scan3A_8 = arith.constant 0 : i32
    %scan3A_9 = arith.constant 32 : i32
    %scan3A_10 = arith.addi %scan3A_8, %scan3A_9 : i32
    %scan3A_11 = arith.constant 1 : i32
    %scan3A_12 = scf.for %scan3A_186 = %scan3A_8 to %scan3A_10 step %scan3A_11 iter_args(%scan3A_187 = %scan3A) -> (i32)  : i32 {
      %swap3A = arith.constant 0 : i32
      %swap3A_188 = arith.index_cast %swap3A : i32 to index
      %swap3A_189 = arith.index_cast %scan3A_186 : i32 to index
      %swap3A_190 = arith.constant 0 : index
      %swap3A_191 = tpu.vector_load %arg15[%swap3A_188, %swap3A_189, %swap3A_190] {strides = array<i32>} : memref<3x32x128xf32, #tpu.memory_space<vmem>>, vector<16xf32>,
      tpu.vector_store %arg15[%swap3A_188, %swap3A_189, %swap3A_190], %broadcast_in_dim3A_5 {strides = array<i32>} : memref<3x32x128xf32, #tpu.memory_space<vmem>>, vector<16xf32>,
      %swap3A_192 = arith.constant 0 : i32
      %swap3A_193 = arith.index_cast %swap3A_192 : i32 to index
      %swap3A_194 = arith.index_cast %scan3A_186 : i32 to index
      %swap3A_195 = arith.constant 16 : index
      %swap3A_196 = tpu.vector_load %arg15[%swap3A_193, %swap3A_194, %swap3A_195] {strides = array<i32>} : memref<3x32x128xf32, #tpu.memory_space<vmem>>, vector<16xf32>,
      tpu.vector_store %arg15[%swap3A_193, %swap3A_194, %swap3A_195], %broadcast_in_dim3A_5 {strides = array<i32>} : memref<3x32x128xf32, #tpu.memory_space<vmem>>, vector<16xf32>,
      %swap3A_197 = arith.constant 0 : i32
      %swap3A_198 = arith.index_cast %swap3A_197 : i32 to index
      %swap3A_199 = arith.index_cast %scan3A_186 : i32 to index
      %swap3A_200 = arith.constant 32 : index
      %swap3A_201 = tpu.vector_load %arg15[%swap3A_198, %swap3A_199, %swap3A_200] {strides = array<i32>} : memref<3x32x128xf32, #tpu.memory_space<vmem>>, vector<16xf32>,
      tpu.vector_store %arg15[%swap3A_198, %swap3A_199, %swap3A_200], %broadcast_in_dim3A_5 {strides = array<i32>} : memref<3x32x128xf32, #tpu.memory_space<vmem>>, vector<16xf32>,
      %swap3A_202 = arith.constant 0 : i32
      %swap3A_203 = arith.index_cast %swap3A_202 : i32 to index
      %swap3A_204 = arith.index_cast %scan3A_186 : i32 to index
      %swap3A_205 = arith.constant 48 : index
      %swap3A_206 = tpu.vector_load %arg15[%swap3A_203, %swap3A_204, %swap3A_205] {strides = array<i32>} : memref<3x32x128xf32, #tpu.memory_space<vmem>>, vector<16xf32>,
      tpu.vector_store %arg15[%swap3A_203, %swap3A_204, %swap3A_205], %broadcast_in_dim3A_5 {strides = array<i32>} : memref<3x32x128xf32, #tpu.memory_space<vmem>>, vector<16xf32>,
      %swap3A_207 = arith.constant 0 : i32
      %swap3A_208 = arith.index_cast %swap3A_207 : i32 to index
      %swap3A_209 = arith.index_cast %scan3A_186 : i32 to index
      %swap3A_210 = arith.constant 64 : index
      %swap3A_211 = tpu.vector_load %arg15[%swap3A_208, %swap3A_209, %swap3A_210] {strides = array<i32>} : memref<3x32x128xf32, #tpu.memory_space<vmem>>, vector<16xf32>,
      tpu.vector_store %arg15[%swap3A_208, %swap3A_209, %swap3A_210], %broadcast_in_dim3A_5 {strides = array<i32>} : memref<3x32x128xf32, #tpu.memory_space<vmem>>, vector<16xf32>,
      %swap3A_212 = arith.constant 0 : i32
      %swap3A_213 = arith.index_cast %swap3A_212 : i32 to index
      %swap3A_214 = arith.index_cast %scan3A_186 : i32 to index
      %swap3A_215 = arith.constant 80 : index
      %swap3A_216 = tpu.vector_load %arg15[%swap3A_213, %swap3A_214, %swap3A_215] {strides = array<i32>} : memref<3x32x128xf32, #tpu.memory_space<vmem>>, vector<16xf32>,
      tpu.vector_store %arg15[%swap3A_213, %swap3A_214, %swap3A_215], %broadcast_in_dim3A_5 {strides = array<i32>} : memref<3x32x128xf32, #tpu.memory_space<vmem>>, vector<16xf32>,
      %swap3A_217 = arith.constant 0 : i32
      %swap3A_218 = arith.index_cast %swap3A_217 : i32 to index
      %swap3A_219 = arith.index_cast %scan3A_186 : i32 to index
      %swap3A_220 = arith.constant 96 : index
      %swap3A_221 = tpu.vector_load %arg15[%swap3A_218, %swap3A_219, %swap3A_220] {strides = array<i32>} : memref<3x32x128xf32, #tpu.memory_space<vmem>>, vector<16xf32>,
      tpu.vector_store %arg15[%swap3A_218, %swap3A_219, %swap3A_220], %broadcast_in_dim3A_5 {strides = array<i32>} : memref<3x32x128xf32, #tpu.memory_space<vmem>>, vector<16xf32>,
      %swap3A_222 = arith.constant 0 : i32
      %swap3A_223 = arith.index_cast %swap3A_222 : i32 to index
      %swap3A_224 = arith.index_cast %scan3A_186 : i32 to index
      %swap3A_225 = arith.constant 112 : index
      %swap3A_226 = tpu.vector_load %arg15[%swap3A_223, %swap3A_224, %swap3A_225] {strides = array<i32>} : memref<3x32x128xf32, #tpu.memory_space<vmem>>, vector<16xf32>,
      tpu.vector_store %arg15[%swap3A_223, %swap3A_224, %swap3A_225], %broadcast_in_dim3A_5 {strides = array<i32>} : memref<3x32x128xf32, #tpu.memory_space<vmem>>, vector<16xf32>,
      %scan3A_227 = arith.constant 0 : i32
      scf.yield %scan3A_227 : i32
    }
    %scan3A_13 = arith.constant 32 : i32
    %scan3A_14 = arith.constant 0 : i32
    %scan3A_15 = arith.constant 0 : i32
    %scan3A_16 = arith.constant 80 : i32
    %scan3A_17 = arith.addi %scan3A_15, %scan3A_16 : i32
    %scan3A_18 = arith.constant 1 : i32
    %scan3A_19 = scf.for %scan3A_186 = %scan3A_15 to %scan3A_17 step %scan3A_18 iter_args(%scan3A_187 = %scan3A_14) -> (i32)  : i32 {
      %swap3A = arith.index_cast %scan3A_186 : i32 to index
      %swap3A_188 = arith.constant 0 : index
      %swap3A_189 = tpu.vector_load %arg16[%swap3A, %swap3A_188] {strides = array<i32>} : memref<80x128xf32, #tpu.memory_space<vmem>>, vector<16xf32>,
      tpu.vector_store %arg16[%swap3A, %swap3A_188], %broadcast_in_dim3A_5 {strides = array<i32>} : memref<80x128xf32, #tpu.memory_space<vmem>>, vector<16xf32>,
      %swap3A_190 = arith.index_cast %scan3A_186 : i32 to index
      %swap3A_191 = arith.constant 16 : index
      %swap3A_192 = tpu.vector_load %arg16[%swap3A_190, %swap3A_191] {strides = array<i32>} : memref<80x128xf32, #tpu.memory_space<vmem>>, vector<16xf32>,
      tpu.vector_store %arg16[%swap3A_190, %swap3A_191], %broadcast_in_dim3A_5 {strides = array<i32>} : memref<80x128xf32, #tpu.memory_space<vmem>>, vector<16xf32>,
      %swap3A_193 = arith.index_cast %scan3A_186 : i32 to index
      %swap3A_194 = arith.constant 32 : index
      %swap3A_195 = tpu.vector_load %arg16[%swap3A_193, %swap3A_194] {strides = array<i32>} : memref<80x128xf32, #tpu.memory_space<vmem>>, vector<16xf32>,
      tpu.vector_store %arg16[%swap3A_193, %swap3A_194], %broadcast_in_dim3A_5 {strides = array<i32>} : memref<80x128xf32, #tpu.memory_space<vmem>>, vector<16xf32>,
      %swap3A_196 = arith.index_cast %scan3A_186 : i32 to index
      %swap3A_197 = arith.constant 48 : index
      %swap3A_198 = tpu.vector_load %arg16[%swap3A_196, %swap3A_197] {strides = array<i32>} : memref<80x128xf32, #tpu.memory_space<vmem>>, vector<16xf32>,
      tpu.vector_store %arg16[%swap3A_196, %swap3A_197], %broadcast_in_dim3A_5 {strides = array<i32>} : memref<80x128xf32, #tpu.memory_space<vmem>>, vector<16xf32>,
      %swap3A_199 = arith.index_cast %scan3A_186 : i32 to index
      %swap3A_200 = arith.constant 64 : index
      %swap3A_201 = tpu.vector_load %arg16[%swap3A_199, %swap3A_200] {strides = array<i32>} : memref<80x128xf32, #tpu.memory_space<vmem>>, vector<16xf32>,
      tpu.vector_store %arg16[%swap3A_199, %swap3A_200], %broadcast_in_dim3A_5 {strides = array<i32>} : memref<80x128xf32, #tpu.memory_space<vmem>>, vector<16xf32>,
      %swap3A_202 = arith.index_cast %scan3A_186 : i32 to index
      %swap3A_203 = arith.constant 80 : index
      %swap3A_204 = tpu.vector_load %arg16[%swap3A_202, %swap3A_203] {strides = array<i32>} : memref<80x128xf32, #tpu.memory_space<vmem>>, vector<16xf32>,
      tpu.vector_store %arg16[%swap3A_202, %swap3A_203], %broadcast_in_dim3A_5 {strides = array<i32>} : memref<80x128xf32, #tpu.memory_space<vmem>>, vector<16xf32>,
      %swap3A_205 = arith.index_cast %scan3A_186 : i32 to index
      %swap3A_206 = arith.constant 96 : index
      %swap3A_207 = tpu.vector_load %arg16[%swap3A_205, %swap3A_206] {strides = array<i32>} : memref<80x128xf32, #tpu.memory_space<vmem>>, vector<16xf32>,
      tpu.vector_store %arg16[%swap3A_205, %swap3A_206], %broadcast_in_dim3A_5 {strides = array<i32>} : memref<80x128xf32, #tpu.memory_space<vmem>>, vector<16xf32>,
      %swap3A_208 = arith.index_cast %scan3A_186 : i32 to index
      %swap3A_209 = arith.constant 112 : index
      %swap3A_210 = tpu.vector_load %arg16[%swap3A_208, %swap3A_209] {strides = array<i32>} : memref<80x128xf32, #tpu.memory_space<vmem>>, vector<16xf32>,
      tpu.vector_store %arg16[%swap3A_208, %swap3A_209], %broadcast_in_dim3A_5 {strides = array<i32>} : memref<80x128xf32, #tpu.memory_space<vmem>>, vector<16xf32>,
      %scan3A_211 = arith.constant 0 : i32
      scf.yield %scan3A_211 : i32
    }
    %scan3A_20 = arith.constant 80 : i32
    %scan3A_21 = arith.constant 0 : i32
    %scan3A_22 = arith.constant 0 : i32
    %scan3A_23 = arith.constant 5 : i32
    %scan3A_24 = arith.addi %scan3A_22, %scan3A_23 : i32
    %scan3A_25 = arith.constant 1 : i32
    %scan3A_26 = scf.for %scan3A_186 = %scan3A_22 to %scan3A_24 step %scan3A_25 iter_args(%scan3A_187 = %scan3A_21) -> (i32)  : i32 {
      %mul3A_188 = arith.constant 16 : i32
      %mul3A_189 = arith.muli %scan3A_186, %mul3A_188 : i32
      %add3A_190 = vector.broadcast %mul3A_189 : i32 to vector<16xi32>
      %add3A_191 = arith.addi %add3A_190, %iota3A : vector<16xi32>
      %mul3A_192 = arith.constant 16 : i32
      %mul3A_193 = arith.muli %scan3A_186, %mul3A_192 : i32
      %swap3A = arith.index_cast %mul3A_193 : i32 to index
      %swap3A_194 = tpu.vector_load %arg17[%swap3A] {strides = array<i32>} : memref<80xi32, #tpu.memory_space<vmem>>, vector<16xi32>,
      tpu.vector_store %arg17[%swap3A], %add3A_191 {strides = array<i32>} : memref<80xi32, #tpu.memory_space<vmem>>, vector<16xi32>,
      %scan3A_195 = arith.constant 0 : i32
      scf.yield %scan3A_195 : i32
    }
    %scan3A_27 = arith.constant 5 : i32
    %scan3A_28 = arith.constant 0 : i32
    %scan3A_29 = arith.constant 0 : i32
    %scan3A_30 = arith.constant 20 : i32
    %scan3A_31 = arith.addi %scan3A_29, %scan3A_30 : i32
    %scan3A_32 = arith.constant 1 : i32
    %scan3A_33 = scf.for %scan3A_186 = %scan3A_29 to %scan3A_31 step %scan3A_32 iter_args(%scan3A_187 = %scan3A_28) -> (i32)  : i32 {
      %mul3A_188 = arith.constant 32 : i32
      %mul3A_189 = arith.muli %scan3A_186, %mul3A_188 : i32
      %min3A = arith.constant 600 : i32
      %min3A_190 = arith.minsi %mul3A_189, %min3A : i32
      %add3A_191 = arith.addi %mul3A_4, %min3A_190 : i32
      %run_scoped3A_192 = arith.constant 0 : i32
      "tpu.region"() ({
        %run_scoped3A_194 = tpu.sem_alloc : memref<!tpu.dma_semaphore, #tpu.memory_space<semaphore_mem>>
        %dma_start3A_195 = arith.constant 0 : i32
        %dma_start3A_196 = arith.constant 0 : i32
        %dma_start3A_197 = tpu.memref_slice %arg15[%run_scoped3A_192, %dma_start3A_195, %dma_start3A_196] : memref<3x32x128xf32, #tpu.memory_space<vmem>> -> memref<1x32x128xf32, #tpu.memory_space<vmem>>
        %dma_start3A_198 = tpu.memref_squeeze %dma_start3A_197 : memref<1x32x128xf32, #tpu.memory_space<vmem>> -> memref<32x128xf32, #tpu.memory_space<vmem>>
        %dma_start3A_199 = arith.constant 0 : i32
        %dma_start3A_200 = tpu.memref_slice %arg18[%add3A_191, %dma_start3A_199] : memref<10112x128xf32, #tpu.memory_space<vmem_shared>> -> memref<32x128xf32, #tpu.memory_space<vmem_shared>>
        %dma_start3A_201 = arith.constant 0 : i32
        %dma_start3A_202 = tpu.memref_slice %arg18[%add3A_191, %dma_start3A_201] : memref<10112x128xf32, #tpu.memory_space<vmem_shared>> -> memref<32x128xf32, #tpu.memory_space<vmem_shared>>
        %dma_start3A_203 = arith.constant 0 : i32
        %dma_start3A_204 = arith.constant 0 : i32
        %dma_start3A_205 = tpu.memref_slice %arg15[%run_scoped3A_192, %dma_start3A_203, %dma_start3A_204] : memref<3x32x128xf32, #tpu.memory_space<vmem>> -> memref<1x32x128xf32, #tpu.memory_space<vmem>>
        %dma_start3A_206 = tpu.memref_squeeze %dma_start3A_205 : memref<1x32x128xf32, #tpu.memory_space<vmem>> -> memref<32x128xf32, #tpu.memory_space<vmem>>
        tpu.enqueue_dma source(%dma_start3A_206 : memref<32x128xf32, #tpu.memory_space<vmem>>) target(%dma_start3A_202 : memref<32x128xf32, #tpu.memory_space<vmem_shared>>) target_semaphore(%run_scoped3A_194 : memref<!tpu.dma_semaphore, #tpu.memory_space<semaphore_mem>>)
        %dma_wait3A_207 = arith.constant 0 : i32
        %dma_wait3A_208 = arith.constant 0 : i32
        %dma_wait3A_209 = tpu.memref_slice %arg15[%run_scoped3A_192, %dma_wait3A_207, %dma_wait3A_208] : memref<3x32x128xf32, #tpu.memory_space<vmem>> -> memref<1x32x128xf32, #tpu.memory_space<vmem>>
        %dma_wait3A_210 = tpu.memref_squeeze %dma_wait3A_209 : memref<1x32x128xf32, #tpu.memory_space<vmem>> -> memref<32x128xf32, #tpu.memory_space<vmem>>
        %dma_wait3A_211 = arith.constant 0 : i32
        %dma_wait3A_212 = tpu.memref_slice %arg18[%add3A_191, %dma_wait3A_211] : memref<10112x128xf32, #tpu.memory_space<vmem_shared>> -> memref<32x128xf32, #tpu.memory_space<vmem_shared>>
        %dma_wait3A_213 = arith.constant 0 : i32
        %dma_wait3A_214 = tpu.memref_slice %arg18[%add3A_191, %dma_wait3A_213] : memref<10112x128xf32, #tpu.memory_space<vmem_shared>> -> memref<32x128xf32, #tpu.memory_space<vmem_shared>>
        %dma_wait3A_215 = arith.constant 0 : i32
        %dma_wait3A_216 = arith.constant 0 : i32
        %dma_wait3A_217 = tpu.memref_slice %arg15[%run_scoped3A_192, %dma_wait3A_215, %dma_wait3A_216] : memref<3x32x128xf32, #tpu.memory_space<vmem>> -> memref<1x32x128xf32, #tpu.memory_space<vmem>>
        %dma_wait3A_218 = tpu.memref_squeeze %dma_wait3A_217 : memref<1x32x128xf32, #tpu.memory_space<vmem>> -> memref<32x128xf32, #tpu.memory_space<vmem>>
        tpu.wait_dma2 semaphore(%run_scoped3A_194 : memref<!tpu.dma_semaphore, #tpu.memory_space<semaphore_mem>>) src(%dma_wait3A_218 : memref<32x128xf32, #tpu.memory_space<vmem>>) dst(%dma_wait3A_214 : memref<32x128xf32, #tpu.memory_space<vmem_shared>>)
        tpu.yield
      }) : () -> ()
      %scan3A_193 = arith.constant 0 : i32
      scf.yield %scan3A_193 : i32
    }
    %scan3A_34 = arith.constant 20 : i32
    %eq3A = arith.constant 0 : i32
    %eq3A_35 = arith.cmpi eq, %arg1, %eq3A : i32
    %convert_element_type3A = arith.extui %eq3A_35 : i1 to i32
    %cond3A = arith.constant 0 : i32
    %cond3A_36 = arith.cmpi ne, %convert_element_type3A, %cond3A : i32
    scf.if %cond3A_36 {
      "tpu.region"() ({
        %run_scoped3A_186 = tpu.sem_alloc : memref<!tpu.dma_semaphore, #tpu.memory_space<semaphore_mem>>
        tpu.enqueue_dma source(%arg16 : memref<80x128xf32, #tpu.memory_space<vmem>>) target(%arg19 : memref<80x128xf32, #tpu.memory_space<vmem_shared>>) target_semaphore(%run_scoped3A_186 : memref<!tpu.dma_semaphore, #tpu.memory_space<semaphore_mem>>)
        tpu.wait_dma2 semaphore(%run_scoped3A_186 : memref<!tpu.dma_semaphore, #tpu.memory_space<semaphore_mem>>) src(%arg16 : memref<80x128xf32, #tpu.memory_space<vmem>>) dst(%arg19 : memref<80x128xf32, #tpu.memory_space<vmem_shared>>)
        tpu.yield
      }) : () -> ()
    } else {
    }
    "tpu.region"() ({
      %run_scoped3A_186 = tpu.sem_alloc : memref<!tpu.dma_semaphore, #tpu.memory_space<semaphore_mem>>
      tpu.enqueue_dma source(%arg5 : memref<10240xf32, #tpu.memory_space<hbm>>) target(%arg12 : memref<10240xf32, #tpu.memory_space<vmem>>) target_semaphore(%run_scoped3A_186 : memref<!tpu.dma_semaphore, #tpu.memory_space<semaphore_mem>>)
      tpu.wait_dma2 semaphore(%run_scoped3A_186 : memref<!tpu.dma_semaphore, #tpu.memory_space<semaphore_mem>>) src(%arg5 : memref<10240xf32, #tpu.memory_space<hbm>>) dst(%arg12 : memref<10240xf32, #tpu.memory_space<vmem>>)
      tpu.yield
    }) : () -> ()
    "tpu.region"() ({
      %run_scoped3A_186 = tpu.sem_alloc : memref<!tpu.dma_semaphore, #tpu.memory_space<semaphore_mem>>
      tpu.enqueue_dma source(%arg6 : memref<10240xf32, #tpu.memory_space<hbm>>) target(%arg13 : memref<10240xf32, #tpu.memory_space<vmem>>) target_semaphore(%run_scoped3A_186 : memref<!tpu.dma_semaphore, #tpu.memory_space<semaphore_mem>>)
      tpu.wait_dma2 semaphore(%run_scoped3A_186 : memref<!tpu.dma_semaphore, #tpu.memory_space<semaphore_mem>>) src(%arg6 : memref<10240xf32, #tpu.memory_space<hbm>>) dst(%arg13 : memref<10240xf32, #tpu.memory_space<vmem>>)
      tpu.yield
    }) : () -> ()
    %run_scoped3A = arith.constant 0 : i32
    "tpu.region"() ({
      %run_scoped3A_186 = tpu.sem_alloc : memref<!tpu.dma_semaphore, #tpu.memory_space<semaphore_mem>>
      %dma_start3A_187 = arith.constant 0 : i32
      %dma_start3A_188 = tpu.memref_slice %arg7[%run_scoped3A, %dma_start3A_187] : memref<1x128xf32, #tpu.memory_space<hbm>> -> memref<1x128xf32, #tpu.memory_space<hbm>>
      %dma_start3A_189 = tpu.memref_squeeze %dma_start3A_188 : memref<1x128xf32, #tpu.memory_space<hbm>> -> memref<128xf32, #tpu.memory_space<hbm>>
      %dma_start3A_190 = arith.constant 0 : i32
      %dma_start3A_191 = tpu.memref_slice %arg7[%run_scoped3A, %dma_start3A_190] : memref<1x128xf32, #tpu.memory_space<hbm>> -> memref<1x128xf32, #tpu.memory_space<hbm>>
      %dma_start3A_192 = tpu.memref_squeeze %dma_start3A_191 : memref<1x128xf32, #tpu.memory_space<hbm>> -> memref<128xf32, #tpu.memory_space<hbm>>
      tpu.enqueue_dma source(%dma_start3A_192 : memref<128xf32, #tpu.memory_space<hbm>>) target(%arg14 : memref<128xf32, #tpu.memory_space<vmem>>) target_semaphore(%run_scoped3A_186 : memref<!tpu.dma_semaphore, #tpu.memory_space<semaphore_mem>>)
      %dma_wait3A_193 = arith.constant 0 : i32
      %dma_wait3A_194 = tpu.memref_slice %arg7[%run_scoped3A, %dma_wait3A_193] : memref<1x128xf32, #tpu.memory_space<hbm>> -> memref<1x128xf32, #tpu.memory_space<hbm>>
      %dma_wait3A_195 = tpu.memref_squeeze %dma_wait3A_194 : memref<1x128xf32, #tpu.memory_space<hbm>> -> memref<128xf32, #tpu.memory_space<hbm>>
      %dma_wait3A_196 = arith.constant 0 : i32
      %dma_wait3A_197 = tpu.memref_slice %arg7[%run_scoped3A, %dma_wait3A_196] : memref<1x128xf32, #tpu.memory_space<hbm>> -> memref<1x128xf32, #tpu.memory_space<hbm>>
      %dma_wait3A_198 = tpu.memref_squeeze %dma_wait3A_197 : memref<1x128xf32, #tpu.memory_space<hbm>> -> memref<128xf32, #tpu.memory_space<hbm>>
      tpu.wait_dma2 semaphore(%run_scoped3A_186 : memref<!tpu.dma_semaphore, #tpu.memory_space<semaphore_mem>>) src(%dma_wait3A_198 : memref<128xf32, #tpu.memory_space<hbm>>) dst(%arg14 : memref<128xf32, #tpu.memory_space<vmem>>)
      tpu.yield
    }) : () -> ()
    %get3A = arith.constant 0 : index
    %get3A_37 = tpu.vector_load %arg14[%get3A] {strides = array<i32>} : memref<128xf32, #tpu.memory_space<vmem>>, vector<16xf32>,
    %slice3A = vector.extract_strided_slice %get3A_37 {offsets = [0], sizes = [1], strides = [1]} : vector<16xf32> to vector<1xf32>
    %squeeze3A = vector.extract %slice3A[0] : f32 from vector<1xf32>
    %slice3A_38 = vector.extract_strided_slice %get3A_37 {offsets = [1], sizes = [1], strides = [1]} : vector<16xf32> to vector<1xf32>
    %squeeze3A_39 = vector.extract %slice3A_38[0] : f32 from vector<1xf32>
    %add3A_40 = arith.addf %squeeze3A, %squeeze3A_39 : f32
    %ge3A = arith.constant 0.000000e+00 : f32
    %ge3A_41 = arith.cmpf oge, %add3A_40, %ge3A : f32
    %mul3A_42 = arith.constant 2.000000e-01 : f32
    %mul3A_43 = arith.mulf %mul3A_42, %add3A_40 : f32
    %select_n3A = arith.select %ge3A_41, %add3A_40, %mul3A_43 : f32
    %barrier3A = arith.constant 0 : index
    tpu.barrier barrier_id(%barrier3A)
    %rem3A = arith.constant 0 : i32
    %rem3A_44 = arith.constant 2 : i32
    %rem3A_45 = arith.remsi %rem3A, %rem3A_44 : i32
    %dma_start3A = arith.constant 0 : i32
    %dma_start3A_46 = arith.constant 0 : i32
    %dma_start3A_47 = tpu.memref_slice %arg10[%rem3A_45, %dma_start3A, %dma_start3A_46] : memref<2x8x32xi32, #tpu.memory_space<vmem>> -> memref<1x8x32xi32, #tpu.memory_space<vmem>>
    %dma_start3A_48 = tpu.memref_squeeze %dma_start3A_47 : memref<1x8x32xi32, #tpu.memory_space<vmem>> -> memref<8x32xi32, #tpu.memory_space<vmem>>
    %dma_start3A_49 = arith.constant 0 : i32
    %dma_start3A_50 = arith.constant 0 : i32
    %dma_start3A_51 = tpu.memref_slice %arg3[%add3A, %dma_start3A_49, %dma_start3A_50] : memref<16x648x32xi32, #tpu.memory_space<hbm>> -> memref<1x8x32xi32, #tpu.memory_space<hbm>>
    %dma_start3A_52 = tpu.memref_squeeze %dma_start3A_51 : memref<1x8x32xi32, #tpu.memory_space<hbm>> -> memref<8x32xi32, #tpu.memory_space<hbm>>
    %dma_start3A_53 = arith.constant 0 : i32
    %dma_start3A_54 = arith.constant 0 : i32
    %dma_start3A_55 = tpu.memref_slice %arg10[%rem3A_45, %dma_start3A_53, %dma_start3A_54] : memref<2x8x32xi32, #tpu.memory_space<vmem>> -> memref<1x8x32xi32, #tpu.memory_space<vmem>>
    %dma_start3A_56 = tpu.memref_squeeze %dma_start3A_55 : memref<1x8x32xi32, #tpu.memory_space<vmem>> -> memref<8x32xi32, #tpu.memory_space<vmem>>
    %dma_start3A_57 = arith.constant 0 : i32
    %dma_start3A_58 = arith.constant 0 : i32
    %dma_start3A_59 = tpu.memref_slice %arg3[%add3A, %dma_start3A_57, %dma_start3A_58] : memref<16x648x32xi32, #tpu.memory_space<hbm>> -> memref<1x8x32xi32, #tpu.memory_space<hbm>>
    %dma_start3A_60 = tpu.memref_squeeze %dma_start3A_59 : memref<1x8x32xi32, #tpu.memory_space<hbm>> -> memref<8x32xi32, #tpu.memory_space<hbm>>
    tpu.enqueue_dma source(%dma_start3A_60 : memref<8x32xi32, #tpu.memory_space<hbm>>) target(%dma_start3A_56 : memref<8x32xi32, #tpu.memory_space<vmem>>) target_semaphore(%arg20 : memref<!tpu.dma_semaphore, #tpu.memory_space<semaphore_mem>>)
    %dma_start3A_61 = arith.constant 0 : i32
    %dma_start3A_62 = arith.constant 0 : i32
    %dma_start3A_63 = tpu.memref_slice %arg11[%rem3A_45, %dma_start3A_61, %dma_start3A_62] : memref<2x8x32xi32, #tpu.memory_space<vmem>> -> memref<1x8x32xi32, #tpu.memory_space<vmem>>
    %dma_start3A_64 = tpu.memref_squeeze %dma_start3A_63 : memref<1x8x32xi32, #tpu.memory_space<vmem>> -> memref<8x32xi32, #tpu.memory_space<vmem>>
    %dma_start3A_65 = arith.constant 0 : i32
    %dma_start3A_66 = arith.constant 0 : i32
    %dma_start3A_67 = tpu.memref_slice %arg4[%add3A, %dma_start3A_65, %dma_start3A_66] : memref<16x648x32xi32, #tpu.memory_space<hbm>> -> memref<1x8x32xi32, #tpu.memory_space<hbm>>
    %dma_start3A_68 = tpu.memref_squeeze %dma_start3A_67 : memref<1x8x32xi32, #tpu.memory_space<hbm>> -> memref<8x32xi32, #tpu.memory_space<hbm>>
    %dma_start3A_69 = arith.constant 0 : i32
    %dma_start3A_70 = arith.constant 0 : i32
    %dma_start3A_71 = tpu.memref_slice %arg11[%rem3A_45, %dma_start3A_69, %dma_start3A_70] : memref<2x8x32xi32, #tpu.memory_space<vmem>> -> memref<1x8x32xi32, #tpu.memory_space<vmem>>
    %dma_start3A_72 = tpu.memref_squeeze %dma_start3A_71 : memref<1x8x32xi32, #tpu.memory_space<vmem>> -> memref<8x32xi32, #tpu.memory_space<vmem>>
    %dma_start3A_73 = arith.constant 0 : i32
    %dma_start3A_74 = arith.constant 0 : i32
    %dma_start3A_75 = tpu.memref_slice %arg4[%add3A, %dma_start3A_73, %dma_start3A_74] : memref<16x648x32xi32, #tpu.memory_space<hbm>> -> memref<1x8x32xi32, #tpu.memory_space<hbm>>
    %dma_start3A_76 = tpu.memref_squeeze %dma_start3A_75 : memref<1x8x32xi32, #tpu.memory_space<hbm>> -> memref<8x32xi32, #tpu.memory_space<hbm>>
    tpu.enqueue_dma source(%dma_start3A_76 : memref<8x32xi32, #tpu.memory_space<hbm>>) target(%dma_start3A_72 : memref<8x32xi32, #tpu.memory_space<vmem>>) target_semaphore(%arg20 : memref<!tpu.dma_semaphore, #tpu.memory_space<semaphore_mem>>)
    %rem3A_77 = arith.constant 0 : i32
    %rem3A_78 = arith.constant 2 : i32
    %rem3A_79 = arith.remsi %rem3A_77, %rem3A_78 : i32
    %dma_wait3A = arith.constant 0 : i32
    %dma_wait3A_80 = arith.constant 0 : i32
    %dma_wait3A_81 = tpu.memref_slice %arg10[%rem3A_79, %dma_wait3A, %dma_wait3A_80] : memref<2x8x32xi32, #tpu.memory_space<vmem>> -> memref<1x8x32xi32, #tpu.memory_space<vmem>>
    %dma_wait3A_82 = tpu.memref_squeeze %dma_wait3A_81 : memref<1x8x32xi32, #tpu.memory_space<vmem>> -> memref<8x32xi32, #tpu.memory_space<vmem>>
    %dma_wait3A_83 = arith.constant 0 : i32
    %dma_wait3A_84 = arith.constant 0 : i32
    %dma_wait3A_85 = tpu.memref_slice %arg3[%add3A, %dma_wait3A_83, %dma_wait3A_84] : memref<16x648x32xi32, #tpu.memory_space<hbm>> -> memref<1x8x32xi32, #tpu.memory_space<hbm>>
    %dma_wait3A_86 = tpu.memref_squeeze %dma_wait3A_85 : memref<1x8x32xi32, #tpu.memory_space<hbm>> -> memref<8x32xi32, #tpu.memory_space<hbm>>
    %dma_wait3A_87 = arith.constant 0 : i32
    %dma_wait3A_88 = arith.constant 0 : i32
    %dma_wait3A_89 = tpu.memref_slice %arg10[%rem3A_79, %dma_wait3A_87, %dma_wait3A_88] : memref<2x8x32xi32, #tpu.memory_space<vmem>> -> memref<1x8x32xi32, #tpu.memory_space<vmem>>
    %dma_wait3A_90 = tpu.memref_squeeze %dma_wait3A_89 : memref<1x8x32xi32, #tpu.memory_space<vmem>> -> memref<8x32xi32, #tpu.memory_space<vmem>>
    %dma_wait3A_91 = arith.constant 0 : i32
    %dma_wait3A_92 = arith.constant 0 : i32
    %dma_wait3A_93 = tpu.memref_slice %arg3[%add3A, %dma_wait3A_91, %dma_wait3A_92] : memref<16x648x32xi32, #tpu.memory_space<hbm>> -> memref<1x8x32xi32, #tpu.memory_space<hbm>>
    %dma_wait3A_94 = tpu.memref_squeeze %dma_wait3A_93 : memref<1x8x32xi32, #tpu.memory_space<hbm>> -> memref<8x32xi32, #tpu.memory_space<hbm>>
    tpu.wait_dma2 semaphore(%arg20 : memref<!tpu.dma_semaphore, #tpu.memory_space<semaphore_mem>>) src(%dma_wait3A_94 : memref<8x32xi32, #tpu.memory_space<hbm>>) dst(%dma_wait3A_90 : memref<8x32xi32, #tpu.memory_space<vmem>>)
    %dma_wait3A_95 = arith.constant 0 : i32
    %dma_wait3A_96 = arith.constant 0 : i32
    %dma_wait3A_97 = tpu.memref_slice %arg11[%rem3A_79, %dma_wait3A_95, %dma_wait3A_96] : memref<2x8x32xi32, #tpu.memory_space<vmem>> -> memref<1x8x32xi32, #tpu.memory_space<vmem>>
    %dma_wait3A_98 = tpu.memref_squeeze %dma_wait3A_97 : memref<1x8x32xi32, #tpu.memory_space<vmem>> -> memref<8x32xi32, #tpu.memory_space<vmem>>
    %dma_wait3A_99 = arith.constant 0 : i32
    %dma_wait3A_100 = arith.constant 0 : i32
    %dma_wait3A_101 = tpu.memref_slice %arg4[%add3A, %dma_wait3A_99, %dma_wait3A_100] : memref<16x648x32xi32, #tpu.memory_space<hbm>> -> memref<1x8x32xi32, #tpu.memory_space<hbm>>
    %dma_wait3A_102 = tpu.memref_squeeze %dma_wait3A_101 : memref<1x8x32xi32, #tpu.memory_space<hbm>> -> memref<8x32xi32, #tpu.memory_space<hbm>>
    %dma_wait3A_103 = arith.constant 0 : i32
    %dma_wait3A_104 = arith.constant 0 : i32
    %dma_wait3A_105 = tpu.memref_slice %arg11[%rem3A_79, %dma_wait3A_103, %dma_wait3A_104] : memref<2x8x32xi32, #tpu.memory_space<vmem>> -> memref<1x8x32xi32, #tpu.memory_space<vmem>>
    %dma_wait3A_106 = tpu.memref_squeeze %dma_wait3A_105 : memref<1x8x32xi32, #tpu.memory_space<vmem>> -> memref<8x32xi32, #tpu.memory_space<vmem>>
    %dma_wait3A_107 = arith.constant 0 : i32
    %dma_wait3A_108 = arith.constant 0 : i32
    %dma_wait3A_109 = tpu.memref_slice %arg4[%add3A, %dma_wait3A_107, %dma_wait3A_108] : memref<16x648x32xi32, #tpu.memory_space<hbm>> -> memref<1x8x32xi32, #tpu.memory_space<hbm>>
    %dma_wait3A_110 = tpu.memref_squeeze %dma_wait3A_109 : memref<1x8x32xi32, #tpu.memory_space<hbm>> -> memref<8x32xi32, #tpu.memory_space<hbm>>
    tpu.wait_dma2 semaphore(%arg20 : memref<!tpu.dma_semaphore, #tpu.memory_space<semaphore_mem>>) src(%dma_wait3A_110 : memref<8x32xi32, #tpu.memory_space<hbm>>) dst(%dma_wait3A_106 : memref<8x32xi32, #tpu.memory_space<vmem>>)
    %rem3A_111 = arith.constant 0 : i32
    %rem3A_112 = arith.constant 3 : i32
    %rem3A_113 = arith.remsi %rem3A_111, %rem3A_112 : i32
    %div3A = arith.constant 0 : i32
    %div3A_114 = arith.constant 8 : i32
    %div3A_115 = arith.divsi %div3A, %div3A_114 : i32
    %rem3A_116 = arith.constant 2 : i32
    %rem3A_117 = arith.remsi %div3A_115, %rem3A_116 : i32
    %rem3A_118 = arith.constant 0 : i32
    %rem3A_119 = arith.constant 8 : i32
    %rem3A_120 = arith.remsi %rem3A_118, %rem3A_119 : i32
    %dma_start3A_121 = arith.constant 0 : i32
    %dma_start3A_122 = arith.constant 0 : i32
    %dma_start3A_123 = tpu.memref_slice %arg15[%rem3A_113, %dma_start3A_121, %dma_start3A_122] : memref<3x32x128xf32, #tpu.memory_space<vmem>> -> memref<1x32x128xf32, #tpu.memory_space<vmem>>
    %dma_start3A_124 = tpu.memref_squeeze %dma_start3A_123 : memref<1x32x128xf32, #tpu.memory_space<vmem>> -> memref<32x128xf32, #tpu.memory_space<vmem>>
    %dma_start3A_125 = arith.constant 0 : i32
    %dma_start3A_126 = tpu.memref_slice %arg10[%rem3A_117, %rem3A_120, %dma_start3A_125] : memref<2x8x32xi32, #tpu.memory_space<vmem>> -> memref<1x1x32xi32, #tpu.memory_space<vmem>>
    %dma_start3A_127 = tpu.memref_squeeze %dma_start3A_126 : memref<1x1x32xi32, #tpu.memory_space<vmem>> -> memref<32xi32, #tpu.memory_space<vmem>>
    %dma_start3A_128 = arith.constant 0 : i32
    %dma_start3A_129 = arith.constant 0 : i32
    %dma_start3A_130 = tpu.memref_slice %arg2[%dma_start3A_128, %dma_start3A_129] : memref<10240x128xf32, #tpu.memory_space<hbm>> -> memref<10240x128xf32, #tpu.memory_space<hbm>>
    tpu.enqueue_indirect_dma source(%dma_start3A_130 : memref<10240x128xf32, #tpu.memory_space<hbm>>) target(%dma_start3A_124 : memref<32x128xf32, #tpu.memory_space<vmem>>) offsets(%dma_start3A_127 : memref<32xi32, #tpu.memory_space<vmem>>) semaphore(%arg21 : memref<!tpu.dma_semaphore, #tpu.memory_space<semaphore_mem>>)
    %rem3A_131 = arith.constant 1 : i32
    %rem3A_132 = arith.constant 3 : i32
    %rem3A_133 = arith.remsi %rem3A_131, %rem3A_132 : i32
    %div3A_134 = arith.constant 1 : i32
    %div3A_135 = arith.constant 8 : i32
    %div3A_136 = arith.divsi %div3A_134, %div3A_135 : i32
    %rem3A_137 = arith.constant 2 : i32
    %rem3A_138 = arith.remsi %div3A_136, %rem3A_137 : i32
    %rem3A_139 = arith.constant 1 : i32
    %rem3A_140 = arith.constant 8 : i32
    %rem3A_141 = arith.remsi %rem3A_139, %rem3A_140 : i32
    %dma_start3A_142 = arith.constant 0 : i32
    %dma_start3A_143 = arith.constant 0 : i32
    %dma_start3A_144 = tpu.memref_slice %arg15[%rem3A_133, %dma_start3A_142, %dma_start3A_143] : memref<3x32x128xf32, #tpu.memory_space<vmem>> -> memref<1x32x128xf32, #tpu.memory_space<vmem>>
    %dma_start3A_145 = tpu.memref_squeeze %dma_start3A_144 : memref<1x32x128xf32, #tpu.memory_space<vmem>> -> memref<32x128xf32, #tpu.memory_space<vmem>>
    %dma_start3A_146 = arith.constant 0 : i32
    %dma_start3A_147 = tpu.memref_slice %arg10[%rem3A_138, %rem3A_141, %dma_start3A_146] : memref<2x8x32xi32, #tpu.memory_space<vmem>> -> memref<1x1x32xi32, #tpu.memory_space<vmem>>
    %dma_start3A_148 = tpu.memref_squeeze %dma_start3A_147 : memref<1x1x32xi32, #tpu.memory_space<vmem>> -> memref<32xi32, #tpu.memory_space<vmem>>
    %dma_start3A_149 = arith.constant 0 : i32
    %dma_start3A_150 = arith.constant 0 : i32
    %dma_start3A_151 = tpu.memref_slice %arg2[%dma_start3A_149, %dma_start3A_150] : memref<10240x128xf32, #tpu.memory_space<hbm>> -> memref<10240x128xf32, #tpu.memory_space<hbm>>
    tpu.enqueue_indirect_dma source(%dma_start3A_151 : memref<10240x128xf32, #tpu.memory_space<hbm>>) target(%dma_start3A_145 : memref<32x128xf32, #tpu.memory_space<vmem>>) offsets(%dma_start3A_148 : memref<32xi32, #tpu.memory_space<vmem>>) semaphore(%arg21 : memref<!tpu.dma_semaphore, #tpu.memory_space<semaphore_mem>>)
    %scan3A_152 = arith.constant 0 : i32
    %scan3A_153 = arith.constant 0 : i32
    %scan3A_154 = arith.constant 648 : i32
    %scan3A_155 = arith.addi %scan3A_153, %scan3A_154 : i32
    %scan3A_156 = arith.constant 1 : i32
    %scan3A_157 = scf.for %scan3A_186 = %scan3A_153 to %scan3A_155 step %scan3A_156 iter_args(%scan3A_187 = %scan3A_152) -> (i32)  : i32 {
      %div3A_188 = arith.constant 8 : i32
      %div3A_189 = arith.divsi %scan3A_186, %div3A_188 : i32
      %rem3A_190 = arith.constant 2 : i32
      %rem3A_191 = arith.remsi %div3A_189, %rem3A_190 : i32
      %rem3A_192 = arith.constant 3 : i32
      %rem3A_193 = arith.remsi %scan3A_186, %rem3A_192 : i32
      %rem3A_194 = arith.constant 8 : i32
      %rem3A_195 = arith.remsi %scan3A_186, %rem3A_194 : i32
      %rem3A_196 = arith.constant 8 : i32
      %rem3A_197 = arith.remsi %scan3A_186, %rem3A_196 : i32
      %eq3A_198 = arith.constant 0 : i32
      %eq3A_199 = arith.cmpi eq, %rem3A_197, %eq3A_198 : i32
      %div3A_200 = arith.constant 8 : i32
      %div3A_201 = arith.divsi %scan3A_186, %div3A_200 : i32
      %add3A_202 = arith.constant 1 : i32
      %add3A_203 = arith.addi %div3A_201, %add3A_202 : i32
      %lt3A_204 = arith.constant 81 : i32
      %lt3A_205 = arith.cmpi slt, %add3A_203, %lt3A_204 : i32
      %and3A = arith.andi %eq3A_199, %lt3A_205 : i1
      %convert_element_type3A_206 = arith.extui %and3A : i1 to i32
      %cond3A_207 = arith.constant 0 : i32
      %cond3A_208 = arith.cmpi ne, %convert_element_type3A_206, %cond3A_207 : i32
      scf.if %cond3A_208 {
        %div3A_3472 = arith.constant 8 : i32
        %div3A_3473 = arith.divsi %scan3A_186, %div3A_3472 : i32
        %add3A_3474 = arith.constant 1 : i32
        %add3A_3475 = arith.addi %div3A_3473, %add3A_3474 : i32
        %rem3A_3476 = arith.constant 2 : i32
        %rem3A_3477 = arith.remsi %add3A_3475, %rem3A_3476 : i32
        %mul3A_3478 = arith.constant 8 : i32
        %mul3A_3479 = arith.muli %add3A_3475, %mul3A_3478 : i32
        %dma_start3A_3480 = arith.constant 0 : i32
        %dma_start3A_3481 = arith.constant 0 : i32
        %dma_start3A_3482 = tpu.memref_slice %arg10[%rem3A_3477, %dma_start3A_3480, %dma_start3A_3481] : memref<2x8x32xi32, #tpu.memory_space<vmem>> -> memref<1x8x32xi32, #tpu.memory_space<vmem>>
        %dma_start3A_3483 = tpu.memref_squeeze %dma_start3A_3482 : memref<1x8x32xi32, #tpu.memory_space<vmem>> -> memref<8x32xi32, #tpu.memory_space<vmem>>
        %dma_start3A_3484 = arith.constant 0 : i32
        %dma_start3A_3485 = tpu.memref_slice %arg3[%add3A, %mul3A_3479, %dma_start3A_3484] : memref<16x648x32xi32, #tpu.memory_space<hbm>> -> memref<1x8x32xi32, #tpu.memory_space<hbm>>
        %dma_start3A_3486 = tpu.memref_squeeze %dma_start3A_3485 : memref<1x8x32xi32, #tpu.memory_space<hbm>> -> memref<8x32xi32, #tpu.memory_space<hbm>>
        %dma_start3A_3487 = arith.constant 0 : i32
        %dma_start3A_3488 = arith.constant 0 : i32
        %dma_start3A_3489 = tpu.memref_slice %arg10[%rem3A_3477, %dma_start3A_3487, %dma_start3A_3488] : memref<2x8x32xi32, #tpu.memory_space<vmem>> -> memref<1x8x32xi32, #tpu.memory_space<vmem>>
        %dma_start3A_3490 = tpu.memref_squeeze %dma_start3A_3489 : memref<1x8x32xi32, #tpu.memory_space<vmem>> -> memref<8x32xi32, #tpu.memory_space<vmem>>
        %dma_start3A_3491 = arith.constant 0 : i32
        %dma_start3A_3492 = tpu.memref_slice %arg3[%add3A, %mul3A_3479, %dma_start3A_3491] : memref<16x648x32xi32, #tpu.memory_space<hbm>> -> memref<1x8x32xi32, #tpu.memory_space<hbm>>
        %dma_start3A_3493 = tpu.memref_squeeze %dma_start3A_3492 : memref<1x8x32xi32, #tpu.memory_space<hbm>> -> memref<8x32xi32, #tpu.memory_space<hbm>>
        tpu.enqueue_dma source(%dma_start3A_3493 : memref<8x32xi32, #tpu.memory_space<hbm>>) target(%dma_start3A_3490 : memref<8x32xi32, #tpu.memory_space<vmem>>) target_semaphore(%arg20 : memref<!tpu.dma_semaphore, #tpu.memory_space<semaphore_mem>>)
        %mul3A_3494 = arith.constant 8 : i32
        %mul3A_3495 = arith.muli %add3A_3475, %mul3A_3494 : i32
        %dma_start3A_3496 = arith.constant 0 : i32
        %dma_start3A_3497 = arith.constant 0 : i32
        %dma_start3A_3498 = tpu.memref_slice %arg11[%rem3A_3477, %dma_start3A_3496, %dma_start3A_3497] : memref<2x8x32xi32, #tpu.memory_space<vmem>> -> memref<1x8x32xi32, #tpu.memory_space<vmem>>
        %dma_start3A_3499 = tpu.memref_squeeze %dma_start3A_3498 : memref<1x8x32xi32, #tpu.memory_space<vmem>> -> memref<8x32xi32, #tpu.memory_space<vmem>>
        %dma_start3A_3500 = arith.constant 0 : i32
        %dma_start3A_3501 = tpu.memref_slice %arg4[%add3A, %mul3A_3495, %dma_start3A_3500] : memref<16x648x32xi32, #tpu.memory_space<hbm>> -> memref<1x8x32xi32, #tpu.memory_space<hbm>>
        %dma_start3A_3502 = tpu.memref_squeeze %dma_start3A_3501 : memref<1x8x32xi32, #tpu.memory_space<hbm>> -> memref<8x32xi32, #tpu.memory_space<hbm>>
        %dma_start3A_3503 = arith.constant 0 : i32
        %dma_start3A_3504 = arith.constant 0 : i32
        %dma_start3A_3505 = tpu.memref_slice %arg11[%rem3A_3477, %dma_start3A_3503, %dma_start3A_3504] : memref<2x8x32xi32, #tpu.memory_space<vmem>> -> memref<1x8x32xi32, #tpu.memory_space<vmem>>
        %dma_start3A_3506 = tpu.memref_squeeze %dma_start3A_3505 : memref<1x8x32xi32, #tpu.memory_space<vmem>> -> memref<8x32xi32, #tpu.memory_space<vmem>>
        %dma_start3A_3507 = arith.constant 0 : i32
        %dma_start3A_3508 = tpu.memref_slice %arg4[%add3A, %mul3A_3495, %dma_start3A_3507] : memref<16x648x32xi32, #tpu.memory_space<hbm>> -> memref<1x8x32xi32, #tpu.memory_space<hbm>>
        %dma_start3A_3509 = tpu.memref_squeeze %dma_start3A_3508 : memref<1x8x32xi32, #tpu.memory_space<hbm>> -> memref<8x32xi32, #tpu.memory_space<hbm>>
        tpu.enqueue_dma source(%dma_start3A_3509 : memref<8x32xi32, #tpu.memory_space<hbm>>) target(%dma_start3A_3506 : memref<8x32xi32, #tpu.memory_space<vmem>>) target_semaphore(%arg20 : memref<!tpu.dma_semaphore, #tpu.memory_space<semaphore_mem>>)
      } else {
      }
      %add3A_209 = arith.constant 2 : i32
      %add3A_210 = arith.addi %scan3A_186, %add3A_209 : i32
      %rem3A_211 = arith.constant 8 : i32
      %rem3A_212 = arith.remsi %add3A_210, %rem3A_211 : i32
      %eq3A_213 = arith.constant 0 : i32
      %eq3A_214 = arith.cmpi eq, %rem3A_212, %eq3A_213 : i32
      %add3A_215 = arith.constant 2 : i32
      %add3A_216 = arith.addi %scan3A_186, %add3A_215 : i32
      %lt3A_217 = arith.constant 648 : i32
      %lt3A_218 = arith.cmpi slt, %add3A_216, %lt3A_217 : i32
      %and3A_219 = arith.andi %eq3A_214, %lt3A_218 : i1
      %convert_element_type3A_220 = arith.extui %and3A_219 : i1 to i32
      %cond3A_221 = arith.constant 0 : i32
      %cond3A_222 = arith.cmpi ne, %convert_element_type3A_220, %cond3A_221 : i32
      scf.if %cond3A_222 {
        %add3A_3472 = arith.constant 2 : i32
        %add3A_3473 = arith.addi %scan3A_186, %add3A_3472 : i32
        %div3A_3474 = arith.constant 8 : i32
        %div3A_3475 = arith.divsi %add3A_3473, %div3A_3474 : i32
        %rem3A_3476 = arith.constant 2 : i32
        %rem3A_3477 = arith.remsi %div3A_3475, %rem3A_3476 : i32
        %mul3A_3478 = arith.constant 8 : i32
        %mul3A_3479 = arith.muli %div3A_3475, %mul3A_3478 : i32
        %dma_wait3A_3480 = arith.constant 0 : i32
        %dma_wait3A_3481 = arith.constant 0 : i32
        %dma_wait3A_3482 = tpu.memref_slice %arg10[%rem3A_3477, %dma_wait3A_3480, %dma_wait3A_3481] : memref<2x8x32xi32, #tpu.memory_space<vmem>> -> memref<1x8x32xi32, #tpu.memory_space<vmem>>
        %dma_wait3A_3483 = tpu.memref_squeeze %dma_wait3A_3482 : memref<1x8x32xi32, #tpu.memory_space<vmem>> -> memref<8x32xi32, #tpu.memory_space<vmem>>
        %dma_wait3A_3484 = arith.constant 0 : i32
        %dma_wait3A_3485 = tpu.memref_slice %arg3[%add3A, %mul3A_3479, %dma_wait3A_3484] : memref<16x648x32xi32, #tpu.memory_space<hbm>> -> memref<1x8x32xi32, #tpu.memory_space<hbm>>
        %dma_wait3A_3486 = tpu.memref_squeeze %dma_wait3A_3485 : memref<1x8x32xi32, #tpu.memory_space<hbm>> -> memref<8x32xi32, #tpu.memory_space<hbm>>
        %dma_wait3A_3487 = arith.constant 0 : i32
        %dma_wait3A_3488 = arith.constant 0 : i32
        %dma_wait3A_3489 = tpu.memref_slice %arg10[%rem3A_3477, %dma_wait3A_3487, %dma_wait3A_3488] : memref<2x8x32xi32, #tpu.memory_space<vmem>> -> memref<1x8x32xi32, #tpu.memory_space<vmem>>
        %dma_wait3A_3490 = tpu.memref_squeeze %dma_wait3A_3489 : memref<1x8x32xi32, #tpu.memory_space<vmem>> -> memref<8x32xi32, #tpu.memory_space<vmem>>
        %dma_wait3A_3491 = arith.constant 0 : i32
        %dma_wait3A_3492 = tpu.memref_slice %arg3[%add3A, %mul3A_3479, %dma_wait3A_3491] : memref<16x648x32xi32, #tpu.memory_space<hbm>> -> memref<1x8x32xi32, #tpu.memory_space<hbm>>
        %dma_wait3A_3493 = tpu.memref_squeeze %dma_wait3A_3492 : memref<1x8x32xi32, #tpu.memory_space<hbm>> -> memref<8x32xi32, #tpu.memory_space<hbm>>
        tpu.wait_dma2 semaphore(%arg20 : memref<!tpu.dma_semaphore, #tpu.memory_space<semaphore_mem>>) src(%dma_wait3A_3493 : memref<8x32xi32, #tpu.memory_space<hbm>>) dst(%dma_wait3A_3490 : memref<8x32xi32, #tpu.memory_space<vmem>>)
        %mul3A_3494 = arith.constant 8 : i32
        %mul3A_3495 = arith.muli %div3A_3475, %mul3A_3494 : i32
        %dma_wait3A_3496 = arith.constant 0 : i32
        %dma_wait3A_3497 = arith.constant 0 : i32
        %dma_wait3A_3498 = tpu.memref_slice %arg11[%rem3A_3477, %dma_wait3A_3496, %dma_wait3A_3497] : memref<2x8x32xi32, #tpu.memory_space<vmem>> -> memref<1x8x32xi32, #tpu.memory_space<vmem>>
        %dma_wait3A_3499 = tpu.memref_squeeze %dma_wait3A_3498 : memref<1x8x32xi32, #tpu.memory_space<vmem>> -> memref<8x32xi32, #tpu.memory_space<vmem>>
        %dma_wait3A_3500 = arith.constant 0 : i32
        %dma_wait3A_3501 = tpu.memref_slice %arg4[%add3A, %mul3A_3495, %dma_wait3A_3500] : memref<16x648x32xi32, #tpu.memory_space<hbm>> -> memref<1x8x32xi32, #tpu.memory_space<hbm>>
        %dma_wait3A_3502 = tpu.memref_squeeze %dma_wait3A_3501 : memref<1x8x32xi32, #tpu.memory_space<hbm>> -> memref<8x32xi32, #tpu.memory_space<hbm>>
        %dma_wait3A_3503 = arith.constant 0 : i32
        %dma_wait3A_3504 = arith.constant 0 : i32
        %dma_wait3A_3505 = tpu.memref_slice %arg11[%rem3A_3477, %dma_wait3A_3503, %dma_wait3A_3504] : memref<2x8x32xi32, #tpu.memory_space<vmem>> -> memref<1x8x32xi32, #tpu.memory_space<vmem>>
        %dma_wait3A_3506 = tpu.memref_squeeze %dma_wait3A_3505 : memref<1x8x32xi32, #tpu.memory_space<vmem>> -> memref<8x32xi32, #tpu.memory_space<vmem>>
        %dma_wait3A_3507 = arith.constant 0 : i32
        %dma_wait3A_3508 = tpu.memref_slice %arg4[%add3A, %mul3A_3495, %dma_wait3A_3507] : memref<16x648x32xi32, #tpu.memory_space<hbm>> -> memref<1x8x32xi32, #tpu.memory_space<hbm>>
        %dma_wait3A_3509 = tpu.memref_squeeze %dma_wait3A_3508 : memref<1x8x32xi32, #tpu.memory_space<hbm>> -> memref<8x32xi32, #tpu.memory_space<hbm>>
        tpu.wait_dma2 semaphore(%arg20 : memref<!tpu.dma_semaphore, #tpu.memory_space<semaphore_mem>>) src(%dma_wait3A_3509 : memref<8x32xi32, #tpu.memory_space<hbm>>) dst(%dma_wait3A_3506 : memref<8x32xi32, #tpu.memory_space<vmem>>)
      } else {
      }
      %get3A_223 = arith.index_cast %rem3A_191 : i32 to index
      %get3A_224 = arith.index_cast %rem3A_195 : i32 to index
      %get3A_225 = arith.constant 0 : index
      %get3A_226 = tpu.vector_load %arg10[%get3A_223, %get3A_224, %get3A_225] {strides = array<i32>} : memref<2x8x32xi32, #tpu.memory_space<vmem>>, vector<16xi32>,
      %get3A_227 = arith.index_cast %rem3A_191 : i32 to index
      %get3A_228 = arith.index_cast %rem3A_195 : i32 to index
      %get3A_229 = arith.constant 0 : index
      %get3A_230 = tpu.vector_load %arg11[%get3A_227, %get3A_228, %get3A_229] {strides = array<i32>} : memref<2x8x32xi32, #tpu.memory_space<vmem>>, vector<16xi32>,
      %gather3A = tpu.vector_load_idx %arg12[%get3A_226] : memref<10240xf32, #tpu.memory_space<vmem>>[vector<16xi32>], vector<16xf32>,
      %gather3A_231 = tpu.vector_load_idx %arg13[%get3A_230] : memref<10240xf32, #tpu.memory_space<vmem>>[vector<16xi32>], vector<16xf32>,
      %add3A_232 = arith.addf %gather3A, %gather3A_231 : vector<16xf32>
      %ge3A_233 = arith.constant 0.000000e+00 : f32
      %ge3A_234 = vector.broadcast %ge3A_233 : f32 to vector<16xf32>
      %ge3A_235 = arith.cmpf oge, %add3A_232, %ge3A_234 : vector<16xf32>
      %mul3A_236 = arith.constant 2.000000e-01 : f32
      %mul3A_237 = vector.broadcast %mul3A_236 : f32 to vector<16xf32>
      %mul3A_238 = arith.mulf %mul3A_237, %add3A_232 : vector<16xf32>
      %select_n3A_239 = arith.select %ge3A_235, %add3A_232, %mul3A_238 : vector<16xi1>, vector<16xf32>
      %sub3A = vector.broadcast %select_n3A : f32 to vector<16xf32>
      %sub3A_240 = arith.subf %select_n3A_239, %sub3A : vector<16xf32>
      %exp3A = math.exp %sub3A_240 : vector<16xf32>
      %mul3A_241 = arith.constant 32 : i32
      %mul3A_242 = arith.muli %scan3A_186, %mul3A_241 : i32
      %add3A_243 = arith.addi %mul3A_2, %mul3A_242 : i32
      %add3A_244 = arith.constant 0 : i32
      %add3A_245 = arith.addi %add3A_243, %add3A_244 : i32
      %add3A_246 = vector.broadcast %add3A_245 : i32 to vector<16xi32>
      %add3A_247 = arith.addi %add3A_246, %iota3A : vector<16xi32>
      %lt3A_248 = arith.constant 330000 : i32
      %lt3A_249 = vector.broadcast %lt3A_248 : i32 to vector<16xi32>
      %lt3A_250 = arith.cmpi slt, %add3A_247, %lt3A_249 : vector<16xi32>
      %jit3A = arith.constant 0.000000e+00 : f32
      %broadcast_in_dim3A_251 = vector.broadcast %jit3A : f32 to vector<16xf32>
      %select_n3A_252 = arith.select %lt3A_250, %exp3A, %broadcast_in_dim3A_251 : vector<16xi1>, vector<16xf32>
      %shift_right_arithmetic3A = arith.constant 7 : i32
      %shift_right_arithmetic3A_253 = vector.broadcast %shift_right_arithmetic3A : i32 to vector<16xi32>
      %shift_right_arithmetic3A_254 = arith.shrsi %get3A_230, %shift_right_arithmetic3A_253 : vector<16xi32>
      %and3A_255 = arith.constant 127 : i32
      %and3A_256 = vector.broadcast %and3A_255 : i32 to vector<16xi32>
      %and3A_257 = arith.andi %get3A_230, %and3A_256 : vector<16xi32>
      tpu.vector_store_idx %arg16[%shift_right_arithmetic3A_254, %and3A_257], %select_n3A_252 {add = true} : memref<80x128xf32, #tpu.memory_space<vmem>>[vector<16xi32>, vector<16xi32>], vector<16xf32>,
      %get3A_258 = arith.index_cast %rem3A_191 : i32 to index
      %get3A_259 = arith.index_cast %rem3A_195 : i32 to index
      %get3A_260 = arith.constant 16 : index
      %get3A_261 = tpu.vector_load %arg10[%get3A_258, %get3A_259, %get3A_260] {strides = array<i32>} : memref<2x8x32xi32, #tpu.memory_space<vmem>>, vector<16xi32>,
      %get3A_262 = arith.index_cast %rem3A_191 : i32 to index
      %get3A_263 = arith.index_cast %rem3A_195 : i32 to index
      %get3A_264 = arith.constant 16 : index
      %get3A_265 = tpu.vector_load %arg11[%get3A_262, %get3A_263, %get3A_264] {strides = array<i32>} : memref<2x8x32xi32, #tpu.memory_space<vmem>>, vector<16xi32>,
      %gather3A_266 = tpu.vector_load_idx %arg12[%get3A_261] : memref<10240xf32, #tpu.memory_space<vmem>>[vector<16xi32>], vector<16xf32>,
      %gather3A_267 = tpu.vector_load_idx %arg13[%get3A_265] : memref<10240xf32, #tpu.memory_space<vmem>>[vector<16xi32>], vector<16xf32>,
      %add3A_268 = arith.addf %gather3A_266, %gather3A_267 : vector<16xf32>
      %ge3A_269 = arith.constant 0.000000e+00 : f32
      %ge3A_270 = vector.broadcast %ge3A_269 : f32 to vector<16xf32>
      %ge3A_271 = arith.cmpf oge, %add3A_268, %ge3A_270 : vector<16xf32>
      %mul3A_272 = arith.constant 2.000000e-01 : f32
      %mul3A_273 = vector.broadcast %mul3A_272 : f32 to vector<16xf32>
      %mul3A_274 = arith.mulf %mul3A_273, %add3A_268 : vector<16xf32>
      %select_n3A_275 = arith.select %ge3A_271, %add3A_268, %mul3A_274 : vector<16xi1>, vector<16xf32>
      %sub3A_276 = vector.broadcast %select_n3A : f32 to vector<16xf32>
      %sub3A_277 = arith.subf %select_n3A_275, %sub3A_276 : vector<16xf32>
      %exp3A_278 = math.exp %sub3A_277 : vector<16xf32>
      %mul3A_279 = arith.constant 32 : i32
      %mul3A_280 = arith.muli %scan3A_186, %mul3A_279 : i32
      %add3A_281 = arith.addi %mul3A_2, %mul3A_280 : i32
      %add3A_282 = arith.constant 16 : i32
      %add3A_283 = arith.addi %add3A_281, %add3A_282 : i32
      %add3A_284 = vector.broadcast %add3A_283 : i32 to vector<16xi32>
      %add3A_285 = arith.addi %add3A_284, %iota3A : vector<16xi32>
      %lt3A_286 = arith.constant 330000 : i32
      %lt3A_287 = vector.broadcast %lt3A_286 : i32 to vector<16xi32>
      %lt3A_288 = arith.cmpi slt, %add3A_285, %lt3A_287 : vector<16xi32>
      %jit3A_289 = arith.constant 0.000000e+00 : f32
      %broadcast_in_dim3A_290 = vector.broadcast %jit3A_289 : f32 to vector<16xf32>
      %select_n3A_291 = arith.select %lt3A_288, %exp3A_278, %broadcast_in_dim3A_290 : vector<16xi1>, vector<16xf32>
      %shift_right_arithmetic3A_292 = arith.constant 7 : i32
      %shift_right_arithmetic3A_293 = vector.broadcast %shift_right_arithmetic3A_292 : i32 to vector<16xi32>
      %shift_right_arithmetic3A_294 = arith.shrsi %get3A_265, %shift_right_arithmetic3A_293 : vector<16xi32>
      %and3A_295 = arith.constant 127 : i32
      %and3A_296 = vector.broadcast %and3A_295 : i32 to vector<16xi32>
      %and3A_297 = arith.andi %get3A_265, %and3A_296 : vector<16xi32>
      tpu.vector_store_idx %arg16[%shift_right_arithmetic3A_294, %and3A_297], %select_n3A_291 {add = true} : memref<80x128xf32, #tpu.memory_space<vmem>>[vector<16xi32>, vector<16xi32>], vector<16xf32>,
      %ge3A_298 = arith.constant 1 : i32
      %ge3A_299 = arith.cmpi sge, %scan3A_186, %ge3A_298 : i32
      %convert_element_type3A_300 = arith.extui %ge3A_299 : i1 to i32
      %cond3A_301 = arith.constant 0 : i32
      %cond3A_302 = arith.cmpi ne, %convert_element_type3A_300, %cond3A_301 : i32
      scf.if %cond3A_302 {
        %dma_wait3A_3472 = arith.constant 0 : i32
        %dma_wait3A_3473 = arith.constant 0 : i32
        %dma_wait3A_3474 = arith.constant 0 : i32
        %dma_wait3A_3475 = tpu.memref_slice %arg15[%dma_wait3A_3472, %dma_wait3A_3473, %dma_wait3A_3474] : memref<3x32x128xf32, #tpu.memory_space<vmem>> -> memref<1x32x128xf32, #tpu.memory_space<vmem>>
        %dma_wait3A_3476 = tpu.memref_squeeze %dma_wait3A_3475 : memref<1x32x128xf32, #tpu.memory_space<vmem>> -> memref<32x128xf32, #tpu.memory_space<vmem>>
        %dma_wait3A_3477 = arith.constant 0 : i32
        %dma_wait3A_3478 = arith.constant 0 : i32
        %dma_wait3A_3479 = tpu.memref_slice %arg2[%dma_wait3A_3477, %dma_wait3A_3478] : memref<10240x128xf32, #tpu.memory_space<hbm>> -> memref<32x128xf32, #tpu.memory_space<hbm>>
        %dma_wait3A_3480 = arith.constant 0 : i32
        %dma_wait3A_3481 = arith.constant 0 : i32
        %dma_wait3A_3482 = tpu.memref_slice %arg15[%dma_wait3A_3472, %dma_wait3A_3480, %dma_wait3A_3481] : memref<3x32x128xf32, #tpu.memory_space<vmem>> -> memref<1x32x128xf32, #tpu.memory_space<vmem>>
        %dma_wait3A_3483 = tpu.memref_squeeze %dma_wait3A_3482 : memref<1x32x128xf32, #tpu.memory_space<vmem>> -> memref<32x128xf32, #tpu.memory_space<vmem>>
        %dma_wait3A_3484 = arith.constant 0 : i32
        %dma_wait3A_3485 = arith.constant 0 : i32
        %dma_wait3A_3486 = tpu.memref_slice %arg2[%dma_wait3A_3484, %dma_wait3A_3485] : memref<10240x128xf32, #tpu.memory_space<hbm>> -> memref<32x128xf32, #tpu.memory_space<hbm>>
        tpu.wait_dma2 semaphore(%arg22 : memref<!tpu.dma_semaphore, #tpu.memory_space<semaphore_mem>>) src(%dma_wait3A_3486 : memref<32x128xf32, #tpu.memory_space<hbm>>) dst(%dma_wait3A_3483 : memref<32x128xf32, #tpu.memory_space<vmem>>)
      } else {
      }
      %add3A_303 = arith.constant 2 : i32
      %add3A_304 = arith.addi %scan3A_186, %add3A_303 : i32
      %lt3A_305 = arith.constant 648 : i32
      %lt3A_306 = arith.cmpi slt, %add3A_304, %lt3A_305 : i32
      %convert_element_type3A_307 = arith.extui %lt3A_306 : i1 to i32
      %cond3A_308 = arith.constant 0 : i32
      %cond3A_309 = arith.cmpi ne, %convert_element_type3A_307, %cond3A_308 : i32
      scf.if %cond3A_309 {
        %add3A_3472 = arith.constant 2 : i32
        %add3A_3473 = arith.addi %scan3A_186, %add3A_3472 : i32
        %rem3A_3474 = arith.constant 3 : i32
        %rem3A_3475 = arith.remsi %add3A_3473, %rem3A_3474 : i32
        %div3A_3476 = arith.constant 8 : i32
        %div3A_3477 = arith.divsi %add3A_3473, %div3A_3476 : i32
        %rem3A_3478 = arith.constant 2 : i32
        %rem3A_3479 = arith.remsi %div3A_3477, %rem3A_3478 : i32
        %rem3A_3480 = arith.constant 8 : i32
        %rem3A_3481 = arith.remsi %add3A_3473, %rem3A_3480 : i32
        %dma_start3A_3482 = arith.constant 0 : i32
        %dma_start3A_3483 = arith.constant 0 : i32
        %dma_start3A_3484 = tpu.memref_slice %arg15[%rem3A_3475, %dma_start3A_3482, %dma_start3A_3483] : memref<3x32x128xf32, #tpu.memory_space<vmem>> -> memref<1x32x128xf32, #tpu.memory_space<vmem>>
        %dma_start3A_3485 = tpu.memref_squeeze %dma_start3A_3484 : memref<1x32x128xf32, #tpu.memory_space<vmem>> -> memref<32x128xf32, #tpu.memory_space<vmem>>
        %dma_start3A_3486 = arith.constant 0 : i32
        %dma_start3A_3487 = tpu.memref_slice %arg10[%rem3A_3479, %rem3A_3481, %dma_start3A_3486] : memref<2x8x32xi32, #tpu.memory_space<vmem>> -> memref<1x1x32xi32, #tpu.memory_space<vmem>>
        %dma_start3A_3488 = tpu.memref_squeeze %dma_start3A_3487 : memref<1x1x32xi32, #tpu.memory_space<vmem>> -> memref<32xi32, #tpu.memory_space<vmem>>
        %dma_start3A_3489 = arith.constant 0 : i32
        %dma_start3A_3490 = arith.constant 0 : i32
        %dma_start3A_3491 = tpu.memref_slice %arg2[%dma_start3A_3489, %dma_start3A_3490] : memref<10240x128xf32, #tpu.memory_space<hbm>> -> memref<10240x128xf32, #tpu.memory_space<hbm>>
        tpu.enqueue_indirect_dma source(%dma_start3A_3491 : memref<10240x128xf32, #tpu.memory_space<hbm>>) target(%dma_start3A_3485 : memref<32x128xf32, #tpu.memory_space<vmem>>) offsets(%dma_start3A_3488 : memref<32xi32, #tpu.memory_space<vmem>>) semaphore(%arg21 : memref<!tpu.dma_semaphore, #tpu.memory_space<semaphore_mem>>)
      } else {
      }
      %rem3A_310 = arith.constant 3 : i32
      %rem3A_311 = arith.remsi %scan3A_186, %rem3A_310 : i32
      %dma_wait3A_312 = arith.constant 0 : i32
      %dma_wait3A_313 = arith.constant 0 : i32
      %dma_wait3A_314 = tpu.memref_slice %arg15[%rem3A_311, %dma_wait3A_312, %dma_wait3A_313] : memref<3x32x128xf32, #tpu.memory_space<vmem>> -> memref<1x32x128xf32, #tpu.memory_space<vmem>>
      %dma_wait3A_315 = tpu.memref_squeeze %dma_wait3A_314 : memref<1x32x128xf32, #tpu.memory_space<vmem>> -> memref<32x128xf32, #tpu.memory_space<vmem>>
      %dma_wait3A_316 = arith.constant 0 : i32
      %dma_wait3A_317 = arith.constant 0 : i32
      %dma_wait3A_318 = tpu.memref_slice %arg2[%dma_wait3A_316, %dma_wait3A_317] : memref<10240x128xf32, #tpu.memory_space<hbm>> -> memref<32x128xf32, #tpu.memory_space<hbm>>
      %dma_wait3A_319 = arith.constant 0 : i32
      %dma_wait3A_320 = arith.constant 0 : i32
      %dma_wait3A_321 = tpu.memref_slice %arg15[%rem3A_311, %dma_wait3A_319, %dma_wait3A_320] : memref<3x32x128xf32, #tpu.memory_space<vmem>> -> memref<1x32x128xf32, #tpu.memory_space<vmem>>
      %dma_wait3A_322 = tpu.memref_squeeze %dma_wait3A_321 : memref<1x32x128xf32, #tpu.memory_space<vmem>> -> memref<32x128xf32, #tpu.memory_space<vmem>>
      %dma_wait3A_323 = arith.constant 0 : i32
      %dma_wait3A_324 = arith.constant 0 : i32
      %dma_wait3A_325 = tpu.memref_slice %arg2[%dma_wait3A_323, %dma_wait3A_324] : memref<10240x128xf32, #tpu.memory_space<hbm>> -> memref<32x128xf32, #tpu.memory_space<hbm>>
      tpu.wait_dma2 semaphore(%arg21 : memref<!tpu.dma_semaphore, #tpu.memory_space<semaphore_mem>>) src(%dma_wait3A_325 : memref<32x128xf32, #tpu.memory_space<hbm>>) dst(%dma_wait3A_322 : memref<32x128xf32, #tpu.memory_space<vmem>>)
      %slice3A_326 = vector.extract_strided_slice %select_n3A_252 {offsets = [0], sizes = [1], strides = [1]} : vector<16xf32> to vector<1xf32>
      %squeeze3A_327 = vector.extract %slice3A_326[0] : f32 from vector<1xf32>
      %get3A_328 = arith.constant 0 : i32
      %get3A_329 = arith.index_cast %rem3A_193 : i32 to index
      %get3A_330 = arith.index_cast %get3A_328 : i32 to index
      %get3A_331 = arith.constant 0 : index
      %get3A_332 = tpu.vector_load %arg15[%get3A_329, %get3A_330, %get3A_331] {strides = array<i32>} : memref<3x32x128xf32, #tpu.memory_space<vmem>>, vector<16xf32>,
      %mul3A_333 = vector.broadcast %squeeze3A_327 : f32 to vector<16xf32>
      %mul3A_334 = arith.mulf %get3A_332, %mul3A_333 : vector<16xf32>
      %swap3A = arith.constant 0 : i32
      %swap3A_335 = arith.index_cast %rem3A_193 : i32 to index
      %swap3A_336 = arith.index_cast %swap3A : i32 to index
      %swap3A_337 = arith.constant 0 : index
      %swap3A_338 = tpu.vector_load %arg15[%swap3A_335, %swap3A_336, %swap3A_337] {strides = array<i32>} : memref<3x32x128xf32, #tpu.memory_space<vmem>>, vector<16xf32>,
      tpu.vector_store %arg15[%swap3A_335, %swap3A_336, %swap3A_337], %mul3A_334 {strides = array<i32>} : memref<3x32x128xf32, #tpu.memory_space<vmem>>, vector<16xf32>,
      %get3A_339 = arith.constant 0 : i32
      %get3A_340 = arith.index_cast %rem3A_193 : i32 to index
      %get3A_341 = arith.index_cast %get3A_339 : i32 to index
      %get3A_342 = arith.constant 16 : index
      %get3A_343 = tpu.vector_load %arg15[%get3A_340, %get3A_341, %get3A_342] {strides = array<i32>} : memref<3x32x128xf32, #tpu.memory_space<vmem>>, vector<16xf32>,
      %mul3A_344 = vector.broadcast %squeeze3A_327 : f32 to vector<16xf32>
      %mul3A_345 = arith.mulf %get3A_343, %mul3A_344 : vector<16xf32>
      %swap3A_346 = arith.constant 0 : i32
      %swap3A_347 = arith.index_cast %rem3A_193 : i32 to index
      %swap3A_348 = arith.index_cast %swap3A_346 : i32 to index
      %swap3A_349 = arith.constant 16 : index
      %swap3A_350 = tpu.vector_load %arg15[%swap3A_347, %swap3A_348, %swap3A_349] {strides = array<i32>} : memref<3x32x128xf32, #tpu.memory_space<vmem>>, vector<16xf32>,
      tpu.vector_store %arg15[%swap3A_347, %swap3A_348, %swap3A_349], %mul3A_345 {strides = array<i32>} : memref<3x32x128xf32, #tpu.memory_space<vmem>>, vector<16xf32>,
      %get3A_351 = arith.constant 0 : i32
      %get3A_352 = arith.index_cast %rem3A_193 : i32 to index
      %get3A_353 = arith.index_cast %get3A_351 : i32 to index
      %get3A_354 = arith.constant 32 : index
      %get3A_355 = tpu.vector_load %arg15[%get3A_352, %get3A_353, %get3A_354] {strides = array<i32>} : memref<3x32x128xf32, #tpu.memory_space<vmem>>, vector<16xf32>,
      %mul3A_356 = vector.broadcast %squeeze3A_327 : f32 to vector<16xf32>
      %mul3A_357 = arith.mulf %get3A_355, %mul3A_356 : vector<16xf32>
      %swap3A_358 = arith.constant 0 : i32
      %swap3A_359 = arith.index_cast %rem3A_193 : i32 to index
      %swap3A_360 = arith.index_cast %swap3A_358 : i32 to index
      %swap3A_361 = arith.constant 32 : index
      %swap3A_362 = tpu.vector_load %arg15[%swap3A_359, %swap3A_360, %swap3A_361] {strides = array<i32>} : memref<3x32x128xf32, #tpu.memory_space<vmem>>, vector<16xf32>,
      tpu.vector_store %arg15[%swap3A_359, %swap3A_360, %swap3A_361], %mul3A_357 {strides = array<i32>} : memref<3x32x128xf32, #tpu.memory_space<vmem>>, vector<16xf32>,
      %get3A_363 = arith.constant 0 : i32
      %get3A_364 = arith.index_cast %rem3A_193 : i32 to index
      %get3A_365 = arith.index_cast %get3A_363 : i32 to index
      %get3A_366 = arith.constant 48 : index
      %get3A_367 = tpu.vector_load %arg15[%get3A_364, %get3A_365, %get3A_366] {strides = array<i32>} : memref<3x32x128xf32, #tpu.memory_space<vmem>>, vector<16xf32>,
      %mul3A_368 = vector.broadcast %squeeze3A_327 : f32 to vector<16xf32>
      %mul3A_369 = arith.mulf %get3A_367, %mul3A_368 : vector<16xf32>
      %swap3A_370 = arith.constant 0 : i32
      %swap3A_371 = arith.index_cast %rem3A_193 : i32 to index
      %swap3A_372 = arith.index_cast %swap3A_370 : i32 to index
      %swap3A_373 = arith.constant 48 : index
      %swap3A_374 = tpu.vector_load %arg15[%swap3A_371, %swap3A_372, %swap3A_373] {strides = array<i32>} : memref<3x32x128xf32, #tpu.memory_space<vmem>>, vector<16xf32>,
      tpu.vector_store %arg15[%swap3A_371, %swap3A_372, %swap3A_373], %mul3A_369 {strides = array<i32>} : memref<3x32x128xf32, #tpu.memory_space<vmem>>, vector<16xf32>,
      %get3A_375 = arith.constant 0 : i32
      %get3A_376 = arith.index_cast %rem3A_193 : i32 to index
      %get3A_377 = arith.index_cast %get3A_375 : i32 to index
      %get3A_378 = arith.constant 64 : index
      %get3A_379 = tpu.vector_load %arg15[%get3A_376, %get3A_377, %get3A_378] {strides = array<i32>} : memref<3x32x128xf32, #tpu.memory_space<vmem>>, vector<16xf32>,
      %mul3A_380 = vector.broadcast %squeeze3A_327 : f32 to vector<16xf32>
      %mul3A_381 = arith.mulf %get3A_379, %mul3A_380 : vector<16xf32>
      %swap3A_382 = arith.constant 0 : i32
      %swap3A_383 = arith.index_cast %rem3A_193 : i32 to index
      %swap3A_384 = arith.index_cast %swap3A_382 : i32 to index
      %swap3A_385 = arith.constant 64 : index
      %swap3A_386 = tpu.vector_load %arg15[%swap3A_383, %swap3A_384, %swap3A_385] {strides = array<i32>} : memref<3x32x128xf32, #tpu.memory_space<vmem>>, vector<16xf32>,
      tpu.vector_store %arg15[%swap3A_383, %swap3A_384, %swap3A_385], %mul3A_381 {strides = array<i32>} : memref<3x32x128xf32, #tpu.memory_space<vmem>>, vector<16xf32>,
      %get3A_387 = arith.constant 0 : i32
      %get3A_388 = arith.index_cast %rem3A_193 : i32 to index
      %get3A_389 = arith.index_cast %get3A_387 : i32 to index
      %get3A_390 = arith.constant 80 : index
      %get3A_391 = tpu.vector_load %arg15[%get3A_388, %get3A_389, %get3A_390] {strides = array<i32>} : memref<3x32x128xf32, #tpu.memory_space<vmem>>, vector<16xf32>,
      %mul3A_392 = vector.broadcast %squeeze3A_327 : f32 to vector<16xf32>
      %mul3A_393 = arith.mulf %get3A_391, %mul3A_392 : vector<16xf32>
      %swap3A_394 = arith.constant 0 : i32
      %swap3A_395 = arith.index_cast %rem3A_193 : i32 to index
      %swap3A_396 = arith.index_cast %swap3A_394 : i32 to index
      %swap3A_397 = arith.constant 80 : index
      %swap3A_398 = tpu.vector_load %arg15[%swap3A_395, %swap3A_396, %swap3A_397] {strides = array<i32>} : memref<3x32x128xf32, #tpu.memory_space<vmem>>, vector<16xf32>,
      tpu.vector_store %arg15[%swap3A_395, %swap3A_396, %swap3A_397], %mul3A_393 {strides = array<i32>} : memref<3x32x128xf32, #tpu.memory_space<vmem>>, vector<16xf32>,
      %get3A_399 = arith.constant 0 : i32
      %get3A_400 = arith.index_cast %rem3A_193 : i32 to index
      %get3A_401 = arith.index_cast %get3A_399 : i32 to index
      %get3A_402 = arith.constant 96 : index
      %get3A_403 = tpu.vector_load %arg15[%get3A_400, %get3A_401, %get3A_402] {strides = array<i32>} : memref<3x32x128xf32, #tpu.memory_space<vmem>>, vector<16xf32>,
      %mul3A_404 = vector.broadcast %squeeze3A_327 : f32 to vector<16xf32>
      %mul3A_405 = arith.mulf %get3A_403, %mul3A_404 : vector<16xf32>
      %swap3A_406 = arith.constant 0 : i32
      %swap3A_407 = arith.index_cast %rem3A_193 : i32 to index
      %swap3A_408 = arith.index_cast %swap3A_406 : i32 to index
      %swap3A_409 = arith.constant 96 : index
      %swap3A_410 = tpu.vector_load %arg15[%swap3A_407, %swap3A_408, %swap3A_409] {strides = array<i32>} : memref<3x32x128xf32, #tpu.memory_space<vmem>>, vector<16xf32>,
      tpu.vector_store %arg15[%swap3A_407, %swap3A_408, %swap3A_409], %mul3A_405 {strides = array<i32>} : memref<3x32x128xf32, #tpu.memory_space<vmem>>, vector<16xf32>,
      %get3A_411 = arith.constant 0 : i32
      %get3A_412 = arith.index_cast %rem3A_193 : i32 to index
      %get3A_413 = arith.index_cast %get3A_411 : i32 to index
      %get3A_414 = arith.constant 112 : index
      %get3A_415 = tpu.vector_load %arg15[%get3A_412, %get3A_413, %get3A_414] {strides = array<i32>} : memref<3x32x128xf32, #tpu.memory_space<vmem>>, vector<16xf32>,
      %mul3A_416 = vector.broadcast %squeeze3A_327 : f32 to vector<16xf32>
      %mul3A_417 = arith.mulf %get3A_415, %mul3A_416 : vector<16xf32>
      %swap3A_418 = arith.constant 0 : i32
      %swap3A_419 = arith.index_cast %rem3A_193 : i32 to index
      %swap3A_420 = arith.index_cast %swap3A_418 : i32 to index
      %swap3A_421 = arith.constant 112 : index
      %swap3A_422 = tpu.vector_load %arg15[%swap3A_419, %swap3A_420, %swap3A_421] {strides = array<i32>} : memref<3x32x128xf32, #tpu.memory_space<vmem>>, vector<16xf32>,
      tpu.vector_store %arg15[%swap3A_419, %swap3A_420, %swap3A_421], %mul3A_417 {strides = array<i32>} : memref<3x32x128xf32, #tpu.memory_space<vmem>>, vector<16xf32>,
      %slice3A_423 = vector.extract_strided_slice %select_n3A_252 {offsets = [1], sizes = [1], strides = [1]} : vector<16xf32> to vector<1xf32>
      %squeeze3A_424 = vector.extract %slice3A_423[0] : f32 from vector<1xf32>
      %get3A_425 = arith.constant 1 : i32
      %get3A_426 = arith.index_cast %rem3A_193 : i32 to index
      %get3A_427 = arith.index_cast %get3A_425 : i32 to index
      %get3A_428 = arith.constant 0 : index
      %get3A_429 = tpu.vector_load %arg15[%get3A_426, %get3A_427, %get3A_428] {strides = array<i32>} : memref<3x32x128xf32, #tpu.memory_space<vmem>>, vector<16xf32>,
      %mul3A_430 = vector.broadcast %squeeze3A_424 : f32 to vector<16xf32>
      %mul3A_431 = arith.mulf %get3A_429, %mul3A_430 : vector<16xf32>
      %swap3A_432 = arith.constant 1 : i32
      %swap3A_433 = arith.index_cast %rem3A_193 : i32 to index
      %swap3A_434 = arith.index_cast %swap3A_432 : i32 to index
      %swap3A_435 = arith.constant 0 : index
      %swap3A_436 = tpu.vector_load %arg15[%swap3A_433, %swap3A_434, %swap3A_435] {strides = array<i32>} : memref<3x32x128xf32, #tpu.memory_space<vmem>>, vector<16xf32>,
      tpu.vector_store %arg15[%swap3A_433, %swap3A_434, %swap3A_435], %mul3A_431 {strides = array<i32>} : memref<3x32x128xf32, #tpu.memory_space<vmem>>, vector<16xf32>,
      %get3A_437 = arith.constant 1 : i32
      %get3A_438 = arith.index_cast %rem3A_193 : i32 to index
      %get3A_439 = arith.index_cast %get3A_437 : i32 to index
      %get3A_440 = arith.constant 16 : index
      %get3A_441 = tpu.vector_load %arg15[%get3A_438, %get3A_439, %get3A_440] {strides = array<i32>} : memref<3x32x128xf32, #tpu.memory_space<vmem>>, vector<16xf32>,
      %mul3A_442 = vector.broadcast %squeeze3A_424 : f32 to vector<16xf32>
      %mul3A_443 = arith.mulf %get3A_441, %mul3A_442 : vector<16xf32>
      %swap3A_444 = arith.constant 1 : i32
      %swap3A_445 = arith.index_cast %rem3A_193 : i32 to index
      %swap3A_446 = arith.index_cast %swap3A_444 : i32 to index
      %swap3A_447 = arith.constant 16 : index
      %swap3A_448 = tpu.vector_load %arg15[%swap3A_445, %swap3A_446, %swap3A_447] {strides = array<i32>} : memref<3x32x128xf32, #tpu.memory_space<vmem>>, vector<16xf32>,
      tpu.vector_store %arg15[%swap3A_445, %swap3A_446, %swap3A_447], %mul3A_443 {strides = array<i32>} : memref<3x32x128xf32, #tpu.memory_space<vmem>>, vector<16xf32>,
      %get3A_449 = arith.constant 1 : i32
      %get3A_450 = arith.index_cast %rem3A_193 : i32 to index
      %get3A_451 = arith.index_cast %get3A_449 : i32 to index
      %get3A_452 = arith.constant 32 : index
      %get3A_453 = tpu.vector_load %arg15[%get3A_450, %get3A_451, %get3A_452] {strides = array<i32>} : memref<3x32x128xf32, #tpu.memory_space<vmem>>, vector<16xf32>,
      %mul3A_454 = vector.broadcast %squeeze3A_424 : f32 to vector<16xf32>
      %mul3A_455 = arith.mulf %get3A_453, %mul3A_454 : vector<16xf32>
      %swap3A_456 = arith.constant 1 : i32
      %swap3A_457 = arith.index_cast %rem3A_193 : i32 to index
      %swap3A_458 = arith.index_cast %swap3A_456 : i32 to index
      %swap3A_459 = arith.constant 32 : index
      %swap3A_460 = tpu.vector_load %arg15[%swap3A_457, %swap3A_458, %swap3A_459] {strides = array<i32>} : memref<3x32x128xf32, #tpu.memory_space<vmem>>, vector<16xf32>,
      tpu.vector_store %arg15[%swap3A_457, %swap3A_458, %swap3A_459], %mul3A_455 {strides = array<i32>} : memref<3x32x128xf32, #tpu.memory_space<vmem>>, vector<16xf32>,
      %get3A_461 = arith.constant 1 : i32
      %get3A_462 = arith.index_cast %rem3A_193 : i32 to index
      %get3A_463 = arith.index_cast %get3A_461 : i32 to index
      %get3A_464 = arith.constant 48 : index
      %get3A_465 = tpu.vector_load %arg15[%get3A_462, %get3A_463, %get3A_464] {strides = array<i32>} : memref<3x32x128xf32, #tpu.memory_space<vmem>>, vector<16xf32>,
      %mul3A_466 = vector.broadcast %squeeze3A_424 : f32 to vector<16xf32>
      %mul3A_467 = arith.mulf %get3A_465, %mul3A_466 : vector<16xf32>
      %swap3A_468 = arith.constant 1 : i32
      %swap3A_469 = arith.index_cast %rem3A_193 : i32 to index
      %swap3A_470 = arith.index_cast %swap3A_468 : i32 to index
      %swap3A_471 = arith.constant 48 : index
      %swap3A_472 = tpu.vector_load %arg15[%swap3A_469, %swap3A_470, %swap3A_471] {strides = array<i32>} : memref<3x32x128xf32, #tpu.memory_space<vmem>>, vector<16xf32>,
      tpu.vector_store %arg15[%swap3A_469, %swap3A_470, %swap3A_471], %mul3A_467 {strides = array<i32>} : memref<3x32x128xf32, #tpu.memory_space<vmem>>, vector<16xf32>,
      %get3A_473 = arith.constant 1 : i32
      %get3A_474 = arith.index_cast %rem3A_193 : i32 to index
      %get3A_475 = arith.index_cast %get3A_473 : i32 to index
      %get3A_476 = arith.constant 64 : index
      %get3A_477 = tpu.vector_load %arg15[%get3A_474, %get3A_475, %get3A_476] {strides = array<i32>} : memref<3x32x128xf32, #tpu.memory_space<vmem>>, vector<16xf32>,
      %mul3A_478 = vector.broadcast %squeeze3A_424 : f32 to vector<16xf32>
      %mul3A_479 = arith.mulf %get3A_477, %mul3A_478 : vector<16xf32>
      %swap3A_480 = arith.constant 1 : i32
      %swap3A_481 = arith.index_cast %rem3A_193 : i32 to index
      %swap3A_482 = arith.index_cast %swap3A_480 : i32 to index
      %swap3A_483 = arith.constant 64 : index
      %swap3A_484 = tpu.vector_load %arg15[%swap3A_481, %swap3A_482, %swap3A_483] {strides = array<i32>} : memref<3x32x128xf32, #tpu.memory_space<vmem>>, vector<16xf32>,
      tpu.vector_store %arg15[%swap3A_481, %swap3A_482, %swap3A_483], %mul3A_479 {strides = array<i32>} : memref<3x32x128xf32, #tpu.memory_space<vmem>>, vector<16xf32>,
      %get3A_485 = arith.constant 1 : i32
      %get3A_486 = arith.index_cast %rem3A_193 : i32 to index
      %get3A_487 = arith.index_cast %get3A_485 : i32 to index
      %get3A_488 = arith.constant 80 : index
      %get3A_489 = tpu.vector_load %arg15[%get3A_486, %get3A_487, %get3A_488] {strides = array<i32>} : memref<3x32x128xf32, #tpu.memory_space<vmem>>, vector<16xf32>,
      %mul3A_490 = vector.broadcast %squeeze3A_424 : f32 to vector<16xf32>
      %mul3A_491 = arith.mulf %get3A_489, %mul3A_490 : vector<16xf32>
      %swap3A_492 = arith.constant 1 : i32
      %swap3A_493 = arith.index_cast %rem3A_193 : i32 to index
      %swap3A_494 = arith.index_cast %swap3A_492 : i32 to index
      %swap3A_495 = arith.constant 80 : index
      %swap3A_496 = tpu.vector_load %arg15[%swap3A_493, %swap3A_494, %swap3A_495] {strides = array<i32>} : memref<3x32x128xf32, #tpu.memory_space<vmem>>, vector<16xf32>,
      tpu.vector_store %arg15[%swap3A_493, %swap3A_494, %swap3A_495], %mul3A_491 {strides = array<i32>} : memref<3x32x128xf32, #tpu.memory_space<vmem>>, vector<16xf32>,
      %get3A_497 = arith.constant 1 : i32
      %get3A_498 = arith.index_cast %rem3A_193 : i32 to index
      %get3A_499 = arith.index_cast %get3A_497 : i32 to index
      %get3A_500 = arith.constant 96 : index
      %get3A_501 = tpu.vector_load %arg15[%get3A_498, %get3A_499, %get3A_500] {strides = array<i32>} : memref<3x32x128xf32, #tpu.memory_space<vmem>>, vector<16xf32>,
      %mul3A_502 = vector.broadcast %squeeze3A_424 : f32 to vector<16xf32>
      %mul3A_503 = arith.mulf %get3A_501, %mul3A_502 : vector<16xf32>
      %swap3A_504 = arith.constant 1 : i32
      %swap3A_505 = arith.index_cast %rem3A_193 : i32 to index
      %swap3A_506 = arith.index_cast %swap3A_504 : i32 to index
      %swap3A_507 = arith.constant 96 : index
      %swap3A_508 = tpu.vector_load %arg15[%swap3A_505, %swap3A_506, %swap3A_507] {strides = array<i32>} : memref<3x32x128xf32, #tpu.memory_space<vmem>>, vector<16xf32>,
      tpu.vector_store %arg15[%swap3A_505, %swap3A_506, %swap3A_507], %mul3A_503 {strides = array<i32>} : memref<3x32x128xf32, #tpu.memory_space<vmem>>, vector<16xf32>,
      %get3A_509 = arith.constant 1 : i32
      %get3A_510 = arith.index_cast %rem3A_193 : i32 to index
      %get3A_511 = arith.index_cast %get3A_509 : i32 to index
      %get3A_512 = arith.constant 112 : index
      %get3A_513 = tpu.vector_load %arg15[%get3A_510, %get3A_511, %get3A_512] {strides = array<i32>} : memref<3x32x128xf32, #tpu.memory_space<vmem>>, vector<16xf32>,
      %mul3A_514 = vector.broadcast %squeeze3A_424 : f32 to vector<16xf32>
      %mul3A_515 = arith.mulf %get3A_513, %mul3A_514 : vector<16xf32>
      %swap3A_516 = arith.constant 1 : i32
      %swap3A_517 = arith.index_cast %rem3A_193 : i32 to index
      %swap3A_518 = arith.index_cast %swap3A_516 : i32 to index
      %swap3A_519 = arith.constant 112 : index
      %swap3A_520 = tpu.vector_load %arg15[%swap3A_517, %swap3A_518, %swap3A_519] {strides = array<i32>} : memref<3x32x128xf32, #tpu.memory_space<vmem>>, vector<16xf32>,
      tpu.vector_store %arg15[%swap3A_517, %swap3A_518, %swap3A_519], %mul3A_515 {strides = array<i32>} : memref<3x32x128xf32, #tpu.memory_space<vmem>>, vector<16xf32>,
      %slice3A_521 = vector.extract_strided_slice %select_n3A_252 {offsets = [2], sizes = [1], strides = [1]} : vector<16xf32> to vector<1xf32>
      %squeeze3A_522 = vector.extract %slice3A_521[0] : f32 from vector<1xf32>
      %get3A_523 = arith.constant 2 : i32
      %get3A_524 = arith.index_cast %rem3A_193 : i32 to index
      %get3A_525 = arith.index_cast %get3A_523 : i32 to index
      %get3A_526 = arith.constant 0 : index
      %get3A_527 = tpu.vector_load %arg15[%get3A_524, %get3A_525, %get3A_526] {strides = array<i32>} : memref<3x32x128xf32, #tpu.memory_space<vmem>>, vector<16xf32>,
      %mul3A_528 = vector.broadcast %squeeze3A_522 : f32 to vector<16xf32>
      %mul3A_529 = arith.mulf %get3A_527, %mul3A_528 : vector<16xf32>
      %swap3A_530 = arith.constant 2 : i32
      %swap3A_531 = arith.index_cast %rem3A_193 : i32 to index
      %swap3A_532 = arith.index_cast %swap3A_530 : i32 to index
      %swap3A_533 = arith.constant 0 : index
      %swap3A_534 = tpu.vector_load %arg15[%swap3A_531, %swap3A_532, %swap3A_533] {strides = array<i32>} : memref<3x32x128xf32, #tpu.memory_space<vmem>>, vector<16xf32>,
      tpu.vector_store %arg15[%swap3A_531, %swap3A_532, %swap3A_533], %mul3A_529 {strides = array<i32>} : memref<3x32x128xf32, #tpu.memory_space<vmem>>, vector<16xf32>,
      %get3A_535 = arith.constant 2 : i32
      %get3A_536 = arith.index_cast %rem3A_193 : i32 to index
      %get3A_537 = arith.index_cast %get3A_535 : i32 to index
      %get3A_538 = arith.constant 16 : index
      %get3A_539 = tpu.vector_load %arg15[%get3A_536, %get3A_537, %get3A_538] {strides = array<i32>} : memref<3x32x128xf32, #tpu.memory_space<vmem>>, vector<16xf32>,
      %mul3A_540 = vector.broadcast %squeeze3A_522 : f32 to vector<16xf32>
      %mul3A_541 = arith.mulf %get3A_539, %mul3A_540 : vector<16xf32>
      %swap3A_542 = arith.constant 2 : i32
      %swap3A_543 = arith.index_cast %rem3A_193 : i32 to index
      %swap3A_544 = arith.index_cast %swap3A_542 : i32 to index
      %swap3A_545 = arith.constant 16 : index
      %swap3A_546 = tpu.vector_load %arg15[%swap3A_543, %swap3A_544, %swap3A_545] {strides = array<i32>} : memref<3x32x128xf32, #tpu.memory_space<vmem>>, vector<16xf32>,
      tpu.vector_store %arg15[%swap3A_543, %swap3A_544, %swap3A_545], %mul3A_541 {strides = array<i32>} : memref<3x32x128xf32, #tpu.memory_space<vmem>>, vector<16xf32>,
      %get3A_547 = arith.constant 2 : i32
      %get3A_548 = arith.index_cast %rem3A_193 : i32 to index
      %get3A_549 = arith.index_cast %get3A_547 : i32 to index
      %get3A_550 = arith.constant 32 : index
      %get3A_551 = tpu.vector_load %arg15[%get3A_548, %get3A_549, %get3A_550] {strides = array<i32>} : memref<3x32x128xf32, #tpu.memory_space<vmem>>, vector<16xf32>,
      %mul3A_552 = vector.broadcast %squeeze3A_522 : f32 to vector<16xf32>
      %mul3A_553 = arith.mulf %get3A_551, %mul3A_552 : vector<16xf32>
      %swap3A_554 = arith.constant 2 : i32
      %swap3A_555 = arith.index_cast %rem3A_193 : i32 to index
      %swap3A_556 = arith.index_cast %swap3A_554 : i32 to index
      %swap3A_557 = arith.constant 32 : index
      %swap3A_558 = tpu.vector_load %arg15[%swap3A_555, %swap3A_556, %swap3A_557] {strides = array<i32>} : memref<3x32x128xf32, #tpu.memory_space<vmem>>, vector<16xf32>,
      tpu.vector_store %arg15[%swap3A_555, %swap3A_556, %swap3A_557], %mul3A_553 {strides = array<i32>} : memref<3x32x128xf32, #tpu.memory_space<vmem>>, vector<16xf32>,
      %get3A_559 = arith.constant 2 : i32
      %get3A_560 = arith.index_cast %rem3A_193 : i32 to index
      %get3A_561 = arith.index_cast %get3A_559 : i32 to index
      %get3A_562 = arith.constant 48 : index
      %get3A_563 = tpu.vector_load %arg15[%get3A_560, %get3A_561, %get3A_562] {strides = array<i32>} : memref<3x32x128xf32, #tpu.memory_space<vmem>>, vector<16xf32>,
      %mul3A_564 = vector.broadcast %squeeze3A_522 : f32 to vector<16xf32>
      %mul3A_565 = arith.mulf %get3A_563, %mul3A_564 : vector<16xf32>
      %swap3A_566 = arith.constant 2 : i32
      %swap3A_567 = arith.index_cast %rem3A_193 : i32 to index
      %swap3A_568 = arith.index_cast %swap3A_566 : i32 to index
      %swap3A_569 = arith.constant 48 : index
      %swap3A_570 = tpu.vector_load %arg15[%swap3A_567, %swap3A_568, %swap3A_569] {strides = array<i32>} : memref<3x32x128xf32, #tpu.memory_space<vmem>>, vector<16xf32>,
      tpu.vector_store %arg15[%swap3A_567, %swap3A_568, %swap3A_569], %mul3A_565 {strides = array<i32>} : memref<3x32x128xf32, #tpu.memory_space<vmem>>, vector<16xf32>,
      %get3A_571 = arith.constant 2 : i32
      %get3A_572 = arith.index_cast %rem3A_193 : i32 to index
      %get3A_573 = arith.index_cast %get3A_571 : i32 to index
      %get3A_574 = arith.constant 64 : index
      %get3A_575 = tpu.vector_load %arg15[%get3A_572, %get3A_573, %get3A_574] {strides = array<i32>} : memref<3x32x128xf32, #tpu.memory_space<vmem>>, vector<16xf32>,
      %mul3A_576 = vector.broadcast %squeeze3A_522 : f32 to vector<16xf32>
      %mul3A_577 = arith.mulf %get3A_575, %mul3A_576 : vector<16xf32>
      %swap3A_578 = arith.constant 2 : i32
      %swap3A_579 = arith.index_cast %rem3A_193 : i32 to index
      %swap3A_580 = arith.index_cast %swap3A_578 : i32 to index
      %swap3A_581 = arith.constant 64 : index
      %swap3A_582 = tpu.vector_load %arg15[%swap3A_579, %swap3A_580, %swap3A_581] {strides = array<i32>} : memref<3x32x128xf32, #tpu.memory_space<vmem>>, vector<16xf32>,
      tpu.vector_store %arg15[%swap3A_579, %swap3A_580, %swap3A_581], %mul3A_577 {strides = array<i32>} : memref<3x32x128xf32, #tpu.memory_space<vmem>>, vector<16xf32>,
      %get3A_583 = arith.constant 2 : i32
      %get3A_584 = arith.index_cast %rem3A_193 : i32 to index
      %get3A_585 = arith.index_cast %get3A_583 : i32 to index
      %get3A_586 = arith.constant 80 : index
      %get3A_587 = tpu.vector_load %arg15[%get3A_584, %get3A_585, %get3A_586] {strides = array<i32>} : memref<3x32x128xf32, #tpu.memory_space<vmem>>, vector<16xf32>,
      %mul3A_588 = vector.broadcast %squeeze3A_522 : f32 to vector<16xf32>
      %mul3A_589 = arith.mulf %get3A_587, %mul3A_588 : vector<16xf32>
      %swap3A_590 = arith.constant 2 : i32
      %swap3A_591 = arith.index_cast %rem3A_193 : i32 to index
      %swap3A_592 = arith.index_cast %swap3A_590 : i32 to index
      %swap3A_593 = arith.constant 80 : index
      %swap3A_594 = tpu.vector_load %arg15[%swap3A_591, %swap3A_592, %swap3A_593] {strides = array<i32>} : memref<3x32x128xf32, #tpu.memory_space<vmem>>, vector<16xf32>,
      tpu.vector_store %arg15[%swap3A_591, %swap3A_592, %swap3A_593], %mul3A_589 {strides = array<i32>} : memref<3x32x128xf32, #tpu.memory_space<vmem>>, vector<16xf32>,
      %get3A_595 = arith.constant 2 : i32
      %get3A_596 = arith.index_cast %rem3A_193 : i32 to index
      %get3A_597 = arith.index_cast %get3A_595 : i32 to index
      %get3A_598 = arith.constant 96 : index
      %get3A_599 = tpu.vector_load %arg15[%get3A_596, %get3A_597, %get3A_598] {strides = array<i32>} : memref<3x32x128xf32, #tpu.memory_space<vmem>>, vector<16xf32>,
      %mul3A_600 = vector.broadcast %squeeze3A_522 : f32 to vector<16xf32>
      %mul3A_601 = arith.mulf %get3A_599, %mul3A_600 : vector<16xf32>
      %swap3A_602 = arith.constant 2 : i32
      %swap3A_603 = arith.index_cast %rem3A_193 : i32 to index
      %swap3A_604 = arith.index_cast %swap3A_602 : i32 to index
      %swap3A_605 = arith.constant 96 : index
      %swap3A_606 = tpu.vector_load %arg15[%swap3A_603, %swap3A_604, %swap3A_605] {strides = array<i32>} : memref<3x32x128xf32, #tpu.memory_space<vmem>>, vector<16xf32>,
      tpu.vector_store %arg15[%swap3A_603, %swap3A_604, %swap3A_605], %mul3A_601 {strides = array<i32>} : memref<3x32x128xf32, #tpu.memory_space<vmem>>, vector<16xf32>,
      %get3A_607 = arith.constant 2 : i32
      %get3A_608 = arith.index_cast %rem3A_193 : i32 to index
      %get3A_609 = arith.index_cast %get3A_607 : i32 to index
      %get3A_610 = arith.constant 112 : index
      %get3A_611 = tpu.vector_load %arg15[%get3A_608, %get3A_609, %get3A_610] {strides = array<i32>} : memref<3x32x128xf32, #tpu.memory_space<vmem>>, vector<16xf32>,
      %mul3A_612 = vector.broadcast %squeeze3A_522 : f32 to vector<16xf32>
      %mul3A_613 = arith.mulf %get3A_611, %mul3A_612 : vector<16xf32>
      %swap3A_614 = arith.constant 2 : i32
      %swap3A_615 = arith.index_cast %rem3A_193 : i32 to index
      %swap3A_616 = arith.index_cast %swap3A_614 : i32 to index
      %swap3A_617 = arith.constant 112 : index
      %swap3A_618 = tpu.vector_load %arg15[%swap3A_615, %swap3A_616, %swap3A_617] {strides = array<i32>} : memref<3x32x128xf32, #tpu.memory_space<vmem>>, vector<16xf32>,
      tpu.vector_store %arg15[%swap3A_615, %swap3A_616, %swap3A_617], %mul3A_613 {strides = array<i32>} : memref<3x32x128xf32, #tpu.memory_space<vmem>>, vector<16xf32>,
      %slice3A_619 = vector.extract_strided_slice %select_n3A_252 {offsets = [3], sizes = [1], strides = [1]} : vector<16xf32> to vector<1xf32>
      %squeeze3A_620 = vector.extract %slice3A_619[0] : f32 from vector<1xf32>
      %get3A_621 = arith.constant 3 : i32
      %get3A_622 = arith.index_cast %rem3A_193 : i32 to index
      %get3A_623 = arith.index_cast %get3A_621 : i32 to index
      %get3A_624 = arith.constant 0 : index
      %get3A_625 = tpu.vector_load %arg15[%get3A_622, %get3A_623, %get3A_624] {strides = array<i32>} : memref<3x32x128xf32, #tpu.memory_space<vmem>>, vector<16xf32>,
      %mul3A_626 = vector.broadcast %squeeze3A_620 : f32 to vector<16xf32>
      %mul3A_627 = arith.mulf %get3A_625, %mul3A_626 : vector<16xf32>
      %swap3A_628 = arith.constant 3 : i32
      %swap3A_629 = arith.index_cast %rem3A_193 : i32 to index
      %swap3A_630 = arith.index_cast %swap3A_628 : i32 to index
      %swap3A_631 = arith.constant 0 : index
      %swap3A_632 = tpu.vector_load %arg15[%swap3A_629, %swap3A_630, %swap3A_631] {strides = array<i32>} : memref<3x32x128xf32, #tpu.memory_space<vmem>>, vector<16xf32>,
      tpu.vector_store %arg15[%swap3A_629, %swap3A_630, %swap3A_631], %mul3A_627 {strides = array<i32>} : memref<3x32x128xf32, #tpu.memory_space<vmem>>, vector<16xf32>,
      %get3A_633 = arith.constant 3 : i32
      %get3A_634 = arith.index_cast %rem3A_193 : i32 to index
      %get3A_635 = arith.index_cast %get3A_633 : i32 to index
      %get3A_636 = arith.constant 16 : index
      %get3A_637 = tpu.vector_load %arg15[%get3A_634, %get3A_635, %get3A_636] {strides = array<i32>} : memref<3x32x128xf32, #tpu.memory_space<vmem>>, vector<16xf32>,
      %mul3A_638 = vector.broadcast %squeeze3A_620 : f32 to vector<16xf32>
      %mul3A_639 = arith.mulf %get3A_637, %mul3A_638 : vector<16xf32>
      %swap3A_640 = arith.constant 3 : i32
      %swap3A_641 = arith.index_cast %rem3A_193 : i32 to index
      %swap3A_642 = arith.index_cast %swap3A_640 : i32 to index
      %swap3A_643 = arith.constant 16 : index
      %swap3A_644 = tpu.vector_load %arg15[%swap3A_641, %swap3A_642, %swap3A_643] {strides = array<i32>} : memref<3x32x128xf32, #tpu.memory_space<vmem>>, vector<16xf32>,
      tpu.vector_store %arg15[%swap3A_641, %swap3A_642, %swap3A_643], %mul3A_639 {strides = array<i32>} : memref<3x32x128xf32, #tpu.memory_space<vmem>>, vector<16xf32>,
      %get3A_645 = arith.constant 3 : i32
      %get3A_646 = arith.index_cast %rem3A_193 : i32 to index
      %get3A_647 = arith.index_cast %get3A_645 : i32 to index
      %get3A_648 = arith.constant 32 : index
      %get3A_649 = tpu.vector_load %arg15[%get3A_646, %get3A_647, %get3A_648] {strides = array<i32>} : memref<3x32x128xf32, #tpu.memory_space<vmem>>, vector<16xf32>,
      %mul3A_650 = vector.broadcast %squeeze3A_620 : f32 to vector<16xf32>
      %mul3A_651 = arith.mulf %get3A_649, %mul3A_650 : vector<16xf32>
      %swap3A_652 = arith.constant 3 : i32
      %swap3A_653 = arith.index_cast %rem3A_193 : i32 to index
      %swap3A_654 = arith.index_cast %swap3A_652 : i32 to index
      %swap3A_655 = arith.constant 32 : index
      %swap3A_656 = tpu.vector_load %arg15[%swap3A_653, %swap3A_654, %swap3A_655] {strides = array<i32>} : memref<3x32x128xf32, #tpu.memory_space<vmem>>, vector<16xf32>,
      tpu.vector_store %arg15[%swap3A_653, %swap3A_654, %swap3A_655], %mul3A_651 {strides = array<i32>} : memref<3x32x128xf32, #tpu.memory_space<vmem>>, vector<16xf32>,
      %get3A_657 = arith.constant 3 : i32
      %get3A_658 = arith.index_cast %rem3A_193 : i32 to index
      %get3A_659 = arith.index_cast %get3A_657 : i32 to index
      %get3A_660 = arith.constant 48 : index
      %get3A_661 = tpu.vector_load %arg15[%get3A_658, %get3A_659, %get3A_660] {strides = array<i32>} : memref<3x32x128xf32, #tpu.memory_space<vmem>>, vector<16xf32>,
      %mul3A_662 = vector.broadcast %squeeze3A_620 : f32 to vector<16xf32>
      %mul3A_663 = arith.mulf %get3A_661, %mul3A_662 : vector<16xf32>
      %swap3A_664 = arith.constant 3 : i32
      %swap3A_665 = arith.index_cast %rem3A_193 : i32 to index
      %swap3A_666 = arith.index_cast %swap3A_664 : i32 to index
      %swap3A_667 = arith.constant 48 : index
      %swap3A_668 = tpu.vector_load %arg15[%swap3A_665, %swap3A_666, %swap3A_667] {strides = array<i32>} : memref<3x32x128xf32, #tpu.memory_space<vmem>>, vector<16xf32>,
      tpu.vector_store %arg15[%swap3A_665, %swap3A_666, %swap3A_667], %mul3A_663 {strides = array<i32>} : memref<3x32x128xf32, #tpu.memory_space<vmem>>, vector<16xf32>,
      %get3A_669 = arith.constant 3 : i32
      %get3A_670 = arith.index_cast %rem3A_193 : i32 to index
      %get3A_671 = arith.index_cast %get3A_669 : i32 to index
      %get3A_672 = arith.constant 64 : index
      %get3A_673 = tpu.vector_load %arg15[%get3A_670, %get3A_671, %get3A_672] {strides = array<i32>} : memref<3x32x128xf32, #tpu.memory_space<vmem>>, vector<16xf32>,
      %mul3A_674 = vector.broadcast %squeeze3A_620 : f32 to vector<16xf32>
      %mul3A_675 = arith.mulf %get3A_673, %mul3A_674 : vector<16xf32>
      %swap3A_676 = arith.constant 3 : i32
      %swap3A_677 = arith.index_cast %rem3A_193 : i32 to index
      %swap3A_678 = arith.index_cast %swap3A_676 : i32 to index
      %swap3A_679 = arith.constant 64 : index
      %swap3A_680 = tpu.vector_load %arg15[%swap3A_677, %swap3A_678, %swap3A_679] {strides = array<i32>} : memref<3x32x128xf32, #tpu.memory_space<vmem>>, vector<16xf32>,
      tpu.vector_store %arg15[%swap3A_677, %swap3A_678, %swap3A_679], %mul3A_675 {strides = array<i32>} : memref<3x32x128xf32, #tpu.memory_space<vmem>>, vector<16xf32>,
      %get3A_681 = arith.constant 3 : i32
      %get3A_682 = arith.index_cast %rem3A_193 : i32 to index
      %get3A_683 = arith.index_cast %get3A_681 : i32 to index
      %get3A_684 = arith.constant 80 : index
      %get3A_685 = tpu.vector_load %arg15[%get3A_682, %get3A_683, %get3A_684] {strides = array<i32>} : memref<3x32x128xf32, #tpu.memory_space<vmem>>, vector<16xf32>,
      %mul3A_686 = vector.broadcast %squeeze3A_620 : f32 to vector<16xf32>
      %mul3A_687 = arith.mulf %get3A_685, %mul3A_686 : vector<16xf32>
      %swap3A_688 = arith.constant 3 : i32
      %swap3A_689 = arith.index_cast %rem3A_193 : i32 to index
      %swap3A_690 = arith.index_cast %swap3A_688 : i32 to index
      %swap3A_691 = arith.constant 80 : index
      %swap3A_692 = tpu.vector_load %arg15[%swap3A_689, %swap3A_690, %swap3A_691] {strides = array<i32>} : memref<3x32x128xf32, #tpu.memory_space<vmem>>, vector<16xf32>,
      tpu.vector_store %arg15[%swap3A_689, %swap3A_690, %swap3A_691], %mul3A_687 {strides = array<i32>} : memref<3x32x128xf32, #tpu.memory_space<vmem>>, vector<16xf32>,
      %get3A_693 = arith.constant 3 : i32
      %get3A_694 = arith.index_cast %rem3A_193 : i32 to index
      %get3A_695 = arith.index_cast %get3A_693 : i32 to index
      %get3A_696 = arith.constant 96 : index
      %get3A_697 = tpu.vector_load %arg15[%get3A_694, %get3A_695, %get3A_696] {strides = array<i32>} : memref<3x32x128xf32, #tpu.memory_space<vmem>>, vector<16xf32>,
      %mul3A_698 = vector.broadcast %squeeze3A_620 : f32 to vector<16xf32>
      %mul3A_699 = arith.mulf %get3A_697, %mul3A_698 : vector<16xf32>
      %swap3A_700 = arith.constant 3 : i32
      %swap3A_701 = arith.index_cast %rem3A_193 : i32 to index
      %swap3A_702 = arith.index_cast %swap3A_700 : i32 to index
      %swap3A_703 = arith.constant 96 : index
      %swap3A_704 = tpu.vector_load %arg15[%swap3A_701, %swap3A_702, %swap3A_703] {strides = array<i32>} : memref<3x32x128xf32, #tpu.memory_space<vmem>>, vector<16xf32>,
      tpu.vector_store %arg15[%swap3A_701, %swap3A_702, %swap3A_703], %mul3A_699 {strides = array<i32>} : memref<3x32x128xf32, #tpu.memory_space<vmem>>, vector<16xf32>,
      %get3A_705 = arith.constant 3 : i32
      %get3A_706 = arith.index_cast %rem3A_193 : i32 to index
      %get3A_707 = arith.index_cast %get3A_705 : i32 to index
      %get3A_708 = arith.constant 112 : index
      %get3A_709 = tpu.vector_load %arg15[%get3A_706, %get3A_707, %get3A_708] {strides = array<i32>} : memref<3x32x128xf32, #tpu.memory_space<vmem>>, vector<16xf32>,
      %mul3A_710 = vector.broadcast %squeeze3A_620 : f32 to vector<16xf32>
      %mul3A_711 = arith.mulf %get3A_709, %mul3A_710 : vector<16xf32>
      %swap3A_712 = arith.constant 3 : i32
      %swap3A_713 = arith.index_cast %rem3A_193 : i32 to index
      %swap3A_714 = arith.index_cast %swap3A_712 : i32 to index
      %swap3A_715 = arith.constant 112 : index
      %swap3A_716 = tpu.vector_load %arg15[%swap3A_713, %swap3A_714, %swap3A_715] {strides = array<i32>} : memref<3x32x128xf32, #tpu.memory_space<vmem>>, vector<16xf32>,
      tpu.vector_store %arg15[%swap3A_713, %swap3A_714, %swap3A_715], %mul3A_711 {strides = array<i32>} : memref<3x32x128xf32, #tpu.memory_space<vmem>>, vector<16xf32>,
      %slice3A_717 = vector.extract_strided_slice %select_n3A_252 {offsets = [4], sizes = [1], strides = [1]} : vector<16xf32> to vector<1xf32>
      %squeeze3A_718 = vector.extract %slice3A_717[0] : f32 from vector<1xf32>
      %get3A_719 = arith.constant 4 : i32
      %get3A_720 = arith.index_cast %rem3A_193 : i32 to index
      %get3A_721 = arith.index_cast %get3A_719 : i32 to index
      %get3A_722 = arith.constant 0 : index
      %get3A_723 = tpu.vector_load %arg15[%get3A_720, %get3A_721, %get3A_722] {strides = array<i32>} : memref<3x32x128xf32, #tpu.memory_space<vmem>>, vector<16xf32>,
      %mul3A_724 = vector.broadcast %squeeze3A_718 : f32 to vector<16xf32>
      %mul3A_725 = arith.mulf %get3A_723, %mul3A_724 : vector<16xf32>
      %swap3A_726 = arith.constant 4 : i32
      %swap3A_727 = arith.index_cast %rem3A_193 : i32 to index
      %swap3A_728 = arith.index_cast %swap3A_726 : i32 to index
      %swap3A_729 = arith.constant 0 : index
      %swap3A_730 = tpu.vector_load %arg15[%swap3A_727, %swap3A_728, %swap3A_729] {strides = array<i32>} : memref<3x32x128xf32, #tpu.memory_space<vmem>>, vector<16xf32>,
      tpu.vector_store %arg15[%swap3A_727, %swap3A_728, %swap3A_729], %mul3A_725 {strides = array<i32>} : memref<3x32x128xf32, #tpu.memory_space<vmem>>, vector<16xf32>,
      %get3A_731 = arith.constant 4 : i32
      %get3A_732 = arith.index_cast %rem3A_193 : i32 to index
      %get3A_733 = arith.index_cast %get3A_731 : i32 to index
      %get3A_734 = arith.constant 16 : index
      %get3A_735 = tpu.vector_load %arg15[%get3A_732, %get3A_733, %get3A_734] {strides = array<i32>} : memref<3x32x128xf32, #tpu.memory_space<vmem>>, vector<16xf32>,
      %mul3A_736 = vector.broadcast %squeeze3A_718 : f32 to vector<16xf32>
      %mul3A_737 = arith.mulf %get3A_735, %mul3A_736 : vector<16xf32>
      %swap3A_738 = arith.constant 4 : i32
      %swap3A_739 = arith.index_cast %rem3A_193 : i32 to index
      %swap3A_740 = arith.index_cast %swap3A_738 : i32 to index
      %swap3A_741 = arith.constant 16 : index
      %swap3A_742 = tpu.vector_load %arg15[%swap3A_739, %swap3A_740, %swap3A_741] {strides = array<i32>} : memref<3x32x128xf32, #tpu.memory_space<vmem>>, vector<16xf32>,
      tpu.vector_store %arg15[%swap3A_739, %swap3A_740, %swap3A_741], %mul3A_737 {strides = array<i32>} : memref<3x32x128xf32, #tpu.memory_space<vmem>>, vector<16xf32>,
      %get3A_743 = arith.constant 4 : i32
      %get3A_744 = arith.index_cast %rem3A_193 : i32 to index
      %get3A_745 = arith.index_cast %get3A_743 : i32 to index
      %get3A_746 = arith.constant 32 : index
      %get3A_747 = tpu.vector_load %arg15[%get3A_744, %get3A_745, %get3A_746] {strides = array<i32>} : memref<3x32x128xf32, #tpu.memory_space<vmem>>, vector<16xf32>,
      %mul3A_748 = vector.broadcast %squeeze3A_718 : f32 to vector<16xf32>
      %mul3A_749 = arith.mulf %get3A_747, %mul3A_748 : vector<16xf32>
      %swap3A_750 = arith.constant 4 : i32
      %swap3A_751 = arith.index_cast %rem3A_193 : i32 to index
      %swap3A_752 = arith.index_cast %swap3A_750 : i32 to index
      %swap3A_753 = arith.constant 32 : index
      %swap3A_754 = tpu.vector_load %arg15[%swap3A_751, %swap3A_752, %swap3A_753] {strides = array<i32>} : memref<3x32x128xf32, #tpu.memory_space<vmem>>, vector<16xf32>,
      tpu.vector_store %arg15[%swap3A_751, %swap3A_752, %swap3A_753], %mul3A_749 {strides = array<i32>} : memref<3x32x128xf32, #tpu.memory_space<vmem>>, vector<16xf32>,
      %get3A_755 = arith.constant 4 : i32
      %get3A_756 = arith.index_cast %rem3A_193 : i32 to index
      %get3A_757 = arith.index_cast %get3A_755 : i32 to index
      %get3A_758 = arith.constant 48 : index
      %get3A_759 = tpu.vector_load %arg15[%get3A_756, %get3A_757, %get3A_758] {strides = array<i32>} : memref<3x32x128xf32, #tpu.memory_space<vmem>>, vector<16xf32>,
      %mul3A_760 = vector.broadcast %squeeze3A_718 : f32 to vector<16xf32>
      %mul3A_761 = arith.mulf %get3A_759, %mul3A_760 : vector<16xf32>
      %swap3A_762 = arith.constant 4 : i32
      %swap3A_763 = arith.index_cast %rem3A_193 : i32 to index
      %swap3A_764 = arith.index_cast %swap3A_762 : i32 to index
      %swap3A_765 = arith.constant 48 : index
      %swap3A_766 = tpu.vector_load %arg15[%swap3A_763, %swap3A_764, %swap3A_765] {strides = array<i32>} : memref<3x32x128xf32, #tpu.memory_space<vmem>>, vector<16xf32>,
      tpu.vector_store %arg15[%swap3A_763, %swap3A_764, %swap3A_765], %mul3A_761 {strides = array<i32>} : memref<3x32x128xf32, #tpu.memory_space<vmem>>, vector<16xf32>,
      %get3A_767 = arith.constant 4 : i32
      %get3A_768 = arith.index_cast %rem3A_193 : i32 to index
      %get3A_769 = arith.index_cast %get3A_767 : i32 to index
      %get3A_770 = arith.constant 64 : index
      %get3A_771 = tpu.vector_load %arg15[%get3A_768, %get3A_769, %get3A_770] {strides = array<i32>} : memref<3x32x128xf32, #tpu.memory_space<vmem>>, vector<16xf32>,
      %mul3A_772 = vector.broadcast %squeeze3A_718 : f32 to vector<16xf32>
      %mul3A_773 = arith.mulf %get3A_771, %mul3A_772 : vector<16xf32>
      %swap3A_774 = arith.constant 4 : i32
      %swap3A_775 = arith.index_cast %rem3A_193 : i32 to index
      %swap3A_776 = arith.index_cast %swap3A_774 : i32 to index
      %swap3A_777 = arith.constant 64 : index
      %swap3A_778 = tpu.vector_load %arg15[%swap3A_775, %swap3A_776, %swap3A_777] {strides = array<i32>} : memref<3x32x128xf32, #tpu.memory_space<vmem>>, vector<16xf32>,
      tpu.vector_store %arg15[%swap3A_775, %swap3A_776, %swap3A_777], %mul3A_773 {strides = array<i32>} : memref<3x32x128xf32, #tpu.memory_space<vmem>>, vector<16xf32>,
      %get3A_779 = arith.constant 4 : i32
      %get3A_780 = arith.index_cast %rem3A_193 : i32 to index
      %get3A_781 = arith.index_cast %get3A_779 : i32 to index
      %get3A_782 = arith.constant 80 : index
      %get3A_783 = tpu.vector_load %arg15[%get3A_780, %get3A_781, %get3A_782] {strides = array<i32>} : memref<3x32x128xf32, #tpu.memory_space<vmem>>, vector<16xf32>,
      %mul3A_784 = vector.broadcast %squeeze3A_718 : f32 to vector<16xf32>
      %mul3A_785 = arith.mulf %get3A_783, %mul3A_784 : vector<16xf32>
      %swap3A_786 = arith.constant 4 : i32
      %swap3A_787 = arith.index_cast %rem3A_193 : i32 to index
      %swap3A_788 = arith.index_cast %swap3A_786 : i32 to index
      %swap3A_789 = arith.constant 80 : index
      %swap3A_790 = tpu.vector_load %arg15[%swap3A_787, %swap3A_788, %swap3A_789] {strides = array<i32>} : memref<3x32x128xf32, #tpu.memory_space<vmem>>, vector<16xf32>,
      tpu.vector_store %arg15[%swap3A_787, %swap3A_788, %swap3A_789], %mul3A_785 {strides = array<i32>} : memref<3x32x128xf32, #tpu.memory_space<vmem>>, vector<16xf32>,
      %get3A_791 = arith.constant 4 : i32
      %get3A_792 = arith.index_cast %rem3A_193 : i32 to index
      %get3A_793 = arith.index_cast %get3A_791 : i32 to index
      %get3A_794 = arith.constant 96 : index
      %get3A_795 = tpu.vector_load %arg15[%get3A_792, %get3A_793, %get3A_794] {strides = array<i32>} : memref<3x32x128xf32, #tpu.memory_space<vmem>>, vector<16xf32>,
      %mul3A_796 = vector.broadcast %squeeze3A_718 : f32 to vector<16xf32>
      %mul3A_797 = arith.mulf %get3A_795, %mul3A_796 : vector<16xf32>
      %swap3A_798 = arith.constant 4 : i32
      %swap3A_799 = arith.index_cast %rem3A_193 : i32 to index
      %swap3A_800 = arith.index_cast %swap3A_798 : i32 to index
      %swap3A_801 = arith.constant 96 : index
      %swap3A_802 = tpu.vector_load %arg15[%swap3A_799, %swap3A_800, %swap3A_801] {strides = array<i32>} : memref<3x32x128xf32, #tpu.memory_space<vmem>>, vector<16xf32>,
      tpu.vector_store %arg15[%swap3A_799, %swap3A_800, %swap3A_801], %mul3A_797 {strides = array<i32>} : memref<3x32x128xf32, #tpu.memory_space<vmem>>, vector<16xf32>,
      %get3A_803 = arith.constant 4 : i32
      %get3A_804 = arith.index_cast %rem3A_193 : i32 to index
      %get3A_805 = arith.index_cast %get3A_803 : i32 to index
      %get3A_806 = arith.constant 112 : index
      %get3A_807 = tpu.vector_load %arg15[%get3A_804, %get3A_805, %get3A_806] {strides = array<i32>} : memref<3x32x128xf32, #tpu.memory_space<vmem>>, vector<16xf32>,
      %mul3A_808 = vector.broadcast %squeeze3A_718 : f32 to vector<16xf32>
      %mul3A_809 = arith.mulf %get3A_807, %mul3A_808 : vector<16xf32>
      %swap3A_810 = arith.constant 4 : i32
      %swap3A_811 = arith.index_cast %rem3A_193 : i32 to index
      %swap3A_812 = arith.index_cast %swap3A_810 : i32 to index
      %swap3A_813 = arith.constant 112 : index
      %swap3A_814 = tpu.vector_load %arg15[%swap3A_811, %swap3A_812, %swap3A_813] {strides = array<i32>} : memref<3x32x128xf32, #tpu.memory_space<vmem>>, vector<16xf32>,
      tpu.vector_store %arg15[%swap3A_811, %swap3A_812, %swap3A_813], %mul3A_809 {strides = array<i32>} : memref<3x32x128xf32, #tpu.memory_space<vmem>>, vector<16xf32>,
      %slice3A_815 = vector.extract_strided_slice %select_n3A_252 {offsets = [5], sizes = [1], strides = [1]} : vector<16xf32> to vector<1xf32>
      %squeeze3A_816 = vector.extract %slice3A_815[0] : f32 from vector<1xf32>
      %get3A_817 = arith.constant 5 : i32
      %get3A_818 = arith.index_cast %rem3A_193 : i32 to index
      %get3A_819 = arith.index_cast %get3A_817 : i32 to index
      %get3A_820 = arith.constant 0 : index
      %get3A_821 = tpu.vector_load %arg15[%get3A_818, %get3A_819, %get3A_820] {strides = array<i32>} : memref<3x32x128xf32, #tpu.memory_space<vmem>>, vector<16xf32>,
      %mul3A_822 = vector.broadcast %squeeze3A_816 : f32 to vector<16xf32>
      %mul3A_823 = arith.mulf %get3A_821, %mul3A_822 : vector<16xf32>
      %swap3A_824 = arith.constant 5 : i32
      %swap3A_825 = arith.index_cast %rem3A_193 : i32 to index
      %swap3A_826 = arith.index_cast %swap3A_824 : i32 to index
      %swap3A_827 = arith.constant 0 : index
      %swap3A_828 = tpu.vector_load %arg15[%swap3A_825, %swap3A_826, %swap3A_827] {strides = array<i32>} : memref<3x32x128xf32, #tpu.memory_space<vmem>>, vector<16xf32>,
      tpu.vector_store %arg15[%swap3A_825, %swap3A_826, %swap3A_827], %mul3A_823 {strides = array<i32>} : memref<3x32x128xf32, #tpu.memory_space<vmem>>, vector<16xf32>,
      %get3A_829 = arith.constant 5 : i32
      %get3A_830 = arith.index_cast %rem3A_193 : i32 to index
      %get3A_831 = arith.index_cast %get3A_829 : i32 to index
      %get3A_832 = arith.constant 16 : index
      %get3A_833 = tpu.vector_load %arg15[%get3A_830, %get3A_831, %get3A_832] {strides = array<i32>} : memref<3x32x128xf32, #tpu.memory_space<vmem>>, vector<16xf32>,
      %mul3A_834 = vector.broadcast %squeeze3A_816 : f32 to vector<16xf32>
      %mul3A_835 = arith.mulf %get3A_833, %mul3A_834 : vector<16xf32>
      %swap3A_836 = arith.constant 5 : i32
      %swap3A_837 = arith.index_cast %rem3A_193 : i32 to index
      %swap3A_838 = arith.index_cast %swap3A_836 : i32 to index
      %swap3A_839 = arith.constant 16 : index
      %swap3A_840 = tpu.vector_load %arg15[%swap3A_837, %swap3A_838, %swap3A_839] {strides = array<i32>} : memref<3x32x128xf32, #tpu.memory_space<vmem>>, vector<16xf32>,
      tpu.vector_store %arg15[%swap3A_837, %swap3A_838, %swap3A_839], %mul3A_835 {strides = array<i32>} : memref<3x32x128xf32, #tpu.memory_space<vmem>>, vector<16xf32>,
      %get3A_841 = arith.constant 5 : i32
      %get3A_842 = arith.index_cast %rem3A_193 : i32 to index
      %get3A_843 = arith.index_cast %get3A_841 : i32 to index
      %get3A_844 = arith.constant 32 : index
      %get3A_845 = tpu.vector_load %arg15[%get3A_842, %get3A_843, %get3A_844] {strides = array<i32>} : memref<3x32x128xf32, #tpu.memory_space<vmem>>, vector<16xf32>,
      %mul3A_846 = vector.broadcast %squeeze3A_816 : f32 to vector<16xf32>
      %mul3A_847 = arith.mulf %get3A_845, %mul3A_846 : vector<16xf32>
      %swap3A_848 = arith.constant 5 : i32
      %swap3A_849 = arith.index_cast %rem3A_193 : i32 to index
      %swap3A_850 = arith.index_cast %swap3A_848 : i32 to index
      %swap3A_851 = arith.constant 32 : index
      %swap3A_852 = tpu.vector_load %arg15[%swap3A_849, %swap3A_850, %swap3A_851] {strides = array<i32>} : memref<3x32x128xf32, #tpu.memory_space<vmem>>, vector<16xf32>,
      tpu.vector_store %arg15[%swap3A_849, %swap3A_850, %swap3A_851], %mul3A_847 {strides = array<i32>} : memref<3x32x128xf32, #tpu.memory_space<vmem>>, vector<16xf32>,
      %get3A_853 = arith.constant 5 : i32
      %get3A_854 = arith.index_cast %rem3A_193 : i32 to index
      %get3A_855 = arith.index_cast %get3A_853 : i32 to index
      %get3A_856 = arith.constant 48 : index
      %get3A_857 = tpu.vector_load %arg15[%get3A_854, %get3A_855, %get3A_856] {strides = array<i32>} : memref<3x32x128xf32, #tpu.memory_space<vmem>>, vector<16xf32>,
      %mul3A_858 = vector.broadcast %squeeze3A_816 : f32 to vector<16xf32>
      %mul3A_859 = arith.mulf %get3A_857, %mul3A_858 : vector<16xf32>
      %swap3A_860 = arith.constant 5 : i32
      %swap3A_861 = arith.index_cast %rem3A_193 : i32 to index
      %swap3A_862 = arith.index_cast %swap3A_860 : i32 to index
      %swap3A_863 = arith.constant 48 : index
      %swap3A_864 = tpu.vector_load %arg15[%swap3A_861, %swap3A_862, %swap3A_863] {strides = array<i32>} : memref<3x32x128xf32, #tpu.memory_space<vmem>>, vector<16xf32>,
      tpu.vector_store %arg15[%swap3A_861, %swap3A_862, %swap3A_863], %mul3A_859 {strides = array<i32>} : memref<3x32x128xf32, #tpu.memory_space<vmem>>, vector<16xf32>,
      %get3A_865 = arith.constant 5 : i32
      %get3A_866 = arith.index_cast %rem3A_193 : i32 to index
      %get3A_867 = arith.index_cast %get3A_865 : i32 to index
      %get3A_868 = arith.constant 64 : index
      %get3A_869 = tpu.vector_load %arg15[%get3A_866, %get3A_867, %get3A_868] {strides = array<i32>} : memref<3x32x128xf32, #tpu.memory_space<vmem>>, vector<16xf32>,
      %mul3A_870 = vector.broadcast %squeeze3A_816 : f32 to vector<16xf32>
      %mul3A_871 = arith.mulf %get3A_869, %mul3A_870 : vector<16xf32>
      %swap3A_872 = arith.constant 5 : i32
      %swap3A_873 = arith.index_cast %rem3A_193 : i32 to index
      %swap3A_874 = arith.index_cast %swap3A_872 : i32 to index
      %swap3A_875 = arith.constant 64 : index
      %swap3A_876 = tpu.vector_load %arg15[%swap3A_873, %swap3A_874, %swap3A_875] {strides = array<i32>} : memref<3x32x128xf32, #tpu.memory_space<vmem>>, vector<16xf32>,
      tpu.vector_store %arg15[%swap3A_873, %swap3A_874, %swap3A_875], %mul3A_871 {strides = array<i32>} : memref<3x32x128xf32, #tpu.memory_space<vmem>>, vector<16xf32>,
      %get3A_877 = arith.constant 5 : i32
      %get3A_878 = arith.index_cast %rem3A_193 : i32 to index
      %get3A_879 = arith.index_cast %get3A_877 : i32 to index
      %get3A_880 = arith.constant 80 : index
      %get3A_881 = tpu.vector_load %arg15[%get3A_878, %get3A_879, %get3A_880] {strides = array<i32>} : memref<3x32x128xf32, #tpu.memory_space<vmem>>, vector<16xf32>,
      %mul3A_882 = vector.broadcast %squeeze3A_816 : f32 to vector<16xf32>
      %mul3A_883 = arith.mulf %get3A_881, %mul3A_882 : vector<16xf32>
      %swap3A_884 = arith.constant 5 : i32
      %swap3A_885 = arith.index_cast %rem3A_193 : i32 to index
      %swap3A_886 = arith.index_cast %swap3A_884 : i32 to index
      %swap3A_887 = arith.constant 80 : index
      %swap3A_888 = tpu.vector_load %arg15[%swap3A_885, %swap3A_886, %swap3A_887] {strides = array<i32>} : memref<3x32x128xf32, #tpu.memory_space<vmem>>, vector<16xf32>,
      tpu.vector_store %arg15[%swap3A_885, %swap3A_886, %swap3A_887], %mul3A_883 {strides = array<i32>} : memref<3x32x128xf32, #tpu.memory_space<vmem>>, vector<16xf32>,
      %get3A_889 = arith.constant 5 : i32
      %get3A_890 = arith.index_cast %rem3A_193 : i32 to index
      %get3A_891 = arith.index_cast %get3A_889 : i32 to index
      %get3A_892 = arith.constant 96 : index
      %get3A_893 = tpu.vector_load %arg15[%get3A_890, %get3A_891, %get3A_892] {strides = array<i32>} : memref<3x32x128xf32, #tpu.memory_space<vmem>>, vector<16xf32>,
      %mul3A_894 = vector.broadcast %squeeze3A_816 : f32 to vector<16xf32>
      %mul3A_895 = arith.mulf %get3A_893, %mul3A_894 : vector<16xf32>
      %swap3A_896 = arith.constant 5 : i32
      %swap3A_897 = arith.index_cast %rem3A_193 : i32 to index
      %swap3A_898 = arith.index_cast %swap3A_896 : i32 to index
      %swap3A_899 = arith.constant 96 : index
      %swap3A_900 = tpu.vector_load %arg15[%swap3A_897, %swap3A_898, %swap3A_899] {strides = array<i32>} : memref<3x32x128xf32, #tpu.memory_space<vmem>>, vector<16xf32>,
      tpu.vector_store %arg15[%swap3A_897, %swap3A_898, %swap3A_899], %mul3A_895 {strides = array<i32>} : memref<3x32x128xf32, #tpu.memory_space<vmem>>, vector<16xf32>,
      %get3A_901 = arith.constant 5 : i32
      %get3A_902 = arith.index_cast %rem3A_193 : i32 to index
      %get3A_903 = arith.index_cast %get3A_901 : i32 to index
      %get3A_904 = arith.constant 112 : index
      %get3A_905 = tpu.vector_load %arg15[%get3A_902, %get3A_903, %get3A_904] {strides = array<i32>} : memref<3x32x128xf32, #tpu.memory_space<vmem>>, vector<16xf32>,
      %mul3A_906 = vector.broadcast %squeeze3A_816 : f32 to vector<16xf32>
      %mul3A_907 = arith.mulf %get3A_905, %mul3A_906 : vector<16xf32>
      %swap3A_908 = arith.constant 5 : i32
      %swap3A_909 = arith.index_cast %rem3A_193 : i32 to index
      %swap3A_910 = arith.index_cast %swap3A_908 : i32 to index
      %swap3A_911 = arith.constant 112 : index
      %swap3A_912 = tpu.vector_load %arg15[%swap3A_909, %swap3A_910, %swap3A_911] {strides = array<i32>} : memref<3x32x128xf32, #tpu.memory_space<vmem>>, vector<16xf32>,
      tpu.vector_store %arg15[%swap3A_909, %swap3A_910, %swap3A_911], %mul3A_907 {strides = array<i32>} : memref<3x32x128xf32, #tpu.memory_space<vmem>>, vector<16xf32>,
      %slice3A_913 = vector.extract_strided_slice %select_n3A_252 {offsets = [6], sizes = [1], strides = [1]} : vector<16xf32> to vector<1xf32>
      %squeeze3A_914 = vector.extract %slice3A_913[0] : f32 from vector<1xf32>
      %get3A_915 = arith.constant 6 : i32
      %get3A_916 = arith.index_cast %rem3A_193 : i32 to index
      %get3A_917 = arith.index_cast %get3A_915 : i32 to index
      %get3A_918 = arith.constant 0 : index
      %get3A_919 = tpu.vector_load %arg15[%get3A_916, %get3A_917, %get3A_918] {strides = array<i32>} : memref<3x32x128xf32, #tpu.memory_space<vmem>>, vector<16xf32>,
      %mul3A_920 = vector.broadcast %squeeze3A_914 : f32 to vector<16xf32>
      %mul3A_921 = arith.mulf %get3A_919, %mul3A_920 : vector<16xf32>
      %swap3A_922 = arith.constant 6 : i32
      %swap3A_923 = arith.index_cast %rem3A_193 : i32 to index
      %swap3A_924 = arith.index_cast %swap3A_922 : i32 to index
      %swap3A_925 = arith.constant 0 : index
      %swap3A_926 = tpu.vector_load %arg15[%swap3A_923, %swap3A_924, %swap3A_925] {strides = array<i32>} : memref<3x32x128xf32, #tpu.memory_space<vmem>>, vector<16xf32>,
      tpu.vector_store %arg15[%swap3A_923, %swap3A_924, %swap3A_925], %mul3A_921 {strides = array<i32>} : memref<3x32x128xf32, #tpu.memory_space<vmem>>, vector<16xf32>,
      %get3A_927 = arith.constant 6 : i32
      %get3A_928 = arith.index_cast %rem3A_193 : i32 to index
      %get3A_929 = arith.index_cast %get3A_927 : i32 to index
      %get3A_930 = arith.constant 16 : index
      %get3A_931 = tpu.vector_load %arg15[%get3A_928, %get3A_929, %get3A_930] {strides = array<i32>} : memref<3x32x128xf32, #tpu.memory_space<vmem>>, vector<16xf32>,
      %mul3A_932 = vector.broadcast %squeeze3A_914 : f32 to vector<16xf32>
      %mul3A_933 = arith.mulf %get3A_931, %mul3A_932 : vector<16xf32>
      %swap3A_934 = arith.constant 6 : i32
      %swap3A_935 = arith.index_cast %rem3A_193 : i32 to index
      %swap3A_936 = arith.index_cast %swap3A_934 : i32 to index
      %swap3A_937 = arith.constant 16 : index
      %swap3A_938 = tpu.vector_load %arg15[%swap3A_935, %swap3A_936, %swap3A_937] {strides = array<i32>} : memref<3x32x128xf32, #tpu.memory_space<vmem>>, vector<16xf32>,
      tpu.vector_store %arg15[%swap3A_935, %swap3A_936, %swap3A_937], %mul3A_933 {strides = array<i32>} : memref<3x32x128xf32, #tpu.memory_space<vmem>>, vector<16xf32>,
      %get3A_939 = arith.constant 6 : i32
      %get3A_940 = arith.index_cast %rem3A_193 : i32 to index
      %get3A_941 = arith.index_cast %get3A_939 : i32 to index
      %get3A_942 = arith.constant 32 : index
      %get3A_943 = tpu.vector_load %arg15[%get3A_940, %get3A_941, %get3A_942] {strides = array<i32>} : memref<3x32x128xf32, #tpu.memory_space<vmem>>, vector<16xf32>,
      %mul3A_944 = vector.broadcast %squeeze3A_914 : f32 to vector<16xf32>
      %mul3A_945 = arith.mulf %get3A_943, %mul3A_944 : vector<16xf32>
      %swap3A_946 = arith.constant 6 : i32
      %swap3A_947 = arith.index_cast %rem3A_193 : i32 to index
      %swap3A_948 = arith.index_cast %swap3A_946 : i32 to index
      %swap3A_949 = arith.constant 32 : index
      %swap3A_950 = tpu.vector_load %arg15[%swap3A_947, %swap3A_948, %swap3A_949] {strides = array<i32>} : memref<3x32x128xf32, #tpu.memory_space<vmem>>, vector<16xf32>,
      tpu.vector_store %arg15[%swap3A_947, %swap3A_948, %swap3A_949], %mul3A_945 {strides = array<i32>} : memref<3x32x128xf32, #tpu.memory_space<vmem>>, vector<16xf32>,
      %get3A_951 = arith.constant 6 : i32
      %get3A_952 = arith.index_cast %rem3A_193 : i32 to index
      %get3A_953 = arith.index_cast %get3A_951 : i32 to index
      %get3A_954 = arith.constant 48 : index
      %get3A_955 = tpu.vector_load %arg15[%get3A_952, %get3A_953, %get3A_954] {strides = array<i32>} : memref<3x32x128xf32, #tpu.memory_space<vmem>>, vector<16xf32>,
      %mul3A_956 = vector.broadcast %squeeze3A_914 : f32 to vector<16xf32>
      %mul3A_957 = arith.mulf %get3A_955, %mul3A_956 : vector<16xf32>
      %swap3A_958 = arith.constant 6 : i32
      %swap3A_959 = arith.index_cast %rem3A_193 : i32 to index
      %swap3A_960 = arith.index_cast %swap3A_958 : i32 to index
      %swap3A_961 = arith.constant 48 : index
      %swap3A_962 = tpu.vector_load %arg15[%swap3A_959, %swap3A_960, %swap3A_961] {strides = array<i32>} : memref<3x32x128xf32, #tpu.memory_space<vmem>>, vector<16xf32>,
      tpu.vector_store %arg15[%swap3A_959, %swap3A_960, %swap3A_961], %mul3A_957 {strides = array<i32>} : memref<3x32x128xf32, #tpu.memory_space<vmem>>, vector<16xf32>,
      %get3A_963 = arith.constant 6 : i32
      %get3A_964 = arith.index_cast %rem3A_193 : i32 to index
      %get3A_965 = arith.index_cast %get3A_963 : i32 to index
      %get3A_966 = arith.constant 64 : index
      %get3A_967 = tpu.vector_load %arg15[%get3A_964, %get3A_965, %get3A_966] {strides = array<i32>} : memref<3x32x128xf32, #tpu.memory_space<vmem>>, vector<16xf32>,
      %mul3A_968 = vector.broadcast %squeeze3A_914 : f32 to vector<16xf32>
      %mul3A_969 = arith.mulf %get3A_967, %mul3A_968 : vector<16xf32>
      %swap3A_970 = arith.constant 6 : i32
      %swap3A_971 = arith.index_cast %rem3A_193 : i32 to index
      %swap3A_972 = arith.index_cast %swap3A_970 : i32 to index
      %swap3A_973 = arith.constant 64 : index
      %swap3A_974 = tpu.vector_load %arg15[%swap3A_971, %swap3A_972, %swap3A_973] {strides = array<i32>} : memref<3x32x128xf32, #tpu.memory_space<vmem>>, vector<16xf32>,
      tpu.vector_store %arg15[%swap3A_971, %swap3A_972, %swap3A_973], %mul3A_969 {strides = array<i32>} : memref<3x32x128xf32, #tpu.memory_space<vmem>>, vector<16xf32>,
      %get3A_975 = arith.constant 6 : i32
      %get3A_976 = arith.index_cast %rem3A_193 : i32 to index
      %get3A_977 = arith.index_cast %get3A_975 : i32 to index
      %get3A_978 = arith.constant 80 : index
      %get3A_979 = tpu.vector_load %arg15[%get3A_976, %get3A_977, %get3A_978] {strides = array<i32>} : memref<3x32x128xf32, #tpu.memory_space<vmem>>, vector<16xf32>,
      %mul3A_980 = vector.broadcast %squeeze3A_914 : f32 to vector<16xf32>
      %mul3A_981 = arith.mulf %get3A_979, %mul3A_980 : vector<16xf32>
      %swap3A_982 = arith.constant 6 : i32
      %swap3A_983 = arith.index_cast %rem3A_193 : i32 to index
      %swap3A_984 = arith.index_cast %swap3A_982 : i32 to index
      %swap3A_985 = arith.constant 80 : index
      %swap3A_986 = tpu.vector_load %arg15[%swap3A_983, %swap3A_984, %swap3A_985] {strides = array<i32>} : memref<3x32x128xf32, #tpu.memory_space<vmem>>, vector<16xf32>,
      tpu.vector_store %arg15[%swap3A_983, %swap3A_984, %swap3A_985], %mul3A_981 {strides = array<i32>} : memref<3x32x128xf32, #tpu.memory_space<vmem>>, vector<16xf32>,
      %get3A_987 = arith.constant 6 : i32
      %get3A_988 = arith.index_cast %rem3A_193 : i32 to index
      %get3A_989 = arith.index_cast %get3A_987 : i32 to index
      %get3A_990 = arith.constant 96 : index
      %get3A_991 = tpu.vector_load %arg15[%get3A_988, %get3A_989, %get3A_990] {strides = array<i32>} : memref<3x32x128xf32, #tpu.memory_space<vmem>>, vector<16xf32>,
      %mul3A_992 = vector.broadcast %squeeze3A_914 : f32 to vector<16xf32>
      %mul3A_993 = arith.mulf %get3A_991, %mul3A_992 : vector<16xf32>
      %swap3A_994 = arith.constant 6 : i32
      %swap3A_995 = arith.index_cast %rem3A_193 : i32 to index
      %swap3A_996 = arith.index_cast %swap3A_994 : i32 to index
      %swap3A_997 = arith.constant 96 : index
      %swap3A_998 = tpu.vector_load %arg15[%swap3A_995, %swap3A_996, %swap3A_997] {strides = array<i32>} : memref<3x32x128xf32, #tpu.memory_space<vmem>>, vector<16xf32>,
      tpu.vector_store %arg15[%swap3A_995, %swap3A_996, %swap3A_997], %mul3A_993 {strides = array<i32>} : memref<3x32x128xf32, #tpu.memory_space<vmem>>, vector<16xf32>,
      %get3A_999 = arith.constant 6 : i32
      %get3A_1000 = arith.index_cast %rem3A_193 : i32 to index
      %get3A_1001 = arith.index_cast %get3A_999 : i32 to index
      %get3A_1002 = arith.constant 112 : index
      %get3A_1003 = tpu.vector_load %arg15[%get3A_1000, %get3A_1001, %get3A_1002] {strides = array<i32>} : memref<3x32x128xf32, #tpu.memory_space<vmem>>, vector<16xf32>,
      %mul3A_1004 = vector.broadcast %squeeze3A_914 : f32 to vector<16xf32>
      %mul3A_1005 = arith.mulf %get3A_1003, %mul3A_1004 : vector<16xf32>
      %swap3A_1006 = arith.constant 6 : i32
      %swap3A_1007 = arith.index_cast %rem3A_193 : i32 to index
      %swap3A_1008 = arith.index_cast %swap3A_1006 : i32 to index
      %swap3A_1009 = arith.constant 112 : index
      %swap3A_1010 = tpu.vector_load %arg15[%swap3A_1007, %swap3A_1008, %swap3A_1009] {strides = array<i32>} : memref<3x32x128xf32, #tpu.memory_space<vmem>>, vector<16xf32>,
      tpu.vector_store %arg15[%swap3A_1007, %swap3A_1008, %swap3A_1009], %mul3A_1005 {strides = array<i32>} : memref<3x32x128xf32, #tpu.memory_space<vmem>>, vector<16xf32>,
      %slice3A_1011 = vector.extract_strided_slice %select_n3A_252 {offsets = [7], sizes = [1], strides = [1]} : vector<16xf32> to vector<1xf32>
      %squeeze3A_1012 = vector.extract %slice3A_1011[0] : f32 from vector<1xf32>
      %get3A_1013 = arith.constant 7 : i32
      %get3A_1014 = arith.index_cast %rem3A_193 : i32 to index
      %get3A_1015 = arith.index_cast %get3A_1013 : i32 to index
      %get3A_1016 = arith.constant 0 : index
      %get3A_1017 = tpu.vector_load %arg15[%get3A_1014, %get3A_1015, %get3A_1016] {strides = array<i32>} : memref<3x32x128xf32, #tpu.memory_space<vmem>>, vector<16xf32>,
      %mul3A_1018 = vector.broadcast %squeeze3A_1012 : f32 to vector<16xf32>
      %mul3A_1019 = arith.mulf %get3A_1017, %mul3A_1018 : vector<16xf32>
      %swap3A_1020 = arith.constant 7 : i32
      %swap3A_1021 = arith.index_cast %rem3A_193 : i32 to index
      %swap3A_1022 = arith.index_cast %swap3A_1020 : i32 to index
      %swap3A_1023 = arith.constant 0 : index
      %swap3A_1024 = tpu.vector_load %arg15[%swap3A_1021, %swap3A_1022, %swap3A_1023] {strides = array<i32>} : memref<3x32x128xf32, #tpu.memory_space<vmem>>, vector<16xf32>,
      tpu.vector_store %arg15[%swap3A_1021, %swap3A_1022, %swap3A_1023], %mul3A_1019 {strides = array<i32>} : memref<3x32x128xf32, #tpu.memory_space<vmem>>, vector<16xf32>,
      %get3A_1025 = arith.constant 7 : i32
      %get3A_1026 = arith.index_cast %rem3A_193 : i32 to index
      %get3A_1027 = arith.index_cast %get3A_1025 : i32 to index
      %get3A_1028 = arith.constant 16 : index
      %get3A_1029 = tpu.vector_load %arg15[%get3A_1026, %get3A_1027, %get3A_1028] {strides = array<i32>} : memref<3x32x128xf32, #tpu.memory_space<vmem>>, vector<16xf32>,
      %mul3A_1030 = vector.broadcast %squeeze3A_1012 : f32 to vector<16xf32>
      %mul3A_1031 = arith.mulf %get3A_1029, %mul3A_1030 : vector<16xf32>
      %swap3A_1032 = arith.constant 7 : i32
      %swap3A_1033 = arith.index_cast %rem3A_193 : i32 to index
      %swap3A_1034 = arith.index_cast %swap3A_1032 : i32 to index
      %swap3A_1035 = arith.constant 16 : index
      %swap3A_1036 = tpu.vector_load %arg15[%swap3A_1033, %swap3A_1034, %swap3A_1035] {strides = array<i32>} : memref<3x32x128xf32, #tpu.memory_space<vmem>>, vector<16xf32>,
      tpu.vector_store %arg15[%swap3A_1033, %swap3A_1034, %swap3A_1035], %mul3A_1031 {strides = array<i32>} : memref<3x32x128xf32, #tpu.memory_space<vmem>>, vector<16xf32>,
      %get3A_1037 = arith.constant 7 : i32
      %get3A_1038 = arith.index_cast %rem3A_193 : i32 to index
      %get3A_1039 = arith.index_cast %get3A_1037 : i32 to index
      %get3A_1040 = arith.constant 32 : index
      %get3A_1041 = tpu.vector_load %arg15[%get3A_1038, %get3A_1039, %get3A_1040] {strides = array<i32>} : memref<3x32x128xf32, #tpu.memory_space<vmem>>, vector<16xf32>,
      %mul3A_1042 = vector.broadcast %squeeze3A_1012 : f32 to vector<16xf32>
      %mul3A_1043 = arith.mulf %get3A_1041, %mul3A_1042 : vector<16xf32>
      %swap3A_1044 = arith.constant 7 : i32
      %swap3A_1045 = arith.index_cast %rem3A_193 : i32 to index
      %swap3A_1046 = arith.index_cast %swap3A_1044 : i32 to index
      %swap3A_1047 = arith.constant 32 : index
      %swap3A_1048 = tpu.vector_load %arg15[%swap3A_1045, %swap3A_1046, %swap3A_1047] {strides = array<i32>} : memref<3x32x128xf32, #tpu.memory_space<vmem>>, vector<16xf32>,
      tpu.vector_store %arg15[%swap3A_1045, %swap3A_1046, %swap3A_1047], %mul3A_1043 {strides = array<i32>} : memref<3x32x128xf32, #tpu.memory_space<vmem>>, vector<16xf32>,
      %get3A_1049 = arith.constant 7 : i32
      %get3A_1050 = arith.index_cast %rem3A_193 : i32 to index
      %get3A_1051 = arith.index_cast %get3A_1049 : i32 to index
      %get3A_1052 = arith.constant 48 : index
      %get3A_1053 = tpu.vector_load %arg15[%get3A_1050, %get3A_1051, %get3A_1052] {strides = array<i32>} : memref<3x32x128xf32, #tpu.memory_space<vmem>>, vector<16xf32>,
      %mul3A_1054 = vector.broadcast %squeeze3A_1012 : f32 to vector<16xf32>
      %mul3A_1055 = arith.mulf %get3A_1053, %mul3A_1054 : vector<16xf32>
      %swap3A_1056 = arith.constant 7 : i32
      %swap3A_1057 = arith.index_cast %rem3A_193 : i32 to index
      %swap3A_1058 = arith.index_cast %swap3A_1056 : i32 to index
      %swap3A_1059 = arith.constant 48 : index
      %swap3A_1060 = tpu.vector_load %arg15[%swap3A_1057, %swap3A_1058, %swap3A_1059] {strides = array<i32>} : memref<3x32x128xf32, #tpu.memory_space<vmem>>, vector<16xf32>,
      tpu.vector_store %arg15[%swap3A_1057, %swap3A_1058, %swap3A_1059], %mul3A_1055 {strides = array<i32>} : memref<3x32x128xf32, #tpu.memory_space<vmem>>, vector<16xf32>,
      %get3A_1061 = arith.constant 7 : i32
      %get3A_1062 = arith.index_cast %rem3A_193 : i32 to index
      %get3A_1063 = arith.index_cast %get3A_1061 : i32 to index
      %get3A_1064 = arith.constant 64 : index
      %get3A_1065 = tpu.vector_load %arg15[%get3A_1062, %get3A_1063, %get3A_1064] {strides = array<i32>} : memref<3x32x128xf32, #tpu.memory_space<vmem>>, vector<16xf32>,
      %mul3A_1066 = vector.broadcast %squeeze3A_1012 : f32 to vector<16xf32>
      %mul3A_1067 = arith.mulf %get3A_1065, %mul3A_1066 : vector<16xf32>
      %swap3A_1068 = arith.constant 7 : i32
      %swap3A_1069 = arith.index_cast %rem3A_193 : i32 to index
      %swap3A_1070 = arith.index_cast %swap3A_1068 : i32 to index
      %swap3A_1071 = arith.constant 64 : index
      %swap3A_1072 = tpu.vector_load %arg15[%swap3A_1069, %swap3A_1070, %swap3A_1071] {strides = array<i32>} : memref<3x32x128xf32, #tpu.memory_space<vmem>>, vector<16xf32>,
      tpu.vector_store %arg15[%swap3A_1069, %swap3A_1070, %swap3A_1071], %mul3A_1067 {strides = array<i32>} : memref<3x32x128xf32, #tpu.memory_space<vmem>>, vector<16xf32>,
      %get3A_1073 = arith.constant 7 : i32
      %get3A_1074 = arith.index_cast %rem3A_193 : i32 to index
      %get3A_1075 = arith.index_cast %get3A_1073 : i32 to index
      %get3A_1076 = arith.constant 80 : index
      %get3A_1077 = tpu.vector_load %arg15[%get3A_1074, %get3A_1075, %get3A_1076] {strides = array<i32>} : memref<3x32x128xf32, #tpu.memory_space<vmem>>, vector<16xf32>,
      %mul3A_1078 = vector.broadcast %squeeze3A_1012 : f32 to vector<16xf32>
      %mul3A_1079 = arith.mulf %get3A_1077, %mul3A_1078 : vector<16xf32>
      %swap3A_1080 = arith.constant 7 : i32
      %swap3A_1081 = arith.index_cast %rem3A_193 : i32 to index
      %swap3A_1082 = arith.index_cast %swap3A_1080 : i32 to index
      %swap3A_1083 = arith.constant 80 : index
      %swap3A_1084 = tpu.vector_load %arg15[%swap3A_1081, %swap3A_1082, %swap3A_1083] {strides = array<i32>} : memref<3x32x128xf32, #tpu.memory_space<vmem>>, vector<16xf32>,
      tpu.vector_store %arg15[%swap3A_1081, %swap3A_1082, %swap3A_1083], %mul3A_1079 {strides = array<i32>} : memref<3x32x128xf32, #tpu.memory_space<vmem>>, vector<16xf32>,
      %get3A_1085 = arith.constant 7 : i32
      %get3A_1086 = arith.index_cast %rem3A_193 : i32 to index
      %get3A_1087 = arith.index_cast %get3A_1085 : i32 to index
      %get3A_1088 = arith.constant 96 : index
      %get3A_1089 = tpu.vector_load %arg15[%get3A_1086, %get3A_1087, %get3A_1088] {strides = array<i32>} : memref<3x32x128xf32, #tpu.memory_space<vmem>>, vector<16xf32>,
      %mul3A_1090 = vector.broadcast %squeeze3A_1012 : f32 to vector<16xf32>
      %mul3A_1091 = arith.mulf %get3A_1089, %mul3A_1090 : vector<16xf32>
      %swap3A_1092 = arith.constant 7 : i32
      %swap3A_1093 = arith.index_cast %rem3A_193 : i32 to index
      %swap3A_1094 = arith.index_cast %swap3A_1092 : i32 to index
      %swap3A_1095 = arith.constant 96 : index
      %swap3A_1096 = tpu.vector_load %arg15[%swap3A_1093, %swap3A_1094, %swap3A_1095] {strides = array<i32>} : memref<3x32x128xf32, #tpu.memory_space<vmem>>, vector<16xf32>,
      tpu.vector_store %arg15[%swap3A_1093, %swap3A_1094, %swap3A_1095], %mul3A_1091 {strides = array<i32>} : memref<3x32x128xf32, #tpu.memory_space<vmem>>, vector<16xf32>,
      %get3A_1097 = arith.constant 7 : i32
      %get3A_1098 = arith.index_cast %rem3A_193 : i32 to index
      %get3A_1099 = arith.index_cast %get3A_1097 : i32 to index
      %get3A_1100 = arith.constant 112 : index
      %get3A_1101 = tpu.vector_load %arg15[%get3A_1098, %get3A_1099, %get3A_1100] {strides = array<i32>} : memref<3x32x128xf32, #tpu.memory_space<vmem>>, vector<16xf32>,
      %mul3A_1102 = vector.broadcast %squeeze3A_1012 : f32 to vector<16xf32>
      %mul3A_1103 = arith.mulf %get3A_1101, %mul3A_1102 : vector<16xf32>
      %swap3A_1104 = arith.constant 7 : i32
      %swap3A_1105 = arith.index_cast %rem3A_193 : i32 to index
      %swap3A_1106 = arith.index_cast %swap3A_1104 : i32 to index
      %swap3A_1107 = arith.constant 112 : index
      %swap3A_1108 = tpu.vector_load %arg15[%swap3A_1105, %swap3A_1106, %swap3A_1107] {strides = array<i32>} : memref<3x32x128xf32, #tpu.memory_space<vmem>>, vector<16xf32>,
      tpu.vector_store %arg15[%swap3A_1105, %swap3A_1106, %swap3A_1107], %mul3A_1103 {strides = array<i32>} : memref<3x32x128xf32, #tpu.memory_space<vmem>>, vector<16xf32>,
      %slice3A_1109 = vector.extract_strided_slice %select_n3A_252 {offsets = [8], sizes = [1], strides = [1]} : vector<16xf32> to vector<1xf32>
      %squeeze3A_1110 = vector.extract %slice3A_1109[0] : f32 from vector<1xf32>
      %get3A_1111 = arith.constant 8 : i32
      %get3A_1112 = arith.index_cast %rem3A_193 : i32 to index
      %get3A_1113 = arith.index_cast %get3A_1111 : i32 to index
      %get3A_1114 = arith.constant 0 : index
      %get3A_1115 = tpu.vector_load %arg15[%get3A_1112, %get3A_1113, %get3A_1114] {strides = array<i32>} : memref<3x32x128xf32, #tpu.memory_space<vmem>>, vector<16xf32>,
      %mul3A_1116 = vector.broadcast %squeeze3A_1110 : f32 to vector<16xf32>
      %mul3A_1117 = arith.mulf %get3A_1115, %mul3A_1116 : vector<16xf32>
      %swap3A_1118 = arith.constant 8 : i32
      %swap3A_1119 = arith.index_cast %rem3A_193 : i32 to index
      %swap3A_1120 = arith.index_cast %swap3A_1118 : i32 to index
      %swap3A_1121 = arith.constant 0 : index
      %swap3A_1122 = tpu.vector_load %arg15[%swap3A_1119, %swap3A_1120, %swap3A_1121] {strides = array<i32>} : memref<3x32x128xf32, #tpu.memory_space<vmem>>, vector<16xf32>,
      tpu.vector_store %arg15[%swap3A_1119, %swap3A_1120, %swap3A_1121], %mul3A_1117 {strides = array<i32>} : memref<3x32x128xf32, #tpu.memory_space<vmem>>, vector<16xf32>,
      %get3A_1123 = arith.constant 8 : i32
      %get3A_1124 = arith.index_cast %rem3A_193 : i32 to index
      %get3A_1125 = arith.index_cast %get3A_1123 : i32 to index
      %get3A_1126 = arith.constant 16 : index
      %get3A_1127 = tpu.vector_load %arg15[%get3A_1124, %get3A_1125, %get3A_1126] {strides = array<i32>} : memref<3x32x128xf32, #tpu.memory_space<vmem>>, vector<16xf32>,
      %mul3A_1128 = vector.broadcast %squeeze3A_1110 : f32 to vector<16xf32>
      %mul3A_1129 = arith.mulf %get3A_1127, %mul3A_1128 : vector<16xf32>
      %swap3A_1130 = arith.constant 8 : i32
      %swap3A_1131 = arith.index_cast %rem3A_193 : i32 to index
      %swap3A_1132 = arith.index_cast %swap3A_1130 : i32 to index
      %swap3A_1133 = arith.constant 16 : index
      %swap3A_1134 = tpu.vector_load %arg15[%swap3A_1131, %swap3A_1132, %swap3A_1133] {strides = array<i32>} : memref<3x32x128xf32, #tpu.memory_space<vmem>>, vector<16xf32>,
      tpu.vector_store %arg15[%swap3A_1131, %swap3A_1132, %swap3A_1133], %mul3A_1129 {strides = array<i32>} : memref<3x32x128xf32, #tpu.memory_space<vmem>>, vector<16xf32>,
      %get3A_1135 = arith.constant 8 : i32
      %get3A_1136 = arith.index_cast %rem3A_193 : i32 to index
      %get3A_1137 = arith.index_cast %get3A_1135 : i32 to index
      %get3A_1138 = arith.constant 32 : index
      %get3A_1139 = tpu.vector_load %arg15[%get3A_1136, %get3A_1137, %get3A_1138] {strides = array<i32>} : memref<3x32x128xf32, #tpu.memory_space<vmem>>, vector<16xf32>,
      %mul3A_1140 = vector.broadcast %squeeze3A_1110 : f32 to vector<16xf32>
      %mul3A_1141 = arith.mulf %get3A_1139, %mul3A_1140 : vector<16xf32>
      %swap3A_1142 = arith.constant 8 : i32
      %swap3A_1143 = arith.index_cast %rem3A_193 : i32 to index
      %swap3A_1144 = arith.index_cast %swap3A_1142 : i32 to index
      %swap3A_1145 = arith.constant 32 : index
      %swap3A_1146 = tpu.vector_load %arg15[%swap3A_1143, %swap3A_1144, %swap3A_1145] {strides = array<i32>} : memref<3x32x128xf32, #tpu.memory_space<vmem>>, vector<16xf32>,
      tpu.vector_store %arg15[%swap3A_1143, %swap3A_1144, %swap3A_1145], %mul3A_1141 {strides = array<i32>} : memref<3x32x128xf32, #tpu.memory_space<vmem>>, vector<16xf32>,
      %get3A_1147 = arith.constant 8 : i32
      %get3A_1148 = arith.index_cast %rem3A_193 : i32 to index
      %get3A_1149 = arith.index_cast %get3A_1147 : i32 to index
      %get3A_1150 = arith.constant 48 : index
      %get3A_1151 = tpu.vector_load %arg15[%get3A_1148, %get3A_1149, %get3A_1150] {strides = array<i32>} : memref<3x32x128xf32, #tpu.memory_space<vmem>>, vector<16xf32>,
      %mul3A_1152 = vector.broadcast %squeeze3A_1110 : f32 to vector<16xf32>
      %mul3A_1153 = arith.mulf %get3A_1151, %mul3A_1152 : vector<16xf32>
      %swap3A_1154 = arith.constant 8 : i32
      %swap3A_1155 = arith.index_cast %rem3A_193 : i32 to index
      %swap3A_1156 = arith.index_cast %swap3A_1154 : i32 to index
      %swap3A_1157 = arith.constant 48 : index
      %swap3A_1158 = tpu.vector_load %arg15[%swap3A_1155, %swap3A_1156, %swap3A_1157] {strides = array<i32>} : memref<3x32x128xf32, #tpu.memory_space<vmem>>, vector<16xf32>,
      tpu.vector_store %arg15[%swap3A_1155, %swap3A_1156, %swap3A_1157], %mul3A_1153 {strides = array<i32>} : memref<3x32x128xf32, #tpu.memory_space<vmem>>, vector<16xf32>,
      %get3A_1159 = arith.constant 8 : i32
      %get3A_1160 = arith.index_cast %rem3A_193 : i32 to index
      %get3A_1161 = arith.index_cast %get3A_1159 : i32 to index
      %get3A_1162 = arith.constant 64 : index
      %get3A_1163 = tpu.vector_load %arg15[%get3A_1160, %get3A_1161, %get3A_1162] {strides = array<i32>} : memref<3x32x128xf32, #tpu.memory_space<vmem>>, vector<16xf32>,
      %mul3A_1164 = vector.broadcast %squeeze3A_1110 : f32 to vector<16xf32>
      %mul3A_1165 = arith.mulf %get3A_1163, %mul3A_1164 : vector<16xf32>
      %swap3A_1166 = arith.constant 8 : i32
      %swap3A_1167 = arith.index_cast %rem3A_193 : i32 to index
      %swap3A_1168 = arith.index_cast %swap3A_1166 : i32 to index
      %swap3A_1169 = arith.constant 64 : index
      %swap3A_1170 = tpu.vector_load %arg15[%swap3A_1167, %swap3A_1168, %swap3A_1169] {strides = array<i32>} : memref<3x32x128xf32, #tpu.memory_space<vmem>>, vector<16xf32>,
      tpu.vector_store %arg15[%swap3A_1167, %swap3A_1168, %swap3A_1169], %mul3A_1165 {strides = array<i32>} : memref<3x32x128xf32, #tpu.memory_space<vmem>>, vector<16xf32>,
      %get3A_1171 = arith.constant 8 : i32
      %get3A_1172 = arith.index_cast %rem3A_193 : i32 to index
      %get3A_1173 = arith.index_cast %get3A_1171 : i32 to index
      %get3A_1174 = arith.constant 80 : index
      %get3A_1175 = tpu.vector_load %arg15[%get3A_1172, %get3A_1173, %get3A_1174] {strides = array<i32>} : memref<3x32x128xf32, #tpu.memory_space<vmem>>, vector<16xf32>,
      %mul3A_1176 = vector.broadcast %squeeze3A_1110 : f32 to vector<16xf32>
      %mul3A_1177 = arith.mulf %get3A_1175, %mul3A_1176 : vector<16xf32>
      %swap3A_1178 = arith.constant 8 : i32
      %swap3A_1179 = arith.index_cast %rem3A_193 : i32 to index
      %swap3A_1180 = arith.index_cast %swap3A_1178 : i32 to index
      %swap3A_1181 = arith.constant 80 : index
      %swap3A_1182 = tpu.vector_load %arg15[%swap3A_1179, %swap3A_1180, %swap3A_1181] {strides = array<i32>} : memref<3x32x128xf32, #tpu.memory_space<vmem>>, vector<16xf32>,
      tpu.vector_store %arg15[%swap3A_1179, %swap3A_1180, %swap3A_1181], %mul3A_1177 {strides = array<i32>} : memref<3x32x128xf32, #tpu.memory_space<vmem>>, vector<16xf32>,
      %get3A_1183 = arith.constant 8 : i32
      %get3A_1184 = arith.index_cast %rem3A_193 : i32 to index
      %get3A_1185 = arith.index_cast %get3A_1183 : i32 to index
      %get3A_1186 = arith.constant 96 : index
      %get3A_1187 = tpu.vector_load %arg15[%get3A_1184, %get3A_1185, %get3A_1186] {strides = array<i32>} : memref<3x32x128xf32, #tpu.memory_space<vmem>>, vector<16xf32>,
      %mul3A_1188 = vector.broadcast %squeeze3A_1110 : f32 to vector<16xf32>
      %mul3A_1189 = arith.mulf %get3A_1187, %mul3A_1188 : vector<16xf32>
      %swap3A_1190 = arith.constant 8 : i32
      %swap3A_1191 = arith.index_cast %rem3A_193 : i32 to index
      %swap3A_1192 = arith.index_cast %swap3A_1190 : i32 to index
      %swap3A_1193 = arith.constant 96 : index
      %swap3A_1194 = tpu.vector_load %arg15[%swap3A_1191, %swap3A_1192, %swap3A_1193] {strides = array<i32>} : memref<3x32x128xf32, #tpu.memory_space<vmem>>, vector<16xf32>,
      tpu.vector_store %arg15[%swap3A_1191, %swap3A_1192, %swap3A_1193], %mul3A_1189 {strides = array<i32>} : memref<3x32x128xf32, #tpu.memory_space<vmem>>, vector<16xf32>,
      %get3A_1195 = arith.constant 8 : i32
      %get3A_1196 = arith.index_cast %rem3A_193 : i32 to index
      %get3A_1197 = arith.index_cast %get3A_1195 : i32 to index
      %get3A_1198 = arith.constant 112 : index
      %get3A_1199 = tpu.vector_load %arg15[%get3A_1196, %get3A_1197, %get3A_1198] {strides = array<i32>} : memref<3x32x128xf32, #tpu.memory_space<vmem>>, vector<16xf32>,
      %mul3A_1200 = vector.broadcast %squeeze3A_1110 : f32 to vector<16xf32>
      %mul3A_1201 = arith.mulf %get3A_1199, %mul3A_1200 : vector<16xf32>
      %swap3A_1202 = arith.constant 8 : i32
      %swap3A_1203 = arith.index_cast %rem3A_193 : i32 to index
      %swap3A_1204 = arith.index_cast %swap3A_1202 : i32 to index
      %swap3A_1205 = arith.constant 112 : index
      %swap3A_1206 = tpu.vector_load %arg15[%swap3A_1203, %swap3A_1204, %swap3A_1205] {strides = array<i32>} : memref<3x32x128xf32, #tpu.memory_space<vmem>>, vector<16xf32>,
      tpu.vector_store %arg15[%swap3A_1203, %swap3A_1204, %swap3A_1205], %mul3A_1201 {strides = array<i32>} : memref<3x32x128xf32, #tpu.memory_space<vmem>>, vector<16xf32>,
      %slice3A_1207 = vector.extract_strided_slice %select_n3A_252 {offsets = [9], sizes = [1], strides = [1]} : vector<16xf32> to vector<1xf32>
      %squeeze3A_1208 = vector.extract %slice3A_1207[0] : f32 from vector<1xf32>
      %get3A_1209 = arith.constant 9 : i32
      %get3A_1210 = arith.index_cast %rem3A_193 : i32 to index
      %get3A_1211 = arith.index_cast %get3A_1209 : i32 to index
      %get3A_1212 = arith.constant 0 : index
      %get3A_1213 = tpu.vector_load %arg15[%get3A_1210, %get3A_1211, %get3A_1212] {strides = array<i32>} : memref<3x32x128xf32, #tpu.memory_space<vmem>>, vector<16xf32>,
      %mul3A_1214 = vector.broadcast %squeeze3A_1208 : f32 to vector<16xf32>
      %mul3A_1215 = arith.mulf %get3A_1213, %mul3A_1214 : vector<16xf32>
      %swap3A_1216 = arith.constant 9 : i32
      %swap3A_1217 = arith.index_cast %rem3A_193 : i32 to index
      %swap3A_1218 = arith.index_cast %swap3A_1216 : i32 to index
      %swap3A_1219 = arith.constant 0 : index
      %swap3A_1220 = tpu.vector_load %arg15[%swap3A_1217, %swap3A_1218, %swap3A_1219] {strides = array<i32>} : memref<3x32x128xf32, #tpu.memory_space<vmem>>, vector<16xf32>,
      tpu.vector_store %arg15[%swap3A_1217, %swap3A_1218, %swap3A_1219], %mul3A_1215 {strides = array<i32>} : memref<3x32x128xf32, #tpu.memory_space<vmem>>, vector<16xf32>,
      %get3A_1221 = arith.constant 9 : i32
      %get3A_1222 = arith.index_cast %rem3A_193 : i32 to index
      %get3A_1223 = arith.index_cast %get3A_1221 : i32 to index
      %get3A_1224 = arith.constant 16 : index
      %get3A_1225 = tpu.vector_load %arg15[%get3A_1222, %get3A_1223, %get3A_1224] {strides = array<i32>} : memref<3x32x128xf32, #tpu.memory_space<vmem>>, vector<16xf32>,
      %mul3A_1226 = vector.broadcast %squeeze3A_1208 : f32 to vector<16xf32>
      %mul3A_1227 = arith.mulf %get3A_1225, %mul3A_1226 : vector<16xf32>
      %swap3A_1228 = arith.constant 9 : i32
      %swap3A_1229 = arith.index_cast %rem3A_193 : i32 to index
      %swap3A_1230 = arith.index_cast %swap3A_1228 : i32 to index
      %swap3A_1231 = arith.constant 16 : index
      %swap3A_1232 = tpu.vector_load %arg15[%swap3A_1229, %swap3A_1230, %swap3A_1231] {strides = array<i32>} : memref<3x32x128xf32, #tpu.memory_space<vmem>>, vector<16xf32>,
      tpu.vector_store %arg15[%swap3A_1229, %swap3A_1230, %swap3A_1231], %mul3A_1227 {strides = array<i32>} : memref<3x32x128xf32, #tpu.memory_space<vmem>>, vector<16xf32>,
      %get3A_1233 = arith.constant 9 : i32
      %get3A_1234 = arith.index_cast %rem3A_193 : i32 to index
      %get3A_1235 = arith.index_cast %get3A_1233 : i32 to index
      %get3A_1236 = arith.constant 32 : index
      %get3A_1237 = tpu.vector_load %arg15[%get3A_1234, %get3A_1235, %get3A_1236] {strides = array<i32>} : memref<3x32x128xf32, #tpu.memory_space<vmem>>, vector<16xf32>,
      %mul3A_1238 = vector.broadcast %squeeze3A_1208 : f32 to vector<16xf32>
      %mul3A_1239 = arith.mulf %get3A_1237, %mul3A_1238 : vector<16xf32>
      %swap3A_1240 = arith.constant 9 : i32
      %swap3A_1241 = arith.index_cast %rem3A_193 : i32 to index
      %swap3A_1242 = arith.index_cast %swap3A_1240 : i32 to index
      %swap3A_1243 = arith.constant 32 : index
      %swap3A_1244 = tpu.vector_load %arg15[%swap3A_1241, %swap3A_1242, %swap3A_1243] {strides = array<i32>} : memref<3x32x128xf32, #tpu.memory_space<vmem>>, vector<16xf32>,
      tpu.vector_store %arg15[%swap3A_1241, %swap3A_1242, %swap3A_1243], %mul3A_1239 {strides = array<i32>} : memref<3x32x128xf32, #tpu.memory_space<vmem>>, vector<16xf32>,
      %get3A_1245 = arith.constant 9 : i32
      %get3A_1246 = arith.index_cast %rem3A_193 : i32 to index
      %get3A_1247 = arith.index_cast %get3A_1245 : i32 to index
      %get3A_1248 = arith.constant 48 : index
      %get3A_1249 = tpu.vector_load %arg15[%get3A_1246, %get3A_1247, %get3A_1248] {strides = array<i32>} : memref<3x32x128xf32, #tpu.memory_space<vmem>>, vector<16xf32>,
      %mul3A_1250 = vector.broadcast %squeeze3A_1208 : f32 to vector<16xf32>
      %mul3A_1251 = arith.mulf %get3A_1249, %mul3A_1250 : vector<16xf32>
      %swap3A_1252 = arith.constant 9 : i32
      %swap3A_1253 = arith.index_cast %rem3A_193 : i32 to index
      %swap3A_1254 = arith.index_cast %swap3A_1252 : i32 to index
      %swap3A_1255 = arith.constant 48 : index
      %swap3A_1256 = tpu.vector_load %arg15[%swap3A_1253, %swap3A_1254, %swap3A_1255] {strides = array<i32>} : memref<3x32x128xf32, #tpu.memory_space<vmem>>, vector<16xf32>,
      tpu.vector_store %arg15[%swap3A_1253, %swap3A_1254, %swap3A_1255], %mul3A_1251 {strides = array<i32>} : memref<3x32x128xf32, #tpu.memory_space<vmem>>, vector<16xf32>,
      %get3A_1257 = arith.constant 9 : i32
      %get3A_1258 = arith.index_cast %rem3A_193 : i32 to index
      %get3A_1259 = arith.index_cast %get3A_1257 : i32 to index
      %get3A_1260 = arith.constant 64 : index
      %get3A_1261 = tpu.vector_load %arg15[%get3A_1258, %get3A_1259, %get3A_1260] {strides = array<i32>} : memref<3x32x128xf32, #tpu.memory_space<vmem>>, vector<16xf32>,
      %mul3A_1262 = vector.broadcast %squeeze3A_1208 : f32 to vector<16xf32>
      %mul3A_1263 = arith.mulf %get3A_1261, %mul3A_1262 : vector<16xf32>
      %swap3A_1264 = arith.constant 9 : i32
      %swap3A_1265 = arith.index_cast %rem3A_193 : i32 to index
      %swap3A_1266 = arith.index_cast %swap3A_1264 : i32 to index
      %swap3A_1267 = arith.constant 64 : index
      %swap3A_1268 = tpu.vector_load %arg15[%swap3A_1265, %swap3A_1266, %swap3A_1267] {strides = array<i32>} : memref<3x32x128xf32, #tpu.memory_space<vmem>>, vector<16xf32>,
      tpu.vector_store %arg15[%swap3A_1265, %swap3A_1266, %swap3A_1267], %mul3A_1263 {strides = array<i32>} : memref<3x32x128xf32, #tpu.memory_space<vmem>>, vector<16xf32>,
      %get3A_1269 = arith.constant 9 : i32
      %get3A_1270 = arith.index_cast %rem3A_193 : i32 to index
      %get3A_1271 = arith.index_cast %get3A_1269 : i32 to index
      %get3A_1272 = arith.constant 80 : index
      %get3A_1273 = tpu.vector_load %arg15[%get3A_1270, %get3A_1271, %get3A_1272] {strides = array<i32>} : memref<3x32x128xf32, #tpu.memory_space<vmem>>, vector<16xf32>,
      %mul3A_1274 = vector.broadcast %squeeze3A_1208 : f32 to vector<16xf32>
      %mul3A_1275 = arith.mulf %get3A_1273, %mul3A_1274 : vector<16xf32>
      %swap3A_1276 = arith.constant 9 : i32
      %swap3A_1277 = arith.index_cast %rem3A_193 : i32 to index
      %swap3A_1278 = arith.index_cast %swap3A_1276 : i32 to index
      %swap3A_1279 = arith.constant 80 : index
      %swap3A_1280 = tpu.vector_load %arg15[%swap3A_1277, %swap3A_1278, %swap3A_1279] {strides = array<i32>} : memref<3x32x128xf32, #tpu.memory_space<vmem>>, vector<16xf32>,
      tpu.vector_store %arg15[%swap3A_1277, %swap3A_1278, %swap3A_1279], %mul3A_1275 {strides = array<i32>} : memref<3x32x128xf32, #tpu.memory_space<vmem>>, vector<16xf32>,
      %get3A_1281 = arith.constant 9 : i32
      %get3A_1282 = arith.index_cast %rem3A_193 : i32 to index
      %get3A_1283 = arith.index_cast %get3A_1281 : i32 to index
      %get3A_1284 = arith.constant 96 : index
      %get3A_1285 = tpu.vector_load %arg15[%get3A_1282, %get3A_1283, %get3A_1284] {strides = array<i32>} : memref<3x32x128xf32, #tpu.memory_space<vmem>>, vector<16xf32>,
      %mul3A_1286 = vector.broadcast %squeeze3A_1208 : f32 to vector<16xf32>
      %mul3A_1287 = arith.mulf %get3A_1285, %mul3A_1286 : vector<16xf32>
      %swap3A_1288 = arith.constant 9 : i32
      %swap3A_1289 = arith.index_cast %rem3A_193 : i32 to index
      %swap3A_1290 = arith.index_cast %swap3A_1288 : i32 to index
      %swap3A_1291 = arith.constant 96 : index
      %swap3A_1292 = tpu.vector_load %arg15[%swap3A_1289, %swap3A_1290, %swap3A_1291] {strides = array<i32>} : memref<3x32x128xf32, #tpu.memory_space<vmem>>, vector<16xf32>,
      tpu.vector_store %arg15[%swap3A_1289, %swap3A_1290, %swap3A_1291], %mul3A_1287 {strides = array<i32>} : memref<3x32x128xf32, #tpu.memory_space<vmem>>, vector<16xf32>,
      %get3A_1293 = arith.constant 9 : i32
      %get3A_1294 = arith.index_cast %rem3A_193 : i32 to index
      %get3A_1295 = arith.index_cast %get3A_1293 : i32 to index
      %get3A_1296 = arith.constant 112 : index
      %get3A_1297 = tpu.vector_load %arg15[%get3A_1294, %get3A_1295, %get3A_1296] {strides = array<i32>} : memref<3x32x128xf32, #tpu.memory_space<vmem>>, vector<16xf32>,
      %mul3A_1298 = vector.broadcast %squeeze3A_1208 : f32 to vector<16xf32>
      %mul3A_1299 = arith.mulf %get3A_1297, %mul3A_1298 : vector<16xf32>
      %swap3A_1300 = arith.constant 9 : i32
      %swap3A_1301 = arith.index_cast %rem3A_193 : i32 to index
      %swap3A_1302 = arith.index_cast %swap3A_1300 : i32 to index
      %swap3A_1303 = arith.constant 112 : index
      %swap3A_1304 = tpu.vector_load %arg15[%swap3A_1301, %swap3A_1302, %swap3A_1303] {strides = array<i32>} : memref<3x32x128xf32, #tpu.memory_space<vmem>>, vector<16xf32>,
      tpu.vector_store %arg15[%swap3A_1301, %swap3A_1302, %swap3A_1303], %mul3A_1299 {strides = array<i32>} : memref<3x32x128xf32, #tpu.memory_space<vmem>>, vector<16xf32>,
      %slice3A_1305 = vector.extract_strided_slice %select_n3A_252 {offsets = [10], sizes = [1], strides = [1]} : vector<16xf32> to vector<1xf32>
      %squeeze3A_1306 = vector.extract %slice3A_1305[0] : f32 from vector<1xf32>
      %get3A_1307 = arith.constant 10 : i32
      %get3A_1308 = arith.index_cast %rem3A_193 : i32 to index
      %get3A_1309 = arith.index_cast %get3A_1307 : i32 to index
      %get3A_1310 = arith.constant 0 : index
      %get3A_1311 = tpu.vector_load %arg15[%get3A_1308, %get3A_1309, %get3A_1310] {strides = array<i32>} : memref<3x32x128xf32, #tpu.memory_space<vmem>>, vector<16xf32>,
      %mul3A_1312 = vector.broadcast %squeeze3A_1306 : f32 to vector<16xf32>
      %mul3A_1313 = arith.mulf %get3A_1311, %mul3A_1312 : vector<16xf32>
      %swap3A_1314 = arith.constant 10 : i32
      %swap3A_1315 = arith.index_cast %rem3A_193 : i32 to index
      %swap3A_1316 = arith.index_cast %swap3A_1314 : i32 to index
      %swap3A_1317 = arith.constant 0 : index
      %swap3A_1318 = tpu.vector_load %arg15[%swap3A_1315, %swap3A_1316, %swap3A_1317] {strides = array<i32>} : memref<3x32x128xf32, #tpu.memory_space<vmem>>, vector<16xf32>,
      tpu.vector_store %arg15[%swap3A_1315, %swap3A_1316, %swap3A_1317], %mul3A_1313 {strides = array<i32>} : memref<3x32x128xf32, #tpu.memory_space<vmem>>, vector<16xf32>,
      %get3A_1319 = arith.constant 10 : i32
      %get3A_1320 = arith.index_cast %rem3A_193 : i32 to index
      %get3A_1321 = arith.index_cast %get3A_1319 : i32 to index
      %get3A_1322 = arith.constant 16 : index
      %get3A_1323 = tpu.vector_load %arg15[%get3A_1320, %get3A_1321, %get3A_1322] {strides = array<i32>} : memref<3x32x128xf32, #tpu.memory_space<vmem>>, vector<16xf32>,
      %mul3A_1324 = vector.broadcast %squeeze3A_1306 : f32 to vector<16xf32>
      %mul3A_1325 = arith.mulf %get3A_1323, %mul3A_1324 : vector<16xf32>
      %swap3A_1326 = arith.constant 10 : i32
      %swap3A_1327 = arith.index_cast %rem3A_193 : i32 to index
      %swap3A_1328 = arith.index_cast %swap3A_1326 : i32 to index
      %swap3A_1329 = arith.constant 16 : index
      %swap3A_1330 = tpu.vector_load %arg15[%swap3A_1327, %swap3A_1328, %swap3A_1329] {strides = array<i32>} : memref<3x32x128xf32, #tpu.memory_space<vmem>>, vector<16xf32>,
      tpu.vector_store %arg15[%swap3A_1327, %swap3A_1328, %swap3A_1329], %mul3A_1325 {strides = array<i32>} : memref<3x32x128xf32, #tpu.memory_space<vmem>>, vector<16xf32>,
      %get3A_1331 = arith.constant 10 : i32
      %get3A_1332 = arith.index_cast %rem3A_193 : i32 to index
      %get3A_1333 = arith.index_cast %get3A_1331 : i32 to index
      %get3A_1334 = arith.constant 32 : index
      %get3A_1335 = tpu.vector_load %arg15[%get3A_1332, %get3A_1333, %get3A_1334] {strides = array<i32>} : memref<3x32x128xf32, #tpu.memory_space<vmem>>, vector<16xf32>,
      %mul3A_1336 = vector.broadcast %squeeze3A_1306 : f32 to vector<16xf32>
      %mul3A_1337 = arith.mulf %get3A_1335, %mul3A_1336 : vector<16xf32>
      %swap3A_1338 = arith.constant 10 : i32
      %swap3A_1339 = arith.index_cast %rem3A_193 : i32 to index
      %swap3A_1340 = arith.index_cast %swap3A_1338 : i32 to index
      %swap3A_1341 = arith.constant 32 : index
      %swap3A_1342 = tpu.vector_load %arg15[%swap3A_1339, %swap3A_1340, %swap3A_1341] {strides = array<i32>} : memref<3x32x128xf32, #tpu.memory_space<vmem>>, vector<16xf32>,
      tpu.vector_store %arg15[%swap3A_1339, %swap3A_1340, %swap3A_1341], %mul3A_1337 {strides = array<i32>} : memref<3x32x128xf32, #tpu.memory_space<vmem>>, vector<16xf32>,
      %get3A_1343 = arith.constant 10 : i32
      %get3A_1344 = arith.index_cast %rem3A_193 : i32 to index
      %get3A_1345 = arith.index_cast %get3A_1343 : i32 to index
      %get3A_1346 = arith.constant 48 : index
      %get3A_1347 = tpu.vector_load %arg15[%get3A_1344, %get3A_1345, %get3A_1346] {strides = array<i32>} : memref<3x32x128xf32, #tpu.memory_space<vmem>>, vector<16xf32>,
      %mul3A_1348 = vector.broadcast %squeeze3A_1306 : f32 to vector<16xf32>
      %mul3A_1349 = arith.mulf %get3A_1347, %mul3A_1348 : vector<16xf32>
      %swap3A_1350 = arith.constant 10 : i32
      %swap3A_1351 = arith.index_cast %rem3A_193 : i32 to index
      %swap3A_1352 = arith.index_cast %swap3A_1350 : i32 to index
      %swap3A_1353 = arith.constant 48 : index
      %swap3A_1354 = tpu.vector_load %arg15[%swap3A_1351, %swap3A_1352, %swap3A_1353] {strides = array<i32>} : memref<3x32x128xf32, #tpu.memory_space<vmem>>, vector<16xf32>,
      tpu.vector_store %arg15[%swap3A_1351, %swap3A_1352, %swap3A_1353], %mul3A_1349 {strides = array<i32>} : memref<3x32x128xf32, #tpu.memory_space<vmem>>, vector<16xf32>,
      %get3A_1355 = arith.constant 10 : i32
      %get3A_1356 = arith.index_cast %rem3A_193 : i32 to index
      %get3A_1357 = arith.index_cast %get3A_1355 : i32 to index
      %get3A_1358 = arith.constant 64 : index
      %get3A_1359 = tpu.vector_load %arg15[%get3A_1356, %get3A_1357, %get3A_1358] {strides = array<i32>} : memref<3x32x128xf32, #tpu.memory_space<vmem>>, vector<16xf32>,
      %mul3A_1360 = vector.broadcast %squeeze3A_1306 : f32 to vector<16xf32>
      %mul3A_1361 = arith.mulf %get3A_1359, %mul3A_1360 : vector<16xf32>
      %swap3A_1362 = arith.constant 10 : i32
      %swap3A_1363 = arith.index_cast %rem3A_193 : i32 to index
      %swap3A_1364 = arith.index_cast %swap3A_1362 : i32 to index
      %swap3A_1365 = arith.constant 64 : index
      %swap3A_1366 = tpu.vector_load %arg15[%swap3A_1363, %swap3A_1364, %swap3A_1365] {strides = array<i32>} : memref<3x32x128xf32, #tpu.memory_space<vmem>>, vector<16xf32>,
      tpu.vector_store %arg15[%swap3A_1363, %swap3A_1364, %swap3A_1365], %mul3A_1361 {strides = array<i32>} : memref<3x32x128xf32, #tpu.memory_space<vmem>>, vector<16xf32>,
      %get3A_1367 = arith.constant 10 : i32
      %get3A_1368 = arith.index_cast %rem3A_193 : i32 to index
      %get3A_1369 = arith.index_cast %get3A_1367 : i32 to index
      %get3A_1370 = arith.constant 80 : index
      %get3A_1371 = tpu.vector_load %arg15[%get3A_1368, %get3A_1369, %get3A_1370] {strides = array<i32>} : memref<3x32x128xf32, #tpu.memory_space<vmem>>, vector<16xf32>,
      %mul3A_1372 = vector.broadcast %squeeze3A_1306 : f32 to vector<16xf32>
      %mul3A_1373 = arith.mulf %get3A_1371, %mul3A_1372 : vector<16xf32>
      %swap3A_1374 = arith.constant 10 : i32
      %swap3A_1375 = arith.index_cast %rem3A_193 : i32 to index
      %swap3A_1376 = arith.index_cast %swap3A_1374 : i32 to index
      %swap3A_1377 = arith.constant 80 : index
      %swap3A_1378 = tpu.vector_load %arg15[%swap3A_1375, %swap3A_1376, %swap3A_1377] {strides = array<i32>} : memref<3x32x128xf32, #tpu.memory_space<vmem>>, vector<16xf32>,
      tpu.vector_store %arg15[%swap3A_1375, %swap3A_1376, %swap3A_1377], %mul3A_1373 {strides = array<i32>} : memref<3x32x128xf32, #tpu.memory_space<vmem>>, vector<16xf32>,
      %get3A_1379 = arith.constant 10 : i32
      %get3A_1380 = arith.index_cast %rem3A_193 : i32 to index
      %get3A_1381 = arith.index_cast %get3A_1379 : i32 to index
      %get3A_1382 = arith.constant 96 : index
      %get3A_1383 = tpu.vector_load %arg15[%get3A_1380, %get3A_1381, %get3A_1382] {strides = array<i32>} : memref<3x32x128xf32, #tpu.memory_space<vmem>>, vector<16xf32>,
      %mul3A_1384 = vector.broadcast %squeeze3A_1306 : f32 to vector<16xf32>
      %mul3A_1385 = arith.mulf %get3A_1383, %mul3A_1384 : vector<16xf32>
      %swap3A_1386 = arith.constant 10 : i32
      %swap3A_1387 = arith.index_cast %rem3A_193 : i32 to index
      %swap3A_1388 = arith.index_cast %swap3A_1386 : i32 to index
      %swap3A_1389 = arith.constant 96 : index
      %swap3A_1390 = tpu.vector_load %arg15[%swap3A_1387, %swap3A_1388, %swap3A_1389] {strides = array<i32>} : memref<3x32x128xf32, #tpu.memory_space<vmem>>, vector<16xf32>,
      tpu.vector_store %arg15[%swap3A_1387, %swap3A_1388, %swap3A_1389], %mul3A_1385 {strides = array<i32>} : memref<3x32x128xf32, #tpu.memory_space<vmem>>, vector<16xf32>,
      %get3A_1391 = arith.constant 10 : i32
      %get3A_1392 = arith.index_cast %rem3A_193 : i32 to index
      %get3A_1393 = arith.index_cast %get3A_1391 : i32 to index
      %get3A_1394 = arith.constant 112 : index
      %get3A_1395 = tpu.vector_load %arg15[%get3A_1392, %get3A_1393, %get3A_1394] {strides = array<i32>} : memref<3x32x128xf32, #tpu.memory_space<vmem>>, vector<16xf32>,
      %mul3A_1396 = vector.broadcast %squeeze3A_1306 : f32 to vector<16xf32>
      %mul3A_1397 = arith.mulf %get3A_1395, %mul3A_1396 : vector<16xf32>
      %swap3A_1398 = arith.constant 10 : i32
      %swap3A_1399 = arith.index_cast %rem3A_193 : i32 to index
      %swap3A_1400 = arith.index_cast %swap3A_1398 : i32 to index
      %swap3A_1401 = arith.constant 112 : index
      %swap3A_1402 = tpu.vector_load %arg15[%swap3A_1399, %swap3A_1400, %swap3A_1401] {strides = array<i32>} : memref<3x32x128xf32, #tpu.memory_space<vmem>>, vector<16xf32>,
      tpu.vector_store %arg15[%swap3A_1399, %swap3A_1400, %swap3A_1401], %mul3A_1397 {strides = array<i32>} : memref<3x32x128xf32, #tpu.memory_space<vmem>>, vector<16xf32>,
      %slice3A_1403 = vector.extract_strided_slice %select_n3A_252 {offsets = [11], sizes = [1], strides = [1]} : vector<16xf32> to vector<1xf32>
      %squeeze3A_1404 = vector.extract %slice3A_1403[0] : f32 from vector<1xf32>
      %get3A_1405 = arith.constant 11 : i32
      %get3A_1406 = arith.index_cast %rem3A_193 : i32 to index
      %get3A_1407 = arith.index_cast %get3A_1405 : i32 to index
      %get3A_1408 = arith.constant 0 : index
      %get3A_1409 = tpu.vector_load %arg15[%get3A_1406, %get3A_1407, %get3A_1408] {strides = array<i32>} : memref<3x32x128xf32, #tpu.memory_space<vmem>>, vector<16xf32>,
      %mul3A_1410 = vector.broadcast %squeeze3A_1404 : f32 to vector<16xf32>
      %mul3A_1411 = arith.mulf %get3A_1409, %mul3A_1410 : vector<16xf32>
      %swap3A_1412 = arith.constant 11 : i32
      %swap3A_1413 = arith.index_cast %rem3A_193 : i32 to index
      %swap3A_1414 = arith.index_cast %swap3A_1412 : i32 to index
      %swap3A_1415 = arith.constant 0 : index
      %swap3A_1416 = tpu.vector_load %arg15[%swap3A_1413, %swap3A_1414, %swap3A_1415] {strides = array<i32>} : memref<3x32x128xf32, #tpu.memory_space<vmem>>, vector<16xf32>,
      tpu.vector_store %arg15[%swap3A_1413, %swap3A_1414, %swap3A_1415], %mul3A_1411 {strides = array<i32>} : memref<3x32x128xf32, #tpu.memory_space<vmem>>, vector<16xf32>,
      %get3A_1417 = arith.constant 11 : i32
      %get3A_1418 = arith.index_cast %rem3A_193 : i32 to index
      %get3A_1419 = arith.index_cast %get3A_1417 : i32 to index
      %get3A_1420 = arith.constant 16 : index
      %get3A_1421 = tpu.vector_load %arg15[%get3A_1418, %get3A_1419, %get3A_1420] {strides = array<i32>} : memref<3x32x128xf32, #tpu.memory_space<vmem>>, vector<16xf32>,
      %mul3A_1422 = vector.broadcast %squeeze3A_1404 : f32 to vector<16xf32>
      %mul3A_1423 = arith.mulf %get3A_1421, %mul3A_1422 : vector<16xf32>
      %swap3A_1424 = arith.constant 11 : i32
      %swap3A_1425 = arith.index_cast %rem3A_193 : i32 to index
      %swap3A_1426 = arith.index_cast %swap3A_1424 : i32 to index
      %swap3A_1427 = arith.constant 16 : index
      %swap3A_1428 = tpu.vector_load %arg15[%swap3A_1425, %swap3A_1426, %swap3A_1427] {strides = array<i32>} : memref<3x32x128xf32, #tpu.memory_space<vmem>>, vector<16xf32>,
      tpu.vector_store %arg15[%swap3A_1425, %swap3A_1426, %swap3A_1427], %mul3A_1423 {strides = array<i32>} : memref<3x32x128xf32, #tpu.memory_space<vmem>>, vector<16xf32>,
      %get3A_1429 = arith.constant 11 : i32
      %get3A_1430 = arith.index_cast %rem3A_193 : i32 to index
      %get3A_1431 = arith.index_cast %get3A_1429 : i32 to index
      %get3A_1432 = arith.constant 32 : index
      %get3A_1433 = tpu.vector_load %arg15[%get3A_1430, %get3A_1431, %get3A_1432] {strides = array<i32>} : memref<3x32x128xf32, #tpu.memory_space<vmem>>, vector<16xf32>,
      %mul3A_1434 = vector.broadcast %squeeze3A_1404 : f32 to vector<16xf32>
      %mul3A_1435 = arith.mulf %get3A_1433, %mul3A_1434 : vector<16xf32>
      %swap3A_1436 = arith.constant 11 : i32
      %swap3A_1437 = arith.index_cast %rem3A_193 : i32 to index
      %swap3A_1438 = arith.index_cast %swap3A_1436 : i32 to index
      %swap3A_1439 = arith.constant 32 : index
      %swap3A_1440 = tpu.vector_load %arg15[%swap3A_1437, %swap3A_1438, %swap3A_1439] {strides = array<i32>} : memref<3x32x128xf32, #tpu.memory_space<vmem>>, vector<16xf32>,
      tpu.vector_store %arg15[%swap3A_1437, %swap3A_1438, %swap3A_1439], %mul3A_1435 {strides = array<i32>} : memref<3x32x128xf32, #tpu.memory_space<vmem>>, vector<16xf32>,
      %get3A_1441 = arith.constant 11 : i32
      %get3A_1442 = arith.index_cast %rem3A_193 : i32 to index
      %get3A_1443 = arith.index_cast %get3A_1441 : i32 to index
      %get3A_1444 = arith.constant 48 : index
      %get3A_1445 = tpu.vector_load %arg15[%get3A_1442, %get3A_1443, %get3A_1444] {strides = array<i32>} : memref<3x32x128xf32, #tpu.memory_space<vmem>>, vector<16xf32>,
      %mul3A_1446 = vector.broadcast %squeeze3A_1404 : f32 to vector<16xf32>
      %mul3A_1447 = arith.mulf %get3A_1445, %mul3A_1446 : vector<16xf32>
      %swap3A_1448 = arith.constant 11 : i32
      %swap3A_1449 = arith.index_cast %rem3A_193 : i32 to index
      %swap3A_1450 = arith.index_cast %swap3A_1448 : i32 to index
      %swap3A_1451 = arith.constant 48 : index
      %swap3A_1452 = tpu.vector_load %arg15[%swap3A_1449, %swap3A_1450, %swap3A_1451] {strides = array<i32>} : memref<3x32x128xf32, #tpu.memory_space<vmem>>, vector<16xf32>,
      tpu.vector_store %arg15[%swap3A_1449, %swap3A_1450, %swap3A_1451], %mul3A_1447 {strides = array<i32>} : memref<3x32x128xf32, #tpu.memory_space<vmem>>, vector<16xf32>,
      %get3A_1453 = arith.constant 11 : i32
      %get3A_1454 = arith.index_cast %rem3A_193 : i32 to index
      %get3A_1455 = arith.index_cast %get3A_1453 : i32 to index
      %get3A_1456 = arith.constant 64 : index
      %get3A_1457 = tpu.vector_load %arg15[%get3A_1454, %get3A_1455, %get3A_1456] {strides = array<i32>} : memref<3x32x128xf32, #tpu.memory_space<vmem>>, vector<16xf32>,
      %mul3A_1458 = vector.broadcast %squeeze3A_1404 : f32 to vector<16xf32>
      %mul3A_1459 = arith.mulf %get3A_1457, %mul3A_1458 : vector<16xf32>
      %swap3A_1460 = arith.constant 11 : i32
      %swap3A_1461 = arith.index_cast %rem3A_193 : i32 to index
      %swap3A_1462 = arith.index_cast %swap3A_1460 : i32 to index
      %swap3A_1463 = arith.constant 64 : index
      %swap3A_1464 = tpu.vector_load %arg15[%swap3A_1461, %swap3A_1462, %swap3A_1463] {strides = array<i32>} : memref<3x32x128xf32, #tpu.memory_space<vmem>>, vector<16xf32>,
      tpu.vector_store %arg15[%swap3A_1461, %swap3A_1462, %swap3A_1463], %mul3A_1459 {strides = array<i32>} : memref<3x32x128xf32, #tpu.memory_space<vmem>>, vector<16xf32>,
      %get3A_1465 = arith.constant 11 : i32
      %get3A_1466 = arith.index_cast %rem3A_193 : i32 to index
      %get3A_1467 = arith.index_cast %get3A_1465 : i32 to index
      %get3A_1468 = arith.constant 80 : index
      %get3A_1469 = tpu.vector_load %arg15[%get3A_1466, %get3A_1467, %get3A_1468] {strides = array<i32>} : memref<3x32x128xf32, #tpu.memory_space<vmem>>, vector<16xf32>,
      %mul3A_1470 = vector.broadcast %squeeze3A_1404 : f32 to vector<16xf32>
      %mul3A_1471 = arith.mulf %get3A_1469, %mul3A_1470 : vector<16xf32>
      %swap3A_1472 = arith.constant 11 : i32
      %swap3A_1473 = arith.index_cast %rem3A_193 : i32 to index
      %swap3A_1474 = arith.index_cast %swap3A_1472 : i32 to index
      %swap3A_1475 = arith.constant 80 : index
      %swap3A_1476 = tpu.vector_load %arg15[%swap3A_1473, %swap3A_1474, %swap3A_1475] {strides = array<i32>} : memref<3x32x128xf32, #tpu.memory_space<vmem>>, vector<16xf32>,
      tpu.vector_store %arg15[%swap3A_1473, %swap3A_1474, %swap3A_1475], %mul3A_1471 {strides = array<i32>} : memref<3x32x128xf32, #tpu.memory_space<vmem>>, vector<16xf32>,
      %get3A_1477 = arith.constant 11 : i32
      %get3A_1478 = arith.index_cast %rem3A_193 : i32 to index
      %get3A_1479 = arith.index_cast %get3A_1477 : i32 to index
      %get3A_1480 = arith.constant 96 : index
      %get3A_1481 = tpu.vector_load %arg15[%get3A_1478, %get3A_1479, %get3A_1480] {strides = array<i32>} : memref<3x32x128xf32, #tpu.memory_space<vmem>>, vector<16xf32>,
      %mul3A_1482 = vector.broadcast %squeeze3A_1404 : f32 to vector<16xf32>
      %mul3A_1483 = arith.mulf %get3A_1481, %mul3A_1482 : vector<16xf32>
      %swap3A_1484 = arith.constant 11 : i32
      %swap3A_1485 = arith.index_cast %rem3A_193 : i32 to index
      %swap3A_1486 = arith.index_cast %swap3A_1484 : i32 to index
      %swap3A_1487 = arith.constant 96 : index
      %swap3A_1488 = tpu.vector_load %arg15[%swap3A_1485, %swap3A_1486, %swap3A_1487] {strides = array<i32>} : memref<3x32x128xf32, #tpu.memory_space<vmem>>, vector<16xf32>,
      tpu.vector_store %arg15[%swap3A_1485, %swap3A_1486, %swap3A_1487], %mul3A_1483 {strides = array<i32>} : memref<3x32x128xf32, #tpu.memory_space<vmem>>, vector<16xf32>,
      %get3A_1489 = arith.constant 11 : i32
      %get3A_1490 = arith.index_cast %rem3A_193 : i32 to index
      %get3A_1491 = arith.index_cast %get3A_1489 : i32 to index
      %get3A_1492 = arith.constant 112 : index
      %get3A_1493 = tpu.vector_load %arg15[%get3A_1490, %get3A_1491, %get3A_1492] {strides = array<i32>} : memref<3x32x128xf32, #tpu.memory_space<vmem>>, vector<16xf32>,
      %mul3A_1494 = vector.broadcast %squeeze3A_1404 : f32 to vector<16xf32>
      %mul3A_1495 = arith.mulf %get3A_1493, %mul3A_1494 : vector<16xf32>
      %swap3A_1496 = arith.constant 11 : i32
      %swap3A_1497 = arith.index_cast %rem3A_193 : i32 to index
      %swap3A_1498 = arith.index_cast %swap3A_1496 : i32 to index
      %swap3A_1499 = arith.constant 112 : index
      %swap3A_1500 = tpu.vector_load %arg15[%swap3A_1497, %swap3A_1498, %swap3A_1499] {strides = array<i32>} : memref<3x32x128xf32, #tpu.memory_space<vmem>>, vector<16xf32>,
      tpu.vector_store %arg15[%swap3A_1497, %swap3A_1498, %swap3A_1499], %mul3A_1495 {strides = array<i32>} : memref<3x32x128xf32, #tpu.memory_space<vmem>>, vector<16xf32>,
      %slice3A_1501 = vector.extract_strided_slice %select_n3A_252 {offsets = [12], sizes = [1], strides = [1]} : vector<16xf32> to vector<1xf32>
      %squeeze3A_1502 = vector.extract %slice3A_1501[0] : f32 from vector<1xf32>
      %get3A_1503 = arith.constant 12 : i32
      %get3A_1504 = arith.index_cast %rem3A_193 : i32 to index
      %get3A_1505 = arith.index_cast %get3A_1503 : i32 to index
      %get3A_1506 = arith.constant 0 : index
      %get3A_1507 = tpu.vector_load %arg15[%get3A_1504, %get3A_1505, %get3A_1506] {strides = array<i32>} : memref<3x32x128xf32, #tpu.memory_space<vmem>>, vector<16xf32>,
      %mul3A_1508 = vector.broadcast %squeeze3A_1502 : f32 to vector<16xf32>
      %mul3A_1509 = arith.mulf %get3A_1507, %mul3A_1508 : vector<16xf32>
      %swap3A_1510 = arith.constant 12 : i32
      %swap3A_1511 = arith.index_cast %rem3A_193 : i32 to index
      %swap3A_1512 = arith.index_cast %swap3A_1510 : i32 to index
      %swap3A_1513 = arith.constant 0 : index
      %swap3A_1514 = tpu.vector_load %arg15[%swap3A_1511, %swap3A_1512, %swap3A_1513] {strides = array<i32>} : memref<3x32x128xf32, #tpu.memory_space<vmem>>, vector<16xf32>,
      tpu.vector_store %arg15[%swap3A_1511, %swap3A_1512, %swap3A_1513], %mul3A_1509 {strides = array<i32>} : memref<3x32x128xf32, #tpu.memory_space<vmem>>, vector<16xf32>,
      %get3A_1515 = arith.constant 12 : i32
      %get3A_1516 = arith.index_cast %rem3A_193 : i32 to index
      %get3A_1517 = arith.index_cast %get3A_1515 : i32 to index
      %get3A_1518 = arith.constant 16 : index
      %get3A_1519 = tpu.vector_load %arg15[%get3A_1516, %get3A_1517, %get3A_1518] {strides = array<i32>} : memref<3x32x128xf32, #tpu.memory_space<vmem>>, vector<16xf32>,
      %mul3A_1520 = vector.broadcast %squeeze3A_1502 : f32 to vector<16xf32>
      %mul3A_1521 = arith.mulf %get3A_1519, %mul3A_1520 : vector<16xf32>
      %swap3A_1522 = arith.constant 12 : i32
      %swap3A_1523 = arith.index_cast %rem3A_193 : i32 to index
      %swap3A_1524 = arith.index_cast %swap3A_1522 : i32 to index
      %swap3A_1525 = arith.constant 16 : index
      %swap3A_1526 = tpu.vector_load %arg15[%swap3A_1523, %swap3A_1524, %swap3A_1525] {strides = array<i32>} : memref<3x32x128xf32, #tpu.memory_space<vmem>>, vector<16xf32>,
      tpu.vector_store %arg15[%swap3A_1523, %swap3A_1524, %swap3A_1525], %mul3A_1521 {strides = array<i32>} : memref<3x32x128xf32, #tpu.memory_space<vmem>>, vector<16xf32>,
      %get3A_1527 = arith.constant 12 : i32
      %get3A_1528 = arith.index_cast %rem3A_193 : i32 to index
      %get3A_1529 = arith.index_cast %get3A_1527 : i32 to index
      %get3A_1530 = arith.constant 32 : index
      %get3A_1531 = tpu.vector_load %arg15[%get3A_1528, %get3A_1529, %get3A_1530] {strides = array<i32>} : memref<3x32x128xf32, #tpu.memory_space<vmem>>, vector<16xf32>,
      %mul3A_1532 = vector.broadcast %squeeze3A_1502 : f32 to vector<16xf32>
      %mul3A_1533 = arith.mulf %get3A_1531, %mul3A_1532 : vector<16xf32>
      %swap3A_1534 = arith.constant 12 : i32
      %swap3A_1535 = arith.index_cast %rem3A_193 : i32 to index
      %swap3A_1536 = arith.index_cast %swap3A_1534 : i32 to index
      %swap3A_1537 = arith.constant 32 : index
      %swap3A_1538 = tpu.vector_load %arg15[%swap3A_1535, %swap3A_1536, %swap3A_1537] {strides = array<i32>} : memref<3x32x128xf32, #tpu.memory_space<vmem>>, vector<16xf32>,
      tpu.vector_store %arg15[%swap3A_1535, %swap3A_1536, %swap3A_1537], %mul3A_1533 {strides = array<i32>} : memref<3x32x128xf32, #tpu.memory_space<vmem>>, vector<16xf32>,
      %get3A_1539 = arith.constant 12 : i32
      %get3A_1540 = arith.index_cast %rem3A_193 : i32 to index
      %get3A_1541 = arith.index_cast %get3A_1539 : i32 to index
      %get3A_1542 = arith.constant 48 : index
      %get3A_1543 = tpu.vector_load %arg15[%get3A_1540, %get3A_1541, %get3A_1542] {strides = array<i32>} : memref<3x32x128xf32, #tpu.memory_space<vmem>>, vector<16xf32>,
      %mul3A_1544 = vector.broadcast %squeeze3A_1502 : f32 to vector<16xf32>
      %mul3A_1545 = arith.mulf %get3A_1543, %mul3A_1544 : vector<16xf32>
      %swap3A_1546 = arith.constant 12 : i32
      %swap3A_1547 = arith.index_cast %rem3A_193 : i32 to index
      %swap3A_1548 = arith.index_cast %swap3A_1546 : i32 to index
      %swap3A_1549 = arith.constant 48 : index
      %swap3A_1550 = tpu.vector_load %arg15[%swap3A_1547, %swap3A_1548, %swap3A_1549] {strides = array<i32>} : memref<3x32x128xf32, #tpu.memory_space<vmem>>, vector<16xf32>,
      tpu.vector_store %arg15[%swap3A_1547, %swap3A_1548, %swap3A_1549], %mul3A_1545 {strides = array<i32>} : memref<3x32x128xf32, #tpu.memory_space<vmem>>, vector<16xf32>,
      %get3A_1551 = arith.constant 12 : i32
      %get3A_1552 = arith.index_cast %rem3A_193 : i32 to index
      %get3A_1553 = arith.index_cast %get3A_1551 : i32 to index
      %get3A_1554 = arith.constant 64 : index
      %get3A_1555 = tpu.vector_load %arg15[%get3A_1552, %get3A_1553, %get3A_1554] {strides = array<i32>} : memref<3x32x128xf32, #tpu.memory_space<vmem>>, vector<16xf32>,
      %mul3A_1556 = vector.broadcast %squeeze3A_1502 : f32 to vector<16xf32>
      %mul3A_1557 = arith.mulf %get3A_1555, %mul3A_1556 : vector<16xf32>
      %swap3A_1558 = arith.constant 12 : i32
      %swap3A_1559 = arith.index_cast %rem3A_193 : i32 to index
      %swap3A_1560 = arith.index_cast %swap3A_1558 : i32 to index
      %swap3A_1561 = arith.constant 64 : index
      %swap3A_1562 = tpu.vector_load %arg15[%swap3A_1559, %swap3A_1560, %swap3A_1561] {strides = array<i32>} : memref<3x32x128xf32, #tpu.memory_space<vmem>>, vector<16xf32>,
      tpu.vector_store %arg15[%swap3A_1559, %swap3A_1560, %swap3A_1561], %mul3A_1557 {strides = array<i32>} : memref<3x32x128xf32, #tpu.memory_space<vmem>>, vector<16xf32>,
      %get3A_1563 = arith.constant 12 : i32
      %get3A_1564 = arith.index_cast %rem3A_193 : i32 to index
      %get3A_1565 = arith.index_cast %get3A_1563 : i32 to index
      %get3A_1566 = arith.constant 80 : index
      %get3A_1567 = tpu.vector_load %arg15[%get3A_1564, %get3A_1565, %get3A_1566] {strides = array<i32>} : memref<3x32x128xf32, #tpu.memory_space<vmem>>, vector<16xf32>,
      %mul3A_1568 = vector.broadcast %squeeze3A_1502 : f32 to vector<16xf32>
      %mul3A_1569 = arith.mulf %get3A_1567, %mul3A_1568 : vector<16xf32>
      %swap3A_1570 = arith.constant 12 : i32
      %swap3A_1571 = arith.index_cast %rem3A_193 : i32 to index
      %swap3A_1572 = arith.index_cast %swap3A_1570 : i32 to index
      %swap3A_1573 = arith.constant 80 : index
      %swap3A_1574 = tpu.vector_load %arg15[%swap3A_1571, %swap3A_1572, %swap3A_1573] {strides = array<i32>} : memref<3x32x128xf32, #tpu.memory_space<vmem>>, vector<16xf32>,
      tpu.vector_store %arg15[%swap3A_1571, %swap3A_1572, %swap3A_1573], %mul3A_1569 {strides = array<i32>} : memref<3x32x128xf32, #tpu.memory_space<vmem>>, vector<16xf32>,
      %get3A_1575 = arith.constant 12 : i32
      %get3A_1576 = arith.index_cast %rem3A_193 : i32 to index
      %get3A_1577 = arith.index_cast %get3A_1575 : i32 to index
      %get3A_1578 = arith.constant 96 : index
      %get3A_1579 = tpu.vector_load %arg15[%get3A_1576, %get3A_1577, %get3A_1578] {strides = array<i32>} : memref<3x32x128xf32, #tpu.memory_space<vmem>>, vector<16xf32>,
      %mul3A_1580 = vector.broadcast %squeeze3A_1502 : f32 to vector<16xf32>
      %mul3A_1581 = arith.mulf %get3A_1579, %mul3A_1580 : vector<16xf32>
      %swap3A_1582 = arith.constant 12 : i32
      %swap3A_1583 = arith.index_cast %rem3A_193 : i32 to index
      %swap3A_1584 = arith.index_cast %swap3A_1582 : i32 to index
      %swap3A_1585 = arith.constant 96 : index
      %swap3A_1586 = tpu.vector_load %arg15[%swap3A_1583, %swap3A_1584, %swap3A_1585] {strides = array<i32>} : memref<3x32x128xf32, #tpu.memory_space<vmem>>, vector<16xf32>,
      tpu.vector_store %arg15[%swap3A_1583, %swap3A_1584, %swap3A_1585], %mul3A_1581 {strides = array<i32>} : memref<3x32x128xf32, #tpu.memory_space<vmem>>, vector<16xf32>,
      %get3A_1587 = arith.constant 12 : i32
      %get3A_1588 = arith.index_cast %rem3A_193 : i32 to index
      %get3A_1589 = arith.index_cast %get3A_1587 : i32 to index
      %get3A_1590 = arith.constant 112 : index
      %get3A_1591 = tpu.vector_load %arg15[%get3A_1588, %get3A_1589, %get3A_1590] {strides = array<i32>} : memref<3x32x128xf32, #tpu.memory_space<vmem>>, vector<16xf32>,
      %mul3A_1592 = vector.broadcast %squeeze3A_1502 : f32 to vector<16xf32>
      %mul3A_1593 = arith.mulf %get3A_1591, %mul3A_1592 : vector<16xf32>
      %swap3A_1594 = arith.constant 12 : i32
      %swap3A_1595 = arith.index_cast %rem3A_193 : i32 to index
      %swap3A_1596 = arith.index_cast %swap3A_1594 : i32 to index
      %swap3A_1597 = arith.constant 112 : index
      %swap3A_1598 = tpu.vector_load %arg15[%swap3A_1595, %swap3A_1596, %swap3A_1597] {strides = array<i32>} : memref<3x32x128xf32, #tpu.memory_space<vmem>>, vector<16xf32>,
      tpu.vector_store %arg15[%swap3A_1595, %swap3A_1596, %swap3A_1597], %mul3A_1593 {strides = array<i32>} : memref<3x32x128xf32, #tpu.memory_space<vmem>>, vector<16xf32>,
      %slice3A_1599 = vector.extract_strided_slice %select_n3A_252 {offsets = [13], sizes = [1], strides = [1]} : vector<16xf32> to vector<1xf32>
      %squeeze3A_1600 = vector.extract %slice3A_1599[0] : f32 from vector<1xf32>
      %get3A_1601 = arith.constant 13 : i32
      %get3A_1602 = arith.index_cast %rem3A_193 : i32 to index
      %get3A_1603 = arith.index_cast %get3A_1601 : i32 to index
      %get3A_1604 = arith.constant 0 : index
      %get3A_1605 = tpu.vector_load %arg15[%get3A_1602, %get3A_1603, %get3A_1604] {strides = array<i32>} : memref<3x32x128xf32, #tpu.memory_space<vmem>>, vector<16xf32>,
      %mul3A_1606 = vector.broadcast %squeeze3A_1600 : f32 to vector<16xf32>
      %mul3A_1607 = arith.mulf %get3A_1605, %mul3A_1606 : vector<16xf32>
      %swap3A_1608 = arith.constant 13 : i32
      %swap3A_1609 = arith.index_cast %rem3A_193 : i32 to index
      %swap3A_1610 = arith.index_cast %swap3A_1608 : i32 to index
      %swap3A_1611 = arith.constant 0 : index
      %swap3A_1612 = tpu.vector_load %arg15[%swap3A_1609, %swap3A_1610, %swap3A_1611] {strides = array<i32>} : memref<3x32x128xf32, #tpu.memory_space<vmem>>, vector<16xf32>,
      tpu.vector_store %arg15[%swap3A_1609, %swap3A_1610, %swap3A_1611], %mul3A_1607 {strides = array<i32>} : memref<3x32x128xf32, #tpu.memory_space<vmem>>, vector<16xf32>,
      %get3A_1613 = arith.constant 13 : i32
      %get3A_1614 = arith.index_cast %rem3A_193 : i32 to index
      %get3A_1615 = arith.index_cast %get3A_1613 : i32 to index
      %get3A_1616 = arith.constant 16 : index
      %get3A_1617 = tpu.vector_load %arg15[%get3A_1614, %get3A_1615, %get3A_1616] {strides = array<i32>} : memref<3x32x128xf32, #tpu.memory_space<vmem>>, vector<16xf32>,
      %mul3A_1618 = vector.broadcast %squeeze3A_1600 : f32 to vector<16xf32>
      %mul3A_1619 = arith.mulf %get3A_1617, %mul3A_1618 : vector<16xf32>
      %swap3A_1620 = arith.constant 13 : i32
      %swap3A_1621 = arith.index_cast %rem3A_193 : i32 to index
      %swap3A_1622 = arith.index_cast %swap3A_1620 : i32 to index
      %swap3A_1623 = arith.constant 16 : index
      %swap3A_1624 = tpu.vector_load %arg15[%swap3A_1621, %swap3A_1622, %swap3A_1623] {strides = array<i32>} : memref<3x32x128xf32, #tpu.memory_space<vmem>>, vector<16xf32>,
      tpu.vector_store %arg15[%swap3A_1621, %swap3A_1622, %swap3A_1623], %mul3A_1619 {strides = array<i32>} : memref<3x32x128xf32, #tpu.memory_space<vmem>>, vector<16xf32>,
      %get3A_1625 = arith.constant 13 : i32
      %get3A_1626 = arith.index_cast %rem3A_193 : i32 to index
      %get3A_1627 = arith.index_cast %get3A_1625 : i32 to index
      %get3A_1628 = arith.constant 32 : index
      %get3A_1629 = tpu.vector_load %arg15[%get3A_1626, %get3A_1627, %get3A_1628] {strides = array<i32>} : memref<3x32x128xf32, #tpu.memory_space<vmem>>, vector<16xf32>,
      %mul3A_1630 = vector.broadcast %squeeze3A_1600 : f32 to vector<16xf32>
      %mul3A_1631 = arith.mulf %get3A_1629, %mul3A_1630 : vector<16xf32>
      %swap3A_1632 = arith.constant 13 : i32
      %swap3A_1633 = arith.index_cast %rem3A_193 : i32 to index
      %swap3A_1634 = arith.index_cast %swap3A_1632 : i32 to index
      %swap3A_1635 = arith.constant 32 : index
      %swap3A_1636 = tpu.vector_load %arg15[%swap3A_1633, %swap3A_1634, %swap3A_1635] {strides = array<i32>} : memref<3x32x128xf32, #tpu.memory_space<vmem>>, vector<16xf32>,
      tpu.vector_store %arg15[%swap3A_1633, %swap3A_1634, %swap3A_1635], %mul3A_1631 {strides = array<i32>} : memref<3x32x128xf32, #tpu.memory_space<vmem>>, vector<16xf32>,
      %get3A_1637 = arith.constant 13 : i32
      %get3A_1638 = arith.index_cast %rem3A_193 : i32 to index
      %get3A_1639 = arith.index_cast %get3A_1637 : i32 to index
      %get3A_1640 = arith.constant 48 : index
      %get3A_1641 = tpu.vector_load %arg15[%get3A_1638, %get3A_1639, %get3A_1640] {strides = array<i32>} : memref<3x32x128xf32, #tpu.memory_space<vmem>>, vector<16xf32>,
      %mul3A_1642 = vector.broadcast %squeeze3A_1600 : f32 to vector<16xf32>
      %mul3A_1643 = arith.mulf %get3A_1641, %mul3A_1642 : vector<16xf32>
      %swap3A_1644 = arith.constant 13 : i32
      %swap3A_1645 = arith.index_cast %rem3A_193 : i32 to index
      %swap3A_1646 = arith.index_cast %swap3A_1644 : i32 to index
      %swap3A_1647 = arith.constant 48 : index
      %swap3A_1648 = tpu.vector_load %arg15[%swap3A_1645, %swap3A_1646, %swap3A_1647] {strides = array<i32>} : memref<3x32x128xf32, #tpu.memory_space<vmem>>, vector<16xf32>,
      tpu.vector_store %arg15[%swap3A_1645, %swap3A_1646, %swap3A_1647], %mul3A_1643 {strides = array<i32>} : memref<3x32x128xf32, #tpu.memory_space<vmem>>, vector<16xf32>,
      %get3A_1649 = arith.constant 13 : i32
      %get3A_1650 = arith.index_cast %rem3A_193 : i32 to index
      %get3A_1651 = arith.index_cast %get3A_1649 : i32 to index
      %get3A_1652 = arith.constant 64 : index
      %get3A_1653 = tpu.vector_load %arg15[%get3A_1650, %get3A_1651, %get3A_1652] {strides = array<i32>} : memref<3x32x128xf32, #tpu.memory_space<vmem>>, vector<16xf32>,
      %mul3A_1654 = vector.broadcast %squeeze3A_1600 : f32 to vector<16xf32>
      %mul3A_1655 = arith.mulf %get3A_1653, %mul3A_1654 : vector<16xf32>
      %swap3A_1656 = arith.constant 13 : i32
      %swap3A_1657 = arith.index_cast %rem3A_193 : i32 to index
      %swap3A_1658 = arith.index_cast %swap3A_1656 : i32 to index
      %swap3A_1659 = arith.constant 64 : index
      %swap3A_1660 = tpu.vector_load %arg15[%swap3A_1657, %swap3A_1658, %swap3A_1659] {strides = array<i32>} : memref<3x32x128xf32, #tpu.memory_space<vmem>>, vector<16xf32>,
      tpu.vector_store %arg15[%swap3A_1657, %swap3A_1658, %swap3A_1659], %mul3A_1655 {strides = array<i32>} : memref<3x32x128xf32, #tpu.memory_space<vmem>>, vector<16xf32>,
      %get3A_1661 = arith.constant 13 : i32
      %get3A_1662 = arith.index_cast %rem3A_193 : i32 to index
      %get3A_1663 = arith.index_cast %get3A_1661 : i32 to index
      %get3A_1664 = arith.constant 80 : index
      %get3A_1665 = tpu.vector_load %arg15[%get3A_1662, %get3A_1663, %get3A_1664] {strides = array<i32>} : memref<3x32x128xf32, #tpu.memory_space<vmem>>, vector<16xf32>,
      %mul3A_1666 = vector.broadcast %squeeze3A_1600 : f32 to vector<16xf32>
      %mul3A_1667 = arith.mulf %get3A_1665, %mul3A_1666 : vector<16xf32>
      %swap3A_1668 = arith.constant 13 : i32
      %swap3A_1669 = arith.index_cast %rem3A_193 : i32 to index
      %swap3A_1670 = arith.index_cast %swap3A_1668 : i32 to index
      %swap3A_1671 = arith.constant 80 : index
      %swap3A_1672 = tpu.vector_load %arg15[%swap3A_1669, %swap3A_1670, %swap3A_1671] {strides = array<i32>} : memref<3x32x128xf32, #tpu.memory_space<vmem>>, vector<16xf32>,
      tpu.vector_store %arg15[%swap3A_1669, %swap3A_1670, %swap3A_1671], %mul3A_1667 {strides = array<i32>} : memref<3x32x128xf32, #tpu.memory_space<vmem>>, vector<16xf32>,
      %get3A_1673 = arith.constant 13 : i32
      %get3A_1674 = arith.index_cast %rem3A_193 : i32 to index
      %get3A_1675 = arith.index_cast %get3A_1673 : i32 to index
      %get3A_1676 = arith.constant 96 : index
      %get3A_1677 = tpu.vector_load %arg15[%get3A_1674, %get3A_1675, %get3A_1676] {strides = array<i32>} : memref<3x32x128xf32, #tpu.memory_space<vmem>>, vector<16xf32>,
      %mul3A_1678 = vector.broadcast %squeeze3A_1600 : f32 to vector<16xf32>
      %mul3A_1679 = arith.mulf %get3A_1677, %mul3A_1678 : vector<16xf32>
      %swap3A_1680 = arith.constant 13 : i32
      %swap3A_1681 = arith.index_cast %rem3A_193 : i32 to index
      %swap3A_1682 = arith.index_cast %swap3A_1680 : i32 to index
      %swap3A_1683 = arith.constant 96 : index
      %swap3A_1684 = tpu.vector_load %arg15[%swap3A_1681, %swap3A_1682, %swap3A_1683] {strides = array<i32>} : memref<3x32x128xf32, #tpu.memory_space<vmem>>, vector<16xf32>,
      tpu.vector_store %arg15[%swap3A_1681, %swap3A_1682, %swap3A_1683], %mul3A_1679 {strides = array<i32>} : memref<3x32x128xf32, #tpu.memory_space<vmem>>, vector<16xf32>,
      %get3A_1685 = arith.constant 13 : i32
      %get3A_1686 = arith.index_cast %rem3A_193 : i32 to index
      %get3A_1687 = arith.index_cast %get3A_1685 : i32 to index
      %get3A_1688 = arith.constant 112 : index
      %get3A_1689 = tpu.vector_load %arg15[%get3A_1686, %get3A_1687, %get3A_1688] {strides = array<i32>} : memref<3x32x128xf32, #tpu.memory_space<vmem>>, vector<16xf32>,
      %mul3A_1690 = vector.broadcast %squeeze3A_1600 : f32 to vector<16xf32>
      %mul3A_1691 = arith.mulf %get3A_1689, %mul3A_1690 : vector<16xf32>
      %swap3A_1692 = arith.constant 13 : i32
      %swap3A_1693 = arith.index_cast %rem3A_193 : i32 to index
      %swap3A_1694 = arith.index_cast %swap3A_1692 : i32 to index
      %swap3A_1695 = arith.constant 112 : index
      %swap3A_1696 = tpu.vector_load %arg15[%swap3A_1693, %swap3A_1694, %swap3A_1695] {strides = array<i32>} : memref<3x32x128xf32, #tpu.memory_space<vmem>>, vector<16xf32>,
      tpu.vector_store %arg15[%swap3A_1693, %swap3A_1694, %swap3A_1695], %mul3A_1691 {strides = array<i32>} : memref<3x32x128xf32, #tpu.memory_space<vmem>>, vector<16xf32>,
      %slice3A_1697 = vector.extract_strided_slice %select_n3A_252 {offsets = [14], sizes = [1], strides = [1]} : vector<16xf32> to vector<1xf32>
      %squeeze3A_1698 = vector.extract %slice3A_1697[0] : f32 from vector<1xf32>
      %get3A_1699 = arith.constant 14 : i32
      %get3A_1700 = arith.index_cast %rem3A_193 : i32 to index
      %get3A_1701 = arith.index_cast %get3A_1699 : i32 to index
      %get3A_1702 = arith.constant 0 : index
      %get3A_1703 = tpu.vector_load %arg15[%get3A_1700, %get3A_1701, %get3A_1702] {strides = array<i32>} : memref<3x32x128xf32, #tpu.memory_space<vmem>>, vector<16xf32>,
      %mul3A_1704 = vector.broadcast %squeeze3A_1698 : f32 to vector<16xf32>
      %mul3A_1705 = arith.mulf %get3A_1703, %mul3A_1704 : vector<16xf32>
      %swap3A_1706 = arith.constant 14 : i32
      %swap3A_1707 = arith.index_cast %rem3A_193 : i32 to index
      %swap3A_1708 = arith.index_cast %swap3A_1706 : i32 to index
      %swap3A_1709 = arith.constant 0 : index
      %swap3A_1710 = tpu.vector_load %arg15[%swap3A_1707, %swap3A_1708, %swap3A_1709] {strides = array<i32>} : memref<3x32x128xf32, #tpu.memory_space<vmem>>, vector<16xf32>,
      tpu.vector_store %arg15[%swap3A_1707, %swap3A_1708, %swap3A_1709], %mul3A_1705 {strides = array<i32>} : memref<3x32x128xf32, #tpu.memory_space<vmem>>, vector<16xf32>,
      %get3A_1711 = arith.constant 14 : i32
      %get3A_1712 = arith.index_cast %rem3A_193 : i32 to index
      %get3A_1713 = arith.index_cast %get3A_1711 : i32 to index
      %get3A_1714 = arith.constant 16 : index
      %get3A_1715 = tpu.vector_load %arg15[%get3A_1712, %get3A_1713, %get3A_1714] {strides = array<i32>} : memref<3x32x128xf32, #tpu.memory_space<vmem>>, vector<16xf32>,
      %mul3A_1716 = vector.broadcast %squeeze3A_1698 : f32 to vector<16xf32>
      %mul3A_1717 = arith.mulf %get3A_1715, %mul3A_1716 : vector<16xf32>
      %swap3A_1718 = arith.constant 14 : i32
      %swap3A_1719 = arith.index_cast %rem3A_193 : i32 to index
      %swap3A_1720 = arith.index_cast %swap3A_1718 : i32 to index
      %swap3A_1721 = arith.constant 16 : index
      %swap3A_1722 = tpu.vector_load %arg15[%swap3A_1719, %swap3A_1720, %swap3A_1721] {strides = array<i32>} : memref<3x32x128xf32, #tpu.memory_space<vmem>>, vector<16xf32>,
      tpu.vector_store %arg15[%swap3A_1719, %swap3A_1720, %swap3A_1721], %mul3A_1717 {strides = array<i32>} : memref<3x32x128xf32, #tpu.memory_space<vmem>>, vector<16xf32>,
      %get3A_1723 = arith.constant 14 : i32
      %get3A_1724 = arith.index_cast %rem3A_193 : i32 to index
      %get3A_1725 = arith.index_cast %get3A_1723 : i32 to index
      %get3A_1726 = arith.constant 32 : index
      %get3A_1727 = tpu.vector_load %arg15[%get3A_1724, %get3A_1725, %get3A_1726] {strides = array<i32>} : memref<3x32x128xf32, #tpu.memory_space<vmem>>, vector<16xf32>,
      %mul3A_1728 = vector.broadcast %squeeze3A_1698 : f32 to vector<16xf32>
      %mul3A_1729 = arith.mulf %get3A_1727, %mul3A_1728 : vector<16xf32>
      %swap3A_1730 = arith.constant 14 : i32
      %swap3A_1731 = arith.index_cast %rem3A_193 : i32 to index
      %swap3A_1732 = arith.index_cast %swap3A_1730 : i32 to index
      %swap3A_1733 = arith.constant 32 : index
      %swap3A_1734 = tpu.vector_load %arg15[%swap3A_1731, %swap3A_1732, %swap3A_1733] {strides = array<i32>} : memref<3x32x128xf32, #tpu.memory_space<vmem>>, vector<16xf32>,
      tpu.vector_store %arg15[%swap3A_1731, %swap3A_1732, %swap3A_1733], %mul3A_1729 {strides = array<i32>} : memref<3x32x128xf32, #tpu.memory_space<vmem>>, vector<16xf32>,
      %get3A_1735 = arith.constant 14 : i32
      %get3A_1736 = arith.index_cast %rem3A_193 : i32 to index
      %get3A_1737 = arith.index_cast %get3A_1735 : i32 to index
      %get3A_1738 = arith.constant 48 : index
      %get3A_1739 = tpu.vector_load %arg15[%get3A_1736, %get3A_1737, %get3A_1738] {strides = array<i32>} : memref<3x32x128xf32, #tpu.memory_space<vmem>>, vector<16xf32>,
      %mul3A_1740 = vector.broadcast %squeeze3A_1698 : f32 to vector<16xf32>
      %mul3A_1741 = arith.mulf %get3A_1739, %mul3A_1740 : vector<16xf32>
      %swap3A_1742 = arith.constant 14 : i32
      %swap3A_1743 = arith.index_cast %rem3A_193 : i32 to index
      %swap3A_1744 = arith.index_cast %swap3A_1742 : i32 to index
      %swap3A_1745 = arith.constant 48 : index
      %swap3A_1746 = tpu.vector_load %arg15[%swap3A_1743, %swap3A_1744, %swap3A_1745] {strides = array<i32>} : memref<3x32x128xf32, #tpu.memory_space<vmem>>, vector<16xf32>,
      tpu.vector_store %arg15[%swap3A_1743, %swap3A_1744, %swap3A_1745], %mul3A_1741 {strides = array<i32>} : memref<3x32x128xf32, #tpu.memory_space<vmem>>, vector<16xf32>,
      %get3A_1747 = arith.constant 14 : i32
      %get3A_1748 = arith.index_cast %rem3A_193 : i32 to index
      %get3A_1749 = arith.index_cast %get3A_1747 : i32 to index
      %get3A_1750 = arith.constant 64 : index
      %get3A_1751 = tpu.vector_load %arg15[%get3A_1748, %get3A_1749, %get3A_1750] {strides = array<i32>} : memref<3x32x128xf32, #tpu.memory_space<vmem>>, vector<16xf32>,
      %mul3A_1752 = vector.broadcast %squeeze3A_1698 : f32 to vector<16xf32>
      %mul3A_1753 = arith.mulf %get3A_1751, %mul3A_1752 : vector<16xf32>
      %swap3A_1754 = arith.constant 14 : i32
      %swap3A_1755 = arith.index_cast %rem3A_193 : i32 to index
      %swap3A_1756 = arith.index_cast %swap3A_1754 : i32 to index
      %swap3A_1757 = arith.constant 64 : index
      %swap3A_1758 = tpu.vector_load %arg15[%swap3A_1755, %swap3A_1756, %swap3A_1757] {strides = array<i32>} : memref<3x32x128xf32, #tpu.memory_space<vmem>>, vector<16xf32>,
      tpu.vector_store %arg15[%swap3A_1755, %swap3A_1756, %swap3A_1757], %mul3A_1753 {strides = array<i32>} : memref<3x32x128xf32, #tpu.memory_space<vmem>>, vector<16xf32>,
      %get3A_1759 = arith.constant 14 : i32
      %get3A_1760 = arith.index_cast %rem3A_193 : i32 to index
      %get3A_1761 = arith.index_cast %get3A_1759 : i32 to index
      %get3A_1762 = arith.constant 80 : index
      %get3A_1763 = tpu.vector_load %arg15[%get3A_1760, %get3A_1761, %get3A_1762] {strides = array<i32>} : memref<3x32x128xf32, #tpu.memory_space<vmem>>, vector<16xf32>,
      %mul3A_1764 = vector.broadcast %squeeze3A_1698 : f32 to vector<16xf32>
      %mul3A_1765 = arith.mulf %get3A_1763, %mul3A_1764 : vector<16xf32>
      %swap3A_1766 = arith.constant 14 : i32
      %swap3A_1767 = arith.index_cast %rem3A_193 : i32 to index
      %swap3A_1768 = arith.index_cast %swap3A_1766 : i32 to index
      %swap3A_1769 = arith.constant 80 : index
      %swap3A_1770 = tpu.vector_load %arg15[%swap3A_1767, %swap3A_1768, %swap3A_1769] {strides = array<i32>} : memref<3x32x128xf32, #tpu.memory_space<vmem>>, vector<16xf32>,
      tpu.vector_store %arg15[%swap3A_1767, %swap3A_1768, %swap3A_1769], %mul3A_1765 {strides = array<i32>} : memref<3x32x128xf32, #tpu.memory_space<vmem>>, vector<16xf32>,
      %get3A_1771 = arith.constant 14 : i32
      %get3A_1772 = arith.index_cast %rem3A_193 : i32 to index
      %get3A_1773 = arith.index_cast %get3A_1771 : i32 to index
      %get3A_1774 = arith.constant 96 : index
      %get3A_1775 = tpu.vector_load %arg15[%get3A_1772, %get3A_1773, %get3A_1774] {strides = array<i32>} : memref<3x32x128xf32, #tpu.memory_space<vmem>>, vector<16xf32>,
      %mul3A_1776 = vector.broadcast %squeeze3A_1698 : f32 to vector<16xf32>
      %mul3A_1777 = arith.mulf %get3A_1775, %mul3A_1776 : vector<16xf32>
      %swap3A_1778 = arith.constant 14 : i32
      %swap3A_1779 = arith.index_cast %rem3A_193 : i32 to index
      %swap3A_1780 = arith.index_cast %swap3A_1778 : i32 to index
      %swap3A_1781 = arith.constant 96 : index
      %swap3A_1782 = tpu.vector_load %arg15[%swap3A_1779, %swap3A_1780, %swap3A_1781] {strides = array<i32>} : memref<3x32x128xf32, #tpu.memory_space<vmem>>, vector<16xf32>,
      tpu.vector_store %arg15[%swap3A_1779, %swap3A_1780, %swap3A_1781], %mul3A_1777 {strides = array<i32>} : memref<3x32x128xf32, #tpu.memory_space<vmem>>, vector<16xf32>,
      %get3A_1783 = arith.constant 14 : i32
      %get3A_1784 = arith.index_cast %rem3A_193 : i32 to index
      %get3A_1785 = arith.index_cast %get3A_1783 : i32 to index
      %get3A_1786 = arith.constant 112 : index
      %get3A_1787 = tpu.vector_load %arg15[%get3A_1784, %get3A_1785, %get3A_1786] {strides = array<i32>} : memref<3x32x128xf32, #tpu.memory_space<vmem>>, vector<16xf32>,
      %mul3A_1788 = vector.broadcast %squeeze3A_1698 : f32 to vector<16xf32>
      %mul3A_1789 = arith.mulf %get3A_1787, %mul3A_1788 : vector<16xf32>
      %swap3A_1790 = arith.constant 14 : i32
      %swap3A_1791 = arith.index_cast %rem3A_193 : i32 to index
      %swap3A_1792 = arith.index_cast %swap3A_1790 : i32 to index
      %swap3A_1793 = arith.constant 112 : index
      %swap3A_1794 = tpu.vector_load %arg15[%swap3A_1791, %swap3A_1792, %swap3A_1793] {strides = array<i32>} : memref<3x32x128xf32, #tpu.memory_space<vmem>>, vector<16xf32>,
      tpu.vector_store %arg15[%swap3A_1791, %swap3A_1792, %swap3A_1793], %mul3A_1789 {strides = array<i32>} : memref<3x32x128xf32, #tpu.memory_space<vmem>>, vector<16xf32>,
      %slice3A_1795 = vector.extract_strided_slice %select_n3A_252 {offsets = [15], sizes = [1], strides = [1]} : vector<16xf32> to vector<1xf32>
      %squeeze3A_1796 = vector.extract %slice3A_1795[0] : f32 from vector<1xf32>
      %get3A_1797 = arith.constant 15 : i32
      %get3A_1798 = arith.index_cast %rem3A_193 : i32 to index
      %get3A_1799 = arith.index_cast %get3A_1797 : i32 to index
      %get3A_1800 = arith.constant 0 : index
      %get3A_1801 = tpu.vector_load %arg15[%get3A_1798, %get3A_1799, %get3A_1800] {strides = array<i32>} : memref<3x32x128xf32, #tpu.memory_space<vmem>>, vector<16xf32>,
      %mul3A_1802 = vector.broadcast %squeeze3A_1796 : f32 to vector<16xf32>
      %mul3A_1803 = arith.mulf %get3A_1801, %mul3A_1802 : vector<16xf32>
      %swap3A_1804 = arith.constant 15 : i32
      %swap3A_1805 = arith.index_cast %rem3A_193 : i32 to index
      %swap3A_1806 = arith.index_cast %swap3A_1804 : i32 to index
      %swap3A_1807 = arith.constant 0 : index
      %swap3A_1808 = tpu.vector_load %arg15[%swap3A_1805, %swap3A_1806, %swap3A_1807] {strides = array<i32>} : memref<3x32x128xf32, #tpu.memory_space<vmem>>, vector<16xf32>,
      tpu.vector_store %arg15[%swap3A_1805, %swap3A_1806, %swap3A_1807], %mul3A_1803 {strides = array<i32>} : memref<3x32x128xf32, #tpu.memory_space<vmem>>, vector<16xf32>,
      %get3A_1809 = arith.constant 15 : i32
      %get3A_1810 = arith.index_cast %rem3A_193 : i32 to index
      %get3A_1811 = arith.index_cast %get3A_1809 : i32 to index
      %get3A_1812 = arith.constant 16 : index
      %get3A_1813 = tpu.vector_load %arg15[%get3A_1810, %get3A_1811, %get3A_1812] {strides = array<i32>} : memref<3x32x128xf32, #tpu.memory_space<vmem>>, vector<16xf32>,
      %mul3A_1814 = vector.broadcast %squeeze3A_1796 : f32 to vector<16xf32>
      %mul3A_1815 = arith.mulf %get3A_1813, %mul3A_1814 : vector<16xf32>
      %swap3A_1816 = arith.constant 15 : i32
      %swap3A_1817 = arith.index_cast %rem3A_193 : i32 to index
      %swap3A_1818 = arith.index_cast %swap3A_1816 : i32 to index
      %swap3A_1819 = arith.constant 16 : index
      %swap3A_1820 = tpu.vector_load %arg15[%swap3A_1817, %swap3A_1818, %swap3A_1819] {strides = array<i32>} : memref<3x32x128xf32, #tpu.memory_space<vmem>>, vector<16xf32>,
      tpu.vector_store %arg15[%swap3A_1817, %swap3A_1818, %swap3A_1819], %mul3A_1815 {strides = array<i32>} : memref<3x32x128xf32, #tpu.memory_space<vmem>>, vector<16xf32>,
      %get3A_1821 = arith.constant 15 : i32
      %get3A_1822 = arith.index_cast %rem3A_193 : i32 to index
      %get3A_1823 = arith.index_cast %get3A_1821 : i32 to index
      %get3A_1824 = arith.constant 32 : index
      %get3A_1825 = tpu.vector_load %arg15[%get3A_1822, %get3A_1823, %get3A_1824] {strides = array<i32>} : memref<3x32x128xf32, #tpu.memory_space<vmem>>, vector<16xf32>,
      %mul3A_1826 = vector.broadcast %squeeze3A_1796 : f32 to vector<16xf32>
      %mul3A_1827 = arith.mulf %get3A_1825, %mul3A_1826 : vector<16xf32>
      %swap3A_1828 = arith.constant 15 : i32
      %swap3A_1829 = arith.index_cast %rem3A_193 : i32 to index
      %swap3A_1830 = arith.index_cast %swap3A_1828 : i32 to index
      %swap3A_1831 = arith.constant 32 : index
      %swap3A_1832 = tpu.vector_load %arg15[%swap3A_1829, %swap3A_1830, %swap3A_1831] {strides = array<i32>} : memref<3x32x128xf32, #tpu.memory_space<vmem>>, vector<16xf32>,
      tpu.vector_store %arg15[%swap3A_1829, %swap3A_1830, %swap3A_1831], %mul3A_1827 {strides = array<i32>} : memref<3x32x128xf32, #tpu.memory_space<vmem>>, vector<16xf32>,
      %get3A_1833 = arith.constant 15 : i32
      %get3A_1834 = arith.index_cast %rem3A_193 : i32 to index
      %get3A_1835 = arith.index_cast %get3A_1833 : i32 to index
      %get3A_1836 = arith.constant 48 : index
      %get3A_1837 = tpu.vector_load %arg15[%get3A_1834, %get3A_1835, %get3A_1836] {strides = array<i32>} : memref<3x32x128xf32, #tpu.memory_space<vmem>>, vector<16xf32>,
      %mul3A_1838 = vector.broadcast %squeeze3A_1796 : f32 to vector<16xf32>
      %mul3A_1839 = arith.mulf %get3A_1837, %mul3A_1838 : vector<16xf32>
      %swap3A_1840 = arith.constant 15 : i32
      %swap3A_1841 = arith.index_cast %rem3A_193 : i32 to index
      %swap3A_1842 = arith.index_cast %swap3A_1840 : i32 to index
      %swap3A_1843 = arith.constant 48 : index
      %swap3A_1844 = tpu.vector_load %arg15[%swap3A_1841, %swap3A_1842, %swap3A_1843] {strides = array<i32>} : memref<3x32x128xf32, #tpu.memory_space<vmem>>, vector<16xf32>,
      tpu.vector_store %arg15[%swap3A_1841, %swap3A_1842, %swap3A_1843], %mul3A_1839 {strides = array<i32>} : memref<3x32x128xf32, #tpu.memory_space<vmem>>, vector<16xf32>,
      %get3A_1845 = arith.constant 15 : i32
      %get3A_1846 = arith.index_cast %rem3A_193 : i32 to index
      %get3A_1847 = arith.index_cast %get3A_1845 : i32 to index
      %get3A_1848 = arith.constant 64 : index
      %get3A_1849 = tpu.vector_load %arg15[%get3A_1846, %get3A_1847, %get3A_1848] {strides = array<i32>} : memref<3x32x128xf32, #tpu.memory_space<vmem>>, vector<16xf32>,
      %mul3A_1850 = vector.broadcast %squeeze3A_1796 : f32 to vector<16xf32>
      %mul3A_1851 = arith.mulf %get3A_1849, %mul3A_1850 : vector<16xf32>
      %swap3A_1852 = arith.constant 15 : i32
      %swap3A_1853 = arith.index_cast %rem3A_193 : i32 to index
      %swap3A_1854 = arith.index_cast %swap3A_1852 : i32 to index
      %swap3A_1855 = arith.constant 64 : index
      %swap3A_1856 = tpu.vector_load %arg15[%swap3A_1853, %swap3A_1854, %swap3A_1855] {strides = array<i32>} : memref<3x32x128xf32, #tpu.memory_space<vmem>>, vector<16xf32>,
      tpu.vector_store %arg15[%swap3A_1853, %swap3A_1854, %swap3A_1855], %mul3A_1851 {strides = array<i32>} : memref<3x32x128xf32, #tpu.memory_space<vmem>>, vector<16xf32>,
      %get3A_1857 = arith.constant 15 : i32
      %get3A_1858 = arith.index_cast %rem3A_193 : i32 to index
      %get3A_1859 = arith.index_cast %get3A_1857 : i32 to index
      %get3A_1860 = arith.constant 80 : index
      %get3A_1861 = tpu.vector_load %arg15[%get3A_1858, %get3A_1859, %get3A_1860] {strides = array<i32>} : memref<3x32x128xf32, #tpu.memory_space<vmem>>, vector<16xf32>,
      %mul3A_1862 = vector.broadcast %squeeze3A_1796 : f32 to vector<16xf32>
      %mul3A_1863 = arith.mulf %get3A_1861, %mul3A_1862 : vector<16xf32>
      %swap3A_1864 = arith.constant 15 : i32
      %swap3A_1865 = arith.index_cast %rem3A_193 : i32 to index
      %swap3A_1866 = arith.index_cast %swap3A_1864 : i32 to index
      %swap3A_1867 = arith.constant 80 : index
      %swap3A_1868 = tpu.vector_load %arg15[%swap3A_1865, %swap3A_1866, %swap3A_1867] {strides = array<i32>} : memref<3x32x128xf32, #tpu.memory_space<vmem>>, vector<16xf32>,
      tpu.vector_store %arg15[%swap3A_1865, %swap3A_1866, %swap3A_1867], %mul3A_1863 {strides = array<i32>} : memref<3x32x128xf32, #tpu.memory_space<vmem>>, vector<16xf32>,
      %get3A_1869 = arith.constant 15 : i32
      %get3A_1870 = arith.index_cast %rem3A_193 : i32 to index
      %get3A_1871 = arith.index_cast %get3A_1869 : i32 to index
      %get3A_1872 = arith.constant 96 : index
      %get3A_1873 = tpu.vector_load %arg15[%get3A_1870, %get3A_1871, %get3A_1872] {strides = array<i32>} : memref<3x32x128xf32, #tpu.memory_space<vmem>>, vector<16xf32>,
      %mul3A_1874 = vector.broadcast %squeeze3A_1796 : f32 to vector<16xf32>
      %mul3A_1875 = arith.mulf %get3A_1873, %mul3A_1874 : vector<16xf32>
      %swap3A_1876 = arith.constant 15 : i32
      %swap3A_1877 = arith.index_cast %rem3A_193 : i32 to index
      %swap3A_1878 = arith.index_cast %swap3A_1876 : i32 to index
      %swap3A_1879 = arith.constant 96 : index
      %swap3A_1880 = tpu.vector_load %arg15[%swap3A_1877, %swap3A_1878, %swap3A_1879] {strides = array<i32>} : memref<3x32x128xf32, #tpu.memory_space<vmem>>, vector<16xf32>,
      tpu.vector_store %arg15[%swap3A_1877, %swap3A_1878, %swap3A_1879], %mul3A_1875 {strides = array<i32>} : memref<3x32x128xf32, #tpu.memory_space<vmem>>, vector<16xf32>,
      %get3A_1881 = arith.constant 15 : i32
      %get3A_1882 = arith.index_cast %rem3A_193 : i32 to index
      %get3A_1883 = arith.index_cast %get3A_1881 : i32 to index
      %get3A_1884 = arith.constant 112 : index
      %get3A_1885 = tpu.vector_load %arg15[%get3A_1882, %get3A_1883, %get3A_1884] {strides = array<i32>} : memref<3x32x128xf32, #tpu.memory_space<vmem>>, vector<16xf32>,
      %mul3A_1886 = vector.broadcast %squeeze3A_1796 : f32 to vector<16xf32>
      %mul3A_1887 = arith.mulf %get3A_1885, %mul3A_1886 : vector<16xf32>
      %swap3A_1888 = arith.constant 15 : i32
      %swap3A_1889 = arith.index_cast %rem3A_193 : i32 to index
      %swap3A_1890 = arith.index_cast %swap3A_1888 : i32 to index
      %swap3A_1891 = arith.constant 112 : index
      %swap3A_1892 = tpu.vector_load %arg15[%swap3A_1889, %swap3A_1890, %swap3A_1891] {strides = array<i32>} : memref<3x32x128xf32, #tpu.memory_space<vmem>>, vector<16xf32>,
      tpu.vector_store %arg15[%swap3A_1889, %swap3A_1890, %swap3A_1891], %mul3A_1887 {strides = array<i32>} : memref<3x32x128xf32, #tpu.memory_space<vmem>>, vector<16xf32>,
      %slice3A_1893 = vector.extract_strided_slice %select_n3A_291 {offsets = [0], sizes = [1], strides = [1]} : vector<16xf32> to vector<1xf32>
      %squeeze3A_1894 = vector.extract %slice3A_1893[0] : f32 from vector<1xf32>
      %get3A_1895 = arith.constant 16 : i32
      %get3A_1896 = arith.index_cast %rem3A_193 : i32 to index
      %get3A_1897 = arith.index_cast %get3A_1895 : i32 to index
      %get3A_1898 = arith.constant 0 : index
      %get3A_1899 = tpu.vector_load %arg15[%get3A_1896, %get3A_1897, %get3A_1898] {strides = array<i32>} : memref<3x32x128xf32, #tpu.memory_space<vmem>>, vector<16xf32>,
      %mul3A_1900 = vector.broadcast %squeeze3A_1894 : f32 to vector<16xf32>
      %mul3A_1901 = arith.mulf %get3A_1899, %mul3A_1900 : vector<16xf32>
      %swap3A_1902 = arith.constant 16 : i32
      %swap3A_1903 = arith.index_cast %rem3A_193 : i32 to index
      %swap3A_1904 = arith.index_cast %swap3A_1902 : i32 to index
      %swap3A_1905 = arith.constant 0 : index
      %swap3A_1906 = tpu.vector_load %arg15[%swap3A_1903, %swap3A_1904, %swap3A_1905] {strides = array<i32>} : memref<3x32x128xf32, #tpu.memory_space<vmem>>, vector<16xf32>,
      tpu.vector_store %arg15[%swap3A_1903, %swap3A_1904, %swap3A_1905], %mul3A_1901 {strides = array<i32>} : memref<3x32x128xf32, #tpu.memory_space<vmem>>, vector<16xf32>,
      %get3A_1907 = arith.constant 16 : i32
      %get3A_1908 = arith.index_cast %rem3A_193 : i32 to index
      %get3A_1909 = arith.index_cast %get3A_1907 : i32 to index
      %get3A_1910 = arith.constant 16 : index
      %get3A_1911 = tpu.vector_load %arg15[%get3A_1908, %get3A_1909, %get3A_1910] {strides = array<i32>} : memref<3x32x128xf32, #tpu.memory_space<vmem>>, vector<16xf32>,
      %mul3A_1912 = vector.broadcast %squeeze3A_1894 : f32 to vector<16xf32>
      %mul3A_1913 = arith.mulf %get3A_1911, %mul3A_1912 : vector<16xf32>
      %swap3A_1914 = arith.constant 16 : i32
      %swap3A_1915 = arith.index_cast %rem3A_193 : i32 to index
      %swap3A_1916 = arith.index_cast %swap3A_1914 : i32 to index
      %swap3A_1917 = arith.constant 16 : index
      %swap3A_1918 = tpu.vector_load %arg15[%swap3A_1915, %swap3A_1916, %swap3A_1917] {strides = array<i32>} : memref<3x32x128xf32, #tpu.memory_space<vmem>>, vector<16xf32>,
      tpu.vector_store %arg15[%swap3A_1915, %swap3A_1916, %swap3A_1917], %mul3A_1913 {strides = array<i32>} : memref<3x32x128xf32, #tpu.memory_space<vmem>>, vector<16xf32>,
      %get3A_1919 = arith.constant 16 : i32
      %get3A_1920 = arith.index_cast %rem3A_193 : i32 to index
      %get3A_1921 = arith.index_cast %get3A_1919 : i32 to index
      %get3A_1922 = arith.constant 32 : index
      %get3A_1923 = tpu.vector_load %arg15[%get3A_1920, %get3A_1921, %get3A_1922] {strides = array<i32>} : memref<3x32x128xf32, #tpu.memory_space<vmem>>, vector<16xf32>,
      %mul3A_1924 = vector.broadcast %squeeze3A_1894 : f32 to vector<16xf32>
      %mul3A_1925 = arith.mulf %get3A_1923, %mul3A_1924 : vector<16xf32>
      %swap3A_1926 = arith.constant 16 : i32
      %swap3A_1927 = arith.index_cast %rem3A_193 : i32 to index
      %swap3A_1928 = arith.index_cast %swap3A_1926 : i32 to index
      %swap3A_1929 = arith.constant 32 : index
      %swap3A_1930 = tpu.vector_load %arg15[%swap3A_1927, %swap3A_1928, %swap3A_1929] {strides = array<i32>} : memref<3x32x128xf32, #tpu.memory_space<vmem>>, vector<16xf32>,
      tpu.vector_store %arg15[%swap3A_1927, %swap3A_1928, %swap3A_1929], %mul3A_1925 {strides = array<i32>} : memref<3x32x128xf32, #tpu.memory_space<vmem>>, vector<16xf32>,
      %get3A_1931 = arith.constant 16 : i32
      %get3A_1932 = arith.index_cast %rem3A_193 : i32 to index
      %get3A_1933 = arith.index_cast %get3A_1931 : i32 to index
      %get3A_1934 = arith.constant 48 : index
      %get3A_1935 = tpu.vector_load %arg15[%get3A_1932, %get3A_1933, %get3A_1934] {strides = array<i32>} : memref<3x32x128xf32, #tpu.memory_space<vmem>>, vector<16xf32>,
      %mul3A_1936 = vector.broadcast %squeeze3A_1894 : f32 to vector<16xf32>
      %mul3A_1937 = arith.mulf %get3A_1935, %mul3A_1936 : vector<16xf32>
      %swap3A_1938 = arith.constant 16 : i32
      %swap3A_1939 = arith.index_cast %rem3A_193 : i32 to index
      %swap3A_1940 = arith.index_cast %swap3A_1938 : i32 to index
      %swap3A_1941 = arith.constant 48 : index
      %swap3A_1942 = tpu.vector_load %arg15[%swap3A_1939, %swap3A_1940, %swap3A_1941] {strides = array<i32>} : memref<3x32x128xf32, #tpu.memory_space<vmem>>, vector<16xf32>,
      tpu.vector_store %arg15[%swap3A_1939, %swap3A_1940, %swap3A_1941], %mul3A_1937 {strides = array<i32>} : memref<3x32x128xf32, #tpu.memory_space<vmem>>, vector<16xf32>,
      %get3A_1943 = arith.constant 16 : i32
      %get3A_1944 = arith.index_cast %rem3A_193 : i32 to index
      %get3A_1945 = arith.index_cast %get3A_1943 : i32 to index
      %get3A_1946 = arith.constant 64 : index
      %get3A_1947 = tpu.vector_load %arg15[%get3A_1944, %get3A_1945, %get3A_1946] {strides = array<i32>} : memref<3x32x128xf32, #tpu.memory_space<vmem>>, vector<16xf32>,
      %mul3A_1948 = vector.broadcast %squeeze3A_1894 : f32 to vector<16xf32>
      %mul3A_1949 = arith.mulf %get3A_1947, %mul3A_1948 : vector<16xf32>
      %swap3A_1950 = arith.constant 16 : i32
      %swap3A_1951 = arith.index_cast %rem3A_193 : i32 to index
      %swap3A_1952 = arith.index_cast %swap3A_1950 : i32 to index
      %swap3A_1953 = arith.constant 64 : index
      %swap3A_1954 = tpu.vector_load %arg15[%swap3A_1951, %swap3A_1952, %swap3A_1953] {strides = array<i32>} : memref<3x32x128xf32, #tpu.memory_space<vmem>>, vector<16xf32>,
      tpu.vector_store %arg15[%swap3A_1951, %swap3A_1952, %swap3A_1953], %mul3A_1949 {strides = array<i32>} : memref<3x32x128xf32, #tpu.memory_space<vmem>>, vector<16xf32>,
      %get3A_1955 = arith.constant 16 : i32
      %get3A_1956 = arith.index_cast %rem3A_193 : i32 to index
      %get3A_1957 = arith.index_cast %get3A_1955 : i32 to index
      %get3A_1958 = arith.constant 80 : index
      %get3A_1959 = tpu.vector_load %arg15[%get3A_1956, %get3A_1957, %get3A_1958] {strides = array<i32>} : memref<3x32x128xf32, #tpu.memory_space<vmem>>, vector<16xf32>,
      %mul3A_1960 = vector.broadcast %squeeze3A_1894 : f32 to vector<16xf32>
      %mul3A_1961 = arith.mulf %get3A_1959, %mul3A_1960 : vector<16xf32>
      %swap3A_1962 = arith.constant 16 : i32
      %swap3A_1963 = arith.index_cast %rem3A_193 : i32 to index
      %swap3A_1964 = arith.index_cast %swap3A_1962 : i32 to index
      %swap3A_1965 = arith.constant 80 : index
      %swap3A_1966 = tpu.vector_load %arg15[%swap3A_1963, %swap3A_1964, %swap3A_1965] {strides = array<i32>} : memref<3x32x128xf32, #tpu.memory_space<vmem>>, vector<16xf32>,
      tpu.vector_store %arg15[%swap3A_1963, %swap3A_1964, %swap3A_1965], %mul3A_1961 {strides = array<i32>} : memref<3x32x128xf32, #tpu.memory_space<vmem>>, vector<16xf32>,
      %get3A_1967 = arith.constant 16 : i32
      %get3A_1968 = arith.index_cast %rem3A_193 : i32 to index
      %get3A_1969 = arith.index_cast %get3A_1967 : i32 to index
      %get3A_1970 = arith.constant 96 : index
      %get3A_1971 = tpu.vector_load %arg15[%get3A_1968, %get3A_1969, %get3A_1970] {strides = array<i32>} : memref<3x32x128xf32, #tpu.memory_space<vmem>>, vector<16xf32>,
      %mul3A_1972 = vector.broadcast %squeeze3A_1894 : f32 to vector<16xf32>
      %mul3A_1973 = arith.mulf %get3A_1971, %mul3A_1972 : vector<16xf32>
      %swap3A_1974 = arith.constant 16 : i32
      %swap3A_1975 = arith.index_cast %rem3A_193 : i32 to index
      %swap3A_1976 = arith.index_cast %swap3A_1974 : i32 to index
      %swap3A_1977 = arith.constant 96 : index
      %swap3A_1978 = tpu.vector_load %arg15[%swap3A_1975, %swap3A_1976, %swap3A_1977] {strides = array<i32>} : memref<3x32x128xf32, #tpu.memory_space<vmem>>, vector<16xf32>,
      tpu.vector_store %arg15[%swap3A_1975, %swap3A_1976, %swap3A_1977], %mul3A_1973 {strides = array<i32>} : memref<3x32x128xf32, #tpu.memory_space<vmem>>, vector<16xf32>,
      %get3A_1979 = arith.constant 16 : i32
      %get3A_1980 = arith.index_cast %rem3A_193 : i32 to index
      %get3A_1981 = arith.index_cast %get3A_1979 : i32 to index
      %get3A_1982 = arith.constant 112 : index
      %get3A_1983 = tpu.vector_load %arg15[%get3A_1980, %get3A_1981, %get3A_1982] {strides = array<i32>} : memref<3x32x128xf32, #tpu.memory_space<vmem>>, vector<16xf32>,
      %mul3A_1984 = vector.broadcast %squeeze3A_1894 : f32 to vector<16xf32>
      %mul3A_1985 = arith.mulf %get3A_1983, %mul3A_1984 : vector<16xf32>
      %swap3A_1986 = arith.constant 16 : i32
      %swap3A_1987 = arith.index_cast %rem3A_193 : i32 to index
      %swap3A_1988 = arith.index_cast %swap3A_1986 : i32 to index
      %swap3A_1989 = arith.constant 112 : index
      %swap3A_1990 = tpu.vector_load %arg15[%swap3A_1987, %swap3A_1988, %swap3A_1989] {strides = array<i32>} : memref<3x32x128xf32, #tpu.memory_space<vmem>>, vector<16xf32>,
      tpu.vector_store %arg15[%swap3A_1987, %swap3A_1988, %swap3A_1989], %mul3A_1985 {strides = array<i32>} : memref<3x32x128xf32, #tpu.memory_space<vmem>>, vector<16xf32>,
      %slice3A_1991 = vector.extract_strided_slice %select_n3A_291 {offsets = [1], sizes = [1], strides = [1]} : vector<16xf32> to vector<1xf32>
      %squeeze3A_1992 = vector.extract %slice3A_1991[0] : f32 from vector<1xf32>
      %get3A_1993 = arith.constant 17 : i32
      %get3A_1994 = arith.index_cast %rem3A_193 : i32 to index
      %get3A_1995 = arith.index_cast %get3A_1993 : i32 to index
      %get3A_1996 = arith.constant 0 : index
      %get3A_1997 = tpu.vector_load %arg15[%get3A_1994, %get3A_1995, %get3A_1996] {strides = array<i32>} : memref<3x32x128xf32, #tpu.memory_space<vmem>>, vector<16xf32>,
      %mul3A_1998 = vector.broadcast %squeeze3A_1992 : f32 to vector<16xf32>
      %mul3A_1999 = arith.mulf %get3A_1997, %mul3A_1998 : vector<16xf32>
      %swap3A_2000 = arith.constant 17 : i32
      %swap3A_2001 = arith.index_cast %rem3A_193 : i32 to index
      %swap3A_2002 = arith.index_cast %swap3A_2000 : i32 to index
      %swap3A_2003 = arith.constant 0 : index
      %swap3A_2004 = tpu.vector_load %arg15[%swap3A_2001, %swap3A_2002, %swap3A_2003] {strides = array<i32>} : memref<3x32x128xf32, #tpu.memory_space<vmem>>, vector<16xf32>,
      tpu.vector_store %arg15[%swap3A_2001, %swap3A_2002, %swap3A_2003], %mul3A_1999 {strides = array<i32>} : memref<3x32x128xf32, #tpu.memory_space<vmem>>, vector<16xf32>,
      %get3A_2005 = arith.constant 17 : i32
      %get3A_2006 = arith.index_cast %rem3A_193 : i32 to index
      %get3A_2007 = arith.index_cast %get3A_2005 : i32 to index
      %get3A_2008 = arith.constant 16 : index
      %get3A_2009 = tpu.vector_load %arg15[%get3A_2006, %get3A_2007, %get3A_2008] {strides = array<i32>} : memref<3x32x128xf32, #tpu.memory_space<vmem>>, vector<16xf32>,
      %mul3A_2010 = vector.broadcast %squeeze3A_1992 : f32 to vector<16xf32>
      %mul3A_2011 = arith.mulf %get3A_2009, %mul3A_2010 : vector<16xf32>
      %swap3A_2012 = arith.constant 17 : i32
      %swap3A_2013 = arith.index_cast %rem3A_193 : i32 to index
      %swap3A_2014 = arith.index_cast %swap3A_2012 : i32 to index
      %swap3A_2015 = arith.constant 16 : index
      %swap3A_2016 = tpu.vector_load %arg15[%swap3A_2013, %swap3A_2014, %swap3A_2015] {strides = array<i32>} : memref<3x32x128xf32, #tpu.memory_space<vmem>>, vector<16xf32>,
      tpu.vector_store %arg15[%swap3A_2013, %swap3A_2014, %swap3A_2015], %mul3A_2011 {strides = array<i32>} : memref<3x32x128xf32, #tpu.memory_space<vmem>>, vector<16xf32>,
      %get3A_2017 = arith.constant 17 : i32
      %get3A_2018 = arith.index_cast %rem3A_193 : i32 to index
      %get3A_2019 = arith.index_cast %get3A_2017 : i32 to index
      %get3A_2020 = arith.constant 32 : index
      %get3A_2021 = tpu.vector_load %arg15[%get3A_2018, %get3A_2019, %get3A_2020] {strides = array<i32>} : memref<3x32x128xf32, #tpu.memory_space<vmem>>, vector<16xf32>,
      %mul3A_2022 = vector.broadcast %squeeze3A_1992 : f32 to vector<16xf32>
      %mul3A_2023 = arith.mulf %get3A_2021, %mul3A_2022 : vector<16xf32>
      %swap3A_2024 = arith.constant 17 : i32
      %swap3A_2025 = arith.index_cast %rem3A_193 : i32 to index
      %swap3A_2026 = arith.index_cast %swap3A_2024 : i32 to index
      %swap3A_2027 = arith.constant 32 : index
      %swap3A_2028 = tpu.vector_load %arg15[%swap3A_2025, %swap3A_2026, %swap3A_2027] {strides = array<i32>} : memref<3x32x128xf32, #tpu.memory_space<vmem>>, vector<16xf32>,
      tpu.vector_store %arg15[%swap3A_2025, %swap3A_2026, %swap3A_2027], %mul3A_2023 {strides = array<i32>} : memref<3x32x128xf32, #tpu.memory_space<vmem>>, vector<16xf32>,
      %get3A_2029 = arith.constant 17 : i32
      %get3A_2030 = arith.index_cast %rem3A_193 : i32 to index
      %get3A_2031 = arith.index_cast %get3A_2029 : i32 to index
      %get3A_2032 = arith.constant 48 : index
      %get3A_2033 = tpu.vector_load %arg15[%get3A_2030, %get3A_2031, %get3A_2032] {strides = array<i32>} : memref<3x32x128xf32, #tpu.memory_space<vmem>>, vector<16xf32>,
      %mul3A_2034 = vector.broadcast %squeeze3A_1992 : f32 to vector<16xf32>
      %mul3A_2035 = arith.mulf %get3A_2033, %mul3A_2034 : vector<16xf32>
      %swap3A_2036 = arith.constant 17 : i32
      %swap3A_2037 = arith.index_cast %rem3A_193 : i32 to index
      %swap3A_2038 = arith.index_cast %swap3A_2036 : i32 to index
      %swap3A_2039 = arith.constant 48 : index
      %swap3A_2040 = tpu.vector_load %arg15[%swap3A_2037, %swap3A_2038, %swap3A_2039] {strides = array<i32>} : memref<3x32x128xf32, #tpu.memory_space<vmem>>, vector<16xf32>,
      tpu.vector_store %arg15[%swap3A_2037, %swap3A_2038, %swap3A_2039], %mul3A_2035 {strides = array<i32>} : memref<3x32x128xf32, #tpu.memory_space<vmem>>, vector<16xf32>,
      %get3A_2041 = arith.constant 17 : i32
      %get3A_2042 = arith.index_cast %rem3A_193 : i32 to index
      %get3A_2043 = arith.index_cast %get3A_2041 : i32 to index
      %get3A_2044 = arith.constant 64 : index
      %get3A_2045 = tpu.vector_load %arg15[%get3A_2042, %get3A_2043, %get3A_2044] {strides = array<i32>} : memref<3x32x128xf32, #tpu.memory_space<vmem>>, vector<16xf32>,
      %mul3A_2046 = vector.broadcast %squeeze3A_1992 : f32 to vector<16xf32>
      %mul3A_2047 = arith.mulf %get3A_2045, %mul3A_2046 : vector<16xf32>
      %swap3A_2048 = arith.constant 17 : i32
      %swap3A_2049 = arith.index_cast %rem3A_193 : i32 to index
      %swap3A_2050 = arith.index_cast %swap3A_2048 : i32 to index
      %swap3A_2051 = arith.constant 64 : index
      %swap3A_2052 = tpu.vector_load %arg15[%swap3A_2049, %swap3A_2050, %swap3A_2051] {strides = array<i32>} : memref<3x32x128xf32, #tpu.memory_space<vmem>>, vector<16xf32>,
      tpu.vector_store %arg15[%swap3A_2049, %swap3A_2050, %swap3A_2051], %mul3A_2047 {strides = array<i32>} : memref<3x32x128xf32, #tpu.memory_space<vmem>>, vector<16xf32>,
      %get3A_2053 = arith.constant 17 : i32
      %get3A_2054 = arith.index_cast %rem3A_193 : i32 to index
      %get3A_2055 = arith.index_cast %get3A_2053 : i32 to index
      %get3A_2056 = arith.constant 80 : index
      %get3A_2057 = tpu.vector_load %arg15[%get3A_2054, %get3A_2055, %get3A_2056] {strides = array<i32>} : memref<3x32x128xf32, #tpu.memory_space<vmem>>, vector<16xf32>,
      %mul3A_2058 = vector.broadcast %squeeze3A_1992 : f32 to vector<16xf32>
      %mul3A_2059 = arith.mulf %get3A_2057, %mul3A_2058 : vector<16xf32>
      %swap3A_2060 = arith.constant 17 : i32
      %swap3A_2061 = arith.index_cast %rem3A_193 : i32 to index
      %swap3A_2062 = arith.index_cast %swap3A_2060 : i32 to index
      %swap3A_2063 = arith.constant 80 : index
      %swap3A_2064 = tpu.vector_load %arg15[%swap3A_2061, %swap3A_2062, %swap3A_2063] {strides = array<i32>} : memref<3x32x128xf32, #tpu.memory_space<vmem>>, vector<16xf32>,
      tpu.vector_store %arg15[%swap3A_2061, %swap3A_2062, %swap3A_2063], %mul3A_2059 {strides = array<i32>} : memref<3x32x128xf32, #tpu.memory_space<vmem>>, vector<16xf32>,
      %get3A_2065 = arith.constant 17 : i32
      %get3A_2066 = arith.index_cast %rem3A_193 : i32 to index
      %get3A_2067 = arith.index_cast %get3A_2065 : i32 to index
      %get3A_2068 = arith.constant 96 : index
      %get3A_2069 = tpu.vector_load %arg15[%get3A_2066, %get3A_2067, %get3A_2068] {strides = array<i32>} : memref<3x32x128xf32, #tpu.memory_space<vmem>>, vector<16xf32>,
      %mul3A_2070 = vector.broadcast %squeeze3A_1992 : f32 to vector<16xf32>
      %mul3A_2071 = arith.mulf %get3A_2069, %mul3A_2070 : vector<16xf32>
      %swap3A_2072 = arith.constant 17 : i32
      %swap3A_2073 = arith.index_cast %rem3A_193 : i32 to index
      %swap3A_2074 = arith.index_cast %swap3A_2072 : i32 to index
      %swap3A_2075 = arith.constant 96 : index
      %swap3A_2076 = tpu.vector_load %arg15[%swap3A_2073, %swap3A_2074, %swap3A_2075] {strides = array<i32>} : memref<3x32x128xf32, #tpu.memory_space<vmem>>, vector<16xf32>,
      tpu.vector_store %arg15[%swap3A_2073, %swap3A_2074, %swap3A_2075], %mul3A_2071 {strides = array<i32>} : memref<3x32x128xf32, #tpu.memory_space<vmem>>, vector<16xf32>,
      %get3A_2077 = arith.constant 17 : i32
      %get3A_2078 = arith.index_cast %rem3A_193 : i32 to index
      %get3A_2079 = arith.index_cast %get3A_2077 : i32 to index
      %get3A_2080 = arith.constant 112 : index
      %get3A_2081 = tpu.vector_load %arg15[%get3A_2078, %get3A_2079, %get3A_2080] {strides = array<i32>} : memref<3x32x128xf32, #tpu.memory_space<vmem>>, vector<16xf32>,
      %mul3A_2082 = vector.broadcast %squeeze3A_1992 : f32 to vector<16xf32>
      %mul3A_2083 = arith.mulf %get3A_2081, %mul3A_2082 : vector<16xf32>
      %swap3A_2084 = arith.constant 17 : i32
      %swap3A_2085 = arith.index_cast %rem3A_193 : i32 to index
      %swap3A_2086 = arith.index_cast %swap3A_2084 : i32 to index
      %swap3A_2087 = arith.constant 112 : index
      %swap3A_2088 = tpu.vector_load %arg15[%swap3A_2085, %swap3A_2086, %swap3A_2087] {strides = array<i32>} : memref<3x32x128xf32, #tpu.memory_space<vmem>>, vector<16xf32>,
      tpu.vector_store %arg15[%swap3A_2085, %swap3A_2086, %swap3A_2087], %mul3A_2083 {strides = array<i32>} : memref<3x32x128xf32, #tpu.memory_space<vmem>>, vector<16xf32>,
      %slice3A_2089 = vector.extract_strided_slice %select_n3A_291 {offsets = [2], sizes = [1], strides = [1]} : vector<16xf32> to vector<1xf32>
      %squeeze3A_2090 = vector.extract %slice3A_2089[0] : f32 from vector<1xf32>
      %get3A_2091 = arith.constant 18 : i32
      %get3A_2092 = arith.index_cast %rem3A_193 : i32 to index
      %get3A_2093 = arith.index_cast %get3A_2091 : i32 to index
      %get3A_2094 = arith.constant 0 : index
      %get3A_2095 = tpu.vector_load %arg15[%get3A_2092, %get3A_2093, %get3A_2094] {strides = array<i32>} : memref<3x32x128xf32, #tpu.memory_space<vmem>>, vector<16xf32>,
      %mul3A_2096 = vector.broadcast %squeeze3A_2090 : f32 to vector<16xf32>
      %mul3A_2097 = arith.mulf %get3A_2095, %mul3A_2096 : vector<16xf32>
      %swap3A_2098 = arith.constant 18 : i32
      %swap3A_2099 = arith.index_cast %rem3A_193 : i32 to index
      %swap3A_2100 = arith.index_cast %swap3A_2098 : i32 to index
      %swap3A_2101 = arith.constant 0 : index
      %swap3A_2102 = tpu.vector_load %arg15[%swap3A_2099, %swap3A_2100, %swap3A_2101] {strides = array<i32>} : memref<3x32x128xf32, #tpu.memory_space<vmem>>, vector<16xf32>,
      tpu.vector_store %arg15[%swap3A_2099, %swap3A_2100, %swap3A_2101], %mul3A_2097 {strides = array<i32>} : memref<3x32x128xf32, #tpu.memory_space<vmem>>, vector<16xf32>,
      %get3A_2103 = arith.constant 18 : i32
      %get3A_2104 = arith.index_cast %rem3A_193 : i32 to index
      %get3A_2105 = arith.index_cast %get3A_2103 : i32 to index
      %get3A_2106 = arith.constant 16 : index
      %get3A_2107 = tpu.vector_load %arg15[%get3A_2104, %get3A_2105, %get3A_2106] {strides = array<i32>} : memref<3x32x128xf32, #tpu.memory_space<vmem>>, vector<16xf32>,
      %mul3A_2108 = vector.broadcast %squeeze3A_2090 : f32 to vector<16xf32>
      %mul3A_2109 = arith.mulf %get3A_2107, %mul3A_2108 : vector<16xf32>
      %swap3A_2110 = arith.constant 18 : i32
      %swap3A_2111 = arith.index_cast %rem3A_193 : i32 to index
      %swap3A_2112 = arith.index_cast %swap3A_2110 : i32 to index
      %swap3A_2113 = arith.constant 16 : index
      %swap3A_2114 = tpu.vector_load %arg15[%swap3A_2111, %swap3A_2112, %swap3A_2113] {strides = array<i32>} : memref<3x32x128xf32, #tpu.memory_space<vmem>>, vector<16xf32>,
      tpu.vector_store %arg15[%swap3A_2111, %swap3A_2112, %swap3A_2113], %mul3A_2109 {strides = array<i32>} : memref<3x32x128xf32, #tpu.memory_space<vmem>>, vector<16xf32>,
      %get3A_2115 = arith.constant 18 : i32
      %get3A_2116 = arith.index_cast %rem3A_193 : i32 to index
      %get3A_2117 = arith.index_cast %get3A_2115 : i32 to index
      %get3A_2118 = arith.constant 32 : index
      %get3A_2119 = tpu.vector_load %arg15[%get3A_2116, %get3A_2117, %get3A_2118] {strides = array<i32>} : memref<3x32x128xf32, #tpu.memory_space<vmem>>, vector<16xf32>,
      %mul3A_2120 = vector.broadcast %squeeze3A_2090 : f32 to vector<16xf32>
      %mul3A_2121 = arith.mulf %get3A_2119, %mul3A_2120 : vector<16xf32>
      %swap3A_2122 = arith.constant 18 : i32
      %swap3A_2123 = arith.index_cast %rem3A_193 : i32 to index
      %swap3A_2124 = arith.index_cast %swap3A_2122 : i32 to index
      %swap3A_2125 = arith.constant 32 : index
      %swap3A_2126 = tpu.vector_load %arg15[%swap3A_2123, %swap3A_2124, %swap3A_2125] {strides = array<i32>} : memref<3x32x128xf32, #tpu.memory_space<vmem>>, vector<16xf32>,
      tpu.vector_store %arg15[%swap3A_2123, %swap3A_2124, %swap3A_2125], %mul3A_2121 {strides = array<i32>} : memref<3x32x128xf32, #tpu.memory_space<vmem>>, vector<16xf32>,
      %get3A_2127 = arith.constant 18 : i32
      %get3A_2128 = arith.index_cast %rem3A_193 : i32 to index
      %get3A_2129 = arith.index_cast %get3A_2127 : i32 to index
      %get3A_2130 = arith.constant 48 : index
      %get3A_2131 = tpu.vector_load %arg15[%get3A_2128, %get3A_2129, %get3A_2130] {strides = array<i32>} : memref<3x32x128xf32, #tpu.memory_space<vmem>>, vector<16xf32>,
      %mul3A_2132 = vector.broadcast %squeeze3A_2090 : f32 to vector<16xf32>
      %mul3A_2133 = arith.mulf %get3A_2131, %mul3A_2132 : vector<16xf32>
      %swap3A_2134 = arith.constant 18 : i32
      %swap3A_2135 = arith.index_cast %rem3A_193 : i32 to index
      %swap3A_2136 = arith.index_cast %swap3A_2134 : i32 to index
      %swap3A_2137 = arith.constant 48 : index
      %swap3A_2138 = tpu.vector_load %arg15[%swap3A_2135, %swap3A_2136, %swap3A_2137] {strides = array<i32>} : memref<3x32x128xf32, #tpu.memory_space<vmem>>, vector<16xf32>,
      tpu.vector_store %arg15[%swap3A_2135, %swap3A_2136, %swap3A_2137], %mul3A_2133 {strides = array<i32>} : memref<3x32x128xf32, #tpu.memory_space<vmem>>, vector<16xf32>,
      %get3A_2139 = arith.constant 18 : i32
      %get3A_2140 = arith.index_cast %rem3A_193 : i32 to index
      %get3A_2141 = arith.index_cast %get3A_2139 : i32 to index
      %get3A_2142 = arith.constant 64 : index
      %get3A_2143 = tpu.vector_load %arg15[%get3A_2140, %get3A_2141, %get3A_2142] {strides = array<i32>} : memref<3x32x128xf32, #tpu.memory_space<vmem>>, vector<16xf32>,
      %mul3A_2144 = vector.broadcast %squeeze3A_2090 : f32 to vector<16xf32>
      %mul3A_2145 = arith.mulf %get3A_2143, %mul3A_2144 : vector<16xf32>
      %swap3A_2146 = arith.constant 18 : i32
      %swap3A_2147 = arith.index_cast %rem3A_193 : i32 to index
      %swap3A_2148 = arith.index_cast %swap3A_2146 : i32 to index
      %swap3A_2149 = arith.constant 64 : index
      %swap3A_2150 = tpu.vector_load %arg15[%swap3A_2147, %swap3A_2148, %swap3A_2149] {strides = array<i32>} : memref<3x32x128xf32, #tpu.memory_space<vmem>>, vector<16xf32>,
      tpu.vector_store %arg15[%swap3A_2147, %swap3A_2148, %swap3A_2149], %mul3A_2145 {strides = array<i32>} : memref<3x32x128xf32, #tpu.memory_space<vmem>>, vector<16xf32>,
      %get3A_2151 = arith.constant 18 : i32
      %get3A_2152 = arith.index_cast %rem3A_193 : i32 to index
      %get3A_2153 = arith.index_cast %get3A_2151 : i32 to index
      %get3A_2154 = arith.constant 80 : index
      %get3A_2155 = tpu.vector_load %arg15[%get3A_2152, %get3A_2153, %get3A_2154] {strides = array<i32>} : memref<3x32x128xf32, #tpu.memory_space<vmem>>, vector<16xf32>,
      %mul3A_2156 = vector.broadcast %squeeze3A_2090 : f32 to vector<16xf32>
      %mul3A_2157 = arith.mulf %get3A_2155, %mul3A_2156 : vector<16xf32>
      %swap3A_2158 = arith.constant 18 : i32
      %swap3A_2159 = arith.index_cast %rem3A_193 : i32 to index
      %swap3A_2160 = arith.index_cast %swap3A_2158 : i32 to index
      %swap3A_2161 = arith.constant 80 : index
      %swap3A_2162 = tpu.vector_load %arg15[%swap3A_2159, %swap3A_2160, %swap3A_2161] {strides = array<i32>} : memref<3x32x128xf32, #tpu.memory_space<vmem>>, vector<16xf32>,
      tpu.vector_store %arg15[%swap3A_2159, %swap3A_2160, %swap3A_2161], %mul3A_2157 {strides = array<i32>} : memref<3x32x128xf32, #tpu.memory_space<vmem>>, vector<16xf32>,
      %get3A_2163 = arith.constant 18 : i32
      %get3A_2164 = arith.index_cast %rem3A_193 : i32 to index
      %get3A_2165 = arith.index_cast %get3A_2163 : i32 to index
      %get3A_2166 = arith.constant 96 : index
      %get3A_2167 = tpu.vector_load %arg15[%get3A_2164, %get3A_2165, %get3A_2166] {strides = array<i32>} : memref<3x32x128xf32, #tpu.memory_space<vmem>>, vector<16xf32>,
      %mul3A_2168 = vector.broadcast %squeeze3A_2090 : f32 to vector<16xf32>
      %mul3A_2169 = arith.mulf %get3A_2167, %mul3A_2168 : vector<16xf32>
      %swap3A_2170 = arith.constant 18 : i32
      %swap3A_2171 = arith.index_cast %rem3A_193 : i32 to index
      %swap3A_2172 = arith.index_cast %swap3A_2170 : i32 to index
      %swap3A_2173 = arith.constant 96 : index
      %swap3A_2174 = tpu.vector_load %arg15[%swap3A_2171, %swap3A_2172, %swap3A_2173] {strides = array<i32>} : memref<3x32x128xf32, #tpu.memory_space<vmem>>, vector<16xf32>,
      tpu.vector_store %arg15[%swap3A_2171, %swap3A_2172, %swap3A_2173], %mul3A_2169 {strides = array<i32>} : memref<3x32x128xf32, #tpu.memory_space<vmem>>, vector<16xf32>,
      %get3A_2175 = arith.constant 18 : i32
      %get3A_2176 = arith.index_cast %rem3A_193 : i32 to index
      %get3A_2177 = arith.index_cast %get3A_2175 : i32 to index
      %get3A_2178 = arith.constant 112 : index
      %get3A_2179 = tpu.vector_load %arg15[%get3A_2176, %get3A_2177, %get3A_2178] {strides = array<i32>} : memref<3x32x128xf32, #tpu.memory_space<vmem>>, vector<16xf32>,
      %mul3A_2180 = vector.broadcast %squeeze3A_2090 : f32 to vector<16xf32>
      %mul3A_2181 = arith.mulf %get3A_2179, %mul3A_2180 : vector<16xf32>
      %swap3A_2182 = arith.constant 18 : i32
      %swap3A_2183 = arith.index_cast %rem3A_193 : i32 to index
      %swap3A_2184 = arith.index_cast %swap3A_2182 : i32 to index
      %swap3A_2185 = arith.constant 112 : index
      %swap3A_2186 = tpu.vector_load %arg15[%swap3A_2183, %swap3A_2184, %swap3A_2185] {strides = array<i32>} : memref<3x32x128xf32, #tpu.memory_space<vmem>>, vector<16xf32>,
      tpu.vector_store %arg15[%swap3A_2183, %swap3A_2184, %swap3A_2185], %mul3A_2181 {strides = array<i32>} : memref<3x32x128xf32, #tpu.memory_space<vmem>>, vector<16xf32>,
      %slice3A_2187 = vector.extract_strided_slice %select_n3A_291 {offsets = [3], sizes = [1], strides = [1]} : vector<16xf32> to vector<1xf32>
      %squeeze3A_2188 = vector.extract %slice3A_2187[0] : f32 from vector<1xf32>
      %get3A_2189 = arith.constant 19 : i32
      %get3A_2190 = arith.index_cast %rem3A_193 : i32 to index
      %get3A_2191 = arith.index_cast %get3A_2189 : i32 to index
      %get3A_2192 = arith.constant 0 : index
      %get3A_2193 = tpu.vector_load %arg15[%get3A_2190, %get3A_2191, %get3A_2192] {strides = array<i32>} : memref<3x32x128xf32, #tpu.memory_space<vmem>>, vector<16xf32>,
      %mul3A_2194 = vector.broadcast %squeeze3A_2188 : f32 to vector<16xf32>
      %mul3A_2195 = arith.mulf %get3A_2193, %mul3A_2194 : vector<16xf32>
      %swap3A_2196 = arith.constant 19 : i32
      %swap3A_2197 = arith.index_cast %rem3A_193 : i32 to index
      %swap3A_2198 = arith.index_cast %swap3A_2196 : i32 to index
      %swap3A_2199 = arith.constant 0 : index
      %swap3A_2200 = tpu.vector_load %arg15[%swap3A_2197, %swap3A_2198, %swap3A_2199] {strides = array<i32>} : memref<3x32x128xf32, #tpu.memory_space<vmem>>, vector<16xf32>,
      tpu.vector_store %arg15[%swap3A_2197, %swap3A_2198, %swap3A_2199], %mul3A_2195 {strides = array<i32>} : memref<3x32x128xf32, #tpu.memory_space<vmem>>, vector<16xf32>,
      %get3A_2201 = arith.constant 19 : i32
      %get3A_2202 = arith.index_cast %rem3A_193 : i32 to index
      %get3A_2203 = arith.index_cast %get3A_2201 : i32 to index
      %get3A_2204 = arith.constant 16 : index
      %get3A_2205 = tpu.vector_load %arg15[%get3A_2202, %get3A_2203, %get3A_2204] {strides = array<i32>} : memref<3x32x128xf32, #tpu.memory_space<vmem>>, vector<16xf32>,
      %mul3A_2206 = vector.broadcast %squeeze3A_2188 : f32 to vector<16xf32>
      %mul3A_2207 = arith.mulf %get3A_2205, %mul3A_2206 : vector<16xf32>
      %swap3A_2208 = arith.constant 19 : i32
      %swap3A_2209 = arith.index_cast %rem3A_193 : i32 to index
      %swap3A_2210 = arith.index_cast %swap3A_2208 : i32 to index
      %swap3A_2211 = arith.constant 16 : index
      %swap3A_2212 = tpu.vector_load %arg15[%swap3A_2209, %swap3A_2210, %swap3A_2211] {strides = array<i32>} : memref<3x32x128xf32, #tpu.memory_space<vmem>>, vector<16xf32>,
      tpu.vector_store %arg15[%swap3A_2209, %swap3A_2210, %swap3A_2211], %mul3A_2207 {strides = array<i32>} : memref<3x32x128xf32, #tpu.memory_space<vmem>>, vector<16xf32>,
      %get3A_2213 = arith.constant 19 : i32
      %get3A_2214 = arith.index_cast %rem3A_193 : i32 to index
      %get3A_2215 = arith.index_cast %get3A_2213 : i32 to index
      %get3A_2216 = arith.constant 32 : index
      %get3A_2217 = tpu.vector_load %arg15[%get3A_2214, %get3A_2215, %get3A_2216] {strides = array<i32>} : memref<3x32x128xf32, #tpu.memory_space<vmem>>, vector<16xf32>,
      %mul3A_2218 = vector.broadcast %squeeze3A_2188 : f32 to vector<16xf32>
      %mul3A_2219 = arith.mulf %get3A_2217, %mul3A_2218 : vector<16xf32>
      %swap3A_2220 = arith.constant 19 : i32
      %swap3A_2221 = arith.index_cast %rem3A_193 : i32 to index
      %swap3A_2222 = arith.index_cast %swap3A_2220 : i32 to index
      %swap3A_2223 = arith.constant 32 : index
      %swap3A_2224 = tpu.vector_load %arg15[%swap3A_2221, %swap3A_2222, %swap3A_2223] {strides = array<i32>} : memref<3x32x128xf32, #tpu.memory_space<vmem>>, vector<16xf32>,
      tpu.vector_store %arg15[%swap3A_2221, %swap3A_2222, %swap3A_2223], %mul3A_2219 {strides = array<i32>} : memref<3x32x128xf32, #tpu.memory_space<vmem>>, vector<16xf32>,
      %get3A_2225 = arith.constant 19 : i32
      %get3A_2226 = arith.index_cast %rem3A_193 : i32 to index
      %get3A_2227 = arith.index_cast %get3A_2225 : i32 to index
      %get3A_2228 = arith.constant 48 : index
      %get3A_2229 = tpu.vector_load %arg15[%get3A_2226, %get3A_2227, %get3A_2228] {strides = array<i32>} : memref<3x32x128xf32, #tpu.memory_space<vmem>>, vector<16xf32>,
      %mul3A_2230 = vector.broadcast %squeeze3A_2188 : f32 to vector<16xf32>
      %mul3A_2231 = arith.mulf %get3A_2229, %mul3A_2230 : vector<16xf32>
      %swap3A_2232 = arith.constant 19 : i32
      %swap3A_2233 = arith.index_cast %rem3A_193 : i32 to index
      %swap3A_2234 = arith.index_cast %swap3A_2232 : i32 to index
      %swap3A_2235 = arith.constant 48 : index
      %swap3A_2236 = tpu.vector_load %arg15[%swap3A_2233, %swap3A_2234, %swap3A_2235] {strides = array<i32>} : memref<3x32x128xf32, #tpu.memory_space<vmem>>, vector<16xf32>,
      tpu.vector_store %arg15[%swap3A_2233, %swap3A_2234, %swap3A_2235], %mul3A_2231 {strides = array<i32>} : memref<3x32x128xf32, #tpu.memory_space<vmem>>, vector<16xf32>,
      %get3A_2237 = arith.constant 19 : i32
      %get3A_2238 = arith.index_cast %rem3A_193 : i32 to index
      %get3A_2239 = arith.index_cast %get3A_2237 : i32 to index
      %get3A_2240 = arith.constant 64 : index
      %get3A_2241 = tpu.vector_load %arg15[%get3A_2238, %get3A_2239, %get3A_2240] {strides = array<i32>} : memref<3x32x128xf32, #tpu.memory_space<vmem>>, vector<16xf32>,
      %mul3A_2242 = vector.broadcast %squeeze3A_2188 : f32 to vector<16xf32>
      %mul3A_2243 = arith.mulf %get3A_2241, %mul3A_2242 : vector<16xf32>
      %swap3A_2244 = arith.constant 19 : i32
      %swap3A_2245 = arith.index_cast %rem3A_193 : i32 to index
      %swap3A_2246 = arith.index_cast %swap3A_2244 : i32 to index
      %swap3A_2247 = arith.constant 64 : index
      %swap3A_2248 = tpu.vector_load %arg15[%swap3A_2245, %swap3A_2246, %swap3A_2247] {strides = array<i32>} : memref<3x32x128xf32, #tpu.memory_space<vmem>>, vector<16xf32>,
      tpu.vector_store %arg15[%swap3A_2245, %swap3A_2246, %swap3A_2247], %mul3A_2243 {strides = array<i32>} : memref<3x32x128xf32, #tpu.memory_space<vmem>>, vector<16xf32>,
      %get3A_2249 = arith.constant 19 : i32
      %get3A_2250 = arith.index_cast %rem3A_193 : i32 to index
      %get3A_2251 = arith.index_cast %get3A_2249 : i32 to index
      %get3A_2252 = arith.constant 80 : index
      %get3A_2253 = tpu.vector_load %arg15[%get3A_2250, %get3A_2251, %get3A_2252] {strides = array<i32>} : memref<3x32x128xf32, #tpu.memory_space<vmem>>, vector<16xf32>,
      %mul3A_2254 = vector.broadcast %squeeze3A_2188 : f32 to vector<16xf32>
      %mul3A_2255 = arith.mulf %get3A_2253, %mul3A_2254 : vector<16xf32>
      %swap3A_2256 = arith.constant 19 : i32
      %swap3A_2257 = arith.index_cast %rem3A_193 : i32 to index
      %swap3A_2258 = arith.index_cast %swap3A_2256 : i32 to index
      %swap3A_2259 = arith.constant 80 : index
      %swap3A_2260 = tpu.vector_load %arg15[%swap3A_2257, %swap3A_2258, %swap3A_2259] {strides = array<i32>} : memref<3x32x128xf32, #tpu.memory_space<vmem>>, vector<16xf32>,
      tpu.vector_store %arg15[%swap3A_2257, %swap3A_2258, %swap3A_2259], %mul3A_2255 {strides = array<i32>} : memref<3x32x128xf32, #tpu.memory_space<vmem>>, vector<16xf32>,
      %get3A_2261 = arith.constant 19 : i32
      %get3A_2262 = arith.index_cast %rem3A_193 : i32 to index
      %get3A_2263 = arith.index_cast %get3A_2261 : i32 to index
      %get3A_2264 = arith.constant 96 : index
      %get3A_2265 = tpu.vector_load %arg15[%get3A_2262, %get3A_2263, %get3A_2264] {strides = array<i32>} : memref<3x32x128xf32, #tpu.memory_space<vmem>>, vector<16xf32>,
      %mul3A_2266 = vector.broadcast %squeeze3A_2188 : f32 to vector<16xf32>
      %mul3A_2267 = arith.mulf %get3A_2265, %mul3A_2266 : vector<16xf32>
      %swap3A_2268 = arith.constant 19 : i32
      %swap3A_2269 = arith.index_cast %rem3A_193 : i32 to index
      %swap3A_2270 = arith.index_cast %swap3A_2268 : i32 to index
      %swap3A_2271 = arith.constant 96 : index
      %swap3A_2272 = tpu.vector_load %arg15[%swap3A_2269, %swap3A_2270, %swap3A_2271] {strides = array<i32>} : memref<3x32x128xf32, #tpu.memory_space<vmem>>, vector<16xf32>,
      tpu.vector_store %arg15[%swap3A_2269, %swap3A_2270, %swap3A_2271], %mul3A_2267 {strides = array<i32>} : memref<3x32x128xf32, #tpu.memory_space<vmem>>, vector<16xf32>,
      %get3A_2273 = arith.constant 19 : i32
      %get3A_2274 = arith.index_cast %rem3A_193 : i32 to index
      %get3A_2275 = arith.index_cast %get3A_2273 : i32 to index
      %get3A_2276 = arith.constant 112 : index
      %get3A_2277 = tpu.vector_load %arg15[%get3A_2274, %get3A_2275, %get3A_2276] {strides = array<i32>} : memref<3x32x128xf32, #tpu.memory_space<vmem>>, vector<16xf32>,
      %mul3A_2278 = vector.broadcast %squeeze3A_2188 : f32 to vector<16xf32>
      %mul3A_2279 = arith.mulf %get3A_2277, %mul3A_2278 : vector<16xf32>
      %swap3A_2280 = arith.constant 19 : i32
      %swap3A_2281 = arith.index_cast %rem3A_193 : i32 to index
      %swap3A_2282 = arith.index_cast %swap3A_2280 : i32 to index
      %swap3A_2283 = arith.constant 112 : index
      %swap3A_2284 = tpu.vector_load %arg15[%swap3A_2281, %swap3A_2282, %swap3A_2283] {strides = array<i32>} : memref<3x32x128xf32, #tpu.memory_space<vmem>>, vector<16xf32>,
      tpu.vector_store %arg15[%swap3A_2281, %swap3A_2282, %swap3A_2283], %mul3A_2279 {strides = array<i32>} : memref<3x32x128xf32, #tpu.memory_space<vmem>>, vector<16xf32>,
      %slice3A_2285 = vector.extract_strided_slice %select_n3A_291 {offsets = [4], sizes = [1], strides = [1]} : vector<16xf32> to vector<1xf32>
      %squeeze3A_2286 = vector.extract %slice3A_2285[0] : f32 from vector<1xf32>
      %get3A_2287 = arith.constant 20 : i32
      %get3A_2288 = arith.index_cast %rem3A_193 : i32 to index
      %get3A_2289 = arith.index_cast %get3A_2287 : i32 to index
      %get3A_2290 = arith.constant 0 : index
      %get3A_2291 = tpu.vector_load %arg15[%get3A_2288, %get3A_2289, %get3A_2290] {strides = array<i32>} : memref<3x32x128xf32, #tpu.memory_space<vmem>>, vector<16xf32>,
      %mul3A_2292 = vector.broadcast %squeeze3A_2286 : f32 to vector<16xf32>
      %mul3A_2293 = arith.mulf %get3A_2291, %mul3A_2292 : vector<16xf32>
      %swap3A_2294 = arith.constant 20 : i32
      %swap3A_2295 = arith.index_cast %rem3A_193 : i32 to index
      %swap3A_2296 = arith.index_cast %swap3A_2294 : i32 to index
      %swap3A_2297 = arith.constant 0 : index
      %swap3A_2298 = tpu.vector_load %arg15[%swap3A_2295, %swap3A_2296, %swap3A_2297] {strides = array<i32>} : memref<3x32x128xf32, #tpu.memory_space<vmem>>, vector<16xf32>,
      tpu.vector_store %arg15[%swap3A_2295, %swap3A_2296, %swap3A_2297], %mul3A_2293 {strides = array<i32>} : memref<3x32x128xf32, #tpu.memory_space<vmem>>, vector<16xf32>,
      %get3A_2299 = arith.constant 20 : i32
      %get3A_2300 = arith.index_cast %rem3A_193 : i32 to index
      %get3A_2301 = arith.index_cast %get3A_2299 : i32 to index
      %get3A_2302 = arith.constant 16 : index
      %get3A_2303 = tpu.vector_load %arg15[%get3A_2300, %get3A_2301, %get3A_2302] {strides = array<i32>} : memref<3x32x128xf32, #tpu.memory_space<vmem>>, vector<16xf32>,
      %mul3A_2304 = vector.broadcast %squeeze3A_2286 : f32 to vector<16xf32>
      %mul3A_2305 = arith.mulf %get3A_2303, %mul3A_2304 : vector<16xf32>
      %swap3A_2306 = arith.constant 20 : i32
      %swap3A_2307 = arith.index_cast %rem3A_193 : i32 to index
      %swap3A_2308 = arith.index_cast %swap3A_2306 : i32 to index
      %swap3A_2309 = arith.constant 16 : index
      %swap3A_2310 = tpu.vector_load %arg15[%swap3A_2307, %swap3A_2308, %swap3A_2309] {strides = array<i32>} : memref<3x32x128xf32, #tpu.memory_space<vmem>>, vector<16xf32>,
      tpu.vector_store %arg15[%swap3A_2307, %swap3A_2308, %swap3A_2309], %mul3A_2305 {strides = array<i32>} : memref<3x32x128xf32, #tpu.memory_space<vmem>>, vector<16xf32>,
      %get3A_2311 = arith.constant 20 : i32
      %get3A_2312 = arith.index_cast %rem3A_193 : i32 to index
      %get3A_2313 = arith.index_cast %get3A_2311 : i32 to index
      %get3A_2314 = arith.constant 32 : index
      %get3A_2315 = tpu.vector_load %arg15[%get3A_2312, %get3A_2313, %get3A_2314] {strides = array<i32>} : memref<3x32x128xf32, #tpu.memory_space<vmem>>, vector<16xf32>,
      %mul3A_2316 = vector.broadcast %squeeze3A_2286 : f32 to vector<16xf32>
      %mul3A_2317 = arith.mulf %get3A_2315, %mul3A_2316 : vector<16xf32>
      %swap3A_2318 = arith.constant 20 : i32
      %swap3A_2319 = arith.index_cast %rem3A_193 : i32 to index
      %swap3A_2320 = arith.index_cast %swap3A_2318 : i32 to index
      %swap3A_2321 = arith.constant 32 : index
      %swap3A_2322 = tpu.vector_load %arg15[%swap3A_2319, %swap3A_2320, %swap3A_2321] {strides = array<i32>} : memref<3x32x128xf32, #tpu.memory_space<vmem>>, vector<16xf32>,
      tpu.vector_store %arg15[%swap3A_2319, %swap3A_2320, %swap3A_2321], %mul3A_2317 {strides = array<i32>} : memref<3x32x128xf32, #tpu.memory_space<vmem>>, vector<16xf32>,
      %get3A_2323 = arith.constant 20 : i32
      %get3A_2324 = arith.index_cast %rem3A_193 : i32 to index
      %get3A_2325 = arith.index_cast %get3A_2323 : i32 to index
      %get3A_2326 = arith.constant 48 : index
      %get3A_2327 = tpu.vector_load %arg15[%get3A_2324, %get3A_2325, %get3A_2326] {strides = array<i32>} : memref<3x32x128xf32, #tpu.memory_space<vmem>>, vector<16xf32>,
      %mul3A_2328 = vector.broadcast %squeeze3A_2286 : f32 to vector<16xf32>
      %mul3A_2329 = arith.mulf %get3A_2327, %mul3A_2328 : vector<16xf32>
      %swap3A_2330 = arith.constant 20 : i32
      %swap3A_2331 = arith.index_cast %rem3A_193 : i32 to index
      %swap3A_2332 = arith.index_cast %swap3A_2330 : i32 to index
      %swap3A_2333 = arith.constant 48 : index
      %swap3A_2334 = tpu.vector_load %arg15[%swap3A_2331, %swap3A_2332, %swap3A_2333] {strides = array<i32>} : memref<3x32x128xf32, #tpu.memory_space<vmem>>, vector<16xf32>,
      tpu.vector_store %arg15[%swap3A_2331, %swap3A_2332, %swap3A_2333], %mul3A_2329 {strides = array<i32>} : memref<3x32x128xf32, #tpu.memory_space<vmem>>, vector<16xf32>,
      %get3A_2335 = arith.constant 20 : i32
      %get3A_2336 = arith.index_cast %rem3A_193 : i32 to index
      %get3A_2337 = arith.index_cast %get3A_2335 : i32 to index
      %get3A_2338 = arith.constant 64 : index
      %get3A_2339 = tpu.vector_load %arg15[%get3A_2336, %get3A_2337, %get3A_2338] {strides = array<i32>} : memref<3x32x128xf32, #tpu.memory_space<vmem>>, vector<16xf32>,
      %mul3A_2340 = vector.broadcast %squeeze3A_2286 : f32 to vector<16xf32>
      %mul3A_2341 = arith.mulf %get3A_2339, %mul3A_2340 : vector<16xf32>
      %swap3A_2342 = arith.constant 20 : i32
      %swap3A_2343 = arith.index_cast %rem3A_193 : i32 to index
      %swap3A_2344 = arith.index_cast %swap3A_2342 : i32 to index
      %swap3A_2345 = arith.constant 64 : index
      %swap3A_2346 = tpu.vector_load %arg15[%swap3A_2343, %swap3A_2344, %swap3A_2345] {strides = array<i32>} : memref<3x32x128xf32, #tpu.memory_space<vmem>>, vector<16xf32>,
      tpu.vector_store %arg15[%swap3A_2343, %swap3A_2344, %swap3A_2345], %mul3A_2341 {strides = array<i32>} : memref<3x32x128xf32, #tpu.memory_space<vmem>>, vector<16xf32>,
      %get3A_2347 = arith.constant 20 : i32
      %get3A_2348 = arith.index_cast %rem3A_193 : i32 to index
      %get3A_2349 = arith.index_cast %get3A_2347 : i32 to index
      %get3A_2350 = arith.constant 80 : index
      %get3A_2351 = tpu.vector_load %arg15[%get3A_2348, %get3A_2349, %get3A_2350] {strides = array<i32>} : memref<3x32x128xf32, #tpu.memory_space<vmem>>, vector<16xf32>,
      %mul3A_2352 = vector.broadcast %squeeze3A_2286 : f32 to vector<16xf32>
      %mul3A_2353 = arith.mulf %get3A_2351, %mul3A_2352 : vector<16xf32>
      %swap3A_2354 = arith.constant 20 : i32
      %swap3A_2355 = arith.index_cast %rem3A_193 : i32 to index
      %swap3A_2356 = arith.index_cast %swap3A_2354 : i32 to index
      %swap3A_2357 = arith.constant 80 : index
      %swap3A_2358 = tpu.vector_load %arg15[%swap3A_2355, %swap3A_2356, %swap3A_2357] {strides = array<i32>} : memref<3x32x128xf32, #tpu.memory_space<vmem>>, vector<16xf32>,
      tpu.vector_store %arg15[%swap3A_2355, %swap3A_2356, %swap3A_2357], %mul3A_2353 {strides = array<i32>} : memref<3x32x128xf32, #tpu.memory_space<vmem>>, vector<16xf32>,
      %get3A_2359 = arith.constant 20 : i32
      %get3A_2360 = arith.index_cast %rem3A_193 : i32 to index
      %get3A_2361 = arith.index_cast %get3A_2359 : i32 to index
      %get3A_2362 = arith.constant 96 : index
      %get3A_2363 = tpu.vector_load %arg15[%get3A_2360, %get3A_2361, %get3A_2362] {strides = array<i32>} : memref<3x32x128xf32, #tpu.memory_space<vmem>>, vector<16xf32>,
      %mul3A_2364 = vector.broadcast %squeeze3A_2286 : f32 to vector<16xf32>
      %mul3A_2365 = arith.mulf %get3A_2363, %mul3A_2364 : vector<16xf32>
      %swap3A_2366 = arith.constant 20 : i32
      %swap3A_2367 = arith.index_cast %rem3A_193 : i32 to index
      %swap3A_2368 = arith.index_cast %swap3A_2366 : i32 to index
      %swap3A_2369 = arith.constant 96 : index
      %swap3A_2370 = tpu.vector_load %arg15[%swap3A_2367, %swap3A_2368, %swap3A_2369] {strides = array<i32>} : memref<3x32x128xf32, #tpu.memory_space<vmem>>, vector<16xf32>,
      tpu.vector_store %arg15[%swap3A_2367, %swap3A_2368, %swap3A_2369], %mul3A_2365 {strides = array<i32>} : memref<3x32x128xf32, #tpu.memory_space<vmem>>, vector<16xf32>,
      %get3A_2371 = arith.constant 20 : i32
      %get3A_2372 = arith.index_cast %rem3A_193 : i32 to index
      %get3A_2373 = arith.index_cast %get3A_2371 : i32 to index
      %get3A_2374 = arith.constant 112 : index
      %get3A_2375 = tpu.vector_load %arg15[%get3A_2372, %get3A_2373, %get3A_2374] {strides = array<i32>} : memref<3x32x128xf32, #tpu.memory_space<vmem>>, vector<16xf32>,
      %mul3A_2376 = vector.broadcast %squeeze3A_2286 : f32 to vector<16xf32>
      %mul3A_2377 = arith.mulf %get3A_2375, %mul3A_2376 : vector<16xf32>
      %swap3A_2378 = arith.constant 20 : i32
      %swap3A_2379 = arith.index_cast %rem3A_193 : i32 to index
      %swap3A_2380 = arith.index_cast %swap3A_2378 : i32 to index
      %swap3A_2381 = arith.constant 112 : index
      %swap3A_2382 = tpu.vector_load %arg15[%swap3A_2379, %swap3A_2380, %swap3A_2381] {strides = array<i32>} : memref<3x32x128xf32, #tpu.memory_space<vmem>>, vector<16xf32>,
      tpu.vector_store %arg15[%swap3A_2379, %swap3A_2380, %swap3A_2381], %mul3A_2377 {strides = array<i32>} : memref<3x32x128xf32, #tpu.memory_space<vmem>>, vector<16xf32>,
      %slice3A_2383 = vector.extract_strided_slice %select_n3A_291 {offsets = [5], sizes = [1], strides = [1]} : vector<16xf32> to vector<1xf32>
      %squeeze3A_2384 = vector.extract %slice3A_2383[0] : f32 from vector<1xf32>
      %get3A_2385 = arith.constant 21 : i32
      %get3A_2386 = arith.index_cast %rem3A_193 : i32 to index
      %get3A_2387 = arith.index_cast %get3A_2385 : i32 to index
      %get3A_2388 = arith.constant 0 : index
      %get3A_2389 = tpu.vector_load %arg15[%get3A_2386, %get3A_2387, %get3A_2388] {strides = array<i32>} : memref<3x32x128xf32, #tpu.memory_space<vmem>>, vector<16xf32>,
      %mul3A_2390 = vector.broadcast %squeeze3A_2384 : f32 to vector<16xf32>
      %mul3A_2391 = arith.mulf %get3A_2389, %mul3A_2390 : vector<16xf32>
      %swap3A_2392 = arith.constant 21 : i32
      %swap3A_2393 = arith.index_cast %rem3A_193 : i32 to index
      %swap3A_2394 = arith.index_cast %swap3A_2392 : i32 to index
      %swap3A_2395 = arith.constant 0 : index
      %swap3A_2396 = tpu.vector_load %arg15[%swap3A_2393, %swap3A_2394, %swap3A_2395] {strides = array<i32>} : memref<3x32x128xf32, #tpu.memory_space<vmem>>, vector<16xf32>,
      tpu.vector_store %arg15[%swap3A_2393, %swap3A_2394, %swap3A_2395], %mul3A_2391 {strides = array<i32>} : memref<3x32x128xf32, #tpu.memory_space<vmem>>, vector<16xf32>,
      %get3A_2397 = arith.constant 21 : i32
      %get3A_2398 = arith.index_cast %rem3A_193 : i32 to index
      %get3A_2399 = arith.index_cast %get3A_2397 : i32 to index
      %get3A_2400 = arith.constant 16 : index
      %get3A_2401 = tpu.vector_load %arg15[%get3A_2398, %get3A_2399, %get3A_2400] {strides = array<i32>} : memref<3x32x128xf32, #tpu.memory_space<vmem>>, vector<16xf32>,
      %mul3A_2402 = vector.broadcast %squeeze3A_2384 : f32 to vector<16xf32>
      %mul3A_2403 = arith.mulf %get3A_2401, %mul3A_2402 : vector<16xf32>
      %swap3A_2404 = arith.constant 21 : i32
      %swap3A_2405 = arith.index_cast %rem3A_193 : i32 to index
      %swap3A_2406 = arith.index_cast %swap3A_2404 : i32 to index
      %swap3A_2407 = arith.constant 16 : index
      %swap3A_2408 = tpu.vector_load %arg15[%swap3A_2405, %swap3A_2406, %swap3A_2407] {strides = array<i32>} : memref<3x32x128xf32, #tpu.memory_space<vmem>>, vector<16xf32>,
      tpu.vector_store %arg15[%swap3A_2405, %swap3A_2406, %swap3A_2407], %mul3A_2403 {strides = array<i32>} : memref<3x32x128xf32, #tpu.memory_space<vmem>>, vector<16xf32>,
      %get3A_2409 = arith.constant 21 : i32
      %get3A_2410 = arith.index_cast %rem3A_193 : i32 to index
      %get3A_2411 = arith.index_cast %get3A_2409 : i32 to index
      %get3A_2412 = arith.constant 32 : index
      %get3A_2413 = tpu.vector_load %arg15[%get3A_2410, %get3A_2411, %get3A_2412] {strides = array<i32>} : memref<3x32x128xf32, #tpu.memory_space<vmem>>, vector<16xf32>,
      %mul3A_2414 = vector.broadcast %squeeze3A_2384 : f32 to vector<16xf32>
      %mul3A_2415 = arith.mulf %get3A_2413, %mul3A_2414 : vector<16xf32>
      %swap3A_2416 = arith.constant 21 : i32
      %swap3A_2417 = arith.index_cast %rem3A_193 : i32 to index
      %swap3A_2418 = arith.index_cast %swap3A_2416 : i32 to index
      %swap3A_2419 = arith.constant 32 : index
      %swap3A_2420 = tpu.vector_load %arg15[%swap3A_2417, %swap3A_2418, %swap3A_2419] {strides = array<i32>} : memref<3x32x128xf32, #tpu.memory_space<vmem>>, vector<16xf32>,
      tpu.vector_store %arg15[%swap3A_2417, %swap3A_2418, %swap3A_2419], %mul3A_2415 {strides = array<i32>} : memref<3x32x128xf32, #tpu.memory_space<vmem>>, vector<16xf32>,
      %get3A_2421 = arith.constant 21 : i32
      %get3A_2422 = arith.index_cast %rem3A_193 : i32 to index
      %get3A_2423 = arith.index_cast %get3A_2421 : i32 to index
      %get3A_2424 = arith.constant 48 : index
      %get3A_2425 = tpu.vector_load %arg15[%get3A_2422, %get3A_2423, %get3A_2424] {strides = array<i32>} : memref<3x32x128xf32, #tpu.memory_space<vmem>>, vector<16xf32>,
      %mul3A_2426 = vector.broadcast %squeeze3A_2384 : f32 to vector<16xf32>
      %mul3A_2427 = arith.mulf %get3A_2425, %mul3A_2426 : vector<16xf32>
      %swap3A_2428 = arith.constant 21 : i32
      %swap3A_2429 = arith.index_cast %rem3A_193 : i32 to index
      %swap3A_2430 = arith.index_cast %swap3A_2428 : i32 to index
      %swap3A_2431 = arith.constant 48 : index
      %swap3A_2432 = tpu.vector_load %arg15[%swap3A_2429, %swap3A_2430, %swap3A_2431] {strides = array<i32>} : memref<3x32x128xf32, #tpu.memory_space<vmem>>, vector<16xf32>,
      tpu.vector_store %arg15[%swap3A_2429, %swap3A_2430, %swap3A_2431], %mul3A_2427 {strides = array<i32>} : memref<3x32x128xf32, #tpu.memory_space<vmem>>, vector<16xf32>,
      %get3A_2433 = arith.constant 21 : i32
      %get3A_2434 = arith.index_cast %rem3A_193 : i32 to index
      %get3A_2435 = arith.index_cast %get3A_2433 : i32 to index
      %get3A_2436 = arith.constant 64 : index
      %get3A_2437 = tpu.vector_load %arg15[%get3A_2434, %get3A_2435, %get3A_2436] {strides = array<i32>} : memref<3x32x128xf32, #tpu.memory_space<vmem>>, vector<16xf32>,
      %mul3A_2438 = vector.broadcast %squeeze3A_2384 : f32 to vector<16xf32>
      %mul3A_2439 = arith.mulf %get3A_2437, %mul3A_2438 : vector<16xf32>
      %swap3A_2440 = arith.constant 21 : i32
      %swap3A_2441 = arith.index_cast %rem3A_193 : i32 to index
      %swap3A_2442 = arith.index_cast %swap3A_2440 : i32 to index
      %swap3A_2443 = arith.constant 64 : index
      %swap3A_2444 = tpu.vector_load %arg15[%swap3A_2441, %swap3A_2442, %swap3A_2443] {strides = array<i32>} : memref<3x32x128xf32, #tpu.memory_space<vmem>>, vector<16xf32>,
      tpu.vector_store %arg15[%swap3A_2441, %swap3A_2442, %swap3A_2443], %mul3A_2439 {strides = array<i32>} : memref<3x32x128xf32, #tpu.memory_space<vmem>>, vector<16xf32>,
      %get3A_2445 = arith.constant 21 : i32
      %get3A_2446 = arith.index_cast %rem3A_193 : i32 to index
      %get3A_2447 = arith.index_cast %get3A_2445 : i32 to index
      %get3A_2448 = arith.constant 80 : index
      %get3A_2449 = tpu.vector_load %arg15[%get3A_2446, %get3A_2447, %get3A_2448] {strides = array<i32>} : memref<3x32x128xf32, #tpu.memory_space<vmem>>, vector<16xf32>,
      %mul3A_2450 = vector.broadcast %squeeze3A_2384 : f32 to vector<16xf32>
      %mul3A_2451 = arith.mulf %get3A_2449, %mul3A_2450 : vector<16xf32>
      %swap3A_2452 = arith.constant 21 : i32
      %swap3A_2453 = arith.index_cast %rem3A_193 : i32 to index
      %swap3A_2454 = arith.index_cast %swap3A_2452 : i32 to index
      %swap3A_2455 = arith.constant 80 : index
      %swap3A_2456 = tpu.vector_load %arg15[%swap3A_2453, %swap3A_2454, %swap3A_2455] {strides = array<i32>} : memref<3x32x128xf32, #tpu.memory_space<vmem>>, vector<16xf32>,
      tpu.vector_store %arg15[%swap3A_2453, %swap3A_2454, %swap3A_2455], %mul3A_2451 {strides = array<i32>} : memref<3x32x128xf32, #tpu.memory_space<vmem>>, vector<16xf32>,
      %get3A_2457 = arith.constant 21 : i32
      %get3A_2458 = arith.index_cast %rem3A_193 : i32 to index
      %get3A_2459 = arith.index_cast %get3A_2457 : i32 to index
      %get3A_2460 = arith.constant 96 : index
      %get3A_2461 = tpu.vector_load %arg15[%get3A_2458, %get3A_2459, %get3A_2460] {strides = array<i32>} : memref<3x32x128xf32, #tpu.memory_space<vmem>>, vector<16xf32>,
      %mul3A_2462 = vector.broadcast %squeeze3A_2384 : f32 to vector<16xf32>
      %mul3A_2463 = arith.mulf %get3A_2461, %mul3A_2462 : vector<16xf32>
      %swap3A_2464 = arith.constant 21 : i32
      %swap3A_2465 = arith.index_cast %rem3A_193 : i32 to index
      %swap3A_2466 = arith.index_cast %swap3A_2464 : i32 to index
      %swap3A_2467 = arith.constant 96 : index
      %swap3A_2468 = tpu.vector_load %arg15[%swap3A_2465, %swap3A_2466, %swap3A_2467] {strides = array<i32>} : memref<3x32x128xf32, #tpu.memory_space<vmem>>, vector<16xf32>,
      tpu.vector_store %arg15[%swap3A_2465, %swap3A_2466, %swap3A_2467], %mul3A_2463 {strides = array<i32>} : memref<3x32x128xf32, #tpu.memory_space<vmem>>, vector<16xf32>,
      %get3A_2469 = arith.constant 21 : i32
      %get3A_2470 = arith.index_cast %rem3A_193 : i32 to index
      %get3A_2471 = arith.index_cast %get3A_2469 : i32 to index
      %get3A_2472 = arith.constant 112 : index
      %get3A_2473 = tpu.vector_load %arg15[%get3A_2470, %get3A_2471, %get3A_2472] {strides = array<i32>} : memref<3x32x128xf32, #tpu.memory_space<vmem>>, vector<16xf32>,
      %mul3A_2474 = vector.broadcast %squeeze3A_2384 : f32 to vector<16xf32>
      %mul3A_2475 = arith.mulf %get3A_2473, %mul3A_2474 : vector<16xf32>
      %swap3A_2476 = arith.constant 21 : i32
      %swap3A_2477 = arith.index_cast %rem3A_193 : i32 to index
      %swap3A_2478 = arith.index_cast %swap3A_2476 : i32 to index
      %swap3A_2479 = arith.constant 112 : index
      %swap3A_2480 = tpu.vector_load %arg15[%swap3A_2477, %swap3A_2478, %swap3A_2479] {strides = array<i32>} : memref<3x32x128xf32, #tpu.memory_space<vmem>>, vector<16xf32>,
      tpu.vector_store %arg15[%swap3A_2477, %swap3A_2478, %swap3A_2479], %mul3A_2475 {strides = array<i32>} : memref<3x32x128xf32, #tpu.memory_space<vmem>>, vector<16xf32>,
      %slice3A_2481 = vector.extract_strided_slice %select_n3A_291 {offsets = [6], sizes = [1], strides = [1]} : vector<16xf32> to vector<1xf32>
      %squeeze3A_2482 = vector.extract %slice3A_2481[0] : f32 from vector<1xf32>
      %get3A_2483 = arith.constant 22 : i32
      %get3A_2484 = arith.index_cast %rem3A_193 : i32 to index
      %get3A_2485 = arith.index_cast %get3A_2483 : i32 to index
      %get3A_2486 = arith.constant 0 : index
      %get3A_2487 = tpu.vector_load %arg15[%get3A_2484, %get3A_2485, %get3A_2486] {strides = array<i32>} : memref<3x32x128xf32, #tpu.memory_space<vmem>>, vector<16xf32>,
      %mul3A_2488 = vector.broadcast %squeeze3A_2482 : f32 to vector<16xf32>
      %mul3A_2489 = arith.mulf %get3A_2487, %mul3A_2488 : vector<16xf32>
      %swap3A_2490 = arith.constant 22 : i32
      %swap3A_2491 = arith.index_cast %rem3A_193 : i32 to index
      %swap3A_2492 = arith.index_cast %swap3A_2490 : i32 to index
      %swap3A_2493 = arith.constant 0 : index
      %swap3A_2494 = tpu.vector_load %arg15[%swap3A_2491, %swap3A_2492, %swap3A_2493] {strides = array<i32>} : memref<3x32x128xf32, #tpu.memory_space<vmem>>, vector<16xf32>,
      tpu.vector_store %arg15[%swap3A_2491, %swap3A_2492, %swap3A_2493], %mul3A_2489 {strides = array<i32>} : memref<3x32x128xf32, #tpu.memory_space<vmem>>, vector<16xf32>,
      %get3A_2495 = arith.constant 22 : i32
      %get3A_2496 = arith.index_cast %rem3A_193 : i32 to index
      %get3A_2497 = arith.index_cast %get3A_2495 : i32 to index
      %get3A_2498 = arith.constant 16 : index
      %get3A_2499 = tpu.vector_load %arg15[%get3A_2496, %get3A_2497, %get3A_2498] {strides = array<i32>} : memref<3x32x128xf32, #tpu.memory_space<vmem>>, vector<16xf32>,
      %mul3A_2500 = vector.broadcast %squeeze3A_2482 : f32 to vector<16xf32>
      %mul3A_2501 = arith.mulf %get3A_2499, %mul3A_2500 : vector<16xf32>
      %swap3A_2502 = arith.constant 22 : i32
      %swap3A_2503 = arith.index_cast %rem3A_193 : i32 to index
      %swap3A_2504 = arith.index_cast %swap3A_2502 : i32 to index
      %swap3A_2505 = arith.constant 16 : index
      %swap3A_2506 = tpu.vector_load %arg15[%swap3A_2503, %swap3A_2504, %swap3A_2505] {strides = array<i32>} : memref<3x32x128xf32, #tpu.memory_space<vmem>>, vector<16xf32>,
      tpu.vector_store %arg15[%swap3A_2503, %swap3A_2504, %swap3A_2505], %mul3A_2501 {strides = array<i32>} : memref<3x32x128xf32, #tpu.memory_space<vmem>>, vector<16xf32>,
      %get3A_2507 = arith.constant 22 : i32
      %get3A_2508 = arith.index_cast %rem3A_193 : i32 to index
      %get3A_2509 = arith.index_cast %get3A_2507 : i32 to index
      %get3A_2510 = arith.constant 32 : index
      %get3A_2511 = tpu.vector_load %arg15[%get3A_2508, %get3A_2509, %get3A_2510] {strides = array<i32>} : memref<3x32x128xf32, #tpu.memory_space<vmem>>, vector<16xf32>,
      %mul3A_2512 = vector.broadcast %squeeze3A_2482 : f32 to vector<16xf32>
      %mul3A_2513 = arith.mulf %get3A_2511, %mul3A_2512 : vector<16xf32>
      %swap3A_2514 = arith.constant 22 : i32
      %swap3A_2515 = arith.index_cast %rem3A_193 : i32 to index
      %swap3A_2516 = arith.index_cast %swap3A_2514 : i32 to index
      %swap3A_2517 = arith.constant 32 : index
      %swap3A_2518 = tpu.vector_load %arg15[%swap3A_2515, %swap3A_2516, %swap3A_2517] {strides = array<i32>} : memref<3x32x128xf32, #tpu.memory_space<vmem>>, vector<16xf32>,
      tpu.vector_store %arg15[%swap3A_2515, %swap3A_2516, %swap3A_2517], %mul3A_2513 {strides = array<i32>} : memref<3x32x128xf32, #tpu.memory_space<vmem>>, vector<16xf32>,
      %get3A_2519 = arith.constant 22 : i32
      %get3A_2520 = arith.index_cast %rem3A_193 : i32 to index
      %get3A_2521 = arith.index_cast %get3A_2519 : i32 to index
      %get3A_2522 = arith.constant 48 : index
      %get3A_2523 = tpu.vector_load %arg15[%get3A_2520, %get3A_2521, %get3A_2522] {strides = array<i32>} : memref<3x32x128xf32, #tpu.memory_space<vmem>>, vector<16xf32>,
      %mul3A_2524 = vector.broadcast %squeeze3A_2482 : f32 to vector<16xf32>
      %mul3A_2525 = arith.mulf %get3A_2523, %mul3A_2524 : vector<16xf32>
      %swap3A_2526 = arith.constant 22 : i32
      %swap3A_2527 = arith.index_cast %rem3A_193 : i32 to index
      %swap3A_2528 = arith.index_cast %swap3A_2526 : i32 to index
      %swap3A_2529 = arith.constant 48 : index
      %swap3A_2530 = tpu.vector_load %arg15[%swap3A_2527, %swap3A_2528, %swap3A_2529] {strides = array<i32>} : memref<3x32x128xf32, #tpu.memory_space<vmem>>, vector<16xf32>,
      tpu.vector_store %arg15[%swap3A_2527, %swap3A_2528, %swap3A_2529], %mul3A_2525 {strides = array<i32>} : memref<3x32x128xf32, #tpu.memory_space<vmem>>, vector<16xf32>,
      %get3A_2531 = arith.constant 22 : i32
      %get3A_2532 = arith.index_cast %rem3A_193 : i32 to index
      %get3A_2533 = arith.index_cast %get3A_2531 : i32 to index
      %get3A_2534 = arith.constant 64 : index
      %get3A_2535 = tpu.vector_load %arg15[%get3A_2532, %get3A_2533, %get3A_2534] {strides = array<i32>} : memref<3x32x128xf32, #tpu.memory_space<vmem>>, vector<16xf32>,
      %mul3A_2536 = vector.broadcast %squeeze3A_2482 : f32 to vector<16xf32>
      %mul3A_2537 = arith.mulf %get3A_2535, %mul3A_2536 : vector<16xf32>
      %swap3A_2538 = arith.constant 22 : i32
      %swap3A_2539 = arith.index_cast %rem3A_193 : i32 to index
      %swap3A_2540 = arith.index_cast %swap3A_2538 : i32 to index
      %swap3A_2541 = arith.constant 64 : index
      %swap3A_2542 = tpu.vector_load %arg15[%swap3A_2539, %swap3A_2540, %swap3A_2541] {strides = array<i32>} : memref<3x32x128xf32, #tpu.memory_space<vmem>>, vector<16xf32>,
      tpu.vector_store %arg15[%swap3A_2539, %swap3A_2540, %swap3A_2541], %mul3A_2537 {strides = array<i32>} : memref<3x32x128xf32, #tpu.memory_space<vmem>>, vector<16xf32>,
      %get3A_2543 = arith.constant 22 : i32
      %get3A_2544 = arith.index_cast %rem3A_193 : i32 to index
      %get3A_2545 = arith.index_cast %get3A_2543 : i32 to index
      %get3A_2546 = arith.constant 80 : index
      %get3A_2547 = tpu.vector_load %arg15[%get3A_2544, %get3A_2545, %get3A_2546] {strides = array<i32>} : memref<3x32x128xf32, #tpu.memory_space<vmem>>, vector<16xf32>,
      %mul3A_2548 = vector.broadcast %squeeze3A_2482 : f32 to vector<16xf32>
      %mul3A_2549 = arith.mulf %get3A_2547, %mul3A_2548 : vector<16xf32>
      %swap3A_2550 = arith.constant 22 : i32
      %swap3A_2551 = arith.index_cast %rem3A_193 : i32 to index
      %swap3A_2552 = arith.index_cast %swap3A_2550 : i32 to index
      %swap3A_2553 = arith.constant 80 : index
      %swap3A_2554 = tpu.vector_load %arg15[%swap3A_2551, %swap3A_2552, %swap3A_2553] {strides = array<i32>} : memref<3x32x128xf32, #tpu.memory_space<vmem>>, vector<16xf32>,
      tpu.vector_store %arg15[%swap3A_2551, %swap3A_2552, %swap3A_2553], %mul3A_2549 {strides = array<i32>} : memref<3x32x128xf32, #tpu.memory_space<vmem>>, vector<16xf32>,
      %get3A_2555 = arith.constant 22 : i32
      %get3A_2556 = arith.index_cast %rem3A_193 : i32 to index
      %get3A_2557 = arith.index_cast %get3A_2555 : i32 to index
      %get3A_2558 = arith.constant 96 : index
      %get3A_2559 = tpu.vector_load %arg15[%get3A_2556, %get3A_2557, %get3A_2558] {strides = array<i32>} : memref<3x32x128xf32, #tpu.memory_space<vmem>>, vector<16xf32>,
      %mul3A_2560 = vector.broadcast %squeeze3A_2482 : f32 to vector<16xf32>
      %mul3A_2561 = arith.mulf %get3A_2559, %mul3A_2560 : vector<16xf32>
      %swap3A_2562 = arith.constant 22 : i32
      %swap3A_2563 = arith.index_cast %rem3A_193 : i32 to index
      %swap3A_2564 = arith.index_cast %swap3A_2562 : i32 to index
      %swap3A_2565 = arith.constant 96 : index
      %swap3A_2566 = tpu.vector_load %arg15[%swap3A_2563, %swap3A_2564, %swap3A_2565] {strides = array<i32>} : memref<3x32x128xf32, #tpu.memory_space<vmem>>, vector<16xf32>,
      tpu.vector_store %arg15[%swap3A_2563, %swap3A_2564, %swap3A_2565], %mul3A_2561 {strides = array<i32>} : memref<3x32x128xf32, #tpu.memory_space<vmem>>, vector<16xf32>,
      %get3A_2567 = arith.constant 22 : i32
      %get3A_2568 = arith.index_cast %rem3A_193 : i32 to index
      %get3A_2569 = arith.index_cast %get3A_2567 : i32 to index
      %get3A_2570 = arith.constant 112 : index
      %get3A_2571 = tpu.vector_load %arg15[%get3A_2568, %get3A_2569, %get3A_2570] {strides = array<i32>} : memref<3x32x128xf32, #tpu.memory_space<vmem>>, vector<16xf32>,
      %mul3A_2572 = vector.broadcast %squeeze3A_2482 : f32 to vector<16xf32>
      %mul3A_2573 = arith.mulf %get3A_2571, %mul3A_2572 : vector<16xf32>
      %swap3A_2574 = arith.constant 22 : i32
      %swap3A_2575 = arith.index_cast %rem3A_193 : i32 to index
      %swap3A_2576 = arith.index_cast %swap3A_2574 : i32 to index
      %swap3A_2577 = arith.constant 112 : index
      %swap3A_2578 = tpu.vector_load %arg15[%swap3A_2575, %swap3A_2576, %swap3A_2577] {strides = array<i32>} : memref<3x32x128xf32, #tpu.memory_space<vmem>>, vector<16xf32>,
      tpu.vector_store %arg15[%swap3A_2575, %swap3A_2576, %swap3A_2577], %mul3A_2573 {strides = array<i32>} : memref<3x32x128xf32, #tpu.memory_space<vmem>>, vector<16xf32>,
      %slice3A_2579 = vector.extract_strided_slice %select_n3A_291 {offsets = [7], sizes = [1], strides = [1]} : vector<16xf32> to vector<1xf32>
      %squeeze3A_2580 = vector.extract %slice3A_2579[0] : f32 from vector<1xf32>
      %get3A_2581 = arith.constant 23 : i32
      %get3A_2582 = arith.index_cast %rem3A_193 : i32 to index
      %get3A_2583 = arith.index_cast %get3A_2581 : i32 to index
      %get3A_2584 = arith.constant 0 : index
      %get3A_2585 = tpu.vector_load %arg15[%get3A_2582, %get3A_2583, %get3A_2584] {strides = array<i32>} : memref<3x32x128xf32, #tpu.memory_space<vmem>>, vector<16xf32>,
      %mul3A_2586 = vector.broadcast %squeeze3A_2580 : f32 to vector<16xf32>
      %mul3A_2587 = arith.mulf %get3A_2585, %mul3A_2586 : vector<16xf32>
      %swap3A_2588 = arith.constant 23 : i32
      %swap3A_2589 = arith.index_cast %rem3A_193 : i32 to index
      %swap3A_2590 = arith.index_cast %swap3A_2588 : i32 to index
      %swap3A_2591 = arith.constant 0 : index
      %swap3A_2592 = tpu.vector_load %arg15[%swap3A_2589, %swap3A_2590, %swap3A_2591] {strides = array<i32>} : memref<3x32x128xf32, #tpu.memory_space<vmem>>, vector<16xf32>,
      tpu.vector_store %arg15[%swap3A_2589, %swap3A_2590, %swap3A_2591], %mul3A_2587 {strides = array<i32>} : memref<3x32x128xf32, #tpu.memory_space<vmem>>, vector<16xf32>,
      %get3A_2593 = arith.constant 23 : i32
      %get3A_2594 = arith.index_cast %rem3A_193 : i32 to index
      %get3A_2595 = arith.index_cast %get3A_2593 : i32 to index
      %get3A_2596 = arith.constant 16 : index
      %get3A_2597 = tpu.vector_load %arg15[%get3A_2594, %get3A_2595, %get3A_2596] {strides = array<i32>} : memref<3x32x128xf32, #tpu.memory_space<vmem>>, vector<16xf32>,
      %mul3A_2598 = vector.broadcast %squeeze3A_2580 : f32 to vector<16xf32>
      %mul3A_2599 = arith.mulf %get3A_2597, %mul3A_2598 : vector<16xf32>
      %swap3A_2600 = arith.constant 23 : i32
      %swap3A_2601 = arith.index_cast %rem3A_193 : i32 to index
      %swap3A_2602 = arith.index_cast %swap3A_2600 : i32 to index
      %swap3A_2603 = arith.constant 16 : index
      %swap3A_2604 = tpu.vector_load %arg15[%swap3A_2601, %swap3A_2602, %swap3A_2603] {strides = array<i32>} : memref<3x32x128xf32, #tpu.memory_space<vmem>>, vector<16xf32>,
      tpu.vector_store %arg15[%swap3A_2601, %swap3A_2602, %swap3A_2603], %mul3A_2599 {strides = array<i32>} : memref<3x32x128xf32, #tpu.memory_space<vmem>>, vector<16xf32>,
      %get3A_2605 = arith.constant 23 : i32
      %get3A_2606 = arith.index_cast %rem3A_193 : i32 to index
      %get3A_2607 = arith.index_cast %get3A_2605 : i32 to index
      %get3A_2608 = arith.constant 32 : index
      %get3A_2609 = tpu.vector_load %arg15[%get3A_2606, %get3A_2607, %get3A_2608] {strides = array<i32>} : memref<3x32x128xf32, #tpu.memory_space<vmem>>, vector<16xf32>,
      %mul3A_2610 = vector.broadcast %squeeze3A_2580 : f32 to vector<16xf32>
      %mul3A_2611 = arith.mulf %get3A_2609, %mul3A_2610 : vector<16xf32>
      %swap3A_2612 = arith.constant 23 : i32
      %swap3A_2613 = arith.index_cast %rem3A_193 : i32 to index
      %swap3A_2614 = arith.index_cast %swap3A_2612 : i32 to index
      %swap3A_2615 = arith.constant 32 : index
      %swap3A_2616 = tpu.vector_load %arg15[%swap3A_2613, %swap3A_2614, %swap3A_2615] {strides = array<i32>} : memref<3x32x128xf32, #tpu.memory_space<vmem>>, vector<16xf32>,
      tpu.vector_store %arg15[%swap3A_2613, %swap3A_2614, %swap3A_2615], %mul3A_2611 {strides = array<i32>} : memref<3x32x128xf32, #tpu.memory_space<vmem>>, vector<16xf32>,
      %get3A_2617 = arith.constant 23 : i32
      %get3A_2618 = arith.index_cast %rem3A_193 : i32 to index
      %get3A_2619 = arith.index_cast %get3A_2617 : i32 to index
      %get3A_2620 = arith.constant 48 : index
      %get3A_2621 = tpu.vector_load %arg15[%get3A_2618, %get3A_2619, %get3A_2620] {strides = array<i32>} : memref<3x32x128xf32, #tpu.memory_space<vmem>>, vector<16xf32>,
      %mul3A_2622 = vector.broadcast %squeeze3A_2580 : f32 to vector<16xf32>
      %mul3A_2623 = arith.mulf %get3A_2621, %mul3A_2622 : vector<16xf32>
      %swap3A_2624 = arith.constant 23 : i32
      %swap3A_2625 = arith.index_cast %rem3A_193 : i32 to index
      %swap3A_2626 = arith.index_cast %swap3A_2624 : i32 to index
      %swap3A_2627 = arith.constant 48 : index
      %swap3A_2628 = tpu.vector_load %arg15[%swap3A_2625, %swap3A_2626, %swap3A_2627] {strides = array<i32>} : memref<3x32x128xf32, #tpu.memory_space<vmem>>, vector<16xf32>,
      tpu.vector_store %arg15[%swap3A_2625, %swap3A_2626, %swap3A_2627], %mul3A_2623 {strides = array<i32>} : memref<3x32x128xf32, #tpu.memory_space<vmem>>, vector<16xf32>,
      %get3A_2629 = arith.constant 23 : i32
      %get3A_2630 = arith.index_cast %rem3A_193 : i32 to index
      %get3A_2631 = arith.index_cast %get3A_2629 : i32 to index
      %get3A_2632 = arith.constant 64 : index
      %get3A_2633 = tpu.vector_load %arg15[%get3A_2630, %get3A_2631, %get3A_2632] {strides = array<i32>} : memref<3x32x128xf32, #tpu.memory_space<vmem>>, vector<16xf32>,
      %mul3A_2634 = vector.broadcast %squeeze3A_2580 : f32 to vector<16xf32>
      %mul3A_2635 = arith.mulf %get3A_2633, %mul3A_2634 : vector<16xf32>
      %swap3A_2636 = arith.constant 23 : i32
      %swap3A_2637 = arith.index_cast %rem3A_193 : i32 to index
      %swap3A_2638 = arith.index_cast %swap3A_2636 : i32 to index
      %swap3A_2639 = arith.constant 64 : index
      %swap3A_2640 = tpu.vector_load %arg15[%swap3A_2637, %swap3A_2638, %swap3A_2639] {strides = array<i32>} : memref<3x32x128xf32, #tpu.memory_space<vmem>>, vector<16xf32>,
      tpu.vector_store %arg15[%swap3A_2637, %swap3A_2638, %swap3A_2639], %mul3A_2635 {strides = array<i32>} : memref<3x32x128xf32, #tpu.memory_space<vmem>>, vector<16xf32>,
      %get3A_2641 = arith.constant 23 : i32
      %get3A_2642 = arith.index_cast %rem3A_193 : i32 to index
      %get3A_2643 = arith.index_cast %get3A_2641 : i32 to index
      %get3A_2644 = arith.constant 80 : index
      %get3A_2645 = tpu.vector_load %arg15[%get3A_2642, %get3A_2643, %get3A_2644] {strides = array<i32>} : memref<3x32x128xf32, #tpu.memory_space<vmem>>, vector<16xf32>,
      %mul3A_2646 = vector.broadcast %squeeze3A_2580 : f32 to vector<16xf32>
      %mul3A_2647 = arith.mulf %get3A_2645, %mul3A_2646 : vector<16xf32>
      %swap3A_2648 = arith.constant 23 : i32
      %swap3A_2649 = arith.index_cast %rem3A_193 : i32 to index
      %swap3A_2650 = arith.index_cast %swap3A_2648 : i32 to index
      %swap3A_2651 = arith.constant 80 : index
      %swap3A_2652 = tpu.vector_load %arg15[%swap3A_2649, %swap3A_2650, %swap3A_2651] {strides = array<i32>} : memref<3x32x128xf32, #tpu.memory_space<vmem>>, vector<16xf32>,
      tpu.vector_store %arg15[%swap3A_2649, %swap3A_2650, %swap3A_2651], %mul3A_2647 {strides = array<i32>} : memref<3x32x128xf32, #tpu.memory_space<vmem>>, vector<16xf32>,
      %get3A_2653 = arith.constant 23 : i32
      %get3A_2654 = arith.index_cast %rem3A_193 : i32 to index
      %get3A_2655 = arith.index_cast %get3A_2653 : i32 to index
      %get3A_2656 = arith.constant 96 : index
      %get3A_2657 = tpu.vector_load %arg15[%get3A_2654, %get3A_2655, %get3A_2656] {strides = array<i32>} : memref<3x32x128xf32, #tpu.memory_space<vmem>>, vector<16xf32>,
      %mul3A_2658 = vector.broadcast %squeeze3A_2580 : f32 to vector<16xf32>
      %mul3A_2659 = arith.mulf %get3A_2657, %mul3A_2658 : vector<16xf32>
      %swap3A_2660 = arith.constant 23 : i32
      %swap3A_2661 = arith.index_cast %rem3A_193 : i32 to index
      %swap3A_2662 = arith.index_cast %swap3A_2660 : i32 to index
      %swap3A_2663 = arith.constant 96 : index
      %swap3A_2664 = tpu.vector_load %arg15[%swap3A_2661, %swap3A_2662, %swap3A_2663] {strides = array<i32>} : memref<3x32x128xf32, #tpu.memory_space<vmem>>, vector<16xf32>,
      tpu.vector_store %arg15[%swap3A_2661, %swap3A_2662, %swap3A_2663], %mul3A_2659 {strides = array<i32>} : memref<3x32x128xf32, #tpu.memory_space<vmem>>, vector<16xf32>,
      %get3A_2665 = arith.constant 23 : i32
      %get3A_2666 = arith.index_cast %rem3A_193 : i32 to index
      %get3A_2667 = arith.index_cast %get3A_2665 : i32 to index
      %get3A_2668 = arith.constant 112 : index
      %get3A_2669 = tpu.vector_load %arg15[%get3A_2666, %get3A_2667, %get3A_2668] {strides = array<i32>} : memref<3x32x128xf32, #tpu.memory_space<vmem>>, vector<16xf32>,
      %mul3A_2670 = vector.broadcast %squeeze3A_2580 : f32 to vector<16xf32>
      %mul3A_2671 = arith.mulf %get3A_2669, %mul3A_2670 : vector<16xf32>
      %swap3A_2672 = arith.constant 23 : i32
      %swap3A_2673 = arith.index_cast %rem3A_193 : i32 to index
      %swap3A_2674 = arith.index_cast %swap3A_2672 : i32 to index
      %swap3A_2675 = arith.constant 112 : index
      %swap3A_2676 = tpu.vector_load %arg15[%swap3A_2673, %swap3A_2674, %swap3A_2675] {strides = array<i32>} : memref<3x32x128xf32, #tpu.memory_space<vmem>>, vector<16xf32>,
      tpu.vector_store %arg15[%swap3A_2673, %swap3A_2674, %swap3A_2675], %mul3A_2671 {strides = array<i32>} : memref<3x32x128xf32, #tpu.memory_space<vmem>>, vector<16xf32>,
      %slice3A_2677 = vector.extract_strided_slice %select_n3A_291 {offsets = [8], sizes = [1], strides = [1]} : vector<16xf32> to vector<1xf32>
      %squeeze3A_2678 = vector.extract %slice3A_2677[0] : f32 from vector<1xf32>
      %get3A_2679 = arith.constant 24 : i32
      %get3A_2680 = arith.index_cast %rem3A_193 : i32 to index
      %get3A_2681 = arith.index_cast %get3A_2679 : i32 to index
      %get3A_2682 = arith.constant 0 : index
      %get3A_2683 = tpu.vector_load %arg15[%get3A_2680, %get3A_2681, %get3A_2682] {strides = array<i32>} : memref<3x32x128xf32, #tpu.memory_space<vmem>>, vector<16xf32>,
      %mul3A_2684 = vector.broadcast %squeeze3A_2678 : f32 to vector<16xf32>
      %mul3A_2685 = arith.mulf %get3A_2683, %mul3A_2684 : vector<16xf32>
      %swap3A_2686 = arith.constant 24 : i32
      %swap3A_2687 = arith.index_cast %rem3A_193 : i32 to index
      %swap3A_2688 = arith.index_cast %swap3A_2686 : i32 to index
      %swap3A_2689 = arith.constant 0 : index
      %swap3A_2690 = tpu.vector_load %arg15[%swap3A_2687, %swap3A_2688, %swap3A_2689] {strides = array<i32>} : memref<3x32x128xf32, #tpu.memory_space<vmem>>, vector<16xf32>,
      tpu.vector_store %arg15[%swap3A_2687, %swap3A_2688, %swap3A_2689], %mul3A_2685 {strides = array<i32>} : memref<3x32x128xf32, #tpu.memory_space<vmem>>, vector<16xf32>,
      %get3A_2691 = arith.constant 24 : i32
      %get3A_2692 = arith.index_cast %rem3A_193 : i32 to index
      %get3A_2693 = arith.index_cast %get3A_2691 : i32 to index
      %get3A_2694 = arith.constant 16 : index
      %get3A_2695 = tpu.vector_load %arg15[%get3A_2692, %get3A_2693, %get3A_2694] {strides = array<i32>} : memref<3x32x128xf32, #tpu.memory_space<vmem>>, vector<16xf32>,
      %mul3A_2696 = vector.broadcast %squeeze3A_2678 : f32 to vector<16xf32>
      %mul3A_2697 = arith.mulf %get3A_2695, %mul3A_2696 : vector<16xf32>
      %swap3A_2698 = arith.constant 24 : i32
      %swap3A_2699 = arith.index_cast %rem3A_193 : i32 to index
      %swap3A_2700 = arith.index_cast %swap3A_2698 : i32 to index
      %swap3A_2701 = arith.constant 16 : index
      %swap3A_2702 = tpu.vector_load %arg15[%swap3A_2699, %swap3A_2700, %swap3A_2701] {strides = array<i32>} : memref<3x32x128xf32, #tpu.memory_space<vmem>>, vector<16xf32>,
      tpu.vector_store %arg15[%swap3A_2699, %swap3A_2700, %swap3A_2701], %mul3A_2697 {strides = array<i32>} : memref<3x32x128xf32, #tpu.memory_space<vmem>>, vector<16xf32>,
      %get3A_2703 = arith.constant 24 : i32
      %get3A_2704 = arith.index_cast %rem3A_193 : i32 to index
      %get3A_2705 = arith.index_cast %get3A_2703 : i32 to index
      %get3A_2706 = arith.constant 32 : index
      %get3A_2707 = tpu.vector_load %arg15[%get3A_2704, %get3A_2705, %get3A_2706] {strides = array<i32>} : memref<3x32x128xf32, #tpu.memory_space<vmem>>, vector<16xf32>,
      %mul3A_2708 = vector.broadcast %squeeze3A_2678 : f32 to vector<16xf32>
      %mul3A_2709 = arith.mulf %get3A_2707, %mul3A_2708 : vector<16xf32>
      %swap3A_2710 = arith.constant 24 : i32
      %swap3A_2711 = arith.index_cast %rem3A_193 : i32 to index
      %swap3A_2712 = arith.index_cast %swap3A_2710 : i32 to index
      %swap3A_2713 = arith.constant 32 : index
      %swap3A_2714 = tpu.vector_load %arg15[%swap3A_2711, %swap3A_2712, %swap3A_2713] {strides = array<i32>} : memref<3x32x128xf32, #tpu.memory_space<vmem>>, vector<16xf32>,
      tpu.vector_store %arg15[%swap3A_2711, %swap3A_2712, %swap3A_2713], %mul3A_2709 {strides = array<i32>} : memref<3x32x128xf32, #tpu.memory_space<vmem>>, vector<16xf32>,
      %get3A_2715 = arith.constant 24 : i32
      %get3A_2716 = arith.index_cast %rem3A_193 : i32 to index
      %get3A_2717 = arith.index_cast %get3A_2715 : i32 to index
      %get3A_2718 = arith.constant 48 : index
      %get3A_2719 = tpu.vector_load %arg15[%get3A_2716, %get3A_2717, %get3A_2718] {strides = array<i32>} : memref<3x32x128xf32, #tpu.memory_space<vmem>>, vector<16xf32>,
      %mul3A_2720 = vector.broadcast %squeeze3A_2678 : f32 to vector<16xf32>
      %mul3A_2721 = arith.mulf %get3A_2719, %mul3A_2720 : vector<16xf32>
      %swap3A_2722 = arith.constant 24 : i32
      %swap3A_2723 = arith.index_cast %rem3A_193 : i32 to index
      %swap3A_2724 = arith.index_cast %swap3A_2722 : i32 to index
      %swap3A_2725 = arith.constant 48 : index
      %swap3A_2726 = tpu.vector_load %arg15[%swap3A_2723, %swap3A_2724, %swap3A_2725] {strides = array<i32>} : memref<3x32x128xf32, #tpu.memory_space<vmem>>, vector<16xf32>,
      tpu.vector_store %arg15[%swap3A_2723, %swap3A_2724, %swap3A_2725], %mul3A_2721 {strides = array<i32>} : memref<3x32x128xf32, #tpu.memory_space<vmem>>, vector<16xf32>,
      %get3A_2727 = arith.constant 24 : i32
      %get3A_2728 = arith.index_cast %rem3A_193 : i32 to index
      %get3A_2729 = arith.index_cast %get3A_2727 : i32 to index
      %get3A_2730 = arith.constant 64 : index
      %get3A_2731 = tpu.vector_load %arg15[%get3A_2728, %get3A_2729, %get3A_2730] {strides = array<i32>} : memref<3x32x128xf32, #tpu.memory_space<vmem>>, vector<16xf32>,
      %mul3A_2732 = vector.broadcast %squeeze3A_2678 : f32 to vector<16xf32>
      %mul3A_2733 = arith.mulf %get3A_2731, %mul3A_2732 : vector<16xf32>
      %swap3A_2734 = arith.constant 24 : i32
      %swap3A_2735 = arith.index_cast %rem3A_193 : i32 to index
      %swap3A_2736 = arith.index_cast %swap3A_2734 : i32 to index
      %swap3A_2737 = arith.constant 64 : index
      %swap3A_2738 = tpu.vector_load %arg15[%swap3A_2735, %swap3A_2736, %swap3A_2737] {strides = array<i32>} : memref<3x32x128xf32, #tpu.memory_space<vmem>>, vector<16xf32>,
      tpu.vector_store %arg15[%swap3A_2735, %swap3A_2736, %swap3A_2737], %mul3A_2733 {strides = array<i32>} : memref<3x32x128xf32, #tpu.memory_space<vmem>>, vector<16xf32>,
      %get3A_2739 = arith.constant 24 : i32
      %get3A_2740 = arith.index_cast %rem3A_193 : i32 to index
      %get3A_2741 = arith.index_cast %get3A_2739 : i32 to index
      %get3A_2742 = arith.constant 80 : index
      %get3A_2743 = tpu.vector_load %arg15[%get3A_2740, %get3A_2741, %get3A_2742] {strides = array<i32>} : memref<3x32x128xf32, #tpu.memory_space<vmem>>, vector<16xf32>,
      %mul3A_2744 = vector.broadcast %squeeze3A_2678 : f32 to vector<16xf32>
      %mul3A_2745 = arith.mulf %get3A_2743, %mul3A_2744 : vector<16xf32>
      %swap3A_2746 = arith.constant 24 : i32
      %swap3A_2747 = arith.index_cast %rem3A_193 : i32 to index
      %swap3A_2748 = arith.index_cast %swap3A_2746 : i32 to index
      %swap3A_2749 = arith.constant 80 : index
      %swap3A_2750 = tpu.vector_load %arg15[%swap3A_2747, %swap3A_2748, %swap3A_2749] {strides = array<i32>} : memref<3x32x128xf32, #tpu.memory_space<vmem>>, vector<16xf32>,
      tpu.vector_store %arg15[%swap3A_2747, %swap3A_2748, %swap3A_2749], %mul3A_2745 {strides = array<i32>} : memref<3x32x128xf32, #tpu.memory_space<vmem>>, vector<16xf32>,
      %get3A_2751 = arith.constant 24 : i32
      %get3A_2752 = arith.index_cast %rem3A_193 : i32 to index
      %get3A_2753 = arith.index_cast %get3A_2751 : i32 to index
      %get3A_2754 = arith.constant 96 : index
      %get3A_2755 = tpu.vector_load %arg15[%get3A_2752, %get3A_2753, %get3A_2754] {strides = array<i32>} : memref<3x32x128xf32, #tpu.memory_space<vmem>>, vector<16xf32>,
      %mul3A_2756 = vector.broadcast %squeeze3A_2678 : f32 to vector<16xf32>
      %mul3A_2757 = arith.mulf %get3A_2755, %mul3A_2756 : vector<16xf32>
      %swap3A_2758 = arith.constant 24 : i32
      %swap3A_2759 = arith.index_cast %rem3A_193 : i32 to index
      %swap3A_2760 = arith.index_cast %swap3A_2758 : i32 to index
      %swap3A_2761 = arith.constant 96 : index
      %swap3A_2762 = tpu.vector_load %arg15[%swap3A_2759, %swap3A_2760, %swap3A_2761] {strides = array<i32>} : memref<3x32x128xf32, #tpu.memory_space<vmem>>, vector<16xf32>,
      tpu.vector_store %arg15[%swap3A_2759, %swap3A_2760, %swap3A_2761], %mul3A_2757 {strides = array<i32>} : memref<3x32x128xf32, #tpu.memory_space<vmem>>, vector<16xf32>,
      %get3A_2763 = arith.constant 24 : i32
      %get3A_2764 = arith.index_cast %rem3A_193 : i32 to index
      %get3A_2765 = arith.index_cast %get3A_2763 : i32 to index
      %get3A_2766 = arith.constant 112 : index
      %get3A_2767 = tpu.vector_load %arg15[%get3A_2764, %get3A_2765, %get3A_2766] {strides = array<i32>} : memref<3x32x128xf32, #tpu.memory_space<vmem>>, vector<16xf32>,
      %mul3A_2768 = vector.broadcast %squeeze3A_2678 : f32 to vector<16xf32>
      %mul3A_2769 = arith.mulf %get3A_2767, %mul3A_2768 : vector<16xf32>
      %swap3A_2770 = arith.constant 24 : i32
      %swap3A_2771 = arith.index_cast %rem3A_193 : i32 to index
      %swap3A_2772 = arith.index_cast %swap3A_2770 : i32 to index
      %swap3A_2773 = arith.constant 112 : index
      %swap3A_2774 = tpu.vector_load %arg15[%swap3A_2771, %swap3A_2772, %swap3A_2773] {strides = array<i32>} : memref<3x32x128xf32, #tpu.memory_space<vmem>>, vector<16xf32>,
      tpu.vector_store %arg15[%swap3A_2771, %swap3A_2772, %swap3A_2773], %mul3A_2769 {strides = array<i32>} : memref<3x32x128xf32, #tpu.memory_space<vmem>>, vector<16xf32>,
      %slice3A_2775 = vector.extract_strided_slice %select_n3A_291 {offsets = [9], sizes = [1], strides = [1]} : vector<16xf32> to vector<1xf32>
      %squeeze3A_2776 = vector.extract %slice3A_2775[0] : f32 from vector<1xf32>
      %get3A_2777 = arith.constant 25 : i32
      %get3A_2778 = arith.index_cast %rem3A_193 : i32 to index
      %get3A_2779 = arith.index_cast %get3A_2777 : i32 to index
      %get3A_2780 = arith.constant 0 : index
      %get3A_2781 = tpu.vector_load %arg15[%get3A_2778, %get3A_2779, %get3A_2780] {strides = array<i32>} : memref<3x32x128xf32, #tpu.memory_space<vmem>>, vector<16xf32>,
      %mul3A_2782 = vector.broadcast %squeeze3A_2776 : f32 to vector<16xf32>
      %mul3A_2783 = arith.mulf %get3A_2781, %mul3A_2782 : vector<16xf32>
      %swap3A_2784 = arith.constant 25 : i32
      %swap3A_2785 = arith.index_cast %rem3A_193 : i32 to index
      %swap3A_2786 = arith.index_cast %swap3A_2784 : i32 to index
      %swap3A_2787 = arith.constant 0 : index
      %swap3A_2788 = tpu.vector_load %arg15[%swap3A_2785, %swap3A_2786, %swap3A_2787] {strides = array<i32>} : memref<3x32x128xf32, #tpu.memory_space<vmem>>, vector<16xf32>,
      tpu.vector_store %arg15[%swap3A_2785, %swap3A_2786, %swap3A_2787], %mul3A_2783 {strides = array<i32>} : memref<3x32x128xf32, #tpu.memory_space<vmem>>, vector<16xf32>,
      %get3A_2789 = arith.constant 25 : i32
      %get3A_2790 = arith.index_cast %rem3A_193 : i32 to index
      %get3A_2791 = arith.index_cast %get3A_2789 : i32 to index
      %get3A_2792 = arith.constant 16 : index
      %get3A_2793 = tpu.vector_load %arg15[%get3A_2790, %get3A_2791, %get3A_2792] {strides = array<i32>} : memref<3x32x128xf32, #tpu.memory_space<vmem>>, vector<16xf32>,
      %mul3A_2794 = vector.broadcast %squeeze3A_2776 : f32 to vector<16xf32>
      %mul3A_2795 = arith.mulf %get3A_2793, %mul3A_2794 : vector<16xf32>
      %swap3A_2796 = arith.constant 25 : i32
      %swap3A_2797 = arith.index_cast %rem3A_193 : i32 to index
      %swap3A_2798 = arith.index_cast %swap3A_2796 : i32 to index
      %swap3A_2799 = arith.constant 16 : index
      %swap3A_2800 = tpu.vector_load %arg15[%swap3A_2797, %swap3A_2798, %swap3A_2799] {strides = array<i32>} : memref<3x32x128xf32, #tpu.memory_space<vmem>>, vector<16xf32>,
      tpu.vector_store %arg15[%swap3A_2797, %swap3A_2798, %swap3A_2799], %mul3A_2795 {strides = array<i32>} : memref<3x32x128xf32, #tpu.memory_space<vmem>>, vector<16xf32>,
      %get3A_2801 = arith.constant 25 : i32
      %get3A_2802 = arith.index_cast %rem3A_193 : i32 to index
      %get3A_2803 = arith.index_cast %get3A_2801 : i32 to index
      %get3A_2804 = arith.constant 32 : index
      %get3A_2805 = tpu.vector_load %arg15[%get3A_2802, %get3A_2803, %get3A_2804] {strides = array<i32>} : memref<3x32x128xf32, #tpu.memory_space<vmem>>, vector<16xf32>,
      %mul3A_2806 = vector.broadcast %squeeze3A_2776 : f32 to vector<16xf32>
      %mul3A_2807 = arith.mulf %get3A_2805, %mul3A_2806 : vector<16xf32>
      %swap3A_2808 = arith.constant 25 : i32
      %swap3A_2809 = arith.index_cast %rem3A_193 : i32 to index
      %swap3A_2810 = arith.index_cast %swap3A_2808 : i32 to index
      %swap3A_2811 = arith.constant 32 : index
      %swap3A_2812 = tpu.vector_load %arg15[%swap3A_2809, %swap3A_2810, %swap3A_2811] {strides = array<i32>} : memref<3x32x128xf32, #tpu.memory_space<vmem>>, vector<16xf32>,
      tpu.vector_store %arg15[%swap3A_2809, %swap3A_2810, %swap3A_2811], %mul3A_2807 {strides = array<i32>} : memref<3x32x128xf32, #tpu.memory_space<vmem>>, vector<16xf32>,
      %get3A_2813 = arith.constant 25 : i32
      %get3A_2814 = arith.index_cast %rem3A_193 : i32 to index
      %get3A_2815 = arith.index_cast %get3A_2813 : i32 to index
      %get3A_2816 = arith.constant 48 : index
      %get3A_2817 = tpu.vector_load %arg15[%get3A_2814, %get3A_2815, %get3A_2816] {strides = array<i32>} : memref<3x32x128xf32, #tpu.memory_space<vmem>>, vector<16xf32>,
      %mul3A_2818 = vector.broadcast %squeeze3A_2776 : f32 to vector<16xf32>
      %mul3A_2819 = arith.mulf %get3A_2817, %mul3A_2818 : vector<16xf32>
      %swap3A_2820 = arith.constant 25 : i32
      %swap3A_2821 = arith.index_cast %rem3A_193 : i32 to index
      %swap3A_2822 = arith.index_cast %swap3A_2820 : i32 to index
      %swap3A_2823 = arith.constant 48 : index
      %swap3A_2824 = tpu.vector_load %arg15[%swap3A_2821, %swap3A_2822, %swap3A_2823] {strides = array<i32>} : memref<3x32x128xf32, #tpu.memory_space<vmem>>, vector<16xf32>,
      tpu.vector_store %arg15[%swap3A_2821, %swap3A_2822, %swap3A_2823], %mul3A_2819 {strides = array<i32>} : memref<3x32x128xf32, #tpu.memory_space<vmem>>, vector<16xf32>,
      %get3A_2825 = arith.constant 25 : i32
      %get3A_2826 = arith.index_cast %rem3A_193 : i32 to index
      %get3A_2827 = arith.index_cast %get3A_2825 : i32 to index
      %get3A_2828 = arith.constant 64 : index
      %get3A_2829 = tpu.vector_load %arg15[%get3A_2826, %get3A_2827, %get3A_2828] {strides = array<i32>} : memref<3x32x128xf32, #tpu.memory_space<vmem>>, vector<16xf32>,
      %mul3A_2830 = vector.broadcast %squeeze3A_2776 : f32 to vector<16xf32>
      %mul3A_2831 = arith.mulf %get3A_2829, %mul3A_2830 : vector<16xf32>
      %swap3A_2832 = arith.constant 25 : i32
      %swap3A_2833 = arith.index_cast %rem3A_193 : i32 to index
      %swap3A_2834 = arith.index_cast %swap3A_2832 : i32 to index
      %swap3A_2835 = arith.constant 64 : index
      %swap3A_2836 = tpu.vector_load %arg15[%swap3A_2833, %swap3A_2834, %swap3A_2835] {strides = array<i32>} : memref<3x32x128xf32, #tpu.memory_space<vmem>>, vector<16xf32>,
      tpu.vector_store %arg15[%swap3A_2833, %swap3A_2834, %swap3A_2835], %mul3A_2831 {strides = array<i32>} : memref<3x32x128xf32, #tpu.memory_space<vmem>>, vector<16xf32>,
      %get3A_2837 = arith.constant 25 : i32
      %get3A_2838 = arith.index_cast %rem3A_193 : i32 to index
      %get3A_2839 = arith.index_cast %get3A_2837 : i32 to index
      %get3A_2840 = arith.constant 80 : index
      %get3A_2841 = tpu.vector_load %arg15[%get3A_2838, %get3A_2839, %get3A_2840] {strides = array<i32>} : memref<3x32x128xf32, #tpu.memory_space<vmem>>, vector<16xf32>,
      %mul3A_2842 = vector.broadcast %squeeze3A_2776 : f32 to vector<16xf32>
      %mul3A_2843 = arith.mulf %get3A_2841, %mul3A_2842 : vector<16xf32>
      %swap3A_2844 = arith.constant 25 : i32
      %swap3A_2845 = arith.index_cast %rem3A_193 : i32 to index
      %swap3A_2846 = arith.index_cast %swap3A_2844 : i32 to index
      %swap3A_2847 = arith.constant 80 : index
      %swap3A_2848 = tpu.vector_load %arg15[%swap3A_2845, %swap3A_2846, %swap3A_2847] {strides = array<i32>} : memref<3x32x128xf32, #tpu.memory_space<vmem>>, vector<16xf32>,
      tpu.vector_store %arg15[%swap3A_2845, %swap3A_2846, %swap3A_2847], %mul3A_2843 {strides = array<i32>} : memref<3x32x128xf32, #tpu.memory_space<vmem>>, vector<16xf32>,
      %get3A_2849 = arith.constant 25 : i32
      %get3A_2850 = arith.index_cast %rem3A_193 : i32 to index
      %get3A_2851 = arith.index_cast %get3A_2849 : i32 to index
      %get3A_2852 = arith.constant 96 : index
      %get3A_2853 = tpu.vector_load %arg15[%get3A_2850, %get3A_2851, %get3A_2852] {strides = array<i32>} : memref<3x32x128xf32, #tpu.memory_space<vmem>>, vector<16xf32>,
      %mul3A_2854 = vector.broadcast %squeeze3A_2776 : f32 to vector<16xf32>
      %mul3A_2855 = arith.mulf %get3A_2853, %mul3A_2854 : vector<16xf32>
      %swap3A_2856 = arith.constant 25 : i32
      %swap3A_2857 = arith.index_cast %rem3A_193 : i32 to index
      %swap3A_2858 = arith.index_cast %swap3A_2856 : i32 to index
      %swap3A_2859 = arith.constant 96 : index
      %swap3A_2860 = tpu.vector_load %arg15[%swap3A_2857, %swap3A_2858, %swap3A_2859] {strides = array<i32>} : memref<3x32x128xf32, #tpu.memory_space<vmem>>, vector<16xf32>,
      tpu.vector_store %arg15[%swap3A_2857, %swap3A_2858, %swap3A_2859], %mul3A_2855 {strides = array<i32>} : memref<3x32x128xf32, #tpu.memory_space<vmem>>, vector<16xf32>,
      %get3A_2861 = arith.constant 25 : i32
      %get3A_2862 = arith.index_cast %rem3A_193 : i32 to index
      %get3A_2863 = arith.index_cast %get3A_2861 : i32 to index
      %get3A_2864 = arith.constant 112 : index
      %get3A_2865 = tpu.vector_load %arg15[%get3A_2862, %get3A_2863, %get3A_2864] {strides = array<i32>} : memref<3x32x128xf32, #tpu.memory_space<vmem>>, vector<16xf32>,
      %mul3A_2866 = vector.broadcast %squeeze3A_2776 : f32 to vector<16xf32>
      %mul3A_2867 = arith.mulf %get3A_2865, %mul3A_2866 : vector<16xf32>
      %swap3A_2868 = arith.constant 25 : i32
      %swap3A_2869 = arith.index_cast %rem3A_193 : i32 to index
      %swap3A_2870 = arith.index_cast %swap3A_2868 : i32 to index
      %swap3A_2871 = arith.constant 112 : index
      %swap3A_2872 = tpu.vector_load %arg15[%swap3A_2869, %swap3A_2870, %swap3A_2871] {strides = array<i32>} : memref<3x32x128xf32, #tpu.memory_space<vmem>>, vector<16xf32>,
      tpu.vector_store %arg15[%swap3A_2869, %swap3A_2870, %swap3A_2871], %mul3A_2867 {strides = array<i32>} : memref<3x32x128xf32, #tpu.memory_space<vmem>>, vector<16xf32>,
      %slice3A_2873 = vector.extract_strided_slice %select_n3A_291 {offsets = [10], sizes = [1], strides = [1]} : vector<16xf32> to vector<1xf32>
      %squeeze3A_2874 = vector.extract %slice3A_2873[0] : f32 from vector<1xf32>
      %get3A_2875 = arith.constant 26 : i32
      %get3A_2876 = arith.index_cast %rem3A_193 : i32 to index
      %get3A_2877 = arith.index_cast %get3A_2875 : i32 to index
      %get3A_2878 = arith.constant 0 : index
      %get3A_2879 = tpu.vector_load %arg15[%get3A_2876, %get3A_2877, %get3A_2878] {strides = array<i32>} : memref<3x32x128xf32, #tpu.memory_space<vmem>>, vector<16xf32>,
      %mul3A_2880 = vector.broadcast %squeeze3A_2874 : f32 to vector<16xf32>
      %mul3A_2881 = arith.mulf %get3A_2879, %mul3A_2880 : vector<16xf32>
      %swap3A_2882 = arith.constant 26 : i32
      %swap3A_2883 = arith.index_cast %rem3A_193 : i32 to index
      %swap3A_2884 = arith.index_cast %swap3A_2882 : i32 to index
      %swap3A_2885 = arith.constant 0 : index
      %swap3A_2886 = tpu.vector_load %arg15[%swap3A_2883, %swap3A_2884, %swap3A_2885] {strides = array<i32>} : memref<3x32x128xf32, #tpu.memory_space<vmem>>, vector<16xf32>,
      tpu.vector_store %arg15[%swap3A_2883, %swap3A_2884, %swap3A_2885], %mul3A_2881 {strides = array<i32>} : memref<3x32x128xf32, #tpu.memory_space<vmem>>, vector<16xf32>,
      %get3A_2887 = arith.constant 26 : i32
      %get3A_2888 = arith.index_cast %rem3A_193 : i32 to index
      %get3A_2889 = arith.index_cast %get3A_2887 : i32 to index
      %get3A_2890 = arith.constant 16 : index
      %get3A_2891 = tpu.vector_load %arg15[%get3A_2888, %get3A_2889, %get3A_2890] {strides = array<i32>} : memref<3x32x128xf32, #tpu.memory_space<vmem>>, vector<16xf32>,
      %mul3A_2892 = vector.broadcast %squeeze3A_2874 : f32 to vector<16xf32>
      %mul3A_2893 = arith.mulf %get3A_2891, %mul3A_2892 : vector<16xf32>
      %swap3A_2894 = arith.constant 26 : i32
      %swap3A_2895 = arith.index_cast %rem3A_193 : i32 to index
      %swap3A_2896 = arith.index_cast %swap3A_2894 : i32 to index
      %swap3A_2897 = arith.constant 16 : index
      %swap3A_2898 = tpu.vector_load %arg15[%swap3A_2895, %swap3A_2896, %swap3A_2897] {strides = array<i32>} : memref<3x32x128xf32, #tpu.memory_space<vmem>>, vector<16xf32>,
      tpu.vector_store %arg15[%swap3A_2895, %swap3A_2896, %swap3A_2897], %mul3A_2893 {strides = array<i32>} : memref<3x32x128xf32, #tpu.memory_space<vmem>>, vector<16xf32>,
      %get3A_2899 = arith.constant 26 : i32
      %get3A_2900 = arith.index_cast %rem3A_193 : i32 to index
      %get3A_2901 = arith.index_cast %get3A_2899 : i32 to index
      %get3A_2902 = arith.constant 32 : index
      %get3A_2903 = tpu.vector_load %arg15[%get3A_2900, %get3A_2901, %get3A_2902] {strides = array<i32>} : memref<3x32x128xf32, #tpu.memory_space<vmem>>, vector<16xf32>,
      %mul3A_2904 = vector.broadcast %squeeze3A_2874 : f32 to vector<16xf32>
      %mul3A_2905 = arith.mulf %get3A_2903, %mul3A_2904 : vector<16xf32>
      %swap3A_2906 = arith.constant 26 : i32
      %swap3A_2907 = arith.index_cast %rem3A_193 : i32 to index
      %swap3A_2908 = arith.index_cast %swap3A_2906 : i32 to index
      %swap3A_2909 = arith.constant 32 : index
      %swap3A_2910 = tpu.vector_load %arg15[%swap3A_2907, %swap3A_2908, %swap3A_2909] {strides = array<i32>} : memref<3x32x128xf32, #tpu.memory_space<vmem>>, vector<16xf32>,
      tpu.vector_store %arg15[%swap3A_2907, %swap3A_2908, %swap3A_2909], %mul3A_2905 {strides = array<i32>} : memref<3x32x128xf32, #tpu.memory_space<vmem>>, vector<16xf32>,
      %get3A_2911 = arith.constant 26 : i32
      %get3A_2912 = arith.index_cast %rem3A_193 : i32 to index
      %get3A_2913 = arith.index_cast %get3A_2911 : i32 to index
      %get3A_2914 = arith.constant 48 : index
      %get3A_2915 = tpu.vector_load %arg15[%get3A_2912, %get3A_2913, %get3A_2914] {strides = array<i32>} : memref<3x32x128xf32, #tpu.memory_space<vmem>>, vector<16xf32>,
      %mul3A_2916 = vector.broadcast %squeeze3A_2874 : f32 to vector<16xf32>
      %mul3A_2917 = arith.mulf %get3A_2915, %mul3A_2916 : vector<16xf32>
      %swap3A_2918 = arith.constant 26 : i32
      %swap3A_2919 = arith.index_cast %rem3A_193 : i32 to index
      %swap3A_2920 = arith.index_cast %swap3A_2918 : i32 to index
      %swap3A_2921 = arith.constant 48 : index
      %swap3A_2922 = tpu.vector_load %arg15[%swap3A_2919, %swap3A_2920, %swap3A_2921] {strides = array<i32>} : memref<3x32x128xf32, #tpu.memory_space<vmem>>, vector<16xf32>,
      tpu.vector_store %arg15[%swap3A_2919, %swap3A_2920, %swap3A_2921], %mul3A_2917 {strides = array<i32>} : memref<3x32x128xf32, #tpu.memory_space<vmem>>, vector<16xf32>,
      %get3A_2923 = arith.constant 26 : i32
      %get3A_2924 = arith.index_cast %rem3A_193 : i32 to index
      %get3A_2925 = arith.index_cast %get3A_2923 : i32 to index
      %get3A_2926 = arith.constant 64 : index
      %get3A_2927 = tpu.vector_load %arg15[%get3A_2924, %get3A_2925, %get3A_2926] {strides = array<i32>} : memref<3x32x128xf32, #tpu.memory_space<vmem>>, vector<16xf32>,
      %mul3A_2928 = vector.broadcast %squeeze3A_2874 : f32 to vector<16xf32>
      %mul3A_2929 = arith.mulf %get3A_2927, %mul3A_2928 : vector<16xf32>
      %swap3A_2930 = arith.constant 26 : i32
      %swap3A_2931 = arith.index_cast %rem3A_193 : i32 to index
      %swap3A_2932 = arith.index_cast %swap3A_2930 : i32 to index
      %swap3A_2933 = arith.constant 64 : index
      %swap3A_2934 = tpu.vector_load %arg15[%swap3A_2931, %swap3A_2932, %swap3A_2933] {strides = array<i32>} : memref<3x32x128xf32, #tpu.memory_space<vmem>>, vector<16xf32>,
      tpu.vector_store %arg15[%swap3A_2931, %swap3A_2932, %swap3A_2933], %mul3A_2929 {strides = array<i32>} : memref<3x32x128xf32, #tpu.memory_space<vmem>>, vector<16xf32>,
      %get3A_2935 = arith.constant 26 : i32
      %get3A_2936 = arith.index_cast %rem3A_193 : i32 to index
      %get3A_2937 = arith.index_cast %get3A_2935 : i32 to index
      %get3A_2938 = arith.constant 80 : index
      %get3A_2939 = tpu.vector_load %arg15[%get3A_2936, %get3A_2937, %get3A_2938] {strides = array<i32>} : memref<3x32x128xf32, #tpu.memory_space<vmem>>, vector<16xf32>,
      %mul3A_2940 = vector.broadcast %squeeze3A_2874 : f32 to vector<16xf32>
      %mul3A_2941 = arith.mulf %get3A_2939, %mul3A_2940 : vector<16xf32>
      %swap3A_2942 = arith.constant 26 : i32
      %swap3A_2943 = arith.index_cast %rem3A_193 : i32 to index
      %swap3A_2944 = arith.index_cast %swap3A_2942 : i32 to index
      %swap3A_2945 = arith.constant 80 : index
      %swap3A_2946 = tpu.vector_load %arg15[%swap3A_2943, %swap3A_2944, %swap3A_2945] {strides = array<i32>} : memref<3x32x128xf32, #tpu.memory_space<vmem>>, vector<16xf32>,
      tpu.vector_store %arg15[%swap3A_2943, %swap3A_2944, %swap3A_2945], %mul3A_2941 {strides = array<i32>} : memref<3x32x128xf32, #tpu.memory_space<vmem>>, vector<16xf32>,
      %get3A_2947 = arith.constant 26 : i32
      %get3A_2948 = arith.index_cast %rem3A_193 : i32 to index
      %get3A_2949 = arith.index_cast %get3A_2947 : i32 to index
      %get3A_2950 = arith.constant 96 : index
      %get3A_2951 = tpu.vector_load %arg15[%get3A_2948, %get3A_2949, %get3A_2950] {strides = array<i32>} : memref<3x32x128xf32, #tpu.memory_space<vmem>>, vector<16xf32>,
      %mul3A_2952 = vector.broadcast %squeeze3A_2874 : f32 to vector<16xf32>
      %mul3A_2953 = arith.mulf %get3A_2951, %mul3A_2952 : vector<16xf32>
      %swap3A_2954 = arith.constant 26 : i32
      %swap3A_2955 = arith.index_cast %rem3A_193 : i32 to index
      %swap3A_2956 = arith.index_cast %swap3A_2954 : i32 to index
      %swap3A_2957 = arith.constant 96 : index
      %swap3A_2958 = tpu.vector_load %arg15[%swap3A_2955, %swap3A_2956, %swap3A_2957] {strides = array<i32>} : memref<3x32x128xf32, #tpu.memory_space<vmem>>, vector<16xf32>,
      tpu.vector_store %arg15[%swap3A_2955, %swap3A_2956, %swap3A_2957], %mul3A_2953 {strides = array<i32>} : memref<3x32x128xf32, #tpu.memory_space<vmem>>, vector<16xf32>,
      %get3A_2959 = arith.constant 26 : i32
      %get3A_2960 = arith.index_cast %rem3A_193 : i32 to index
      %get3A_2961 = arith.index_cast %get3A_2959 : i32 to index
      %get3A_2962 = arith.constant 112 : index
      %get3A_2963 = tpu.vector_load %arg15[%get3A_2960, %get3A_2961, %get3A_2962] {strides = array<i32>} : memref<3x32x128xf32, #tpu.memory_space<vmem>>, vector<16xf32>,
      %mul3A_2964 = vector.broadcast %squeeze3A_2874 : f32 to vector<16xf32>
      %mul3A_2965 = arith.mulf %get3A_2963, %mul3A_2964 : vector<16xf32>
      %swap3A_2966 = arith.constant 26 : i32
      %swap3A_2967 = arith.index_cast %rem3A_193 : i32 to index
      %swap3A_2968 = arith.index_cast %swap3A_2966 : i32 to index
      %swap3A_2969 = arith.constant 112 : index
      %swap3A_2970 = tpu.vector_load %arg15[%swap3A_2967, %swap3A_2968, %swap3A_2969] {strides = array<i32>} : memref<3x32x128xf32, #tpu.memory_space<vmem>>, vector<16xf32>,
      tpu.vector_store %arg15[%swap3A_2967, %swap3A_2968, %swap3A_2969], %mul3A_2965 {strides = array<i32>} : memref<3x32x128xf32, #tpu.memory_space<vmem>>, vector<16xf32>,
      %slice3A_2971 = vector.extract_strided_slice %select_n3A_291 {offsets = [11], sizes = [1], strides = [1]} : vector<16xf32> to vector<1xf32>
      %squeeze3A_2972 = vector.extract %slice3A_2971[0] : f32 from vector<1xf32>
      %get3A_2973 = arith.constant 27 : i32
      %get3A_2974 = arith.index_cast %rem3A_193 : i32 to index
      %get3A_2975 = arith.index_cast %get3A_2973 : i32 to index
      %get3A_2976 = arith.constant 0 : index
      %get3A_2977 = tpu.vector_load %arg15[%get3A_2974, %get3A_2975, %get3A_2976] {strides = array<i32>} : memref<3x32x128xf32, #tpu.memory_space<vmem>>, vector<16xf32>,
      %mul3A_2978 = vector.broadcast %squeeze3A_2972 : f32 to vector<16xf32>
      %mul3A_2979 = arith.mulf %get3A_2977, %mul3A_2978 : vector<16xf32>
      %swap3A_2980 = arith.constant 27 : i32
      %swap3A_2981 = arith.index_cast %rem3A_193 : i32 to index
      %swap3A_2982 = arith.index_cast %swap3A_2980 : i32 to index
      %swap3A_2983 = arith.constant 0 : index
      %swap3A_2984 = tpu.vector_load %arg15[%swap3A_2981, %swap3A_2982, %swap3A_2983] {strides = array<i32>} : memref<3x32x128xf32, #tpu.memory_space<vmem>>, vector<16xf32>,
      tpu.vector_store %arg15[%swap3A_2981, %swap3A_2982, %swap3A_2983], %mul3A_2979 {strides = array<i32>} : memref<3x32x128xf32, #tpu.memory_space<vmem>>, vector<16xf32>,
      %get3A_2985 = arith.constant 27 : i32
      %get3A_2986 = arith.index_cast %rem3A_193 : i32 to index
      %get3A_2987 = arith.index_cast %get3A_2985 : i32 to index
      %get3A_2988 = arith.constant 16 : index
      %get3A_2989 = tpu.vector_load %arg15[%get3A_2986, %get3A_2987, %get3A_2988] {strides = array<i32>} : memref<3x32x128xf32, #tpu.memory_space<vmem>>, vector<16xf32>,
      %mul3A_2990 = vector.broadcast %squeeze3A_2972 : f32 to vector<16xf32>
      %mul3A_2991 = arith.mulf %get3A_2989, %mul3A_2990 : vector<16xf32>
      %swap3A_2992 = arith.constant 27 : i32
      %swap3A_2993 = arith.index_cast %rem3A_193 : i32 to index
      %swap3A_2994 = arith.index_cast %swap3A_2992 : i32 to index
      %swap3A_2995 = arith.constant 16 : index
      %swap3A_2996 = tpu.vector_load %arg15[%swap3A_2993, %swap3A_2994, %swap3A_2995] {strides = array<i32>} : memref<3x32x128xf32, #tpu.memory_space<vmem>>, vector<16xf32>,
      tpu.vector_store %arg15[%swap3A_2993, %swap3A_2994, %swap3A_2995], %mul3A_2991 {strides = array<i32>} : memref<3x32x128xf32, #tpu.memory_space<vmem>>, vector<16xf32>,
      %get3A_2997 = arith.constant 27 : i32
      %get3A_2998 = arith.index_cast %rem3A_193 : i32 to index
      %get3A_2999 = arith.index_cast %get3A_2997 : i32 to index
      %get3A_3000 = arith.constant 32 : index
      %get3A_3001 = tpu.vector_load %arg15[%get3A_2998, %get3A_2999, %get3A_3000] {strides = array<i32>} : memref<3x32x128xf32, #tpu.memory_space<vmem>>, vector<16xf32>,
      %mul3A_3002 = vector.broadcast %squeeze3A_2972 : f32 to vector<16xf32>
      %mul3A_3003 = arith.mulf %get3A_3001, %mul3A_3002 : vector<16xf32>
      %swap3A_3004 = arith.constant 27 : i32
      %swap3A_3005 = arith.index_cast %rem3A_193 : i32 to index
      %swap3A_3006 = arith.index_cast %swap3A_3004 : i32 to index
      %swap3A_3007 = arith.constant 32 : index
      %swap3A_3008 = tpu.vector_load %arg15[%swap3A_3005, %swap3A_3006, %swap3A_3007] {strides = array<i32>} : memref<3x32x128xf32, #tpu.memory_space<vmem>>, vector<16xf32>,
      tpu.vector_store %arg15[%swap3A_3005, %swap3A_3006, %swap3A_3007], %mul3A_3003 {strides = array<i32>} : memref<3x32x128xf32, #tpu.memory_space<vmem>>, vector<16xf32>,
      %get3A_3009 = arith.constant 27 : i32
      %get3A_3010 = arith.index_cast %rem3A_193 : i32 to index
      %get3A_3011 = arith.index_cast %get3A_3009 : i32 to index
      %get3A_3012 = arith.constant 48 : index
      %get3A_3013 = tpu.vector_load %arg15[%get3A_3010, %get3A_3011, %get3A_3012] {strides = array<i32>} : memref<3x32x128xf32, #tpu.memory_space<vmem>>, vector<16xf32>,
      %mul3A_3014 = vector.broadcast %squeeze3A_2972 : f32 to vector<16xf32>
      %mul3A_3015 = arith.mulf %get3A_3013, %mul3A_3014 : vector<16xf32>
      %swap3A_3016 = arith.constant 27 : i32
      %swap3A_3017 = arith.index_cast %rem3A_193 : i32 to index
      %swap3A_3018 = arith.index_cast %swap3A_3016 : i32 to index
      %swap3A_3019 = arith.constant 48 : index
      %swap3A_3020 = tpu.vector_load %arg15[%swap3A_3017, %swap3A_3018, %swap3A_3019] {strides = array<i32>} : memref<3x32x128xf32, #tpu.memory_space<vmem>>, vector<16xf32>,
      tpu.vector_store %arg15[%swap3A_3017, %swap3A_3018, %swap3A_3019], %mul3A_3015 {strides = array<i32>} : memref<3x32x128xf32, #tpu.memory_space<vmem>>, vector<16xf32>,
      %get3A_3021 = arith.constant 27 : i32
      %get3A_3022 = arith.index_cast %rem3A_193 : i32 to index
      %get3A_3023 = arith.index_cast %get3A_3021 : i32 to index
      %get3A_3024 = arith.constant 64 : index
      %get3A_3025 = tpu.vector_load %arg15[%get3A_3022, %get3A_3023, %get3A_3024] {strides = array<i32>} : memref<3x32x128xf32, #tpu.memory_space<vmem>>, vector<16xf32>,
      %mul3A_3026 = vector.broadcast %squeeze3A_2972 : f32 to vector<16xf32>
      %mul3A_3027 = arith.mulf %get3A_3025, %mul3A_3026 : vector<16xf32>
      %swap3A_3028 = arith.constant 27 : i32
      %swap3A_3029 = arith.index_cast %rem3A_193 : i32 to index
      %swap3A_3030 = arith.index_cast %swap3A_3028 : i32 to index
      %swap3A_3031 = arith.constant 64 : index
      %swap3A_3032 = tpu.vector_load %arg15[%swap3A_3029, %swap3A_3030, %swap3A_3031] {strides = array<i32>} : memref<3x32x128xf32, #tpu.memory_space<vmem>>, vector<16xf32>,
      tpu.vector_store %arg15[%swap3A_3029, %swap3A_3030, %swap3A_3031], %mul3A_3027 {strides = array<i32>} : memref<3x32x128xf32, #tpu.memory_space<vmem>>, vector<16xf32>,
      %get3A_3033 = arith.constant 27 : i32
      %get3A_3034 = arith.index_cast %rem3A_193 : i32 to index
      %get3A_3035 = arith.index_cast %get3A_3033 : i32 to index
      %get3A_3036 = arith.constant 80 : index
      %get3A_3037 = tpu.vector_load %arg15[%get3A_3034, %get3A_3035, %get3A_3036] {strides = array<i32>} : memref<3x32x128xf32, #tpu.memory_space<vmem>>, vector<16xf32>,
      %mul3A_3038 = vector.broadcast %squeeze3A_2972 : f32 to vector<16xf32>
      %mul3A_3039 = arith.mulf %get3A_3037, %mul3A_3038 : vector<16xf32>
      %swap3A_3040 = arith.constant 27 : i32
      %swap3A_3041 = arith.index_cast %rem3A_193 : i32 to index
      %swap3A_3042 = arith.index_cast %swap3A_3040 : i32 to index
      %swap3A_3043 = arith.constant 80 : index
      %swap3A_3044 = tpu.vector_load %arg15[%swap3A_3041, %swap3A_3042, %swap3A_3043] {strides = array<i32>} : memref<3x32x128xf32, #tpu.memory_space<vmem>>, vector<16xf32>,
      tpu.vector_store %arg15[%swap3A_3041, %swap3A_3042, %swap3A_3043], %mul3A_3039 {strides = array<i32>} : memref<3x32x128xf32, #tpu.memory_space<vmem>>, vector<16xf32>,
      %get3A_3045 = arith.constant 27 : i32
      %get3A_3046 = arith.index_cast %rem3A_193 : i32 to index
      %get3A_3047 = arith.index_cast %get3A_3045 : i32 to index
      %get3A_3048 = arith.constant 96 : index
      %get3A_3049 = tpu.vector_load %arg15[%get3A_3046, %get3A_3047, %get3A_3048] {strides = array<i32>} : memref<3x32x128xf32, #tpu.memory_space<vmem>>, vector<16xf32>,
      %mul3A_3050 = vector.broadcast %squeeze3A_2972 : f32 to vector<16xf32>
      %mul3A_3051 = arith.mulf %get3A_3049, %mul3A_3050 : vector<16xf32>
      %swap3A_3052 = arith.constant 27 : i32
      %swap3A_3053 = arith.index_cast %rem3A_193 : i32 to index
      %swap3A_3054 = arith.index_cast %swap3A_3052 : i32 to index
      %swap3A_3055 = arith.constant 96 : index
      %swap3A_3056 = tpu.vector_load %arg15[%swap3A_3053, %swap3A_3054, %swap3A_3055] {strides = array<i32>} : memref<3x32x128xf32, #tpu.memory_space<vmem>>, vector<16xf32>,
      tpu.vector_store %arg15[%swap3A_3053, %swap3A_3054, %swap3A_3055], %mul3A_3051 {strides = array<i32>} : memref<3x32x128xf32, #tpu.memory_space<vmem>>, vector<16xf32>,
      %get3A_3057 = arith.constant 27 : i32
      %get3A_3058 = arith.index_cast %rem3A_193 : i32 to index
      %get3A_3059 = arith.index_cast %get3A_3057 : i32 to index
      %get3A_3060 = arith.constant 112 : index
      %get3A_3061 = tpu.vector_load %arg15[%get3A_3058, %get3A_3059, %get3A_3060] {strides = array<i32>} : memref<3x32x128xf32, #tpu.memory_space<vmem>>, vector<16xf32>,
      %mul3A_3062 = vector.broadcast %squeeze3A_2972 : f32 to vector<16xf32>
      %mul3A_3063 = arith.mulf %get3A_3061, %mul3A_3062 : vector<16xf32>
      %swap3A_3064 = arith.constant 27 : i32
      %swap3A_3065 = arith.index_cast %rem3A_193 : i32 to index
      %swap3A_3066 = arith.index_cast %swap3A_3064 : i32 to index
      %swap3A_3067 = arith.constant 112 : index
      %swap3A_3068 = tpu.vector_load %arg15[%swap3A_3065, %swap3A_3066, %swap3A_3067] {strides = array<i32>} : memref<3x32x128xf32, #tpu.memory_space<vmem>>, vector<16xf32>,
      tpu.vector_store %arg15[%swap3A_3065, %swap3A_3066, %swap3A_3067], %mul3A_3063 {strides = array<i32>} : memref<3x32x128xf32, #tpu.memory_space<vmem>>, vector<16xf32>,
      %slice3A_3069 = vector.extract_strided_slice %select_n3A_291 {offsets = [12], sizes = [1], strides = [1]} : vector<16xf32> to vector<1xf32>
      %squeeze3A_3070 = vector.extract %slice3A_3069[0] : f32 from vector<1xf32>
      %get3A_3071 = arith.constant 28 : i32
      %get3A_3072 = arith.index_cast %rem3A_193 : i32 to index
      %get3A_3073 = arith.index_cast %get3A_3071 : i32 to index
      %get3A_3074 = arith.constant 0 : index
      %get3A_3075 = tpu.vector_load %arg15[%get3A_3072, %get3A_3073, %get3A_3074] {strides = array<i32>} : memref<3x32x128xf32, #tpu.memory_space<vmem>>, vector<16xf32>,
      %mul3A_3076 = vector.broadcast %squeeze3A_3070 : f32 to vector<16xf32>
      %mul3A_3077 = arith.mulf %get3A_3075, %mul3A_3076 : vector<16xf32>
      %swap3A_3078 = arith.constant 28 : i32
      %swap3A_3079 = arith.index_cast %rem3A_193 : i32 to index
      %swap3A_3080 = arith.index_cast %swap3A_3078 : i32 to index
      %swap3A_3081 = arith.constant 0 : index
      %swap3A_3082 = tpu.vector_load %arg15[%swap3A_3079, %swap3A_3080, %swap3A_3081] {strides = array<i32>} : memref<3x32x128xf32, #tpu.memory_space<vmem>>, vector<16xf32>,
      tpu.vector_store %arg15[%swap3A_3079, %swap3A_3080, %swap3A_3081], %mul3A_3077 {strides = array<i32>} : memref<3x32x128xf32, #tpu.memory_space<vmem>>, vector<16xf32>,
      %get3A_3083 = arith.constant 28 : i32
      %get3A_3084 = arith.index_cast %rem3A_193 : i32 to index
      %get3A_3085 = arith.index_cast %get3A_3083 : i32 to index
      %get3A_3086 = arith.constant 16 : index
      %get3A_3087 = tpu.vector_load %arg15[%get3A_3084, %get3A_3085, %get3A_3086] {strides = array<i32>} : memref<3x32x128xf32, #tpu.memory_space<vmem>>, vector<16xf32>,
      %mul3A_3088 = vector.broadcast %squeeze3A_3070 : f32 to vector<16xf32>
      %mul3A_3089 = arith.mulf %get3A_3087, %mul3A_3088 : vector<16xf32>
      %swap3A_3090 = arith.constant 28 : i32
      %swap3A_3091 = arith.index_cast %rem3A_193 : i32 to index
      %swap3A_3092 = arith.index_cast %swap3A_3090 : i32 to index
      %swap3A_3093 = arith.constant 16 : index
      %swap3A_3094 = tpu.vector_load %arg15[%swap3A_3091, %swap3A_3092, %swap3A_3093] {strides = array<i32>} : memref<3x32x128xf32, #tpu.memory_space<vmem>>, vector<16xf32>,
      tpu.vector_store %arg15[%swap3A_3091, %swap3A_3092, %swap3A_3093], %mul3A_3089 {strides = array<i32>} : memref<3x32x128xf32, #tpu.memory_space<vmem>>, vector<16xf32>,
      %get3A_3095 = arith.constant 28 : i32
      %get3A_3096 = arith.index_cast %rem3A_193 : i32 to index
      %get3A_3097 = arith.index_cast %get3A_3095 : i32 to index
      %get3A_3098 = arith.constant 32 : index
      %get3A_3099 = tpu.vector_load %arg15[%get3A_3096, %get3A_3097, %get3A_3098] {strides = array<i32>} : memref<3x32x128xf32, #tpu.memory_space<vmem>>, vector<16xf32>,
      %mul3A_3100 = vector.broadcast %squeeze3A_3070 : f32 to vector<16xf32>
      %mul3A_3101 = arith.mulf %get3A_3099, %mul3A_3100 : vector<16xf32>
      %swap3A_3102 = arith.constant 28 : i32
      %swap3A_3103 = arith.index_cast %rem3A_193 : i32 to index
      %swap3A_3104 = arith.index_cast %swap3A_3102 : i32 to index
      %swap3A_3105 = arith.constant 32 : index
      %swap3A_3106 = tpu.vector_load %arg15[%swap3A_3103, %swap3A_3104, %swap3A_3105] {strides = array<i32>} : memref<3x32x128xf32, #tpu.memory_space<vmem>>, vector<16xf32>,
      tpu.vector_store %arg15[%swap3A_3103, %swap3A_3104, %swap3A_3105], %mul3A_3101 {strides = array<i32>} : memref<3x32x128xf32, #tpu.memory_space<vmem>>, vector<16xf32>,
      %get3A_3107 = arith.constant 28 : i32
      %get3A_3108 = arith.index_cast %rem3A_193 : i32 to index
      %get3A_3109 = arith.index_cast %get3A_3107 : i32 to index
      %get3A_3110 = arith.constant 48 : index
      %get3A_3111 = tpu.vector_load %arg15[%get3A_3108, %get3A_3109, %get3A_3110] {strides = array<i32>} : memref<3x32x128xf32, #tpu.memory_space<vmem>>, vector<16xf32>,
      %mul3A_3112 = vector.broadcast %squeeze3A_3070 : f32 to vector<16xf32>
      %mul3A_3113 = arith.mulf %get3A_3111, %mul3A_3112 : vector<16xf32>
      %swap3A_3114 = arith.constant 28 : i32
      %swap3A_3115 = arith.index_cast %rem3A_193 : i32 to index
      %swap3A_3116 = arith.index_cast %swap3A_3114 : i32 to index
      %swap3A_3117 = arith.constant 48 : index
      %swap3A_3118 = tpu.vector_load %arg15[%swap3A_3115, %swap3A_3116, %swap3A_3117] {strides = array<i32>} : memref<3x32x128xf32, #tpu.memory_space<vmem>>, vector<16xf32>,
      tpu.vector_store %arg15[%swap3A_3115, %swap3A_3116, %swap3A_3117], %mul3A_3113 {strides = array<i32>} : memref<3x32x128xf32, #tpu.memory_space<vmem>>, vector<16xf32>,
      %get3A_3119 = arith.constant 28 : i32
      %get3A_3120 = arith.index_cast %rem3A_193 : i32 to index
      %get3A_3121 = arith.index_cast %get3A_3119 : i32 to index
      %get3A_3122 = arith.constant 64 : index
      %get3A_3123 = tpu.vector_load %arg15[%get3A_3120, %get3A_3121, %get3A_3122] {strides = array<i32>} : memref<3x32x128xf32, #tpu.memory_space<vmem>>, vector<16xf32>,
      %mul3A_3124 = vector.broadcast %squeeze3A_3070 : f32 to vector<16xf32>
      %mul3A_3125 = arith.mulf %get3A_3123, %mul3A_3124 : vector<16xf32>
      %swap3A_3126 = arith.constant 28 : i32
      %swap3A_3127 = arith.index_cast %rem3A_193 : i32 to index
      %swap3A_3128 = arith.index_cast %swap3A_3126 : i32 to index
      %swap3A_3129 = arith.constant 64 : index
      %swap3A_3130 = tpu.vector_load %arg15[%swap3A_3127, %swap3A_3128, %swap3A_3129] {strides = array<i32>} : memref<3x32x128xf32, #tpu.memory_space<vmem>>, vector<16xf32>,
      tpu.vector_store %arg15[%swap3A_3127, %swap3A_3128, %swap3A_3129], %mul3A_3125 {strides = array<i32>} : memref<3x32x128xf32, #tpu.memory_space<vmem>>, vector<16xf32>,
      %get3A_3131 = arith.constant 28 : i32
      %get3A_3132 = arith.index_cast %rem3A_193 : i32 to index
      %get3A_3133 = arith.index_cast %get3A_3131 : i32 to index
      %get3A_3134 = arith.constant 80 : index
      %get3A_3135 = tpu.vector_load %arg15[%get3A_3132, %get3A_3133, %get3A_3134] {strides = array<i32>} : memref<3x32x128xf32, #tpu.memory_space<vmem>>, vector<16xf32>,
      %mul3A_3136 = vector.broadcast %squeeze3A_3070 : f32 to vector<16xf32>
      %mul3A_3137 = arith.mulf %get3A_3135, %mul3A_3136 : vector<16xf32>
      %swap3A_3138 = arith.constant 28 : i32
      %swap3A_3139 = arith.index_cast %rem3A_193 : i32 to index
      %swap3A_3140 = arith.index_cast %swap3A_3138 : i32 to index
      %swap3A_3141 = arith.constant 80 : index
      %swap3A_3142 = tpu.vector_load %arg15[%swap3A_3139, %swap3A_3140, %swap3A_3141] {strides = array<i32>} : memref<3x32x128xf32, #tpu.memory_space<vmem>>, vector<16xf32>,
      tpu.vector_store %arg15[%swap3A_3139, %swap3A_3140, %swap3A_3141], %mul3A_3137 {strides = array<i32>} : memref<3x32x128xf32, #tpu.memory_space<vmem>>, vector<16xf32>,
      %get3A_3143 = arith.constant 28 : i32
      %get3A_3144 = arith.index_cast %rem3A_193 : i32 to index
      %get3A_3145 = arith.index_cast %get3A_3143 : i32 to index
      %get3A_3146 = arith.constant 96 : index
      %get3A_3147 = tpu.vector_load %arg15[%get3A_3144, %get3A_3145, %get3A_3146] {strides = array<i32>} : memref<3x32x128xf32, #tpu.memory_space<vmem>>, vector<16xf32>,
      %mul3A_3148 = vector.broadcast %squeeze3A_3070 : f32 to vector<16xf32>
      %mul3A_3149 = arith.mulf %get3A_3147, %mul3A_3148 : vector<16xf32>
      %swap3A_3150 = arith.constant 28 : i32
      %swap3A_3151 = arith.index_cast %rem3A_193 : i32 to index
      %swap3A_3152 = arith.index_cast %swap3A_3150 : i32 to index
      %swap3A_3153 = arith.constant 96 : index
      %swap3A_3154 = tpu.vector_load %arg15[%swap3A_3151, %swap3A_3152, %swap3A_3153] {strides = array<i32>} : memref<3x32x128xf32, #tpu.memory_space<vmem>>, vector<16xf32>,
      tpu.vector_store %arg15[%swap3A_3151, %swap3A_3152, %swap3A_3153], %mul3A_3149 {strides = array<i32>} : memref<3x32x128xf32, #tpu.memory_space<vmem>>, vector<16xf32>,
      %get3A_3155 = arith.constant 28 : i32
      %get3A_3156 = arith.index_cast %rem3A_193 : i32 to index
      %get3A_3157 = arith.index_cast %get3A_3155 : i32 to index
      %get3A_3158 = arith.constant 112 : index
      %get3A_3159 = tpu.vector_load %arg15[%get3A_3156, %get3A_3157, %get3A_3158] {strides = array<i32>} : memref<3x32x128xf32, #tpu.memory_space<vmem>>, vector<16xf32>,
      %mul3A_3160 = vector.broadcast %squeeze3A_3070 : f32 to vector<16xf32>
      %mul3A_3161 = arith.mulf %get3A_3159, %mul3A_3160 : vector<16xf32>
      %swap3A_3162 = arith.constant 28 : i32
      %swap3A_3163 = arith.index_cast %rem3A_193 : i32 to index
      %swap3A_3164 = arith.index_cast %swap3A_3162 : i32 to index
      %swap3A_3165 = arith.constant 112 : index
      %swap3A_3166 = tpu.vector_load %arg15[%swap3A_3163, %swap3A_3164, %swap3A_3165] {strides = array<i32>} : memref<3x32x128xf32, #tpu.memory_space<vmem>>, vector<16xf32>,
      tpu.vector_store %arg15[%swap3A_3163, %swap3A_3164, %swap3A_3165], %mul3A_3161 {strides = array<i32>} : memref<3x32x128xf32, #tpu.memory_space<vmem>>, vector<16xf32>,
      %slice3A_3167 = vector.extract_strided_slice %select_n3A_291 {offsets = [13], sizes = [1], strides = [1]} : vector<16xf32> to vector<1xf32>
      %squeeze3A_3168 = vector.extract %slice3A_3167[0] : f32 from vector<1xf32>
      %get3A_3169 = arith.constant 29 : i32
      %get3A_3170 = arith.index_cast %rem3A_193 : i32 to index
      %get3A_3171 = arith.index_cast %get3A_3169 : i32 to index
      %get3A_3172 = arith.constant 0 : index
      %get3A_3173 = tpu.vector_load %arg15[%get3A_3170, %get3A_3171, %get3A_3172] {strides = array<i32>} : memref<3x32x128xf32, #tpu.memory_space<vmem>>, vector<16xf32>,
      %mul3A_3174 = vector.broadcast %squeeze3A_3168 : f32 to vector<16xf32>
      %mul3A_3175 = arith.mulf %get3A_3173, %mul3A_3174 : vector<16xf32>
      %swap3A_3176 = arith.constant 29 : i32
      %swap3A_3177 = arith.index_cast %rem3A_193 : i32 to index
      %swap3A_3178 = arith.index_cast %swap3A_3176 : i32 to index
      %swap3A_3179 = arith.constant 0 : index
      %swap3A_3180 = tpu.vector_load %arg15[%swap3A_3177, %swap3A_3178, %swap3A_3179] {strides = array<i32>} : memref<3x32x128xf32, #tpu.memory_space<vmem>>, vector<16xf32>,
      tpu.vector_store %arg15[%swap3A_3177, %swap3A_3178, %swap3A_3179], %mul3A_3175 {strides = array<i32>} : memref<3x32x128xf32, #tpu.memory_space<vmem>>, vector<16xf32>,
      %get3A_3181 = arith.constant 29 : i32
      %get3A_3182 = arith.index_cast %rem3A_193 : i32 to index
      %get3A_3183 = arith.index_cast %get3A_3181 : i32 to index
      %get3A_3184 = arith.constant 16 : index
      %get3A_3185 = tpu.vector_load %arg15[%get3A_3182, %get3A_3183, %get3A_3184] {strides = array<i32>} : memref<3x32x128xf32, #tpu.memory_space<vmem>>, vector<16xf32>,
      %mul3A_3186 = vector.broadcast %squeeze3A_3168 : f32 to vector<16xf32>
      %mul3A_3187 = arith.mulf %get3A_3185, %mul3A_3186 : vector<16xf32>
      %swap3A_3188 = arith.constant 29 : i32
      %swap3A_3189 = arith.index_cast %rem3A_193 : i32 to index
      %swap3A_3190 = arith.index_cast %swap3A_3188 : i32 to index
      %swap3A_3191 = arith.constant 16 : index
      %swap3A_3192 = tpu.vector_load %arg15[%swap3A_3189, %swap3A_3190, %swap3A_3191] {strides = array<i32>} : memref<3x32x128xf32, #tpu.memory_space<vmem>>, vector<16xf32>,
      tpu.vector_store %arg15[%swap3A_3189, %swap3A_3190, %swap3A_3191], %mul3A_3187 {strides = array<i32>} : memref<3x32x128xf32, #tpu.memory_space<vmem>>, vector<16xf32>,
      %get3A_3193 = arith.constant 29 : i32
      %get3A_3194 = arith.index_cast %rem3A_193 : i32 to index
      %get3A_3195 = arith.index_cast %get3A_3193 : i32 to index
      %get3A_3196 = arith.constant 32 : index
      %get3A_3197 = tpu.vector_load %arg15[%get3A_3194, %get3A_3195, %get3A_3196] {strides = array<i32>} : memref<3x32x128xf32, #tpu.memory_space<vmem>>, vector<16xf32>,
      %mul3A_3198 = vector.broadcast %squeeze3A_3168 : f32 to vector<16xf32>
      %mul3A_3199 = arith.mulf %get3A_3197, %mul3A_3198 : vector<16xf32>
      %swap3A_3200 = arith.constant 29 : i32
      %swap3A_3201 = arith.index_cast %rem3A_193 : i32 to index
      %swap3A_3202 = arith.index_cast %swap3A_3200 : i32 to index
      %swap3A_3203 = arith.constant 32 : index
      %swap3A_3204 = tpu.vector_load %arg15[%swap3A_3201, %swap3A_3202, %swap3A_3203] {strides = array<i32>} : memref<3x32x128xf32, #tpu.memory_space<vmem>>, vector<16xf32>,
      tpu.vector_store %arg15[%swap3A_3201, %swap3A_3202, %swap3A_3203], %mul3A_3199 {strides = array<i32>} : memref<3x32x128xf32, #tpu.memory_space<vmem>>, vector<16xf32>,
      %get3A_3205 = arith.constant 29 : i32
      %get3A_3206 = arith.index_cast %rem3A_193 : i32 to index
      %get3A_3207 = arith.index_cast %get3A_3205 : i32 to index
      %get3A_3208 = arith.constant 48 : index
      %get3A_3209 = tpu.vector_load %arg15[%get3A_3206, %get3A_3207, %get3A_3208] {strides = array<i32>} : memref<3x32x128xf32, #tpu.memory_space<vmem>>, vector<16xf32>,
      %mul3A_3210 = vector.broadcast %squeeze3A_3168 : f32 to vector<16xf32>
      %mul3A_3211 = arith.mulf %get3A_3209, %mul3A_3210 : vector<16xf32>
      %swap3A_3212 = arith.constant 29 : i32
      %swap3A_3213 = arith.index_cast %rem3A_193 : i32 to index
      %swap3A_3214 = arith.index_cast %swap3A_3212 : i32 to index
      %swap3A_3215 = arith.constant 48 : index
      %swap3A_3216 = tpu.vector_load %arg15[%swap3A_3213, %swap3A_3214, %swap3A_3215] {strides = array<i32>} : memref<3x32x128xf32, #tpu.memory_space<vmem>>, vector<16xf32>,
      tpu.vector_store %arg15[%swap3A_3213, %swap3A_3214, %swap3A_3215], %mul3A_3211 {strides = array<i32>} : memref<3x32x128xf32, #tpu.memory_space<vmem>>, vector<16xf32>,
      %get3A_3217 = arith.constant 29 : i32
      %get3A_3218 = arith.index_cast %rem3A_193 : i32 to index
      %get3A_3219 = arith.index_cast %get3A_3217 : i32 to index
      %get3A_3220 = arith.constant 64 : index
      %get3A_3221 = tpu.vector_load %arg15[%get3A_3218, %get3A_3219, %get3A_3220] {strides = array<i32>} : memref<3x32x128xf32, #tpu.memory_space<vmem>>, vector<16xf32>,
      %mul3A_3222 = vector.broadcast %squeeze3A_3168 : f32 to vector<16xf32>
      %mul3A_3223 = arith.mulf %get3A_3221, %mul3A_3222 : vector<16xf32>
      %swap3A_3224 = arith.constant 29 : i32
      %swap3A_3225 = arith.index_cast %rem3A_193 : i32 to index
      %swap3A_3226 = arith.index_cast %swap3A_3224 : i32 to index
      %swap3A_3227 = arith.constant 64 : index
      %swap3A_3228 = tpu.vector_load %arg15[%swap3A_3225, %swap3A_3226, %swap3A_3227] {strides = array<i32>} : memref<3x32x128xf32, #tpu.memory_space<vmem>>, vector<16xf32>,
      tpu.vector_store %arg15[%swap3A_3225, %swap3A_3226, %swap3A_3227], %mul3A_3223 {strides = array<i32>} : memref<3x32x128xf32, #tpu.memory_space<vmem>>, vector<16xf32>,
      %get3A_3229 = arith.constant 29 : i32
      %get3A_3230 = arith.index_cast %rem3A_193 : i32 to index
      %get3A_3231 = arith.index_cast %get3A_3229 : i32 to index
      %get3A_3232 = arith.constant 80 : index
      %get3A_3233 = tpu.vector_load %arg15[%get3A_3230, %get3A_3231, %get3A_3232] {strides = array<i32>} : memref<3x32x128xf32, #tpu.memory_space<vmem>>, vector<16xf32>,
      %mul3A_3234 = vector.broadcast %squeeze3A_3168 : f32 to vector<16xf32>
      %mul3A_3235 = arith.mulf %get3A_3233, %mul3A_3234 : vector<16xf32>
      %swap3A_3236 = arith.constant 29 : i32
      %swap3A_3237 = arith.index_cast %rem3A_193 : i32 to index
      %swap3A_3238 = arith.index_cast %swap3A_3236 : i32 to index
      %swap3A_3239 = arith.constant 80 : index
      %swap3A_3240 = tpu.vector_load %arg15[%swap3A_3237, %swap3A_3238, %swap3A_3239] {strides = array<i32>} : memref<3x32x128xf32, #tpu.memory_space<vmem>>, vector<16xf32>,
      tpu.vector_store %arg15[%swap3A_3237, %swap3A_3238, %swap3A_3239], %mul3A_3235 {strides = array<i32>} : memref<3x32x128xf32, #tpu.memory_space<vmem>>, vector<16xf32>,
      %get3A_3241 = arith.constant 29 : i32
      %get3A_3242 = arith.index_cast %rem3A_193 : i32 to index
      %get3A_3243 = arith.index_cast %get3A_3241 : i32 to index
      %get3A_3244 = arith.constant 96 : index
      %get3A_3245 = tpu.vector_load %arg15[%get3A_3242, %get3A_3243, %get3A_3244] {strides = array<i32>} : memref<3x32x128xf32, #tpu.memory_space<vmem>>, vector<16xf32>,
      %mul3A_3246 = vector.broadcast %squeeze3A_3168 : f32 to vector<16xf32>
      %mul3A_3247 = arith.mulf %get3A_3245, %mul3A_3246 : vector<16xf32>
      %swap3A_3248 = arith.constant 29 : i32
      %swap3A_3249 = arith.index_cast %rem3A_193 : i32 to index
      %swap3A_3250 = arith.index_cast %swap3A_3248 : i32 to index
      %swap3A_3251 = arith.constant 96 : index
      %swap3A_3252 = tpu.vector_load %arg15[%swap3A_3249, %swap3A_3250, %swap3A_3251] {strides = array<i32>} : memref<3x32x128xf32, #tpu.memory_space<vmem>>, vector<16xf32>,
      tpu.vector_store %arg15[%swap3A_3249, %swap3A_3250, %swap3A_3251], %mul3A_3247 {strides = array<i32>} : memref<3x32x128xf32, #tpu.memory_space<vmem>>, vector<16xf32>,
      %get3A_3253 = arith.constant 29 : i32
      %get3A_3254 = arith.index_cast %rem3A_193 : i32 to index
      %get3A_3255 = arith.index_cast %get3A_3253 : i32 to index
      %get3A_3256 = arith.constant 112 : index
      %get3A_3257 = tpu.vector_load %arg15[%get3A_3254, %get3A_3255, %get3A_3256] {strides = array<i32>} : memref<3x32x128xf32, #tpu.memory_space<vmem>>, vector<16xf32>,
      %mul3A_3258 = vector.broadcast %squeeze3A_3168 : f32 to vector<16xf32>
      %mul3A_3259 = arith.mulf %get3A_3257, %mul3A_3258 : vector<16xf32>
      %swap3A_3260 = arith.constant 29 : i32
      %swap3A_3261 = arith.index_cast %rem3A_193 : i32 to index
      %swap3A_3262 = arith.index_cast %swap3A_3260 : i32 to index
      %swap3A_3263 = arith.constant 112 : index
      %swap3A_3264 = tpu.vector_load %arg15[%swap3A_3261, %swap3A_3262, %swap3A_3263] {strides = array<i32>} : memref<3x32x128xf32, #tpu.memory_space<vmem>>, vector<16xf32>,
      tpu.vector_store %arg15[%swap3A_3261, %swap3A_3262, %swap3A_3263], %mul3A_3259 {strides = array<i32>} : memref<3x32x128xf32, #tpu.memory_space<vmem>>, vector<16xf32>,
      %slice3A_3265 = vector.extract_strided_slice %select_n3A_291 {offsets = [14], sizes = [1], strides = [1]} : vector<16xf32> to vector<1xf32>
      %squeeze3A_3266 = vector.extract %slice3A_3265[0] : f32 from vector<1xf32>
      %get3A_3267 = arith.constant 30 : i32
      %get3A_3268 = arith.index_cast %rem3A_193 : i32 to index
      %get3A_3269 = arith.index_cast %get3A_3267 : i32 to index
      %get3A_3270 = arith.constant 0 : index
      %get3A_3271 = tpu.vector_load %arg15[%get3A_3268, %get3A_3269, %get3A_3270] {strides = array<i32>} : memref<3x32x128xf32, #tpu.memory_space<vmem>>, vector<16xf32>,
      %mul3A_3272 = vector.broadcast %squeeze3A_3266 : f32 to vector<16xf32>
      %mul3A_3273 = arith.mulf %get3A_3271, %mul3A_3272 : vector<16xf32>
      %swap3A_3274 = arith.constant 30 : i32
      %swap3A_3275 = arith.index_cast %rem3A_193 : i32 to index
      %swap3A_3276 = arith.index_cast %swap3A_3274 : i32 to index
      %swap3A_3277 = arith.constant 0 : index
      %swap3A_3278 = tpu.vector_load %arg15[%swap3A_3275, %swap3A_3276, %swap3A_3277] {strides = array<i32>} : memref<3x32x128xf32, #tpu.memory_space<vmem>>, vector<16xf32>,
      tpu.vector_store %arg15[%swap3A_3275, %swap3A_3276, %swap3A_3277], %mul3A_3273 {strides = array<i32>} : memref<3x32x128xf32, #tpu.memory_space<vmem>>, vector<16xf32>,
      %get3A_3279 = arith.constant 30 : i32
      %get3A_3280 = arith.index_cast %rem3A_193 : i32 to index
      %get3A_3281 = arith.index_cast %get3A_3279 : i32 to index
      %get3A_3282 = arith.constant 16 : index
      %get3A_3283 = tpu.vector_load %arg15[%get3A_3280, %get3A_3281, %get3A_3282] {strides = array<i32>} : memref<3x32x128xf32, #tpu.memory_space<vmem>>, vector<16xf32>,
      %mul3A_3284 = vector.broadcast %squeeze3A_3266 : f32 to vector<16xf32>
      %mul3A_3285 = arith.mulf %get3A_3283, %mul3A_3284 : vector<16xf32>
      %swap3A_3286 = arith.constant 30 : i32
      %swap3A_3287 = arith.index_cast %rem3A_193 : i32 to index
      %swap3A_3288 = arith.index_cast %swap3A_3286 : i32 to index
      %swap3A_3289 = arith.constant 16 : index
      %swap3A_3290 = tpu.vector_load %arg15[%swap3A_3287, %swap3A_3288, %swap3A_3289] {strides = array<i32>} : memref<3x32x128xf32, #tpu.memory_space<vmem>>, vector<16xf32>,
      tpu.vector_store %arg15[%swap3A_3287, %swap3A_3288, %swap3A_3289], %mul3A_3285 {strides = array<i32>} : memref<3x32x128xf32, #tpu.memory_space<vmem>>, vector<16xf32>,
      %get3A_3291 = arith.constant 30 : i32
      %get3A_3292 = arith.index_cast %rem3A_193 : i32 to index
      %get3A_3293 = arith.index_cast %get3A_3291 : i32 to index
      %get3A_3294 = arith.constant 32 : index
      %get3A_3295 = tpu.vector_load %arg15[%get3A_3292, %get3A_3293, %get3A_3294] {strides = array<i32>} : memref<3x32x128xf32, #tpu.memory_space<vmem>>, vector<16xf32>,
      %mul3A_3296 = vector.broadcast %squeeze3A_3266 : f32 to vector<16xf32>
      %mul3A_3297 = arith.mulf %get3A_3295, %mul3A_3296 : vector<16xf32>
      %swap3A_3298 = arith.constant 30 : i32
      %swap3A_3299 = arith.index_cast %rem3A_193 : i32 to index
      %swap3A_3300 = arith.index_cast %swap3A_3298 : i32 to index
      %swap3A_3301 = arith.constant 32 : index
      %swap3A_3302 = tpu.vector_load %arg15[%swap3A_3299, %swap3A_3300, %swap3A_3301] {strides = array<i32>} : memref<3x32x128xf32, #tpu.memory_space<vmem>>, vector<16xf32>,
      tpu.vector_store %arg15[%swap3A_3299, %swap3A_3300, %swap3A_3301], %mul3A_3297 {strides = array<i32>} : memref<3x32x128xf32, #tpu.memory_space<vmem>>, vector<16xf32>,
      %get3A_3303 = arith.constant 30 : i32
      %get3A_3304 = arith.index_cast %rem3A_193 : i32 to index
      %get3A_3305 = arith.index_cast %get3A_3303 : i32 to index
      %get3A_3306 = arith.constant 48 : index
      %get3A_3307 = tpu.vector_load %arg15[%get3A_3304, %get3A_3305, %get3A_3306] {strides = array<i32>} : memref<3x32x128xf32, #tpu.memory_space<vmem>>, vector<16xf32>,
      %mul3A_3308 = vector.broadcast %squeeze3A_3266 : f32 to vector<16xf32>
      %mul3A_3309 = arith.mulf %get3A_3307, %mul3A_3308 : vector<16xf32>
      %swap3A_3310 = arith.constant 30 : i32
      %swap3A_3311 = arith.index_cast %rem3A_193 : i32 to index
      %swap3A_3312 = arith.index_cast %swap3A_3310 : i32 to index
      %swap3A_3313 = arith.constant 48 : index
      %swap3A_3314 = tpu.vector_load %arg15[%swap3A_3311, %swap3A_3312, %swap3A_3313] {strides = array<i32>} : memref<3x32x128xf32, #tpu.memory_space<vmem>>, vector<16xf32>,
      tpu.vector_store %arg15[%swap3A_3311, %swap3A_3312, %swap3A_3313], %mul3A_3309 {strides = array<i32>} : memref<3x32x128xf32, #tpu.memory_space<vmem>>, vector<16xf32>,
      %get3A_3315 = arith.constant 30 : i32
      %get3A_3316 = arith.index_cast %rem3A_193 : i32 to index
      %get3A_3317 = arith.index_cast %get3A_3315 : i32 to index
      %get3A_3318 = arith.constant 64 : index
      %get3A_3319 = tpu.vector_load %arg15[%get3A_3316, %get3A_3317, %get3A_3318] {strides = array<i32>} : memref<3x32x128xf32, #tpu.memory_space<vmem>>, vector<16xf32>,
      %mul3A_3320 = vector.broadcast %squeeze3A_3266 : f32 to vector<16xf32>
      %mul3A_3321 = arith.mulf %get3A_3319, %mul3A_3320 : vector<16xf32>
      %swap3A_3322 = arith.constant 30 : i32
      %swap3A_3323 = arith.index_cast %rem3A_193 : i32 to index
      %swap3A_3324 = arith.index_cast %swap3A_3322 : i32 to index
      %swap3A_3325 = arith.constant 64 : index
      %swap3A_3326 = tpu.vector_load %arg15[%swap3A_3323, %swap3A_3324, %swap3A_3325] {strides = array<i32>} : memref<3x32x128xf32, #tpu.memory_space<vmem>>, vector<16xf32>,
      tpu.vector_store %arg15[%swap3A_3323, %swap3A_3324, %swap3A_3325], %mul3A_3321 {strides = array<i32>} : memref<3x32x128xf32, #tpu.memory_space<vmem>>, vector<16xf32>,
      %get3A_3327 = arith.constant 30 : i32
      %get3A_3328 = arith.index_cast %rem3A_193 : i32 to index
      %get3A_3329 = arith.index_cast %get3A_3327 : i32 to index
      %get3A_3330 = arith.constant 80 : index
      %get3A_3331 = tpu.vector_load %arg15[%get3A_3328, %get3A_3329, %get3A_3330] {strides = array<i32>} : memref<3x32x128xf32, #tpu.memory_space<vmem>>, vector<16xf32>,
      %mul3A_3332 = vector.broadcast %squeeze3A_3266 : f32 to vector<16xf32>
      %mul3A_3333 = arith.mulf %get3A_3331, %mul3A_3332 : vector<16xf32>
      %swap3A_3334 = arith.constant 30 : i32
      %swap3A_3335 = arith.index_cast %rem3A_193 : i32 to index
      %swap3A_3336 = arith.index_cast %swap3A_3334 : i32 to index
      %swap3A_3337 = arith.constant 80 : index
      %swap3A_3338 = tpu.vector_load %arg15[%swap3A_3335, %swap3A_3336, %swap3A_3337] {strides = array<i32>} : memref<3x32x128xf32, #tpu.memory_space<vmem>>, vector<16xf32>,
      tpu.vector_store %arg15[%swap3A_3335, %swap3A_3336, %swap3A_3337], %mul3A_3333 {strides = array<i32>} : memref<3x32x128xf32, #tpu.memory_space<vmem>>, vector<16xf32>,
      %get3A_3339 = arith.constant 30 : i32
      %get3A_3340 = arith.index_cast %rem3A_193 : i32 to index
      %get3A_3341 = arith.index_cast %get3A_3339 : i32 to index
      %get3A_3342 = arith.constant 96 : index
      %get3A_3343 = tpu.vector_load %arg15[%get3A_3340, %get3A_3341, %get3A_3342] {strides = array<i32>} : memref<3x32x128xf32, #tpu.memory_space<vmem>>, vector<16xf32>,
      %mul3A_3344 = vector.broadcast %squeeze3A_3266 : f32 to vector<16xf32>
      %mul3A_3345 = arith.mulf %get3A_3343, %mul3A_3344 : vector<16xf32>
      %swap3A_3346 = arith.constant 30 : i32
      %swap3A_3347 = arith.index_cast %rem3A_193 : i32 to index
      %swap3A_3348 = arith.index_cast %swap3A_3346 : i32 to index
      %swap3A_3349 = arith.constant 96 : index
      %swap3A_3350 = tpu.vector_load %arg15[%swap3A_3347, %swap3A_3348, %swap3A_3349] {strides = array<i32>} : memref<3x32x128xf32, #tpu.memory_space<vmem>>, vector<16xf32>,
      tpu.vector_store %arg15[%swap3A_3347, %swap3A_3348, %swap3A_3349], %mul3A_3345 {strides = array<i32>} : memref<3x32x128xf32, #tpu.memory_space<vmem>>, vector<16xf32>,
      %get3A_3351 = arith.constant 30 : i32
      %get3A_3352 = arith.index_cast %rem3A_193 : i32 to index
      %get3A_3353 = arith.index_cast %get3A_3351 : i32 to index
      %get3A_3354 = arith.constant 112 : index
      %get3A_3355 = tpu.vector_load %arg15[%get3A_3352, %get3A_3353, %get3A_3354] {strides = array<i32>} : memref<3x32x128xf32, #tpu.memory_space<vmem>>, vector<16xf32>,
      %mul3A_3356 = vector.broadcast %squeeze3A_3266 : f32 to vector<16xf32>
      %mul3A_3357 = arith.mulf %get3A_3355, %mul3A_3356 : vector<16xf32>
      %swap3A_3358 = arith.constant 30 : i32
      %swap3A_3359 = arith.index_cast %rem3A_193 : i32 to index
      %swap3A_3360 = arith.index_cast %swap3A_3358 : i32 to index
      %swap3A_3361 = arith.constant 112 : index
      %swap3A_3362 = tpu.vector_load %arg15[%swap3A_3359, %swap3A_3360, %swap3A_3361] {strides = array<i32>} : memref<3x32x128xf32, #tpu.memory_space<vmem>>, vector<16xf32>,
      tpu.vector_store %arg15[%swap3A_3359, %swap3A_3360, %swap3A_3361], %mul3A_3357 {strides = array<i32>} : memref<3x32x128xf32, #tpu.memory_space<vmem>>, vector<16xf32>,
      %slice3A_3363 = vector.extract_strided_slice %select_n3A_291 {offsets = [15], sizes = [1], strides = [1]} : vector<16xf32> to vector<1xf32>
      %squeeze3A_3364 = vector.extract %slice3A_3363[0] : f32 from vector<1xf32>
      %get3A_3365 = arith.constant 31 : i32
      %get3A_3366 = arith.index_cast %rem3A_193 : i32 to index
      %get3A_3367 = arith.index_cast %get3A_3365 : i32 to index
      %get3A_3368 = arith.constant 0 : index
      %get3A_3369 = tpu.vector_load %arg15[%get3A_3366, %get3A_3367, %get3A_3368] {strides = array<i32>} : memref<3x32x128xf32, #tpu.memory_space<vmem>>, vector<16xf32>,
      %mul3A_3370 = vector.broadcast %squeeze3A_3364 : f32 to vector<16xf32>
      %mul3A_3371 = arith.mulf %get3A_3369, %mul3A_3370 : vector<16xf32>
      %swap3A_3372 = arith.constant 31 : i32
      %swap3A_3373 = arith.index_cast %rem3A_193 : i32 to index
      %swap3A_3374 = arith.index_cast %swap3A_3372 : i32 to index
      %swap3A_3375 = arith.constant 0 : index
      %swap3A_3376 = tpu.vector_load %arg15[%swap3A_3373, %swap3A_3374, %swap3A_3375] {strides = array<i32>} : memref<3x32x128xf32, #tpu.memory_space<vmem>>, vector<16xf32>,
      tpu.vector_store %arg15[%swap3A_3373, %swap3A_3374, %swap3A_3375], %mul3A_3371 {strides = array<i32>} : memref<3x32x128xf32, #tpu.memory_space<vmem>>, vector<16xf32>,
      %get3A_3377 = arith.constant 31 : i32
      %get3A_3378 = arith.index_cast %rem3A_193 : i32 to index
      %get3A_3379 = arith.index_cast %get3A_3377 : i32 to index
      %get3A_3380 = arith.constant 16 : index
      %get3A_3381 = tpu.vector_load %arg15[%get3A_3378, %get3A_3379, %get3A_3380] {strides = array<i32>} : memref<3x32x128xf32, #tpu.memory_space<vmem>>, vector<16xf32>,
      %mul3A_3382 = vector.broadcast %squeeze3A_3364 : f32 to vector<16xf32>
      %mul3A_3383 = arith.mulf %get3A_3381, %mul3A_3382 : vector<16xf32>
      %swap3A_3384 = arith.constant 31 : i32
      %swap3A_3385 = arith.index_cast %rem3A_193 : i32 to index
      %swap3A_3386 = arith.index_cast %swap3A_3384 : i32 to index
      %swap3A_3387 = arith.constant 16 : index
      %swap3A_3388 = tpu.vector_load %arg15[%swap3A_3385, %swap3A_3386, %swap3A_3387] {strides = array<i32>} : memref<3x32x128xf32, #tpu.memory_space<vmem>>, vector<16xf32>,
      tpu.vector_store %arg15[%swap3A_3385, %swap3A_3386, %swap3A_3387], %mul3A_3383 {strides = array<i32>} : memref<3x32x128xf32, #tpu.memory_space<vmem>>, vector<16xf32>,
      %get3A_3389 = arith.constant 31 : i32
      %get3A_3390 = arith.index_cast %rem3A_193 : i32 to index
      %get3A_3391 = arith.index_cast %get3A_3389 : i32 to index
      %get3A_3392 = arith.constant 32 : index
      %get3A_3393 = tpu.vector_load %arg15[%get3A_3390, %get3A_3391, %get3A_3392] {strides = array<i32>} : memref<3x32x128xf32, #tpu.memory_space<vmem>>, vector<16xf32>,
      %mul3A_3394 = vector.broadcast %squeeze3A_3364 : f32 to vector<16xf32>
      %mul3A_3395 = arith.mulf %get3A_3393, %mul3A_3394 : vector<16xf32>
      %swap3A_3396 = arith.constant 31 : i32
      %swap3A_3397 = arith.index_cast %rem3A_193 : i32 to index
      %swap3A_3398 = arith.index_cast %swap3A_3396 : i32 to index
      %swap3A_3399 = arith.constant 32 : index
      %swap3A_3400 = tpu.vector_load %arg15[%swap3A_3397, %swap3A_3398, %swap3A_3399] {strides = array<i32>} : memref<3x32x128xf32, #tpu.memory_space<vmem>>, vector<16xf32>,
      tpu.vector_store %arg15[%swap3A_3397, %swap3A_3398, %swap3A_3399], %mul3A_3395 {strides = array<i32>} : memref<3x32x128xf32, #tpu.memory_space<vmem>>, vector<16xf32>,
      %get3A_3401 = arith.constant 31 : i32
      %get3A_3402 = arith.index_cast %rem3A_193 : i32 to index
      %get3A_3403 = arith.index_cast %get3A_3401 : i32 to index
      %get3A_3404 = arith.constant 48 : index
      %get3A_3405 = tpu.vector_load %arg15[%get3A_3402, %get3A_3403, %get3A_3404] {strides = array<i32>} : memref<3x32x128xf32, #tpu.memory_space<vmem>>, vector<16xf32>,
      %mul3A_3406 = vector.broadcast %squeeze3A_3364 : f32 to vector<16xf32>
      %mul3A_3407 = arith.mulf %get3A_3405, %mul3A_3406 : vector<16xf32>
      %swap3A_3408 = arith.constant 31 : i32
      %swap3A_3409 = arith.index_cast %rem3A_193 : i32 to index
      %swap3A_3410 = arith.index_cast %swap3A_3408 : i32 to index
      %swap3A_3411 = arith.constant 48 : index
      %swap3A_3412 = tpu.vector_load %arg15[%swap3A_3409, %swap3A_3410, %swap3A_3411] {strides = array<i32>} : memref<3x32x128xf32, #tpu.memory_space<vmem>>, vector<16xf32>,
      tpu.vector_store %arg15[%swap3A_3409, %swap3A_3410, %swap3A_3411], %mul3A_3407 {strides = array<i32>} : memref<3x32x128xf32, #tpu.memory_space<vmem>>, vector<16xf32>,
      %get3A_3413 = arith.constant 31 : i32
      %get3A_3414 = arith.index_cast %rem3A_193 : i32 to index
      %get3A_3415 = arith.index_cast %get3A_3413 : i32 to index
      %get3A_3416 = arith.constant 64 : index
      %get3A_3417 = tpu.vector_load %arg15[%get3A_3414, %get3A_3415, %get3A_3416] {strides = array<i32>} : memref<3x32x128xf32, #tpu.memory_space<vmem>>, vector<16xf32>,
      %mul3A_3418 = vector.broadcast %squeeze3A_3364 : f32 to vector<16xf32>
      %mul3A_3419 = arith.mulf %get3A_3417, %mul3A_3418 : vector<16xf32>
      %swap3A_3420 = arith.constant 31 : i32
      %swap3A_3421 = arith.index_cast %rem3A_193 : i32 to index
      %swap3A_3422 = arith.index_cast %swap3A_3420 : i32 to index
      %swap3A_3423 = arith.constant 64 : index
      %swap3A_3424 = tpu.vector_load %arg15[%swap3A_3421, %swap3A_3422, %swap3A_3423] {strides = array<i32>} : memref<3x32x128xf32, #tpu.memory_space<vmem>>, vector<16xf32>,
      tpu.vector_store %arg15[%swap3A_3421, %swap3A_3422, %swap3A_3423], %mul3A_3419 {strides = array<i32>} : memref<3x32x128xf32, #tpu.memory_space<vmem>>, vector<16xf32>,
      %get3A_3425 = arith.constant 31 : i32
      %get3A_3426 = arith.index_cast %rem3A_193 : i32 to index
      %get3A_3427 = arith.index_cast %get3A_3425 : i32 to index
      %get3A_3428 = arith.constant 80 : index
      %get3A_3429 = tpu.vector_load %arg15[%get3A_3426, %get3A_3427, %get3A_3428] {strides = array<i32>} : memref<3x32x128xf32, #tpu.memory_space<vmem>>, vector<16xf32>,
      %mul3A_3430 = vector.broadcast %squeeze3A_3364 : f32 to vector<16xf32>
      %mul3A_3431 = arith.mulf %get3A_3429, %mul3A_3430 : vector<16xf32>
      %swap3A_3432 = arith.constant 31 : i32
      %swap3A_3433 = arith.index_cast %rem3A_193 : i32 to index
      %swap3A_3434 = arith.index_cast %swap3A_3432 : i32 to index
      %swap3A_3435 = arith.constant 80 : index
      %swap3A_3436 = tpu.vector_load %arg15[%swap3A_3433, %swap3A_3434, %swap3A_3435] {strides = array<i32>} : memref<3x32x128xf32, #tpu.memory_space<vmem>>, vector<16xf32>,
      tpu.vector_store %arg15[%swap3A_3433, %swap3A_3434, %swap3A_3435], %mul3A_3431 {strides = array<i32>} : memref<3x32x128xf32, #tpu.memory_space<vmem>>, vector<16xf32>,
      %get3A_3437 = arith.constant 31 : i32
      %get3A_3438 = arith.index_cast %rem3A_193 : i32 to index
      %get3A_3439 = arith.index_cast %get3A_3437 : i32 to index
      %get3A_3440 = arith.constant 96 : index
      %get3A_3441 = tpu.vector_load %arg15[%get3A_3438, %get3A_3439, %get3A_3440] {strides = array<i32>} : memref<3x32x128xf32, #tpu.memory_space<vmem>>, vector<16xf32>,
      %mul3A_3442 = vector.broadcast %squeeze3A_3364 : f32 to vector<16xf32>
      %mul3A_3443 = arith.mulf %get3A_3441, %mul3A_3442 : vector<16xf32>
      %swap3A_3444 = arith.constant 31 : i32
      %swap3A_3445 = arith.index_cast %rem3A_193 : i32 to index
      %swap3A_3446 = arith.index_cast %swap3A_3444 : i32 to index
      %swap3A_3447 = arith.constant 96 : index
      %swap3A_3448 = tpu.vector_load %arg15[%swap3A_3445, %swap3A_3446, %swap3A_3447] {strides = array<i32>} : memref<3x32x128xf32, #tpu.memory_space<vmem>>, vector<16xf32>,
      tpu.vector_store %arg15[%swap3A_3445, %swap3A_3446, %swap3A_3447], %mul3A_3443 {strides = array<i32>} : memref<3x32x128xf32, #tpu.memory_space<vmem>>, vector<16xf32>,
      %get3A_3449 = arith.constant 31 : i32
      %get3A_3450 = arith.index_cast %rem3A_193 : i32 to index
      %get3A_3451 = arith.index_cast %get3A_3449 : i32 to index
      %get3A_3452 = arith.constant 112 : index
      %get3A_3453 = tpu.vector_load %arg15[%get3A_3450, %get3A_3451, %get3A_3452] {strides = array<i32>} : memref<3x32x128xf32, #tpu.memory_space<vmem>>, vector<16xf32>,
      %mul3A_3454 = vector.broadcast %squeeze3A_3364 : f32 to vector<16xf32>
      %mul3A_3455 = arith.mulf %get3A_3453, %mul3A_3454 : vector<16xf32>
      %swap3A_3456 = arith.constant 31 : i32
      %swap3A_3457 = arith.index_cast %rem3A_193 : i32 to index
      %swap3A_3458 = arith.index_cast %swap3A_3456 : i32 to index
      %swap3A_3459 = arith.constant 112 : index
      %swap3A_3460 = tpu.vector_load %arg15[%swap3A_3457, %swap3A_3458, %swap3A_3459] {strides = array<i32>} : memref<3x32x128xf32, #tpu.memory_space<vmem>>, vector<16xf32>,
      tpu.vector_store %arg15[%swap3A_3457, %swap3A_3458, %swap3A_3459], %mul3A_3455 {strides = array<i32>} : memref<3x32x128xf32, #tpu.memory_space<vmem>>, vector<16xf32>,
      %dma_start3A_3461 = arith.constant 0 : i32
      %dma_start3A_3462 = arith.constant 0 : i32
      %dma_start3A_3463 = tpu.memref_slice %arg15[%rem3A_193, %dma_start3A_3461, %dma_start3A_3462] : memref<3x32x128xf32, #tpu.memory_space<vmem>> -> memref<1x32x128xf32, #tpu.memory_space<vmem>>
      %dma_start3A_3464 = tpu.memref_squeeze %dma_start3A_3463 : memref<1x32x128xf32, #tpu.memory_space<vmem>> -> memref<32x128xf32, #tpu.memory_space<vmem>>
      %dma_start3A_3465 = arith.constant 0 : i32
      %dma_start3A_3466 = tpu.memref_slice %arg11[%rem3A_191, %rem3A_195, %dma_start3A_3465] : memref<2x8x32xi32, #tpu.memory_space<vmem>> -> memref<1x1x32xi32, #tpu.memory_space<vmem>>
      %dma_start3A_3467 = tpu.memref_squeeze %dma_start3A_3466 : memref<1x1x32xi32, #tpu.memory_space<vmem>> -> memref<32xi32, #tpu.memory_space<vmem>>
      %dma_start3A_3468 = arith.constant 0 : i32
      %dma_start3A_3469 = arith.constant 0 : i32
      %dma_start3A_3470 = tpu.memref_slice %arg18[%dma_start3A_3468, %dma_start3A_3469] : memref<10112x128xf32, #tpu.memory_space<vmem_shared>> -> memref<10112x128xf32, #tpu.memory_space<vmem_shared>>
      tpu.enqueue_indirect_dma source(%dma_start3A_3464 : memref<32x128xf32, #tpu.memory_space<vmem>>) target(%dma_start3A_3470 : memref<10112x128xf32, #tpu.memory_space<vmem_shared>>) offsets(%dma_start3A_3467 : memref<32xi32, #tpu.memory_space<vmem>>) semaphore(%arg22 : memref<!tpu.dma_semaphore, #tpu.memory_space<semaphore_mem>>) {add = true}
      %scan3A_3471 = arith.constant 0 : i32
      scf.yield %scan3A_3471 : i32
    }
    %scan3A_158 = arith.constant 648 : i32
    %dma_wait3A_159 = arith.constant 0 : i32
    %dma_wait3A_160 = arith.constant 0 : i32
    %dma_wait3A_161 = arith.constant 0 : i32
    %dma_wait3A_162 = tpu.memref_slice %arg15[%dma_wait3A_159, %dma_wait3A_160, %dma_wait3A_161] : memref<3x32x128xf32, #tpu.memory_space<vmem>> -> memref<1x32x128xf32, #tpu.memory_space<vmem>>
    %dma_wait3A_163 = tpu.memref_squeeze %dma_wait3A_162 : memref<1x32x128xf32, #tpu.memory_space<vmem>> -> memref<32x128xf32, #tpu.memory_space<vmem>>
    %dma_wait3A_164 = arith.constant 0 : i32
    %dma_wait3A_165 = arith.constant 0 : i32
    %dma_wait3A_166 = tpu.memref_slice %arg2[%dma_wait3A_164, %dma_wait3A_165] : memref<10240x128xf32, #tpu.memory_space<hbm>> -> memref<32x128xf32, #tpu.memory_space<hbm>>
    %dma_wait3A_167 = arith.constant 0 : i32
    %dma_wait3A_168 = arith.constant 0 : i32
    %dma_wait3A_169 = tpu.memref_slice %arg15[%dma_wait3A_159, %dma_wait3A_167, %dma_wait3A_168] : memref<3x32x128xf32, #tpu.memory_space<vmem>> -> memref<1x32x128xf32, #tpu.memory_space<vmem>>
    %dma_wait3A_170 = tpu.memref_squeeze %dma_wait3A_169 : memref<1x32x128xf32, #tpu.memory_space<vmem>> -> memref<32x128xf32, #tpu.memory_space<vmem>>
    %dma_wait3A_171 = arith.constant 0 : i32
    %dma_wait3A_172 = arith.constant 0 : i32
    %dma_wait3A_173 = tpu.memref_slice %arg2[%dma_wait3A_171, %dma_wait3A_172] : memref<10240x128xf32, #tpu.memory_space<hbm>> -> memref<32x128xf32, #tpu.memory_space<hbm>>
    tpu.wait_dma2 semaphore(%arg22 : memref<!tpu.dma_semaphore, #tpu.memory_space<semaphore_mem>>) src(%dma_wait3A_173 : memref<32x128xf32, #tpu.memory_space<hbm>>) dst(%dma_wait3A_170 : memref<32x128xf32, #tpu.memory_space<vmem>>)
    "tpu.region"() ({
      %run_scoped3A_186 = tpu.sem_alloc : memref<!tpu.dma_semaphore, #tpu.memory_space<semaphore_mem>>
      %dma_start3A_187 = arith.constant 0 : i32
      %dma_start3A_188 = arith.constant 0 : i32
      %dma_start3A_189 = tpu.memref_slice %arg19[%dma_start3A_187, %dma_start3A_188] : memref<80x128xf32, #tpu.memory_space<vmem_shared>> -> memref<80x128xf32, #tpu.memory_space<vmem_shared>>
      tpu.enqueue_indirect_dma source(%arg16 : memref<80x128xf32, #tpu.memory_space<vmem>>) target(%dma_start3A_189 : memref<80x128xf32, #tpu.memory_space<vmem_shared>>) offsets(%arg17 : memref<80xi32, #tpu.memory_space<vmem>>) semaphore(%run_scoped3A_186 : memref<!tpu.dma_semaphore, #tpu.memory_space<semaphore_mem>>) {add = true}
      %dma_wait3A_190 = arith.constant 0 : i32
      %dma_wait3A_191 = arith.constant 0 : i32
      %dma_wait3A_192 = tpu.memref_slice %arg19[%dma_wait3A_190, %dma_wait3A_191] : memref<80x128xf32, #tpu.memory_space<vmem_shared>> -> memref<80x128xf32, #tpu.memory_space<vmem_shared>>
      tpu.wait_indirect_dma semaphore(%run_scoped3A_186 : memref<!tpu.dma_semaphore, #tpu.memory_space<semaphore_mem>>) src(%arg16 : memref<80x128xf32, #tpu.memory_space<vmem>>) dst(%dma_wait3A_192 : memref<80x128xf32, #tpu.memory_space<vmem_shared>>)
      tpu.yield
    }) : () -> ()
    %barrier3A_174 = arith.constant 0 : index
    tpu.barrier barrier_id(%barrier3A_174)
    %scan3A_175 = arith.constant 0 : i32
    %scan3A_176 = arith.constant 0 : i32
    %scan3A_177 = arith.constant 20 : i32
    %scan3A_178 = arith.addi %scan3A_176, %scan3A_177 : i32
    %scan3A_179 = arith.constant 1 : i32
    %scan3A_180 = scf.for %scan3A_186 = %scan3A_176 to %scan3A_178 step %scan3A_179 iter_args(%scan3A_187 = %scan3A_175) -> (i32)  : i32 {
      %mul3A_188 = arith.constant 32 : i32
      %mul3A_189 = arith.muli %scan3A_186, %mul3A_188 : i32
      %min3A = arith.constant 600 : i32
      %min3A_190 = arith.minsi %mul3A_189, %min3A : i32
      %add3A_191 = arith.addi %mul3A_4, %min3A_190 : i32
      %run_scoped3A_192 = arith.constant 0 : i32
      "tpu.region"() ({
        %run_scoped3A_196 = tpu.sem_alloc : memref<!tpu.dma_semaphore, #tpu.memory_space<semaphore_mem>>
        %dma_start3A_197 = arith.constant 0 : i32
        %dma_start3A_198 = arith.constant 0 : i32
        %dma_start3A_199 = tpu.memref_slice %arg15[%run_scoped3A_192, %dma_start3A_197, %dma_start3A_198] : memref<3x32x128xf32, #tpu.memory_space<vmem>> -> memref<1x32x128xf32, #tpu.memory_space<vmem>>
        %dma_start3A_200 = tpu.memref_squeeze %dma_start3A_199 : memref<1x32x128xf32, #tpu.memory_space<vmem>> -> memref<32x128xf32, #tpu.memory_space<vmem>>
        %dma_start3A_201 = arith.constant 0 : i32
        %dma_start3A_202 = tpu.memref_slice %arg18[%add3A_191, %dma_start3A_201] : memref<10112x128xf32, #tpu.memory_space<vmem_shared>> -> memref<32x128xf32, #tpu.memory_space<vmem_shared>>
        %dma_start3A_203 = arith.constant 0 : i32
        %dma_start3A_204 = arith.constant 0 : i32
        %dma_start3A_205 = tpu.memref_slice %arg15[%run_scoped3A_192, %dma_start3A_203, %dma_start3A_204] : memref<3x32x128xf32, #tpu.memory_space<vmem>> -> memref<1x32x128xf32, #tpu.memory_space<vmem>>
        %dma_start3A_206 = tpu.memref_squeeze %dma_start3A_205 : memref<1x32x128xf32, #tpu.memory_space<vmem>> -> memref<32x128xf32, #tpu.memory_space<vmem>>
        %dma_start3A_207 = arith.constant 0 : i32
        %dma_start3A_208 = tpu.memref_slice %arg18[%add3A_191, %dma_start3A_207] : memref<10112x128xf32, #tpu.memory_space<vmem_shared>> -> memref<32x128xf32, #tpu.memory_space<vmem_shared>>
        tpu.enqueue_dma source(%dma_start3A_208 : memref<32x128xf32, #tpu.memory_space<vmem_shared>>) target(%dma_start3A_206 : memref<32x128xf32, #tpu.memory_space<vmem>>) target_semaphore(%run_scoped3A_196 : memref<!tpu.dma_semaphore, #tpu.memory_space<semaphore_mem>>)
        %dma_wait3A_209 = arith.constant 0 : i32
        %dma_wait3A_210 = arith.constant 0 : i32
        %dma_wait3A_211 = tpu.memref_slice %arg15[%run_scoped3A_192, %dma_wait3A_209, %dma_wait3A_210] : memref<3x32x128xf32, #tpu.memory_space<vmem>> -> memref<1x32x128xf32, #tpu.memory_space<vmem>>
        %dma_wait3A_212 = tpu.memref_squeeze %dma_wait3A_211 : memref<1x32x128xf32, #tpu.memory_space<vmem>> -> memref<32x128xf32, #tpu.memory_space<vmem>>
        %dma_wait3A_213 = arith.constant 0 : i32
        %dma_wait3A_214 = tpu.memref_slice %arg18[%add3A_191, %dma_wait3A_213] : memref<10112x128xf32, #tpu.memory_space<vmem_shared>> -> memref<32x128xf32, #tpu.memory_space<vmem_shared>>
        %dma_wait3A_215 = arith.constant 0 : i32
        %dma_wait3A_216 = arith.constant 0 : i32
        %dma_wait3A_217 = tpu.memref_slice %arg15[%run_scoped3A_192, %dma_wait3A_215, %dma_wait3A_216] : memref<3x32x128xf32, #tpu.memory_space<vmem>> -> memref<1x32x128xf32, #tpu.memory_space<vmem>>
        %dma_wait3A_218 = tpu.memref_squeeze %dma_wait3A_217 : memref<1x32x128xf32, #tpu.memory_space<vmem>> -> memref<32x128xf32, #tpu.memory_space<vmem>>
        %dma_wait3A_219 = arith.constant 0 : i32
        %dma_wait3A_220 = tpu.memref_slice %arg18[%add3A_191, %dma_wait3A_219] : memref<10112x128xf32, #tpu.memory_space<vmem_shared>> -> memref<32x128xf32, #tpu.memory_space<vmem_shared>>
        tpu.wait_dma2 semaphore(%run_scoped3A_196 : memref<!tpu.dma_semaphore, #tpu.memory_space<semaphore_mem>>) src(%dma_wait3A_220 : memref<32x128xf32, #tpu.memory_space<vmem_shared>>) dst(%dma_wait3A_218 : memref<32x128xf32, #tpu.memory_space<vmem>>)
        tpu.yield
      }) : () -> ()
      %add3A_193 = arith.addi %mul3A_4, %min3A_190 : i32
      %run_scoped3A_194 = arith.constant 0 : i32
      "tpu.region"() ({
        %run_scoped3A_196 = tpu.sem_alloc : memref<!tpu.dma_semaphore, #tpu.memory_space<semaphore_mem>>
        %dma_start3A_197 = arith.constant 0 : i32
        %dma_start3A_198 = arith.constant 0 : i32
        %dma_start3A_199 = tpu.memref_slice %arg15[%run_scoped3A_194, %dma_start3A_197, %dma_start3A_198] : memref<3x32x128xf32, #tpu.memory_space<vmem>> -> memref<1x32x128xf32, #tpu.memory_space<vmem>>
        %dma_start3A_200 = tpu.memref_squeeze %dma_start3A_199 : memref<1x32x128xf32, #tpu.memory_space<vmem>> -> memref<32x128xf32, #tpu.memory_space<vmem>>
        %dma_start3A_201 = arith.constant 0 : i32
        %dma_start3A_202 = tpu.memref_slice %arg8[%arg0, %add3A_193, %dma_start3A_201] : memref<1x10112x128xf32, #tpu.memory_space<hbm>> -> memref<1x32x128xf32, #tpu.memory_space<hbm>>
        %dma_start3A_203 = tpu.memref_squeeze %dma_start3A_202 : memref<1x32x128xf32, #tpu.memory_space<hbm>> -> memref<32x128xf32, #tpu.memory_space<hbm>>
        %dma_start3A_204 = arith.constant 0 : i32
        %dma_start3A_205 = tpu.memref_slice %arg8[%arg0, %add3A_193, %dma_start3A_204] : memref<1x10112x128xf32, #tpu.memory_space<hbm>> -> memref<1x32x128xf32, #tpu.memory_space<hbm>>
        %dma_start3A_206 = tpu.memref_squeeze %dma_start3A_205 : memref<1x32x128xf32, #tpu.memory_space<hbm>> -> memref<32x128xf32, #tpu.memory_space<hbm>>
        %dma_start3A_207 = arith.constant 0 : i32
        %dma_start3A_208 = arith.constant 0 : i32
        %dma_start3A_209 = tpu.memref_slice %arg15[%run_scoped3A_194, %dma_start3A_207, %dma_start3A_208] : memref<3x32x128xf32, #tpu.memory_space<vmem>> -> memref<1x32x128xf32, #tpu.memory_space<vmem>>
        %dma_start3A_210 = tpu.memref_squeeze %dma_start3A_209 : memref<1x32x128xf32, #tpu.memory_space<vmem>> -> memref<32x128xf32, #tpu.memory_space<vmem>>
        tpu.enqueue_dma source(%dma_start3A_210 : memref<32x128xf32, #tpu.memory_space<vmem>>) target(%dma_start3A_206 : memref<32x128xf32, #tpu.memory_space<hbm>>) target_semaphore(%run_scoped3A_196 : memref<!tpu.dma_semaphore, #tpu.memory_space<semaphore_mem>>)
        %dma_wait3A_211 = arith.constant 0 : i32
        %dma_wait3A_212 = arith.constant 0 : i32
        %dma_wait3A_213 = tpu.memref_slice %arg15[%run_scoped3A_194, %dma_wait3A_211, %dma_wait3A_212] : memref<3x32x128xf32, #tpu.memory_space<vmem>> -> memref<1x32x128xf32, #tpu.memory_space<vmem>>
        %dma_wait3A_214 = tpu.memref_squeeze %dma_wait3A_213 : memref<1x32x128xf32, #tpu.memory_space<vmem>> -> memref<32x128xf32, #tpu.memory_space<vmem>>
        %dma_wait3A_215 = arith.constant 0 : i32
        %dma_wait3A_216 = tpu.memref_slice %arg8[%arg0, %add3A_193, %dma_wait3A_215] : memref<1x10112x128xf32, #tpu.memory_space<hbm>> -> memref<1x32x128xf32, #tpu.memory_space<hbm>>
        %dma_wait3A_217 = tpu.memref_squeeze %dma_wait3A_216 : memref<1x32x128xf32, #tpu.memory_space<hbm>> -> memref<32x128xf32, #tpu.memory_space<hbm>>
        %dma_wait3A_218 = arith.constant 0 : i32
        %dma_wait3A_219 = tpu.memref_slice %arg8[%arg0, %add3A_193, %dma_wait3A_218] : memref<1x10112x128xf32, #tpu.memory_space<hbm>> -> memref<1x32x128xf32, #tpu.memory_space<hbm>>
        %dma_wait3A_220 = tpu.memref_squeeze %dma_wait3A_219 : memref<1x32x128xf32, #tpu.memory_space<hbm>> -> memref<32x128xf32, #tpu.memory_space<hbm>>
        %dma_wait3A_221 = arith.constant 0 : i32
        %dma_wait3A_222 = arith.constant 0 : i32
        %dma_wait3A_223 = tpu.memref_slice %arg15[%run_scoped3A_194, %dma_wait3A_221, %dma_wait3A_222] : memref<3x32x128xf32, #tpu.memory_space<vmem>> -> memref<1x32x128xf32, #tpu.memory_space<vmem>>
        %dma_wait3A_224 = tpu.memref_squeeze %dma_wait3A_223 : memref<1x32x128xf32, #tpu.memory_space<vmem>> -> memref<32x128xf32, #tpu.memory_space<vmem>>
        tpu.wait_dma2 semaphore(%run_scoped3A_196 : memref<!tpu.dma_semaphore, #tpu.memory_space<semaphore_mem>>) src(%dma_wait3A_224 : memref<32x128xf32, #tpu.memory_space<vmem>>) dst(%dma_wait3A_220 : memref<32x128xf32, #tpu.memory_space<hbm>>)
        tpu.yield
      }) : () -> ()
      %scan3A_195 = arith.constant 0 : i32
      scf.yield %scan3A_195 : i32
    }
    %scan3A_181 = arith.constant 20 : i32
    %lt3A = arith.constant 10 : i32
    %lt3A_182 = arith.cmpi slt, %arg1, %lt3A : i32
    %convert_element_type3A_183 = arith.extui %lt3A_182 : i1 to i32
    %cond3A_184 = arith.constant 0 : i32
    %cond3A_185 = arith.cmpi ne, %convert_element_type3A_183, %cond3A_184 : i32
    scf.if %cond3A_185 {
      %mul3A_186 = arith.constant 8 : i32
      %mul3A_187 = arith.muli %arg1, %mul3A_186 : i32
      %run_scoped3A_188 = arith.constant 0 : i32
      "tpu.region"() ({
        %run_scoped3A_192 = tpu.sem_alloc : memref<!tpu.dma_semaphore, #tpu.memory_space<semaphore_mem>>
        %dma_start3A_193 = arith.constant 0 : i32
        %dma_start3A_194 = arith.constant 0 : i32
        %dma_start3A_195 = tpu.memref_slice %arg15[%run_scoped3A_188, %dma_start3A_193, %dma_start3A_194] : memref<3x32x128xf32, #tpu.memory_space<vmem>> -> memref<1x8x128xf32, #tpu.memory_space<vmem>>
        %dma_start3A_196 = tpu.memref_squeeze %dma_start3A_195 : memref<1x8x128xf32, #tpu.memory_space<vmem>> -> memref<8x128xf32, #tpu.memory_space<vmem>>
        %dma_start3A_197 = arith.constant 0 : i32
        %dma_start3A_198 = tpu.memref_slice %arg19[%mul3A_187, %dma_start3A_197] : memref<80x128xf32, #tpu.memory_space<vmem_shared>> -> memref<8x128xf32, #tpu.memory_space<vmem_shared>>
        %dma_start3A_199 = arith.constant 0 : i32
        %dma_start3A_200 = arith.constant 0 : i32
        %dma_start3A_201 = tpu.memref_slice %arg15[%run_scoped3A_188, %dma_start3A_199, %dma_start3A_200] : memref<3x32x128xf32, #tpu.memory_space<vmem>> -> memref<1x8x128xf32, #tpu.memory_space<vmem>>
        %dma_start3A_202 = tpu.memref_squeeze %dma_start3A_201 : memref<1x8x128xf32, #tpu.memory_space<vmem>> -> memref<8x128xf32, #tpu.memory_space<vmem>>
        %dma_start3A_203 = arith.constant 0 : i32
        %dma_start3A_204 = tpu.memref_slice %arg19[%mul3A_187, %dma_start3A_203] : memref<80x128xf32, #tpu.memory_space<vmem_shared>> -> memref<8x128xf32, #tpu.memory_space<vmem_shared>>
        tpu.enqueue_dma source(%dma_start3A_204 : memref<8x128xf32, #tpu.memory_space<vmem_shared>>) target(%dma_start3A_202 : memref<8x128xf32, #tpu.memory_space<vmem>>) target_semaphore(%run_scoped3A_192 : memref<!tpu.dma_semaphore, #tpu.memory_space<semaphore_mem>>)
        %dma_wait3A_205 = arith.constant 0 : i32
        %dma_wait3A_206 = arith.constant 0 : i32
        %dma_wait3A_207 = tpu.memref_slice %arg15[%run_scoped3A_188, %dma_wait3A_205, %dma_wait3A_206] : memref<3x32x128xf32, #tpu.memory_space<vmem>> -> memref<1x8x128xf32, #tpu.memory_space<vmem>>
        %dma_wait3A_208 = tpu.memref_squeeze %dma_wait3A_207 : memref<1x8x128xf32, #tpu.memory_space<vmem>> -> memref<8x128xf32, #tpu.memory_space<vmem>>
        %dma_wait3A_209 = arith.constant 0 : i32
        %dma_wait3A_210 = tpu.memref_slice %arg19[%mul3A_187, %dma_wait3A_209] : memref<80x128xf32, #tpu.memory_space<vmem_shared>> -> memref<8x128xf32, #tpu.memory_space<vmem_shared>>
        %dma_wait3A_211 = arith.constant 0 : i32
        %dma_wait3A_212 = arith.constant 0 : i32
        %dma_wait3A_213 = tpu.memref_slice %arg15[%run_scoped3A_188, %dma_wait3A_211, %dma_wait3A_212] : memref<3x32x128xf32, #tpu.memory_space<vmem>> -> memref<1x8x128xf32, #tpu.memory_space<vmem>>
        %dma_wait3A_214 = tpu.memref_squeeze %dma_wait3A_213 : memref<1x8x128xf32, #tpu.memory_space<vmem>> -> memref<8x128xf32, #tpu.memory_space<vmem>>
        %dma_wait3A_215 = arith.constant 0 : i32
        %dma_wait3A_216 = tpu.memref_slice %arg19[%mul3A_187, %dma_wait3A_215] : memref<80x128xf32, #tpu.memory_space<vmem_shared>> -> memref<8x128xf32, #tpu.memory_space<vmem_shared>>
        tpu.wait_dma2 semaphore(%run_scoped3A_192 : memref<!tpu.dma_semaphore, #tpu.memory_space<semaphore_mem>>) src(%dma_wait3A_216 : memref<8x128xf32, #tpu.memory_space<vmem_shared>>) dst(%dma_wait3A_214 : memref<8x128xf32, #tpu.memory_space<vmem>>)
        tpu.yield
      }) : () -> ()
      %mul3A_189 = arith.constant 8 : i32
      %mul3A_190 = arith.muli %arg1, %mul3A_189 : i32
      %run_scoped3A_191 = arith.constant 0 : i32
      "tpu.region"() ({
        %run_scoped3A_192 = tpu.sem_alloc : memref<!tpu.dma_semaphore, #tpu.memory_space<semaphore_mem>>
        %dma_start3A_193 = arith.constant 0 : i32
        %dma_start3A_194 = arith.constant 0 : i32
        %dma_start3A_195 = tpu.memref_slice %arg15[%run_scoped3A_191, %dma_start3A_193, %dma_start3A_194] : memref<3x32x128xf32, #tpu.memory_space<vmem>> -> memref<1x8x128xf32, #tpu.memory_space<vmem>>
        %dma_start3A_196 = tpu.memref_squeeze %dma_start3A_195 : memref<1x8x128xf32, #tpu.memory_space<vmem>> -> memref<8x128xf32, #tpu.memory_space<vmem>>
        %dma_start3A_197 = arith.constant 0 : i32
        %dma_start3A_198 = tpu.memref_slice %arg9[%arg0, %mul3A_190, %dma_start3A_197] : memref<1x80x128xf32, #tpu.memory_space<hbm>> -> memref<1x8x128xf32, #tpu.memory_space<hbm>>
        %dma_start3A_199 = tpu.memref_squeeze %dma_start3A_198 : memref<1x8x128xf32, #tpu.memory_space<hbm>> -> memref<8x128xf32, #tpu.memory_space<hbm>>
        %dma_start3A_200 = arith.constant 0 : i32
        %dma_start3A_201 = tpu.memref_slice %arg9[%arg0, %mul3A_190, %dma_start3A_200] : memref<1x80x128xf32, #tpu.memory_space<hbm>> -> memref<1x8x128xf32, #tpu.memory_space<hbm>>
        %dma_start3A_202 = tpu.memref_squeeze %dma_start3A_201 : memref<1x8x128xf32, #tpu.memory_space<hbm>> -> memref<8x128xf32, #tpu.memory_space<hbm>>
        %dma_start3A_203 = arith.constant 0 : i32
        %dma_start3A_204 = arith.constant 0 : i32
        %dma_start3A_205 = tpu.memref_slice %arg15[%run_scoped3A_191, %dma_start3A_203, %dma_start3A_204] : memref<3x32x128xf32, #tpu.memory_space<vmem>> -> memref<1x8x128xf32, #tpu.memory_space<vmem>>
        %dma_start3A_206 = tpu.memref_squeeze %dma_start3A_205 : memref<1x8x128xf32, #tpu.memory_space<vmem>> -> memref<8x128xf32, #tpu.memory_space<vmem>>
        tpu.enqueue_dma source(%dma_start3A_206 : memref<8x128xf32, #tpu.memory_space<vmem>>) target(%dma_start3A_202 : memref<8x128xf32, #tpu.memory_space<hbm>>) target_semaphore(%run_scoped3A_192 : memref<!tpu.dma_semaphore, #tpu.memory_space<semaphore_mem>>)
        %dma_wait3A_207 = arith.constant 0 : i32
        %dma_wait3A_208 = arith.constant 0 : i32
        %dma_wait3A_209 = tpu.memref_slice %arg15[%run_scoped3A_191, %dma_wait3A_207, %dma_wait3A_208] : memref<3x32x128xf32, #tpu.memory_space<vmem>> -> memref<1x8x128xf32, #tpu.memory_space<vmem>>
        %dma_wait3A_210 = tpu.memref_squeeze %dma_wait3A_209 : memref<1x8x128xf32, #tpu.memory_space<vmem>> -> memref<8x128xf32, #tpu.memory_space<vmem>>
        %dma_wait3A_211 = arith.constant 0 : i32
        %dma_wait3A_212 = tpu.memref_slice %arg9[%arg0, %mul3A_190, %dma_wait3A_211] : memref<1x80x128xf32, #tpu.memory_space<hbm>> -> memref<1x8x128xf32, #tpu.memory_space<hbm>>
        %dma_wait3A_213 = tpu.memref_squeeze %dma_wait3A_212 : memref<1x8x128xf32, #tpu.memory_space<hbm>> -> memref<8x128xf32, #tpu.memory_space<hbm>>
        %dma_wait3A_214 = arith.constant 0 : i32
        %dma_wait3A_215 = tpu.memref_slice %arg9[%arg0, %mul3A_190, %dma_wait3A_214] : memref<1x80x128xf32, #tpu.memory_space<hbm>> -> memref<1x8x128xf32, #tpu.memory_space<hbm>>
        %dma_wait3A_216 = tpu.memref_squeeze %dma_wait3A_215 : memref<1x8x128xf32, #tpu.memory_space<hbm>> -> memref<8x128xf32, #tpu.memory_space<hbm>>
        %dma_wait3A_217 = arith.constant 0 : i32
        %dma_wait3A_218 = arith.constant 0 : i32
        %dma_wait3A_219 = tpu.memref_slice %arg15[%run_scoped3A_191, %dma_wait3A_217, %dma_wait3A_218] : memref<3x32x128xf32, #tpu.memory_space<vmem>> -> memref<1x8x128xf32, #tpu.memory_space<vmem>>
        %dma_wait3A_220 = tpu.memref_squeeze %dma_wait3A_219 : memref<1x8x128xf32, #tpu.memory_space<vmem>> -> memref<8x128xf32, #tpu.memory_space<vmem>>
        tpu.wait_dma2 semaphore(%run_scoped3A_192 : memref<!tpu.dma_semaphore, #tpu.memory_space<semaphore_mem>>) src(%dma_wait3A_220 : memref<8x128xf32, #tpu.memory_space<vmem>>) dst(%dma_wait3A_216 : memref<8x128xf32, #tpu.memory_space<hbm>>)
        tpu.yield
      }) : () -> ()
    } else {
    }
    return
  }
}

module attributes {stable_mosaic.version = 14 : i64} {
  func.func @body(%arg0: i32, %arg1: memref<512x128xf32, #tpu.memory_space<vmem>>, %arg2: memref<128x128xf32, #tpu.memory_space<vmem>>, %arg3: memref<1x128xf32, #tpu.memory_space<vmem>>, %arg4: memref<1x128xf32, #tpu.memory_space<vmem>>, %arg5: memref<512x128xf32, #tpu.memory_space<vmem>>, %arg6: memref<512xf32, #tpu.memory_space<vmem>>, %arg7: memref<512xf32, #tpu.memory_space<vmem>>, %arg8: memref<1x128xf32, #tpu.memory_space<vmem>>) attributes {dimension_semantics = [#tpu.dimension_semantics<arbitrary>], iteration_bounds = array<i64: 20>, scalar_prefetch = 0 : i64, scratch_operands = 0 : i64, tpu.core_type = #tpu.core_type<tc>, window_params = [{transform_indices = @transform_0, window_bounds = array<i64: 512, 128>}, {pipeline_mode = #tpu.pipeline_mode<synchronous>, transform_indices = @transform_1, window_bounds = array<i64: 128, 128>}, {pipeline_mode = #tpu.pipeline_mode<synchronous>, transform_indices = @transform_2, window_bounds = array<i64: 1, 128>}, {pipeline_mode = #tpu.pipeline_mode<synchronous>, transform_indices = @transform_3, window_bounds = array<i64: 1, 128>}, {transform_indices = @transform_4, window_bounds = array<i64: 512, 128>}, {transform_indices = @transform_5, window_bounds = array<i64: 512>}, {transform_indices = @transform_6, window_bounds = array<i64: 512>}, {pipeline_mode = #tpu.pipeline_mode<synchronous>, transform_indices = @transform_7, window_bounds = array<i64: 1, 128>}]} {
    %get3A = arith.constant 0 : index
    %get3A_0 = arith.constant 0 : index
    %get3A_1 = vector.load %arg1[%get3A, %get3A_0] : memref<512x128xf32, #tpu.memory_space<vmem>>, vector<512x128xf32>
    %get3A_2 = arith.constant 0 : index
    %get3A_3 = arith.constant 0 : index
    %get3A_4 = vector.load %arg2[%get3A_2, %get3A_3] : memref<128x128xf32, #tpu.memory_space<vmem>>, vector<128x128xf32>
    %dot_general3A = arith.constant dense<0.000000e+00> : vector<512x128xf32>
    %dot_general3A_5 = tpu.matmul %get3A_1, %get3A_4, %dot_general3A {dimension_numbers = #tpu.dot_dimension_numbers<[1], [0], [0], [1], [0, 0, 1, 1], [], []>, transpose_lhs_hint = false} : vector<512x128xf32>, vector<128x128xf32>, vector<512x128xf32> -> vector<512x128xf32>
    %swap3A = arith.constant 0 : index
    %swap3A_6 = arith.constant 0 : index
    %swap3A_7 = vector.load %arg5[%swap3A, %swap3A_6] : memref<512x128xf32, #tpu.memory_space<vmem>>, vector<512x128xf32>
    tpu.vector_store %arg5[%swap3A, %swap3A_6], %dot_general3A_5 {strides = array<i32>} : memref<512x128xf32, #tpu.memory_space<vmem>>, vector<512x128xf32>,
    %get3A_8 = arith.constant 0 : index
    %get3A_9 = arith.constant 0 : index
    %get3A_10 = vector.load %arg3[%get3A_8, %get3A_9] : memref<1x128xf32, #tpu.memory_space<vmem>>, vector<1x128xf32>
    %get3A_11 = vector.shape_cast %get3A_10 : vector<1x128xf32> to vector<128xf32>
    %broadcast_in_dim3A = vector.shape_cast %get3A_11 : vector<128xf32> to vector<1x128xf32>
    %mul3A = vector.broadcast %broadcast_in_dim3A : vector<1x128xf32> to vector<512x128xf32>
    %mul3A_12 = arith.mulf %dot_general3A_5, %mul3A : vector<512x128xf32>
    %reduce_sum3A = arith.constant dense<0.000000e+00> : vector<512xf32>
    %reduce_sum3A_13 = vector.multi_reduction <add>, %mul3A_12, %reduce_sum3A [1] : vector<512x128xf32> to vector<512xf32>
    %get3A_14 = arith.constant 0 : index
    %get3A_15 = arith.constant 0 : index
    %get3A_16 = vector.load %arg4[%get3A_14, %get3A_15] : memref<1x128xf32, #tpu.memory_space<vmem>>, vector<1x128xf32>
    %get3A_17 = vector.shape_cast %get3A_16 : vector<1x128xf32> to vector<128xf32>
    %broadcast_in_dim3A_18 = vector.shape_cast %get3A_17 : vector<128xf32> to vector<1x128xf32>
    %mul3A_19 = vector.broadcast %broadcast_in_dim3A_18 : vector<1x128xf32> to vector<512x128xf32>
    %mul3A_20 = arith.mulf %dot_general3A_5, %mul3A_19 : vector<512x128xf32>
    %reduce_sum3A_21 = arith.constant dense<0.000000e+00> : vector<512xf32>
    %reduce_sum3A_22 = vector.multi_reduction <add>, %mul3A_20, %reduce_sum3A_21 [1] : vector<512x128xf32> to vector<512xf32>
    %swap3A_23 = arith.constant 0 : index
    %swap3A_24 = vector.load %arg6[%swap3A_23] : memref<512xf32, #tpu.memory_space<vmem>>, vector<512xf32>
    tpu.vector_store %arg6[%swap3A_23], %reduce_sum3A_13 {strides = array<i32>} : memref<512xf32, #tpu.memory_space<vmem>>, vector<512xf32>,
    %swap3A_25 = arith.constant 0 : index
    %swap3A_26 = vector.load %arg7[%swap3A_25] : memref<512xf32, #tpu.memory_space<vmem>>, vector<512xf32>
    tpu.vector_store %arg7[%swap3A_25], %reduce_sum3A_22 {strides = array<i32>} : memref<512xf32, #tpu.memory_space<vmem>>, vector<512xf32>,
    %eq3A = arith.constant 0 : i32
    %eq3A_27 = arith.cmpi eq, %arg0, %eq3A : i32
    %convert_element_type3A = arith.extui %eq3A_27 : i1 to i32
    %cond3A = arith.constant 0 : i32
    %cond3A_28 = arith.cmpi ne, %convert_element_type3A, %cond3A : i32
    scf.if %cond3A_28 {
      %broadcast_in_dim3A_67 = arith.constant -1.000000e+30 : f32
      %broadcast_in_dim3A_68 = vector.broadcast %broadcast_in_dim3A_67 : f32 to vector<1x128xf32>
      %swap3A_69 = arith.constant 0 : index
      %swap3A_70 = arith.constant 0 : index
      %swap3A_71 = vector.load %arg8[%swap3A_69, %swap3A_70] : memref<1x128xf32, #tpu.memory_space<vmem>>, vector<1x128xf32>
      tpu.vector_store %arg8[%swap3A_69, %swap3A_70], %broadcast_in_dim3A_68 {strides = array<i32>} : memref<1x128xf32, #tpu.memory_space<vmem>>, vector<1x128xf32>,
    } else {
    }
    %mul3A_29 = arith.constant 512 : i32
    %mul3A_30 = arith.muli %arg0, %mul3A_29 : i32
    %iota3A = tpu.iota {dimensions = array<i32: 1>} : vector<1x512xi32>
    %iota3A_31 = vector.shape_cast %iota3A : vector<1x512xi32> to vector<512xi32>
    %add3A = vector.broadcast %mul3A_30 : i32 to vector<512xi32>
    %add3A_32 = arith.addi %add3A, %iota3A_31 : vector<512xi32>
    %lt3A = arith.constant 10000 : i32
    %lt3A_33 = vector.broadcast %lt3A : i32 to vector<512xi32>
    %lt3A_34 = arith.cmpi slt, %add3A_32, %lt3A_33 : vector<512xi32>
    %jit3A = arith.constant -1.000000e+30 : f32
    %broadcast_in_dim3A_35 = vector.broadcast %jit3A : f32 to vector<512xf32>
    %select_n3A = arith.select %lt3A_34, %reduce_sum3A_13, %broadcast_in_dim3A_35 : vector<512xi1>, vector<512xf32>
    %reduce_max3A = vector.shape_cast %select_n3A : vector<512xf32> to vector<1x512xf32>
    %reduce_max3A_36 = arith.constant dense<0xFF800000> : vector<1xf32>
    %reduce_max3A_37 = vector.multi_reduction <maximumf>, %reduce_max3A, %reduce_max3A_36 [1] : vector<1x512xf32> to vector<1xf32>
    %reduce_max3A_38 = vector.shape_cast %reduce_max3A_37 : vector<1xf32> to vector<1x1xf32>
    %reduce_max3A_39 = vector.extract %reduce_max3A_38[0, 0] : f32 from vector<1x1xf32>
    %jit3A_40 = arith.constant -1.000000e+30 : f32
    %broadcast_in_dim3A_41 = vector.broadcast %jit3A_40 : f32 to vector<512xf32>
    %select_n3A_42 = arith.select %lt3A_34, %reduce_sum3A_22, %broadcast_in_dim3A_41 : vector<512xi1>, vector<512xf32>
    %reduce_max3A_43 = vector.shape_cast %select_n3A_42 : vector<512xf32> to vector<1x512xf32>
    %reduce_max3A_44 = arith.constant dense<0xFF800000> : vector<1xf32>
    %reduce_max3A_45 = vector.multi_reduction <maximumf>, %reduce_max3A_43, %reduce_max3A_44 [1] : vector<1x512xf32> to vector<1xf32>
    %reduce_max3A_46 = vector.shape_cast %reduce_max3A_45 : vector<1xf32> to vector<1x1xf32>
    %reduce_max3A_47 = vector.extract %reduce_max3A_46[0, 0] : f32 from vector<1x1xf32>
    %iota3A_48 = tpu.iota {dimensions = array<i32: 1>} : vector<1x128xi32>
    %eq3A_49 = arith.constant 0 : i32
    %eq3A_50 = vector.broadcast %eq3A_49 : i32 to vector<1x128xi32>
    %eq3A_51 = arith.cmpi eq, %iota3A_48, %eq3A_50 : vector<1x128xi32>
    %eq3A_52 = arith.constant 1 : i32
    %eq3A_53 = vector.broadcast %eq3A_52 : i32 to vector<1x128xi32>
    %eq3A_54 = arith.cmpi eq, %iota3A_48, %eq3A_53 : vector<1x128xi32>
    %jit3A_55 = arith.constant -1.000000e+30 : f32
    %broadcast_in_dim3A_56 = vector.broadcast %reduce_max3A_47 : f32 to vector<1x128xf32>
    %broadcast_in_dim3A_57 = vector.broadcast %jit3A_55 : f32 to vector<1x128xf32>
    %select_n3A_58 = arith.select %eq3A_54, %broadcast_in_dim3A_56, %broadcast_in_dim3A_57 : vector<1x128xi1>, vector<1x128xf32>
    %broadcast_in_dim3A_59 = vector.broadcast %reduce_max3A_39 : f32 to vector<1x128xf32>
    %select_n3A_60 = arith.select %eq3A_51, %broadcast_in_dim3A_59, %select_n3A_58 : vector<1x128xi1>, vector<1x128xf32>
    %get3A_61 = arith.constant 0 : index
    %get3A_62 = arith.constant 0 : index
    %get3A_63 = vector.load %arg8[%get3A_61, %get3A_62] : memref<1x128xf32, #tpu.memory_space<vmem>>, vector<1x128xf32>
    %max3A = arith.maximumf %get3A_63, %select_n3A_60 : vector<1x128xf32>
    %swap3A_64 = arith.constant 0 : index
    %swap3A_65 = arith.constant 0 : index
    %swap3A_66 = vector.load %arg8[%swap3A_64, %swap3A_65] : memref<1x128xf32, #tpu.memory_space<vmem>>, vector<1x128xf32>
    tpu.vector_store %arg8[%swap3A_64, %swap3A_65], %max3A {strides = array<i32>} : memref<1x128xf32, #tpu.memory_space<vmem>>, vector<1x128xf32>,
    return
  }
  func.func @transform_0(%arg0: i32) -> (i32, i32) {
    %c0_i32 = arith.constant 0 : i32
    %c0_i32_0 = arith.constant 0 : i32
    return %arg0, %c0_i32 : i32, i32
  }
  func.func @transform_1(%arg0: i32) -> (i32, i32) {
    %c0_i32 = arith.constant 0 : i32
    %c0_i32_0 = arith.constant 0 : i32
    %c0_i32_1 = arith.constant 0 : i32
    return %c0_i32, %c0_i32_0 : i32, i32
  }
  func.func @transform_2(%arg0: i32) -> (i32, i32) {
    %c0_i32 = arith.constant 0 : i32
    %c0_i32_0 = arith.constant 0 : i32
    %c0_i32_1 = arith.constant 0 : i32
    return %c0_i32, %c0_i32_0 : i32, i32
  }
  func.func @transform_3(%arg0: i32) -> (i32, i32) {
    %c0_i32 = arith.constant 0 : i32
    %c0_i32_0 = arith.constant 0 : i32
    %c0_i32_1 = arith.constant 0 : i32
    return %c0_i32, %c0_i32_0 : i32, i32
  }
  func.func @transform_4(%arg0: i32) -> (i32, i32) {
    %c0_i32 = arith.constant 0 : i32
    %c0_i32_0 = arith.constant 0 : i32
    return %arg0, %c0_i32 : i32, i32
  }
  func.func @transform_5(%arg0: i32) -> i32 {
    %c0_i32 = arith.constant 0 : i32
    return %arg0 : i32
  }
  func.func @transform_6(%arg0: i32) -> i32 {
    %c0_i32 = arith.constant 0 : i32
    return %arg0 : i32
  }
  func.func @transform_7(%arg0: i32) -> (i32, i32) {
    %c0_i32 = arith.constant 0 : i32
    %c0_i32_0 = arith.constant 0 : i32
    %c0_i32_1 = arith.constant 0 : i32
    return %c0_i32, %c0_i32_0 : i32, i32
  }
}

module attributes {stable_mosaic.version = 14 : i64} {
  func.func @_tc_combine_body(%arg0: i32, %arg1: memref<1x512x128xf32, #tpu.memory_space<vmem>>, %arg2: memref<1x512xf32, #tpu.memory_space<vmem>>, %arg3: memref<1x128xf32, #tpu.memory_space<vmem>>, %arg4: memref<1x128xf32, #tpu.memory_space<vmem>>, %arg5: memref<512x128xf32, #tpu.memory_space<vmem>>) attributes {dimension_semantics = [#tpu.dimension_semantics<arbitrary>], iteration_bounds = array<i64: 20>, scalar_prefetch = 0 : i64, scratch_operands = 0 : i64, tpu.core_type = #tpu.core_type<tc>, window_params = [{transform_indices = @transform_0, window_bounds = array<i64: 1, 512, 128>}, {transform_indices = @transform_1, window_bounds = array<i64: 1, 512>}, {pipeline_mode = #tpu.pipeline_mode<synchronous>, transform_indices = @transform_2, window_bounds = array<i64: 1, 128>}, {pipeline_mode = #tpu.pipeline_mode<synchronous>, transform_indices = @transform_3, window_bounds = array<i64: 1, 128>}, {transform_indices = @transform_4, window_bounds = array<i64: 512, 128>}]} {
    %get3A = arith.constant 0 : index
    %get3A_0 = arith.constant 0 : index
    %get3A_1 = arith.constant 0 : index
    %get3A_2 = vector.load %arg1[%get3A, %get3A_0, %get3A_1] : memref<1x512x128xf32, #tpu.memory_space<vmem>>, vector<1x512x128xf32>
    %get3A_3 = vector.shape_cast %get3A_2 : vector<1x512x128xf32> to vector<512x128xf32>
    %get3A_4 = arith.constant 0 : index
    %get3A_5 = arith.constant 0 : index
    %get3A_6 = vector.load %arg2[%get3A_4, %get3A_5] : memref<1x512xf32, #tpu.memory_space<vmem>>, vector<1x512xf32>
    %get3A_7 = vector.shape_cast %get3A_6 : vector<1x512xf32> to vector<512xf32>
    %broadcast_in_dim3A = vector.shape_cast %get3A_7 : vector<512xf32> to vector<512x1xf32>
    %add3A = arith.constant 1.000000e-16 : f32
    %add3A_8 = vector.broadcast %add3A : f32 to vector<512x1xf32>
    %add3A_9 = arith.addf %broadcast_in_dim3A, %add3A_8 : vector<512x1xf32>
    %div3A = vector.broadcast %add3A_9 : vector<512x1xf32> to vector<512x128xf32>
    %div3A_10 = arith.divf %get3A_3, %div3A : vector<512x128xf32>
    %get3A_11 = arith.constant 0 : index
    %get3A_12 = arith.constant 0 : index
    %get3A_13 = vector.load %arg3[%get3A_11, %get3A_12] : memref<1x128xf32, #tpu.memory_space<vmem>>, vector<1x128xf32>
    %get3A_14 = vector.shape_cast %get3A_13 : vector<1x128xf32> to vector<128xf32>
    %broadcast_in_dim3A_15 = vector.shape_cast %get3A_14 : vector<128xf32> to vector<1x128xf32>
    %add3A_16 = vector.broadcast %broadcast_in_dim3A_15 : vector<1x128xf32> to vector<512x128xf32>
    %add3A_17 = arith.addf %div3A_10, %add3A_16 : vector<512x128xf32>
    %get3A_18 = arith.constant 0 : index
    %get3A_19 = arith.constant 0 : index
    %get3A_20 = vector.load %arg4[%get3A_18, %get3A_19] : memref<1x128xf32, #tpu.memory_space<vmem>>, vector<1x128xf32>
    %gt3A = arith.constant 0.000000e+00 : f32
    %gt3A_21 = vector.broadcast %gt3A : f32 to vector<1x128xf32>
    %gt3A_22 = arith.cmpf ogt, %get3A_20, %gt3A_21 : vector<1x128xf32>
    %max3A = arith.constant 0.000000e+00 : f32
    %max3A_23 = vector.broadcast %max3A : f32 to vector<512x128xf32>
    %max3A_24 = arith.maximumf %add3A_17, %max3A_23 : vector<512x128xf32>
    %broadcast_in_dim3A_25 = vector.shape_cast %gt3A_22 : vector<1x128xi1> to vector<1x128xi1>
    %broadcast_in_dim3A_26 = vector.broadcast %broadcast_in_dim3A_25 : vector<1x128xi1> to vector<512x128xi1>
    %select_n3A = arith.select %broadcast_in_dim3A_26, %max3A_24, %add3A_17 : vector<512x128xi1>, vector<512x128xf32>
    %swap3A = arith.constant 0 : index
    %swap3A_27 = arith.constant 0 : index
    %swap3A_28 = vector.load %arg5[%swap3A, %swap3A_27] : memref<512x128xf32, #tpu.memory_space<vmem>>, vector<512x128xf32>
    tpu.vector_store %arg5[%swap3A, %swap3A_27], %select_n3A {strides = array<i32>} : memref<512x128xf32, #tpu.memory_space<vmem>>, vector<512x128xf32>,
    return
  }
  func.func @transform_0(%arg0: i32) -> (i32, i32, i32) {
    %c0_i32 = arith.constant 0 : i32
    %c0_i32_0 = arith.constant 0 : i32
    %c0_i32_1 = arith.constant 0 : i32
    return %c0_i32, %arg0, %c0_i32_0 : i32, i32, i32
  }
  func.func @transform_1(%arg0: i32) -> (i32, i32) {
    %c0_i32 = arith.constant 0 : i32
    %c0_i32_0 = arith.constant 0 : i32
    return %c0_i32, %arg0 : i32, i32
  }
  func.func @transform_2(%arg0: i32) -> (i32, i32) {
    %c0_i32 = arith.constant 0 : i32
    %c0_i32_0 = arith.constant 0 : i32
    %c0_i32_1 = arith.constant 0 : i32
    return %c0_i32, %c0_i32_0 : i32, i32
  }
  func.func @transform_3(%arg0: i32) -> (i32, i32) {
    %c0_i32 = arith.constant 0 : i32
    %c0_i32_0 = arith.constant 0 : i32
    %c0_i32_1 = arith.constant 0 : i32
    return %c0_i32, %c0_i32_0 : i32, i32
  }
  func.func @transform_4(%arg0: i32) -> (i32, i32) {
    %c0_i32 = arith.constant 0 : i32
    %c0_i32_0 = arith.constant 0 : i32
    return %arg0, %c0_i32 : i32, i32
  }
}

</mosaic_0001>

<sc_bundles>
// kernel: body.11.cloned.1.call-start
scs
__scs_entry_jumppad:
0x0: {  	(pc) =	sbr.rel $0x88, $3  }
0x1: {  	(tag) =	ssettag $0x0;
	lr =	simm.s32 $0x1  }
0x2: {  	[smem:$0x3F97] =	sst lr;
	_ =	strace $0xD0000000  }
0x3: {  	_ = 	snop  }
0x4: {  	_ = 	snop  }
0x5: {  	_ = 	snop  }
0x6: {  	_ = 	snop  }
0x7: {  	_ = 	snop  }
__scs_overlays_trampoline_lowered:
0x8: {  	[smem:$0x3FA6] =	sst s0  }
0x9: {  	[smem:$0x3FA7] =	sst s1  }
0xa: {  	[smem:$0x3FA8] =	sst s2  }
0xb: {  	[smem:$0x3FA9] =	sst s3  }
0xc: {  	[smem:$0x3FAA] =	sst s4  }
0xd: {  	[smem:$0x3FAB] =	sst s5  }
0xe: {  	[smem:$0x3FAC] =	sst s6  }
0xf: {  	[smem:$0x3FAD] =	sst s7  }
0x10: {  	[smem:$0x3FAE] =	sst s8  }
0x11: {  	[smem:$0x3FAF] =	sst s9;
	s0 =	simm.s32 @!p0 $0x0  }
0x12: {  	s1 =	sld [smem:$0x3F95];
	s0 =	simm.s32 @p0 $0x1  }
0x13: {  	[smem:$0x3FB0] =	sst s0;
	s0 =	simm.s32 @!p1 $0x0  }
0x14: {  	s2 =	sld [smem:$0x3F94];
	s0 =	simm.s32 @p1 $0x1  }
0x15: {  	[smem:$0x3FB1] =	sst s0;
	s0 =	simm.s32 @!p2 $0x0  }
0x16: {  	s3 =	sld [smem:$0x3FDB];
	s0 =	simm.s32 @p2 $0x1  }
0x17: {  	s4 =	simm.s32 $0x1BF5;
	[smem:$0x3FB3] =	sst s0  }
0x18: {  	s0 =	sld [smem:$0x3F96];
	_ =	swait.ge [sflag:s4], $0x0  }
0x19: {  	s7 =	sld [smem:$0x3F97]  }
0x1a: {  	s8 =	sadd.s32 $0xFFFFE003, lr  }
0x1b: {  	s9 =	sadd.s32 $0xFFFFFEF7, lr;
	s5 =	simm.s32 $0xFFFFFFFF;
	p2 =	slt.u32 s8, $0xFFFFF086  }
0x1c: {  	p1 =	slt.u32 s9, $0xF7A;
	s5 =	simm.s32 @!p2 $0x0  }
0x1d: {  	s5 =	simm.s32 @p1 $0x1;
	p0 =	seq.s32 s7, s2  }
0x1e: {  	s7 =	smul.u32 @!p0 $0xF7A, s2;
	p2 =	seq.s32 @!p0 s5, $0x0  }
0x1f: {  	s9 =	smul.u32 $0xF7A, s1;
	s8 =	simm.s32 @!p0 $0x1BF5;
	p2 =	por !p2, p0  }
0x20: {  	[sflag:s8] =	ssyncset.s32 @!p0 $0xFFFFF086;
	s6 =	sadd.s32 @!p0 s3, s7;
	s7 =	simm.s32 @!p0 $0x108  }
0x21: {  	s3 =	sadd.s32 s3, s9;
	s6 =	sadd.s32 @!p0 $0x88, s6;
	s7 =	simm.s32 @p2 $0x1082  }
0x22: {  	[simem:s7], [sflag:s8] =	dma.local @!p0 [hbm:s6], $0xF7A  }
0x23: {  	s9 =	sor.u32 $0xD0000000, s2;
	s6 =	simm.s32 $0x108;
	_ =	swait.ge @!p0 [sflag:s8], $0x0  }
0x24: {  	s3 =	sadd.s32 $0x88, s3;
	s6 =	simm.s32 @!p1 $0x1082;
	[sflag:s4] =	ssyncset.s32 $0xFFFFF086  }
0x25: {  	[simem:s6], [sflag:s4] =	dma.local [hbm:s3], $0xF7A  }
0x26: {  	[smem:$0x3F97] =	sst s1;
	(tag) =	ssettag s2;
	_ =	strace s9  }
0x27: {  	s1 =	sld [smem:$0x3FA7]  }
0x28: {  	s2 =	sld [smem:$0x3FA8]  }
0x29: {  	s4 =	sld [smem:$0x3FAA]  }
0x2a: {  	p0 =	seq.s32 s5, $0x0;
	s5 =	sld [smem:$0x3FAB]  }
0x2b: {  	s6 =	sld [smem:$0x3FAC]  }
0x2c: {  	s7 =	sld [smem:$0x3FAD]  }
0x2d: {  	s3 =	simm.s32 $0x108;
	s8 =	sld [smem:$0x3FAE]  }
0x2e: {  	s3 =	simm.s32 @!p0 $0x1082;
	s9 =	sld [smem:$0x3FAF]  }
0x2f: {  	lr =	sadd.s32 s0, s3;
	s0 =	sld [smem:$0x3FA6]  }
0x30: {  	s3 =	sld [smem:$0x3FA9]  }
0x31: {  	[smem:$0x3FB2] =	sst s10  }
0x32: {  	s10 =	sld [smem:$0x3FB0];
	_ =	sdelay $0x3  }
0x33: {  	p0 =	seq.s32 s10, $0x1;
	s10 =	sld [smem:$0x3FB2];
	_ =	sdelay $0x3  }
0x34: {  	[smem:$0x3FB2] =	sst s10  }
0x35: {  	s10 =	sld [smem:$0x3FB1];
	_ =	sdelay $0x3  }
0x36: {  	p1 =	seq.s32 s10, $0x1;
	s10 =	sld [smem:$0x3FB2];
	_ =	sdelay $0x3  }
0x37: {  	[smem:$0x3FB2] =	sst s10  }
0x38: {  	s10 =	sld [smem:$0x3FB3]  }
0x39: {  	_ = 	snop;
	(pc) =	sbr.ind lr, $3  }
0x3a: {  	_ = 	snop  }
0x3b: {  	_ = 	snop  }
0x3c: {  	p2 =	seq.s32 s10, $0x1;
	s10 =	sld [smem:$0x3FB2]  }
0x3d: {  	_ =	shalt  }
0x3e: {  	_ =	shalt  }
0x3f: {  	_ =	shalt  }
0x40: {  	_ =	shalt  }
0x41: {  	_ =	shalt  }
0x42: {  	_ =	shalt  }
0x43: {  	_ =	shalt  }
0x44: {  	_ =	shalt  }
0x45: {  	_ =	shalt  }
0x46: {  	_ =	shalt  }
0x47: {  	_ =	shalt  }
0x48: {  	_ =	shalt  }
0x49: {  	_ =	shalt  }
0x4a: {  	_ =	shalt  }
0x4b: {  	_ =	shalt  }
0x4c: {  	_ =	shalt  }
0x4d: {  	_ =	shalt  }
0x4e: {  	_ =	shalt  }
0x4f: {  	_ =	shalt  }
0x50: {  	_ =	shalt  }
0x51: {  	_ =	shalt  }
0x52: {  	_ =	shalt  }
0x53: {  	_ =	shalt  }
0x54: {  	_ =	shalt  }
0x55: {  	_ =	shalt  }
0x56: {  	_ =	shalt  }
0x57: {  	_ =	shalt  }
0x58: {  	_ =	shalt  }
0x59: {  	_ =	shalt  }
0x5a: {  	_ =	shalt  }
0x5b: {  	_ =	shalt  }
0x5c: {  	_ =	shalt  }
0x5d: {  	_ =	shalt  }
0x5e: {  	_ =	shalt  }
0x5f: {  	_ =	shalt  }
0x60: {  	_ =	shalt  }
0x61: {  	_ =	shalt  }
0x62: {  	_ =	shalt  }
0x63: {  	_ =	shalt  }
0x64: {  	_ =	shalt  }
0x65: {  	_ =	shalt  }
0x66: {  	_ =	shalt  }
0x67: {  	_ =	shalt  }
0x68: {  	_ =	shalt  }
0x69: {  	_ =	shalt  }
0x6a: {  	_ =	shalt  }
0x6b: {  	_ =	shalt  }
0x6c: {  	_ =	shalt  }
0x6d: {  	_ =	shalt  }
0x6e: {  	_ =	shalt  }
0x6f: {  	_ =	shalt  }
0x70: {  	_ =	shalt  }
0x71: {  	_ =	shalt  }
0x72: {  	_ =	shalt  }
0x73: {  	_ =	shalt  }
0x74: {  	_ =	shalt  }
0x75: {  	_ =	shalt  }
0x76: {  	_ =	shalt  }
0x77: {  	_ =	shalt  }
0x78: {  	_ =	shalt  }
0x79: {  	_ =	shalt  }
0x7a: {  	_ =	shalt  }
0x7b: {  	_ =	shalt  }
0x7c: {  	_ =	shalt  }
0x7d: {  	_ =	shalt  }
0x7e: {  	_ =	shalt  }
0x7f: {  	_ =	shalt  }
0x80: {  	_ =	shalt  }
0x81: {  	_ =	shalt  }
0x82: {  	_ =	shalt  }
0x83: {  	_ =	shalt  }
0x84: {  	_ =	shalt  }
0x85: {  	_ =	shalt  }
0x86: {  	_ =	shalt  }
0x87: {  	_ =	shalt  }
.Lfunc_end0:
.L_simem_size_0:
called_computation_lowered:
.L_overlay_start_0:
0x88: {  	s0 =	sld [smem:$0x3FD9]  }
0x89: {  	s1 =	sld [smem:$0x3FFE];
	_ =	sdelay $0x3  }
0x8a: {  	s0 =	sadd.s32 s1, s0  }
0x8b: {  	[smem:$0x3FBE] =	sst s0  }
0x8c: {  	_ = 	snop  }
0x8d: {  	s0 =	sld [smem:$0x3FD0];
	(tm) =	ssettm $0x1  }
0x8e: {  	s16 =	sld [smem:$0x3FFB];
	_ =	sdelay $0x3  }
0x8f: {  	_ =	strace s16  }
0x90: {  	s1 =	sld [smem:$0x3FFC];
	_ =	sdelay $0x3  }
0x91: {  	_ =	strace s1  }
0x92: {  	s1 =	sld [smem:$0x3FFD];
	_ =	sdelay $0x3  }
0x93: {  	_ =	strace s1  }
0x94: {  	_ =	strace $0x8FFFFFFF  }
0x95: {  	s17 =	sld [smem:$0x3FDB];
	_ =	sdelay $0x1  }
0x96: {  	s2 =	simm.s32 $_scs_section_size  }
0x97: {  	s3 =	simm.s32 $_size__tile_overlayer_lowered;
	s4 =	simm.s32 $_tile_overlayer_lowered  }
0x98: {  	s20 =	simm.s32 $0x1BFF;
	s19 =	sshll.u32 s4, $0x1;
	s1 =	sadd.s32 s2, s17  }
0x99: {  	s5 =	simm.s32 $0x0;
	s18 =	sshll.u32 s3, $0x1;
	s3 =	sadd.s32 s19, s1  }
0x9a: {  	[timem:s5], [sflag:s20] =	dma.local [hbm:s3], s18  }
0x9b: {  	_ =	swait.ge [sflag:s20], s18  }
0x9c: {  	s2 =	ssub.s32 $0x0, s18;
	[sflag:s20] =	ssyncset.done $0x0  }
0x9d: {  	[sflag:s20] =	ssyncadd.s32 s2;
	_ =	sdelay $0x1  }
0x9e: {  	s21 =	simm.s32 $0x1B8B  }
0x9f: {  	_ =	swait.ge [sflag:s21], $0x1  }
0xa0: {  	[sflag:s21] =	ssyncset.done $0x0  }
0xa1: {  	s23 =	simm.s32 $0x1B8E;
	s22 =	sld [smem:$0x3FFE];
	[sflag:s21] =	ssyncadd.s32 $0xFFFFFFFF  }
0xa2: {  	s24 =	simm.s32 $execute0_lowered;
	[smem:$0x3FD2] =	sst s23  }
0xa3: {  	s3 =	sshll.u32 s24, $0x1;
	_ =	strace $0x80000046;
	[dreg:$0x1] =	wrdreg $0xFFFFFFFF  }
0xa4: {  	s25 =	simm.s32 $_size_execute0_lowered;
	s1 =	sadd.s32 s1, s3;
	[dreg:$0x0] =	wrdreg $0x0  }
0xa5: {  	s3 =	sshll.u32 s25, $0x1;
	[dreg:$0x2] =	wrdreg s1  }
0xa6: {  	[dreg:$0x3] =	wrdreg s3  }
0xa7: {  	[dreg:$0x4] =	wrdreg $0xC0  }
0xa8: {  	_ =	task [dreg:s5], $0x5FFFF  }
0xa9: {  	[dreg:$0x1] =	wrdreg $0xFFFFFFFF  }
0xaa: {  	[dreg:$0x0] =	wrdreg $0x60  }
0xab: {  	[dreg:$0x2] =	wrdreg s22  }
0xac: {  	[dreg:$0x3] =	wrdreg s0  }
0xad: {  	[dreg:$0x4] =	wrdreg $0xB9000  }
0xae: {  	[dreg:$0x5] =	wrdreg $0x1F5000  }
0xaf: {  	[dreg:$0x6] =	wrdreg $0x9  }
0xb0: {  	_ =	task.clear_ibuf [dreg:s5], $0x7FFFF;
	_ =	strace $0x90000046  }
0xb1: {  	s26 =	simm.s32 $0x9;
	_ =	strace $0x80000048  }
0xb2: {  	_ =	swait.ge [sflag:s26], $0x1  }
0xb3: {  	[sflag:s26] =	ssyncadd.s32 $0xFFFFFFFF  }
0xb4: {  	_ =	strace $0x90000048  }
0xb5: {  	_ =	sfence  }
0xb6: {  	s28 =	sld [smem:$0x0];
	_ =	sdelay $0x1  }
0xb7: {  	s29 =	srdreg.scid  }
0xb8: {  	s30 =	sshll.u32 s29, $0xD;
	s31 =	sshrl.u32 s29, $0x2  }
0xb9: {  	s2 =	sand.u32 $0x4000, s30;
	s1 =	sand.u32 $0x1, s29;
	s0 =	sadd.s32 s31, s28  }
0xba: {  	s1 =	sor.u32 s2, s1;
	s0 =	sshll.u32 s0, $0x11  }
0xbb: {  	s0 =	sor.u32 s0, s1  }
0xbc: {  	s0 =	sadd.s32 $0x8F2B, s0  }
0xbd: {  	[sflag:s0] =	ssyncadd.remote.s32 $0x1  }
0xbe: {  	_ =	sfence.sel $0xFFFF  }
0xbf: {  	[dreg:$0x0] =	wrdreg $0xFFFFFFFF;
	(pc) =	sbr.abs _section_cstart, $3  }
0xc0: {  	[dreg:$0x1] =	wrdreg $0xFFFFFFFF  }
0xc1: {  	_ =	task.clear_ibuf [dreg:s5], $0x2FFFF;
	_ =	strace $0x9FFFFFFF  }
0xc2: {  	(tm) =	ssettm $0x7FFFFFFF  }
0xc3: {  	_ =	shalt  }
tec
execute0_lowered:
.L_overlay_start_1:
0x0: {  	(tag) =	ssettag $0x1  }
0x1: {  	s1 =	rddreg [dreg:$0x0]  }
0x2: {  	s12 =	rddreg [dreg:$0x1]  }
0x3: {  	s4 =	rddreg [dreg:$0x2]  }
0x4: {  	s3 =	rddreg [dreg:$0x3]  }
0x5: {  	s0 =	rddreg [dreg:$0x4];
	s2 =	simm.s32 $0x0  }
0x6: {  	s8 =	simm.s32 $0x0;
	s9 =	simm.s32 $0x200;
	[smem:$0x7FF] =	sst s2  }
0x7: {  	s5 =	sadd.s32 $0x54600, s1;
	s6 =	sadd.s32 $0x3600, s1;
	s7 =	sadd.s32 $0x2BE00, s1  }
0x8: {  	s16 =	sadd.s32 $0x7C600, s1;
	s15 =	sadd.s32 $0x7CC00, s1;
	s2 =	sadd.s32 $0x7CE00, s1  }
0x9: {  	v0 =	vimm.f32 $0.0e+00;
	s11 =	sadd.s32 $0xA4600, s1;
	s1 =	stileid.u32;
	_ =	strace $0x80000047  }
.LBB2_1:
0xa: {  	p0 =	sne.s32 s9, $0x3E00;
	[tilespmem:s8+$0x60F0] =	vst v0  }
0xb: {  	[tilespmem:s8+$0x6080] =	vst v0  }
0xc: {  	[tilespmem:s8+$0x6090] =	vst v0  }
.Ltmp0:
0xd: {  	[tilespmem:s8+$0x60A0] =	vst v0;
	(pc) =	sbr.rel @p0 .LBB2_1-.Ltmp0, $4  }
0xe: {  	[tilespmem:s8+$0x60B0] =	vst v0  }
0xf: {  	[tilespmem:s8+$0x60C0] =	vst v0  }
0x10: {  	[tilespmem:s8+$0x60D0] =	vst v0  }
0x11: {  	[tilespmem:s8+$0x60E0] =	vst v0;
	s8 =	sshra.s32 s9, $0x2;
	s9 =	sadd.s32 $0x200, s9  }
0x12: {  	[tilespmem:s8+$0x60F0] =	vst v0  }
0x13: {  	[tilespmem:s8+$0x6080] =	vst v0  }
0x14: {  	[tilespmem:s8+$0x6090] =	vst v0  }
0x15: {  	[tilespmem:s8+$0x60A0] =	vst v0  }
0x16: {  	[tilespmem:s8+$0x60B0] =	vst v0  }
0x17: {  	[tilespmem:s8+$0x60C0] =	vst v0  }
0x18: {  	[tilespmem:s8+$0x60D0] =	vst v0  }
0x19: {  	[tilespmem:s8+$0x60E0] =	vst v0;
	v0 =	vimm.f32 $0.0e+00;
	s8 =	simm.s32 $0x0;
	s9 =	simm.s32 $0x200  }
.LBB2_3:
0x1a: {  	p0 =	sne.s32 s9, $0x9E00;
	[tilespmem:s8+$0x90F0] =	vst v0  }
0x1b: {  	[tilespmem:s8+$0x9080] =	vst v0  }
0x1c: {  	[tilespmem:s8+$0x9090] =	vst v0  }
.Ltmp1:
0x1d: {  	[tilespmem:s8+$0x90A0] =	vst v0;
	(pc) =	sbr.rel @p0 .LBB2_3-.Ltmp1, $4  }
0x1e: {  	[tilespmem:s8+$0x90B0] =	vst v0  }
0x1f: {  	[tilespmem:s8+$0x90C0] =	vst v0  }
0x20: {  	[tilespmem:s8+$0x90D0] =	vst v0  }
0x21: {  	[tilespmem:s8+$0x90E0] =	vst v0;
	s8 =	sshra.s32 s9, $0x2;
	s9 =	sadd.s32 $0x200, s9  }
0x22: {  	[tilespmem:s8+$0x90F0] =	vst v0  }
0x23: {  	[tilespmem:s8+$0x9080] =	vst v0  }
0x24: {  	[tilespmem:s8+$0x9090] =	vst v0  }
0x25: {  	[tilespmem:s8+$0x90A0] =	vst v0  }
0x26: {  	[tilespmem:s8+$0x90B0] =	vst v0  }
0x27: {  	[tilespmem:s8+$0x90C0] =	vst v0  }
0x28: {  	[tilespmem:s8+$0x90D0] =	vst v0  }
0x29: {  	[tilespmem:s8+$0x90E0] =	vst v0;
	v61 =	vlaneseq.u32  }
0x2a: {  	s31 =	smul.u32 $0x4F000, s1;
	[tilespmem:$0xB880] =	vst v61;
	v1 =	vor.u32 $0x10, v61  }
0x2b: {  	v62 =	vor.u32 $0x20, v61;
	[tilespmem:$0xB890] =	vst v1  }
0x2c: {  	v63 =	vor.u32 $0x30, v61;
	[tilespmem:$0xB8A0] =	vst v62;
	s8 =	sshrl.u32 s31, $0x2  }
0x2d: {  	v0 =	vor.u32 $0x40, v61;
	[tilespmem:$0xB8B0] =	vst v63;
	s8 =	sadd.s32 s8, s4  }
0x2e: {  	s9 =	simm.s32 $0x6080;
	[tilespmem:$0xB8C0] =	vst v0;
	s10 =	sadd.s32 $0x0, s8  }
0x2f: {  	[spmem:s10] =	stream.linear.scatter [tilespmem:s9], [sflag:$0x4], $0x1000, $0x38;
	[tilespmem:$0x1F780] =	vst v63  }
0x30: {  	s10 =	simm.s32 $0x4  }
0x31: {  	s13 =	smul.u32 $0x278, s1;
	s14 =	simm.s32 $0x4000;
	_ =	swait.ge [sflag:s10], $0x1000  }
.LBB2_5:
0x32: {  	s17 =	sshra.s32 s14, $0x2;
	[sflag:s10] =	ssyncset.done $0x0;
	p0 =	sne.s32 s14, $0x48000  }
.Ltmp2:
0x33: {  	s17 =	sadd.s32 s17, s8;
	[sflag:s10] =	ssyncadd.s32 $0xFFFFF000;
	(pc) =	sbr.rel @p0 .LBB2_5-.Ltmp2, $3  }
0x34: {  	[spmem:s17] =	stream.linear.scatter [tilespmem:s9], [sflag:$0x4], $0x1000, $0x38;
	[tilespmem:$0x1F780] =	vst v63  }
0x35: {  	s14 =	sadd.s32 $0x4000, s14;
	_ =	sdelay $0x1  }
0x36: {  	_ =	swait.ge [sflag:s10], $0x1000  }
0x37: {  	s9 =	sadd.s32 $0x258, s13  }
0x38: {  	[sflag:s10] =	ssyncset.done $0x0;
	s17 =	simm.s32 $0x6080;
	s13 =	sshll.u32 s9, $0x7  }
0x39: {  	s18 =	simm.s32 $0x4;
	[sflag:s10] =	ssyncadd.s32 $0xFFFFF000;
	s10 =	sadd.s32 s13, s4  }
0x3a: {  	[spmem:s10] =	stream.linear.scatter [tilespmem:s17], [sflag:$0x4], $0x1000, $0x38;
	[tilespmem:$0x1F780] =	vst v63  }
0x3b: {  	_ =	swait.ge [sflag:s18], $0x1000  }
0x3c: {  	p0 =	sne.s32 s1, $0x0;
	[sflag:s18] =	ssyncset.done $0x0  }
0x3d: {  	s13 =	simm.s32 @!p0 $0x9080;
	[sflag:s18] =	ssyncadd.s32 $0xFFFFF000  }
0x3e: {  	[spmem:s3] =	stream.linear.scatter @!p0 [tilespmem:s13], [sflag:$0x4], $0x2800, $0x38;
	[tilespmem:$0x1F780] =	vst v63  }
0x3f: {  	s13 =	simm.s32 @!p0 $0x4  }
0x40: {  	_ =	swait.ge @!p0 [sflag:s13], $0x2800  }
0x41: {  	[sflag:s13] =	ssyncset.done @!p0 $0x0  }
0x42: {  	s19 =	simm.s32 $0x0;
	[sflag:s13] =	ssyncadd.s32 @!p0 $0xFFFFD800;
	s13 =	simm.s32 $0x1000  }
0x43: {  	[tilespmem:s13], [sflag:$0x4] =	stream.linear.gather [hbm4b:s12+s19], $0x2800, $0x38;
	[tilespmem:$0x1F780] =	vst v63  }
0x44: {  	_ =	swait.ge [sflag:s18], $0x2800  }
0x45: {  	[sflag:s18] =	ssyncset.done $0x0  }
0x46: {  	s14 =	simm.s32 $0x3800;
	[sflag:s18] =	ssyncadd.s32 $0xFFFFD800  }
0x47: {  	[tilespmem:s14], [sflag:$0x4] =	stream.linear.gather [hbm4b:s16+s19], $0x2800, $0x38;
	[tilespmem:$0x1F780] =	vst v63  }
0x48: {  	_ =	swait.ge [sflag:s18], $0x2800  }
0x49: {  	[sflag:s18] =	ssyncset.done $0x0  }
0x4a: {  	s22 =	simm.s32 $0x6000;
	[sflag:s18] =	ssyncadd.s32 $0xFFFFD800  }
0x4b: {  	[tilespmem:s22], [sflag:$0x4] =	stream.linear.gather [hbm4b:s15+s19], $0x80, $0x38;
	[tilespmem:$0x1F780] =	vst v63  }
0x4c: {  	_ =	swait.ge [sflag:s18], $0x80  }
0x4d: {  	[sflag:s18] =	ssyncset.done $0x0  }
0x4e: {  	[sflag:s18] =	ssyncadd.s32 $0xFFFFFF80  }
0x4f: {  	v0 =	vld [tilespmem:$0x6000];
	_ =	sdelay $0x4  }
0x50: {  	(v2sf) =	vpush v0, $0x0  }
0x51: {  	(v2sf) =	vpush v0, $0x1;
	_ =	sdelay $0xc  }
0x52: {  	s15 =	smul.u32 $0x14400, s1  }
0x53: {  	s23 =	spop (v2sf)  }
0x54: {  	s24 =	sshrl.u32 s15, $0x3;
	s25 =	spop (v2sf)  }
0x55: {  	s20 =	sadd.s32 s6, s24;
	[bflag:$0x0] =	sbarrier.arrive $0xFFFF  }
0x56: {  	[tilespmem:s19], [sflag:$0x1] =	stream.linear.gather [hbm4b:s20+s19], $0x400, $0x38;
	[tilespmem:$0x1F780] =	vst v63  }
0x57: {  	s26 =	simm.s32 $0x800;
	s28 =	simm.s32 $0x1;
	s16 =	sadd.s32 s7, s24  }
0x58: {  	[tilespmem:s26], [sflag:$0x1] =	stream.linear.gather [hbm4b:s16+s19], $0x400, $0x38;
	[tilespmem:$0x1F780] =	vst v63  }
0x59: {  	_ =	swait.ge [sflag:s28], $0x400  }
0x5a: {  	[sflag:s28] =	ssyncset.done $0x0  }
0x5b: {  	s29 =	smul.u32 $0x5100, s1;
	s21 =	sshll.u32 s1, $0xA;
	[sflag:s28] =	ssyncadd.s32 $0xFFFFFC00  }
0x5c: {  	s30 =	simm.s32 $0x80;
	s31 =	simm.s32 $0x7080;
	_ =	swait.ge [sflag:s28], $0x400  }
0x5d: {  	s12 =	sadd.s32 s21, s3;
	s21 =	simm.s32 $0x2;
	[sflag:s28] =	ssyncset.done $0x0  }
0x5e: {  	s18 =	sadd.f32 s25, s23;
	s16 =	simm.s32 $0x20;
	[sflag:s28] =	ssyncadd.s32 $0xFFFFFC00  }
0x5f: {  	[tilespmem:s17], [sflag:$0x2] =	stream.indirect.gather [hbm4b:s5+s16], $0x80, s19, s16, $0xb8;
	[tilespmem:$0x1F780] =	vst v63  }
0x60: {  	s22 =	sshll.u32 s1, $0x7;
	p1 =	sge.f32 s18, $0.0e+00;
	s19 =	smul.f32 $2.000000030e-01, s18  }
0x61: {  	[tilespmem:s31], [sflag:$0x2] =	stream.indirect.gather [hbm4b:s5+s16], $0x80, s30, s16, $0xb8;
	[tilespmem:$0x1F780] =	vst v63  }
0x62: {  	s11 =	sadd.s32 s11, s22;
	s20 =	simm.s32 $0x9080;
	s19 =	smov.u32 @p1 s18  }
0x63: {  	s17 =	sadd.s32 $0x10, s29;
	s18 =	simm.s32 $0x2;
	v0 =	vmov s19;
	s19 =	simm.s32 $0x400  }
.LBB2_7:
0x64: {  	s23 =	sadd.s32 $0xFFFFFFFE, s21  }
0x65: {  	s22 =	sand.u32 $0x7, s23;
	p1 =	sgt.u32 s23, $0x27F  }
0x66: {  	p2 =	sne.s32 @!p1 s22, $0x0  }
0x67: {  	s25 =	sshrl.u32 s23, $0x3;
	p1 =	por p2, p1  }
0x68: {  	s24 =	sshll.u32 @!p1 s25, $0xA  }
0x69: {  	s24 =	sadd.s32 @!p1 $0x400, s24  }
0x6a: {  	s26 =	sadd.s32 @!p1 s15, s24  }
0x6b: {  	s26 =	sshrl.u32 @!p1 s26, $0x3  }
0x6c: {  	s29 =	simm.s32 @!p1 $0x0;
	s24 =	sand.u32 @!p1 $0x400, s24;
	s28 =	sadd.s32 @!p1 s6, s26  }
0x6d: {  	[tilespmem:s24], [sflag:$0x1] =	stream.linear.gather @!p1 [hbm4b:s28+s29], $0x400, $0x38;
	[tilespmem:$0x1F780] =	vst v63  }
0x6e: {  	s26 =	sadd.s32 @!p1 s7, s26;
	s24 =	sor.u32 @!p1 $0x800, s24  }
0x6f: {  	[tilespmem:s24], [sflag:$0x1] =	stream.linear.gather @!p1 [hbm4b:s26+s29], $0x400, $0x38;
	[tilespmem:$0x1F780] =	vst v63  }
0x70: {  	s24 =	sand.u32 $0x7, s21;
	p1 =	sgt.u32 s23, $0x285  }
0x71: {  	p2 =	sne.s32 @!p1 s24, $0x0  }
0x72: {  	p1 =	por p2, p1  }
0x73: {  	s26 =	simm.s32 @!p1 $0x1  }
0x74: {  	_ =	swait.ge @!p1 [sflag:s26], $0x400  }
0x75: {  	[sflag:s26] =	ssyncset.done @!p1 $0x0  }
0x76: {  	[sflag:s26] =	ssyncadd.s32 @!p1 $0xFFFFFC00  }
0x77: {  	s25 =	sshll.u32 s25, $0xA;
	_ =	swait.ge @!p1 [sflag:s26], $0x400  }
0x78: {  	s22 =	sshll.u32 s22, $0x7;
	s25 =	sand.u32 $0x400, s25;
	[sflag:s26] =	ssyncset.done @!p1 $0x0  }
0x79: {  	s22 =	sor.u32 s22, s25;
	[sflag:s26] =	ssyncadd.s32 @!p1 $0xFFFFFC00  }
0x7a: {  	v1 =	vld [tilespmem:s22+$0x0]  }
0x7b: {  	v3 =	vld [tilespmem:s22+$0x800];
	_ =	sdelay $0x6  }
0x7c: {  	v1 =	vld.idx.msk [tilespmem:v1+s13+$0x0], $0xffff  }
0x7d: {  	v2 =	vld.idx.msk [tilespmem:v3+s14+$0x0], $0xffff;
	_ =	sdelay $0x4  }
0x7e: {  	v1 =	vadd.f32 v2, v1;
	_ =	sdelay $0x1  }
0x7f: {  	v2 =	vmul.f32 $2.000000030e-01, v1  }
0x80: {  	vm0 =	vge.f32 v1, $0.0e+00  }
0x81: {  	v1 =	vsel vm0, v1, v2  }
0x82: {  	v1 =	vsub.f32 v1, v0;
	_ =	sdelay $0x1  }
0x83: {  	v1 =	vmul.f32 $1.442695020e+00, v1;
	_ =	sdelay $0x1  }
0x84: {  	(erf) = vpow2.f32 v1;
	_ =	sdelay $0x7  }
0x85: {  	s29 =	sadd.s32 $0xFFFFFFF0, s17  }
0x86: {  	p5 =	slt.u32 s29, $0x50910;
	v1 =	vpop (erf)  }
0x87: {  	v2 =	vpsel !p5, $0x0, v1  }
0x88: {  	[tilespmem:v3+s20+$0x0] =	vst.idx.add.f32.msk $0xffff, v2  }
0x89: {  	v1 =	vld [tilespmem:s22+$0x10]  }
0x8a: {  	v3 =	vld [tilespmem:s22+$0x810];
	_ =	sdelay $0x6  }
0x8b: {  	v1 =	vld.idx.msk [tilespmem:v1+s13+$0x0], $0xffff  }
0x8c: {  	v4 =	vld.idx.msk [tilespmem:v3+s14+$0x0], $0xffff;
	_ =	sdelay $0x4  }
0x8d: {  	v1 =	vadd.f32 v4, v1;
	_ =	sdelay $0x1  }
0x8e: {  	v4 =	vmul.f32 $2.000000030e-01, v1  }
0x8f: {  	vm15 =	vge.f32 v1, $0.0e+00  }
0x90: {  	v1 =	vsel vm15, v1, v4  }
0x91: {  	v1 =	vsub.f32 v1, v0;
	_ =	sdelay $0x1  }
0x92: {  	v1 =	vmul.f32 $1.442695020e+00, v1;
	_ =	sdelay $0x1  }
0x93: {  	(erf) = vpow2.f32 v1;
	_ =	sdelay $0x8  }
0x94: {  	p6 =	slt.u32 s17, $0x50910;
	v1 =	vpop (erf)  }
0x95: {  	p1 =	seq.s32 s21, $0x2;
	v1 =	vpsel !p6, $0x0, v1  }
0x96: {  	s25 =	simm.s32 @!p1 $0x3;
	[tilespmem:v3+s20+$0x0] =	vst.idx.add.f32.msk $0xffff, v1  }
0x97: {  	p2 =	sgt.u32 @!p1 s23, $0x285;
	_ =	swait.ge @!p1 [sflag:s25], $0x1000  }
0x98: {  	p2 =	por p1, !p2;
	[sflag:s25] =	ssyncset.done @!p1 $0x0  }
0x99: {  	[sflag:s25] =	ssyncadd.s32 @!p1 $0xFFFFF000;
	s25 =	smul.u32 @p2 $0xAAAB, s21;
	_ =	sdelay $0x1  }
0x9a: {  	s25 =	sshrl.u32 @p2 s25, $0x11  }
0x9b: {  	s25 =	sadd.s32 @p2 s25, s21  }
0x9c: {  	s26 =	sand.u32 @p2 $0x1000, s19;
	s25 =	sshll.u32 @p2 s25, $0xC  }
0x9d: {  	s24 =	sshll.u32 @p2 s24, $0x7;
	s26 =	sshrl.u32 @p2 s26, $0x2;
	s25 =	sand.u32 @p2 $0x3000, s25  }
0x9e: {  	s30 =	smul.u32 $0xAAAB, s23;
	s24 =	sor.u32 @p2 s24, s26;
	s25 =	sadd.s32 @p2 $0x6080, s25  }
0x9f: {  	[tilespmem:s25], [sflag:$0x2] =	stream.indirect.gather @p2 [hbm4b:s5+s16], $0x80, s24, s16, $0xb8;
	[tilespmem:$0x1F780] =	vst v63  }
0xa0: {  	s24 =	sshrl.u32 s30, $0x11  }
0xa1: {  	s24 =	smul.u32 $0x3, s24;
	_ =	sdelay $0x1  }
0xa2: {  	_ =	swait.ge [sflag:s18], $0x1000;
	s23 =	ssub.s32 s23, s24  }
0xa3: {  	[sflag:s18] =	ssyncset.done $0x0;
	s23 =	sshll.u32 s23, $0xC  }
0xa4: {  	[sflag:s18] =	ssyncadd.s32 $0xFFFFF000;
	s23 =	sand.u32 $0xF000, s23  }
0xa5: {  	v3 =	vld [tilespmem:s23+$0x6080]  }
0xa6: {  	v37 =	vld [tilespmem:s23+$0x6090]  }
0xa7: {  	v5 =	vld [tilespmem:s23+$0x60A0]  }
0xa8: {  	v6 =	vbroadcast v2, $0x0;
	v7 =	vld [tilespmem:s23+$0x60B0]  }
0xa9: {  	v8 =	vld [tilespmem:s23+$0x60C0]  }
0xaa: {  	v9 =	vld [tilespmem:s23+$0x60D0];
	v3 =	vmul.f32 v3, v6  }
0xab: {  	v10 =	vld [tilespmem:s23+$0x60E0];
	v4 =	vmul.f32 v37, v6  }
0xac: {  	[tilespmem:s23+$0x6080] =	vst v3;
	v3 =	vmul.f32 v5, v6  }
0xad: {  	v38 =	vmul.f32 v7, v6;
	[tilespmem:s23+$0x6090] =	vst v4  }
0xae: {  	[tilespmem:s23+$0x60A0] =	vst v3;
	v3 =	vmul.f32 v8, v6  }
0xaf: {  	v39 =	vmul.f32 v9, v6;
	[tilespmem:s23+$0x60B0] =	vst v38  }
0xb0: {  	[tilespmem:s23+$0x60C0] =	vst v3;
	v3 =	vmul.f32 v10, v6  }
0xb1: {  	[tilespmem:s23+$0x60D0] =	vst v39  }
0xb2: {  	[tilespmem:s23+$0x60E0] =	vst v3  }
0xb3: {  	v3 =	vld [tilespmem:s23+$0x60F0]  }
0xb4: {  	v40 =	vld [tilespmem:s23+$0x6100]  }
0xb5: {  	v41 =	vld [tilespmem:s23+$0x6110]  }
0xb6: {  	v42 =	vld [tilespmem:s23+$0x6120]  }
0xb7: {  	v43 =	vbroadcast v2, $0x1;
	v44 =	vld [tilespmem:s23+$0x6130]  }
0xb8: {  	v45 =	vld [tilespmem:s23+$0x6140];
	v3 =	vmul.f32 v3, v6  }
0xb9: {  	v46 =	vld [tilespmem:s23+$0x6150];
	v4 =	vmul.f32 v40, v43  }
0xba: {  	v47 =	vld [tilespmem:s23+$0x6160];
	[tilespmem:s23+$0x60F0] =	vst v3;
	v3 =	vmul.f32 v41, v43  }
0xbb: {  	v49 =	vld [tilespmem:s23+$0x6170];
	v48 =	vmul.f32 v42, v43;
	[tilespmem:s23+$0x6100] =	vst v4  }
0xbc: {  	v50 =	vld [tilespmem:s23+$0x6180];
	[tilespmem:s23+$0x6110] =	vst v3;
	v3 =	vmul.f32 v44, v43  }
0xbd: {  	v52 =	vld [tilespmem:s23+$0x6190];
	v51 =	vmul.f32 v45, v43;
	[tilespmem:s23+$0x6120] =	vst v48  }
0xbe: {  	v53 =	vld [tilespmem:s23+$0x61A0];
	[tilespmem:s23+$0x6130] =	vst v3;
	v3 =	vmul.f32 v46, v43  }
0xbf: {  	v55 =	vbroadcast v2, $0x2;
	v11 =	vld [tilespmem:s23+$0x61B0];
	v54 =	vmul.f32 v47, v43;
	[tilespmem:s23+$0x6140] =	vst v51  }
0xc0: {  	v56 =	vld [tilespmem:s23+$0x61C0];
	[tilespmem:s23+$0x6150] =	vst v3;
	v3 =	vmul.f32 v49, v43  }
0xc1: {  	v58 =	vld [tilespmem:s23+$0x61D0];
	v57 =	vmul.f32 v50, v55;
	[tilespmem:s23+$0x6160] =	vst v54  }
0xc2: {  	v59 =	vld [tilespmem:s23+$0x61E0];
	[tilespmem:s23+$0x6170] =	vst v3;
	v3 =	vmul.f32 v52, v55  }
0xc3: {  	v61 =	vld [tilespmem:s23+$0x61F0];
	v60 =	vmul.f32 v53, v55;
	[tilespmem:s23+$0x6180] =	vst v57  }
0xc4: {  	v62 =	vld [tilespmem:s23+$0x6200];
	[tilespmem:s23+$0x6190] =	vst v3;
	v3 =	vmul.f32 v11, v55  }
0xc5: {  	v12 =	vld [tilespmem:s23+$0x6210];
	v63 =	vmul.f32 v56, v55;
	[tilespmem:s23+$0x61A0] =	vst v60  }
0xc6: {  	v13 =	vld [tilespmem:s23+$0x6220];
	[tilespmem:s23+$0x61B0] =	vst v3;
	v3 =	vmul.f32 v58, v55  }
0xc7: {  	v15 =	vbroadcast v2, $0x3;
	v16 =	vld [tilespmem:s23+$0x6230];
	v14 =	vmul.f32 v59, v55;
	[tilespmem:s23+$0x61C0] =	vst v63  }
0xc8: {  	v17 =	vld [tilespmem:s23+$0x6240];
	[tilespmem:s23+$0x61D0] =	vst v3;
	v3 =	vmul.f32 v61, v55  }
0xc9: {  	v19 =	vld [tilespmem:s23+$0x6250];
	v18 =	vmul.f32 v62, v15;
	[tilespmem:s23+$0x61E0] =	vst v14  }
0xca: {  	v20 =	vld [tilespmem:s23+$0x6260];
	[tilespmem:s23+$0x61F0] =	vst v3;
	v3 =	vmul.f32 v12, v15  }
0xcb: {  	v22 =	vld [tilespmem:s23+$0x6270];
	v21 =	vmul.f32 v13, v15;
	[tilespmem:s23+$0x6200] =	vst v18  }
0xcc: {  	v23 =	vld [tilespmem:s23+$0x6280];
	[tilespmem:s23+$0x6210] =	vst v3;
	v3 =	vmul.f32 v16, v15  }
0xcd: {  	v25 =	vld [tilespmem:s23+$0x6290];
	v24 =	vmul.f32 v17, v15;
	[tilespmem:s23+$0x6220] =	vst v21  }
0xce: {  	v26 =	vld [tilespmem:s23+$0x62A0];
	[tilespmem:s23+$0x6230] =	vst v3;
	v3 =	vmul.f32 v19, v15  }
0xcf: {  	v28 =	vbroadcast v2, $0x4;
	v29 =	vld [tilespmem:s23+$0x62B0];
	v27 =	vmul.f32 v20, v15;
	[tilespmem:s23+$0x6240] =	vst v24  }
0xd0: {  	v30 =	vld [tilespmem:s23+$0x62C0];
	[tilespmem:s23+$0x6250] =	vst v3;
	v3 =	vmul.f32 v22, v15  }
0xd1: {  	v32 =	vld [tilespmem:s23+$0x62D0];
	v31 =	vmul.f32 v23, v28;
	[tilespmem:s23+$0x6260] =	vst v27  }
0xd2: {  	v33 =	vld [tilespmem:s23+$0x62E0];
	[tilespmem:s23+$0x6270] =	vst v3;
	v3 =	vmul.f32 v25, v28  }
0xd3: {  	v35 =	vld [tilespmem:s23+$0x62F0];
	v34 =	vmul.f32 v26, v28;
	[tilespmem:s23+$0x6280] =	vst v31  }
0xd4: {  	v36 =	vld [tilespmem:s23+$0x6300];
	[tilespmem:s23+$0x6290] =	vst v3;
	v3 =	vmul.f32 v29, v28  }
0xd5: {  	v38 =	vld [tilespmem:s23+$0x6310];
	v37 =	vmul.f32 v30, v28;
	[tilespmem:s23+$0x62A0] =	vst v34  }
0xd6: {  	v39 =	vld [tilespmem:s23+$0x6320];
	[tilespmem:s23+$0x62B0] =	vst v3;
	v3 =	vmul.f32 v32, v28  }
0xd7: {  	v40 =	vmul.f32 v33, v28;
	v42 =	vld [tilespmem:s23+$0x6330];
	[tilespmem:s23+$0x62C0] =	vst v37;
	v41 =	vbroadcast v2, $0x5  }
0xd8: {  	v56 =	vld [tilespmem:s23+$0x63C0];
	[tilespmem:s23+$0x62D0] =	vst v3;
	v3 =	vmul.f32 v35, v28  }
0xd9: {  	v45 =	vld [tilespmem:s23+$0x6350];
	[tilespmem:s23+$0x62E0] =	vst v40;
	v44 =	vmul.f32 v36, v41  }
0xda: {  	v59 =	vld [tilespmem:s23+$0x63E0];
	[tilespmem:s23+$0x62F0] =	vst v3;
	v3 =	vmul.f32 v38, v41  }
0xdb: {  	v48 =	vld [tilespmem:s23+$0x6370];
	v54 =	vbroadcast v2, $0x6;
	v47 =	vmul.f32 v39, v41;
	[tilespmem:s23+$0x6300] =	vst v44  }
0xdc: {  	v46 =	vld [tilespmem:s23+$0x6360];
	[tilespmem:s23+$0x6310] =	vst v3;
	v3 =	vmul.f32 v42, v41  }
0xdd: {  	v51 =	vld [tilespmem:s23+$0x6390];
	v63 =	vmul.f32 v56, v54;
	[tilespmem:s23+$0x6320] =	vst v47  }
0xde: {  	v43 =	vld [tilespmem:s23+$0x6340];
	[tilespmem:s23+$0x6330] =	vst v3;
	v3 =	vmul.f32 v45, v41  }
0xdf: {  	v14 =	vmul.f32 v59, v54;
	[tilespmem:s23+$0x63C0] =	vst v63;
	v55 =	vld [tilespmem:s23+$0x63B0]  }
0xe0: {  	v49 =	vld [tilespmem:s23+$0x6380];
	[tilespmem:s23+$0x6350] =	vst v3;
	v3 =	vmul.f32 v48, v41  }
0xe1: {  	[tilespmem:s23+$0x63E0] =	vst v14;
	v53 =	vmul.f32 v46, v41;
	v58 =	vld [tilespmem:s23+$0x63D0]  }
0xe2: {  	v52 =	vld [tilespmem:s23+$0x63A0];
	[tilespmem:s23+$0x6370] =	vst v3;
	v3 =	vmul.f32 v51, v54  }
0xe3: {  	v50 =	vmul.f32 v43, v41;
	[tilespmem:s23+$0x6360] =	vst v53;
	v61 =	vld [tilespmem:s23+$0x63F0]  }
0xe4: {  	v62 =	vld [tilespmem:s23+$0x6400];
	[tilespmem:s23+$0x6390] =	vst v3;
	v3 =	vmul.f32 v55, v54  }
0xe5: {  	v57 =	vmul.f32 v49, v54;
	[tilespmem:s23+$0x6340] =	vst v50;
	v12 =	vld [tilespmem:s23+$0x6410]  }
0xe6: {  	v13 =	vld [tilespmem:s23+$0x6420];
	[tilespmem:s23+$0x63B0] =	vst v3;
	v3 =	vmul.f32 v58, v54  }
0xe7: {  	[tilespmem:s23+$0x6380] =	vst v57;
	v60 =	vmul.f32 v52, v54;
	v16 =	vld [tilespmem:s23+$0x6430];
	v15 =	vbroadcast v2, $0x7  }
0xe8: {  	v17 =	vld [tilespmem:s23+$0x6440];
	[tilespmem:s23+$0x63D0] =	vst v3;
	v3 =	vmul.f32 v61, v54  }
0xe9: {  	[tilespmem:s23+$0x63A0] =	vst v60;
	v19 =	vld [tilespmem:s23+$0x6450];
	v18 =	vmul.f32 v62, v15  }
0xea: {  	v20 =	vld [tilespmem:s23+$0x6460];
	[tilespmem:s23+$0x63F0] =	vst v3;
	v3 =	vmul.f32 v12, v15  }
0xeb: {  	v22 =	vld [tilespmem:s23+$0x6470];
	v21 =	vmul.f32 v13, v15;
	[tilespmem:s23+$0x6400] =	vst v18  }
0xec: {  	v23 =	vld [tilespmem:s23+$0x6480];
	[tilespmem:s23+$0x6410] =	vst v3;
	v3 =	vmul.f32 v16, v15  }
0xed: {  	v24 =	vmul.f32 v17, v15;
	v25 =	vld [tilespmem:s23+$0x6490];
	[tilespmem:s23+$0x6420] =	vst v21  }
0xee: {  	v26 =	vld [tilespmem:s23+$0x64A0];
	[tilespmem:s23+$0x6430] =	vst v3;
	v3 =	vmul.f32 v19, v15  }
0xef: {  	v27 =	vmul.f32 v20, v15;
	[tilespmem:s23+$0x6440] =	vst v24;
	v29 =	vld [tilespmem:s23+$0x64B0];
	v28 =	vbroadcast v2, $0x8  }
0xf0: {  	v30 =	vld [tilespmem:s23+$0x64C0];
	[tilespmem:s23+$0x6450] =	vst v3;
	v3 =	vmul.f32 v22, v15  }
0xf1: {  	[tilespmem:s23+$0x6460] =	vst v27;
	v32 =	vld [tilespmem:s23+$0x64D0];
	v31 =	vmul.f32 v23, v28  }
0xf2: {  	v33 =	vld [tilespmem:s23+$0x64E0];
	[tilespmem:s23+$0x6470] =	vst v3;
	v3 =	vmul.f32 v25, v28  }
0xf3: {  	v35 =	vld [tilespmem:s23+$0x64F0];
	v34 =	vmul.f32 v26, v28;
	[tilespmem:s23+$0x6480] =	vst v31  }
0xf4: {  	v36 =	vld [tilespmem:s23+$0x6500];
	[tilespmem:s23+$0x6490] =	vst v3;
	v3 =	vmul.f32 v29, v28  }
0xf5: {  	v37 =	vmul.f32 v30, v28;
	v38 =	vld [tilespmem:s23+$0x6510];
	[tilespmem:s23+$0x64A0] =	vst v34  }
0xf6: {  	v39 =	vld [tilespmem:s23+$0x6520];
	[tilespmem:s23+$0x64B0] =	vst v3;
	v3 =	vmul.f32 v32, v28  }
0xf7: {  	v40 =	vmul.f32 v33, v28;
	[tilespmem:s23+$0x64C0] =	vst v37;
	v42 =	vld [tilespmem:s23+$0x6530];
	v41 =	vbroadcast v2, $0x9  }
0xf8: {  	v43 =	vld [tilespmem:s23+$0x6540];
	[tilespmem:s23+$0x64D0] =	vst v3;
	v3 =	vmul.f32 v35, v28  }
0xf9: {  	[tilespmem:s23+$0x64E0] =	vst v40;
	v45 =	vld [tilespmem:s23+$0x6550];
	v44 =	vmul.f32 v36, v41  }
0xfa: {  	v46 =	vld [tilespmem:s23+$0x6560];
	[tilespmem:s23+$0x64F0] =	vst v3;
	v3 =	vmul.f32 v38, v41  }
0xfb: {  	v48 =	vld [tilespmem:s23+$0x6570];
	v47 =	vmul.f32 v39, v41;
	[tilespmem:s23+$0x6500] =	vst v44  }
0xfc: {  	v49 =	vld [tilespmem:s23+$0x6580];
	[tilespmem:s23+$0x6510] =	vst v3;
	v3 =	vmul.f32 v42, v41  }
0xfd: {  	v50 =	vmul.f32 v43, v41;
	v51 =	vld [tilespmem:s23+$0x6590];
	[tilespmem:s23+$0x6520] =	vst v47  }
0xfe: {  	v52 =	vld [tilespmem:s23+$0x65A0];
	[tilespmem:s23+$0x6530] =	vst v3;
	v3 =	vmul.f32 v45, v41  }
0xff: {  	v53 =	vmul.f32 v46, v41;
	[tilespmem:s23+$0x6540] =	vst v50;
	v55 =	vld [tilespmem:s23+$0x65B0];
	v54 =	vbroadcast v2, $0xA  }
0x100: {  	v56 =	vld [tilespmem:s23+$0x65C0];
	[tilespmem:s23+$0x6550] =	vst v3;
	v3 =	vmul.f32 v48, v41  }
0x101: {  	[tilespmem:s23+$0x6560] =	vst v53;
	v58 =	vld [tilespmem:s23+$0x65D0];
	v57 =	vmul.f32 v49, v54  }
0x102: {  	v59 =	vld [tilespmem:s23+$0x65E0];
	[tilespmem:s23+$0x6570] =	vst v3;
	v3 =	vmul.f32 v51, v54  }
0x103: {  	v61 =	vld [tilespmem:s23+$0x65F0];
	v60 =	vmul.f32 v52, v54;
	[tilespmem:s23+$0x6580] =	vst v57  }
0x104: {  	v62 =	vld [tilespmem:s23+$0x6600];
	[tilespmem:s23+$0x6590] =	vst v3;
	v3 =	vmul.f32 v55, v54  }
0x105: {  	v63 =	vmul.f32 v56, v54;
	v12 =	vld [tilespmem:s23+$0x6610];
	[tilespmem:s23+$0x65A0] =	vst v60  }
0x106: {  	v13 =	vld [tilespmem:s23+$0x6620];
	[tilespmem:s23+$0x65B0] =	vst v3;
	v3 =	vmul.f32 v58, v54  }
0x107: {  	v14 =	vmul.f32 v59, v54;
	[tilespmem:s23+$0x65C0] =	vst v63;
	v16 =	vld [tilespmem:s23+$0x6630];
	v15 =	vbroadcast v2, $0xB  }
0x108: {  	v17 =	vld [tilespmem:s23+$0x6640];
	[tilespmem:s23+$0x65D0] =	vst v3;
	v3 =	vmul.f32 v61, v54  }
0x109: {  	[tilespmem:s23+$0x65E0] =	vst v14;
	v19 =	vld [tilespmem:s23+$0x6650];
	v18 =	vmul.f32 v62, v15  }
0x10a: {  	v20 =	vld [tilespmem:s23+$0x6660];
	[tilespmem:s23+$0x65F0] =	vst v3;
	v3 =	vmul.f32 v12, v15  }
0x10b: {  	v22 =	vld [tilespmem:s23+$0x6670];
	v21 =	vmul.f32 v13, v15;
	[tilespmem:s23+$0x6600] =	vst v18  }
0x10c: {  	v23 =	vld [tilespmem:s23+$0x6680];
	[tilespmem:s23+$0x6610] =	vst v3;
	v3 =	vmul.f32 v16, v15  }
0x10d: {  	v24 =	vmul.f32 v17, v15;
	v25 =	vld [tilespmem:s23+$0x6690];
	[tilespmem:s23+$0x6620] =	vst v21  }
0x10e: {  	v26 =	vld [tilespmem:s23+$0x66A0];
	[tilespmem:s23+$0x6630] =	vst v3;
	v3 =	vmul.f32 v19, v15  }
0x10f: {  	v27 =	vmul.f32 v20, v15;
	[tilespmem:s23+$0x6640] =	vst v24;
	v29 =	vld [tilespmem:s23+$0x66B0];
	v28 =	vbroadcast v2, $0xC  }
0x110: {  	v30 =	vld [tilespmem:s23+$0x66C0];
	[tilespmem:s23+$0x6650] =	vst v3;
	v3 =	vmul.f32 v22, v15  }
0x111: {  	[tilespmem:s23+$0x6660] =	vst v27;
	v32 =	vld [tilespmem:s23+$0x66D0];
	v31 =	vmul.f32 v23, v28  }
0x112: {  	v33 =	vld [tilespmem:s23+$0x66E0];
	[tilespmem:s23+$0x6670] =	vst v3;
	v3 =	vmul.f32 v25, v28  }
0x113: {  	v35 =	vld [tilespmem:s23+$0x66F0];
	v34 =	vmul.f32 v26, v28;
	[tilespmem:s23+$0x6680] =	vst v31  }
0x114: {  	v36 =	vld [tilespmem:s23+$0x6700];
	[tilespmem:s23+$0x6690] =	vst v3;
	v3 =	vmul.f32 v29, v28  }
0x115: {  	v37 =	vmul.f32 v30, v28;
	v38 =	vld [tilespmem:s23+$0x6710];
	[tilespmem:s23+$0x66A0] =	vst v34  }
0x116: {  	v39 =	vld [tilespmem:s23+$0x6720];
	[tilespmem:s23+$0x66B0] =	vst v3;
	v3 =	vmul.f32 v32, v28  }
0x117: {  	v40 =	vmul.f32 v33, v28;
	[tilespmem:s23+$0x66C0] =	vst v37;
	v42 =	vld [tilespmem:s23+$0x6730];
	v41 =	vbroadcast v2, $0xD  }
0x118: {  	v43 =	vld [tilespmem:s23+$0x6740];
	[tilespmem:s23+$0x66D0] =	vst v3;
	v3 =	vmul.f32 v35, v28  }
0x119: {  	[tilespmem:s23+$0x66E0] =	vst v40;
	v45 =	vld [tilespmem:s23+$0x6750];
	v44 =	vmul.f32 v36, v41  }
0x11a: {  	v46 =	vld [tilespmem:s23+$0x6760];
	[tilespmem:s23+$0x66F0] =	vst v3;
	v3 =	vmul.f32 v38, v41  }
0x11b: {  	v48 =	vld [tilespmem:s23+$0x6770];
	v47 =	vmul.f32 v39, v41;
	[tilespmem:s23+$0x6700] =	vst v44  }
0x11c: {  	v49 =	vld [tilespmem:s23+$0x6780];
	[tilespmem:s23+$0x6710] =	vst v3;
	v3 =	vmul.f32 v42, v41  }
0x11d: {  	v50 =	vmul.f32 v43, v41;
	v51 =	vld [tilespmem:s23+$0x6790];
	[tilespmem:s23+$0x6720] =	vst v47  }
0x11e: {  	v52 =	vld [tilespmem:s23+$0x67A0];
	[tilespmem:s23+$0x6730] =	vst v3;
	v3 =	vmul.f32 v45, v41  }
0x11f: {  	v53 =	vmul.f32 v46, v41;
	[tilespmem:s23+$0x6740] =	vst v50;
	v55 =	vld [tilespmem:s23+$0x67B0];
	v54 =	vbroadcast v2, $0xE  }
0x120: {  	v56 =	vld [tilespmem:s23+$0x67C0];
	[tilespmem:s23+$0x6750] =	vst v3;
	v3 =	vmul.f32 v48, v41  }
0x121: {  	[tilespmem:s23+$0x6760] =	vst v53;
	v58 =	vld [tilespmem:s23+$0x67D0];
	v57 =	vmul.f32 v49, v54  }
0x122: {  	v59 =	vld [tilespmem:s23+$0x67E0];
	[tilespmem:s23+$0x6770] =	vst v3;
	v3 =	vmul.f32 v51, v54  }
0x123: {  	v61 =	vld [tilespmem:s23+$0x67F0];
	v60 =	vmul.f32 v52, v54;
	[tilespmem:s23+$0x6780] =	vst v57  }
0x124: {  	v62 =	vld [tilespmem:s23+$0x6800];
	[tilespmem:s23+$0x6790] =	vst v3;
	v3 =	vmul.f32 v55, v54  }
0x125: {  	v63 =	vmul.f32 v56, v54;
	v12 =	vld [tilespmem:s23+$0x6810];
	[tilespmem:s23+$0x67A0] =	vst v60  }
0x126: {  	v13 =	vld [tilespmem:s23+$0x6820];
	[tilespmem:s23+$0x67B0] =	vst v3;
	v3 =	vmul.f32 v58, v54  }
0x127: {  	v2 =	vbroadcast v2, $0xF;
	v14 =	vmul.f32 v59, v54;
	[tilespmem:s23+$0x67C0] =	vst v63;
	v15 =	vld [tilespmem:s23+$0x6830]  }
0x128: {  	v16 =	vld [tilespmem:s23+$0x6840];
	[tilespmem:s23+$0x67D0] =	vst v3;
	v3 =	vmul.f32 v61, v54  }
0x129: {  	v18 =	vld [tilespmem:s23+$0x6850];
	v17 =	vmul.f32 v62, v2;
	[tilespmem:s23+$0x67E0] =	vst v14  }
0x12a: {  	v19 =	vld [tilespmem:s23+$0x6860];
	[tilespmem:s23+$0x67F0] =	vst v3;
	v3 =	vmul.f32 v12, v2  }
0x12b: {  	v21 =	vld [tilespmem:s23+$0x6870];
	v20 =	vmul.f32 v13, v2;
	[tilespmem:s23+$0x6800] =	vst v17  }
0x12c: {  	v22 =	vld [tilespmem:s23+$0x6880];
	[tilespmem:s23+$0x6810] =	vst v3;
	v3 =	vmul.f32 v15, v2  }
0x12d: {  	v24 =	vld [tilespmem:s23+$0x6890];
	[tilespmem:s23+$0x6820] =	vst v20;
	v23 =	vmul.f32 v16, v2  }
0x12e: {  	v25 =	vld [tilespmem:s23+$0x68A0];
	[tilespmem:s23+$0x6830] =	vst v3;
	v3 =	vmul.f32 v18, v2  }
0x12f: {  	v27 =	vbroadcast v1, $0x0;
	[tilespmem:s23+$0x6840] =	vst v23;
	v26 =	vmul.f32 v19, v2;
	v28 =	vld [tilespmem:s23+$0x68B0]  }
0x130: {  	v2 =	vmul.f32 v21, v2;
	[tilespmem:s23+$0x6850] =	vst v3;
	v3 =	vld [tilespmem:s23+$0x68C0]  }
0x131: {  	v30 =	vld [tilespmem:s23+$0x68D0];
	[tilespmem:s23+$0x6860] =	vst v26;
	v29 =	vmul.f32 v22, v27  }
0x132: {  	v31 =	vld [tilespmem:s23+$0x68E0];
	[tilespmem:s23+$0x6870] =	vst v2;
	v2 =	vmul.f32 v24, v27  }
0x133: {  	v33 =	vld [tilespmem:s23+$0x68F0];
	[tilespmem:s23+$0x6880] =	vst v29;
	v32 =	vmul.f32 v25, v27  }
0x134: {  	v34 =	vld [tilespmem:s23+$0x6900];
	[tilespmem:s23+$0x6890] =	vst v2;
	v2 =	vmul.f32 v28, v27  }
0x135: {  	v35 =	vld [tilespmem:s23+$0x6910];
	[tilespmem:s23+$0x68A0] =	vst v32;
	v3 =	vmul.f32 v3, v27  }
0x136: {  	v36 =	vld [tilespmem:s23+$0x6920];
	[tilespmem:s23+$0x68B0] =	vst v2;
	v2 =	vmul.f32 v30, v27  }
0x137: {  	v37 =	vbroadcast v1, $0x1;
	v38 =	vld [tilespmem:s23+$0x6930];
	[tilespmem:s23+$0x68C0] =	vst v3;
	v3 =	vmul.f32 v31, v27  }
0x138: {  	v39 =	vld [tilespmem:s23+$0x6940];
	[tilespmem:s23+$0x68D0] =	vst v2;
	v2 =	vmul.f32 v33, v27  }
0x139: {  	v40 =	vld [tilespmem:s23+$0x6950];
	[tilespmem:s23+$0x68E0] =	vst v3;
	v3 =	vmul.f32 v34, v37  }
0x13a: {  	v41 =	vld [tilespmem:s23+$0x6960];
	[tilespmem:s23+$0x68F0] =	vst v2;
	v2 =	vmul.f32 v35, v37  }
0x13b: {  	v42 =	vld [tilespmem:s23+$0x6970];
	[tilespmem:s23+$0x6900] =	vst v3;
	v3 =	vmul.f32 v36, v37  }
0x13c: {  	v43 =	vld [tilespmem:s23+$0x6980];
	[tilespmem:s23+$0x6910] =	vst v2;
	v2 =	vmul.f32 v38, v37  }
0x13d: {  	v44 =	vld [tilespmem:s23+$0x6990];
	[tilespmem:s23+$0x6920] =	vst v3;
	v3 =	vmul.f32 v39, v37  }
0x13e: {  	v45 =	vld [tilespmem:s23+$0x69A0];
	[tilespmem:s23+$0x6930] =	vst v2;
	v2 =	vmul.f32 v40, v37  }
0x13f: {  	v46 =	vbroadcast v1, $0x2;
	v47 =	vld [tilespmem:s23+$0x69B0];
	[tilespmem:s23+$0x6940] =	vst v3;
	v3 =	vmul.f32 v41, v37  }
0x140: {  	v48 =	vld [tilespmem:s23+$0x69C0];
	[tilespmem:s23+$0x6950] =	vst v2;
	v2 =	vmul.f32 v42, v37  }
0x141: {  	v49 =	vld [tilespmem:s23+$0x69D0];
	[tilespmem:s23+$0x6960] =	vst v3;
	v3 =	vmul.f32 v43, v46  }
0x142: {  	v50 =	vld [tilespmem:s23+$0x69E0];
	[tilespmem:s23+$0x6970] =	vst v2;
	v2 =	vmul.f32 v44, v46  }
0x143: {  	v51 =	vld [tilespmem:s23+$0x69F0];
	[tilespmem:s23+$0x6980] =	vst v3;
	v3 =	vmul.f32 v45, v46  }
0x144: {  	v52 =	vld [tilespmem:s23+$0x6A00];
	[tilespmem:s23+$0x6990] =	vst v2;
	v2 =	vmul.f32 v47, v46  }
0x145: {  	v53 =	vld [tilespmem:s23+$0x6A10];
	[tilespmem:s23+$0x69A0] =	vst v3;
	v3 =	vmul.f32 v48, v46  }
0x146: {  	v54 =	vld [tilespmem:s23+$0x6A20];
	[tilespmem:s23+$0x69B0] =	vst v2;
	v2 =	vmul.f32 v49, v46  }
0x147: {  	v56 =	vld [tilespmem:s23+$0x6A30];
	v55 =	vbroadcast v1, $0x3;
	[tilespmem:s23+$0x69C0] =	vst v3;
	v3 =	vmul.f32 v50, v46  }
0x148: {  	v57 =	vld [tilespmem:s23+$0x6A40];
	[tilespmem:s23+$0x69D0] =	vst v2;
	v2 =	vmul.f32 v51, v46  }
0x149: {  	v58 =	vld [tilespmem:s23+$0x6A50];
	[tilespmem:s23+$0x69E0] =	vst v3;
	v3 =	vmul.f32 v52, v55  }
0x14a: {  	v59 =	vld [tilespmem:s23+$0x6A60];
	[tilespmem:s23+$0x69F0] =	vst v2;
	v2 =	vmul.f32 v53, v55  }
0x14b: {  	v60 =	vld [tilespmem:s23+$0x6A70];
	[tilespmem:s23+$0x6A00] =	vst v3;
	v3 =	vmul.f32 v54, v55  }
0x14c: {  	v61 =	vld [tilespmem:s23+$0x6A80];
	[tilespmem:s23+$0x6A10] =	vst v2;
	v2 =	vmul.f32 v56, v55  }
0x14d: {  	v62 =	vld [tilespmem:s23+$0x6A90];
	[tilespmem:s23+$0x6A20] =	vst v3;
	v3 =	vmul.f32 v57, v55  }
0x14e: {  	v63 =	vld [tilespmem:s23+$0x6AA0];
	[tilespmem:s23+$0x6A30] =	vst v2;
	v2 =	vmul.f32 v58, v55  }
0x14f: {  	v13 =	vld [tilespmem:s23+$0x6AB0];
	v12 =	vbroadcast v1, $0x4;
	[tilespmem:s23+$0x6A40] =	vst v3;
	v3 =	vmul.f32 v59, v55  }
0x150: {  	v14 =	vld [tilespmem:s23+$0x6AC0];
	[tilespmem:s23+$0x6A50] =	vst v2;
	v2 =	vmul.f32 v60, v55  }
0x151: {  	v15 =	vld [tilespmem:s23+$0x6AD0];
	[tilespmem:s23+$0x6A60] =	vst v3;
	v3 =	vmul.f32 v61, v12  }
0x152: {  	v16 =	vld [tilespmem:s23+$0x6AE0];
	[tilespmem:s23+$0x6A70] =	vst v2;
	v2 =	vmul.f32 v62, v12  }
0x153: {  	v17 =	vld [tilespmem:s23+$0x6AF0];
	[tilespmem:s23+$0x6A80] =	vst v3;
	v3 =	vmul.f32 v63, v12  }
0x154: {  	v18 =	vld [tilespmem:s23+$0x6B00];
	[tilespmem:s23+$0x6A90] =	vst v2;
	v2 =	vmul.f32 v13, v12  }
0x155: {  	v19 =	vld [tilespmem:s23+$0x6B10];
	[tilespmem:s23+$0x6AA0] =	vst v3;
	v3 =	vmul.f32 v14, v12  }
0x156: {  	v20 =	vld [tilespmem:s23+$0x6B20];
	[tilespmem:s23+$0x6AB0] =	vst v2;
	v2 =	vmul.f32 v15, v12  }
0x157: {  	v22 =	vld [tilespmem:s23+$0x6B30];
	v21 =	vbroadcast v1, $0x5;
	[tilespmem:s23+$0x6AC0] =	vst v3;
	v3 =	vmul.f32 v16, v12  }
0x158: {  	v23 =	vld [tilespmem:s23+$0x6B40];
	[tilespmem:s23+$0x6AD0] =	vst v2;
	v2 =	vmul.f32 v17, v12  }
0x159: {  	v24 =	vld [tilespmem:s23+$0x6B50];
	[tilespmem:s23+$0x6AE0] =	vst v3;
	v3 =	vmul.f32 v18, v21  }
0x15a: {  	v25 =	vld [tilespmem:s23+$0x6B60];
	[tilespmem:s23+$0x6AF0] =	vst v2;
	v2 =	vmul.f32 v19, v21  }
0x15b: {  	v26 =	vld [tilespmem:s23+$0x6B70];
	[tilespmem:s23+$0x6B00] =	vst v3;
	v3 =	vmul.f32 v20, v21  }
0x15c: {  	v27 =	vld [tilespmem:s23+$0x6B80];
	[tilespmem:s23+$0x6B10] =	vst v2;
	v2 =	vmul.f32 v22, v21  }
0x15d: {  	v28 =	vld [tilespmem:s23+$0x6B90];
	[tilespmem:s23+$0x6B20] =	vst v3;
	v3 =	vmul.f32 v23, v21  }
0x15e: {  	v29 =	vld [tilespmem:s23+$0x6BA0];
	[tilespmem:s23+$0x6B30] =	vst v2;
	v2 =	vmul.f32 v24, v21  }
0x15f: {  	v30 =	vbroadcast v1, $0x6;
	v31 =	vld [tilespmem:s23+$0x6BB0];
	[tilespmem:s23+$0x6B40] =	vst v3;
	v3 =	vmul.f32 v25, v21  }
0x160: {  	v32 =	vld [tilespmem:s23+$0x6BC0];
	[tilespmem:s23+$0x6B50] =	vst v2;
	v2 =	vmul.f32 v26, v21  }
0x161: {  	v33 =	vld [tilespmem:s23+$0x6BD0];
	[tilespmem:s23+$0x6B60] =	vst v3;
	v3 =	vmul.f32 v27, v30  }
0x162: {  	v34 =	vld [tilespmem:s23+$0x6BE0];
	[tilespmem:s23+$0x6B70] =	vst v2;
	v2 =	vmul.f32 v28, v30  }
0x163: {  	v35 =	vld [tilespmem:s23+$0x6BF0];
	[tilespmem:s23+$0x6B80] =	vst v3;
	v3 =	vmul.f32 v29, v30  }
0x164: {  	v36 =	vld [tilespmem:s23+$0x6C00];
	[tilespmem:s23+$0x6B90] =	vst v2;
	v2 =	vmul.f32 v31, v30  }
0x165: {  	v37 =	vld [tilespmem:s23+$0x6C10];
	[tilespmem:s23+$0x6BA0] =	vst v3;
	v3 =	vmul.f32 v32, v30  }
0x166: {  	v38 =	vld [tilespmem:s23+$0x6C20];
	[tilespmem:s23+$0x6BB0] =	vst v2;
	v2 =	vmul.f32 v33, v30  }
0x167: {  	v40 =	vld [tilespmem:s23+$0x6C30];
	v39 =	vbroadcast v1, $0x7;
	[tilespmem:s23+$0x6BC0] =	vst v3;
	v3 =	vmul.f32 v34, v30  }
0x168: {  	v41 =	vld [tilespmem:s23+$0x6C40];
	[tilespmem:s23+$0x6BD0] =	vst v2;
	v2 =	vmul.f32 v35, v30  }
0x169: {  	v42 =	vld [tilespmem:s23+$0x6C50];
	[tilespmem:s23+$0x6BE0] =	vst v3;
	v3 =	vmul.f32 v36, v39  }
0x16a: {  	v43 =	vld [tilespmem:s23+$0x6C60];
	[tilespmem:s23+$0x6BF0] =	vst v2;
	v2 =	vmul.f32 v37, v39  }
0x16b: {  	v44 =	vld [tilespmem:s23+$0x6C70];
	[tilespmem:s23+$0x6C00] =	vst v3;
	v3 =	vmul.f32 v38, v39  }
0x16c: {  	v45 =	vld [tilespmem:s23+$0x6C80];
	[tilespmem:s23+$0x6C10] =	vst v2;
	v2 =	vmul.f32 v40, v39  }
0x16d: {  	v46 =	vld [tilespmem:s23+$0x6C90];
	[tilespmem:s23+$0x6C20] =	vst v3;
	v3 =	vmul.f32 v41, v39  }
0x16e: {  	v47 =	vld [tilespmem:s23+$0x6CA0];
	[tilespmem:s23+$0x6C30] =	vst v2;
	v2 =	vmul.f32 v42, v39  }
0x16f: {  	v49 =	vld [tilespmem:s23+$0x6CB0];
	v48 =	vbroadcast v1, $0x8;
	[tilespmem:s23+$0x6C40] =	vst v3;
	v3 =	vmul.f32 v43, v39  }
0x170: {  	v50 =	vld [tilespmem:s23+$0x6CC0];
	[tilespmem:s23+$0x6C50] =	vst v2;
	v2 =	vmul.f32 v44, v39  }
0x171: {  	v51 =	vld [tilespmem:s23+$0x6CD0];
	[tilespmem:s23+$0x6C60] =	vst v3;
	v3 =	vmul.f32 v45, v48  }
0x172: {  	v52 =	vld [tilespmem:s23+$0x6CE0];
	[tilespmem:s23+$0x6C70] =	vst v2;
	v2 =	vmul.f32 v46, v48  }
0x173: {  	v53 =	vld [tilespmem:s23+$0x6CF0];
	[tilespmem:s23+$0x6C80] =	vst v3;
	v3 =	vmul.f32 v47, v48  }
0x174: {  	v54 =	vld [tilespmem:s23+$0x6D00];
	[tilespmem:s23+$0x6C90] =	vst v2;
	v2 =	vmul.f32 v49, v48  }
0x175: {  	v55 =	vld [tilespmem:s23+$0x6D10];
	[tilespmem:s23+$0x6CA0] =	vst v3;
	v3 =	vmul.f32 v50, v48  }
0x176: {  	v56 =	vld [tilespmem:s23+$0x6D20];
	[tilespmem:s23+$0x6CB0] =	vst v2;
	v2 =	vmul.f32 v51, v48  }
0x177: {  	v58 =	vld [tilespmem:s23+$0x6D30];
	v57 =	vbroadcast v1, $0x9;
	[tilespmem:s23+$0x6CC0] =	vst v3;
	v3 =	vmul.f32 v52, v48  }
0x178: {  	v59 =	vld [tilespmem:s23+$0x6D40];
	[tilespmem:s23+$0x6CD0] =	vst v2;
	v2 =	vmul.f32 v53, v48  }
0x179: {  	v60 =	vld [tilespmem:s23+$0x6D50];
	[tilespmem:s23+$0x6CE0] =	vst v3;
	v3 =	vmul.f32 v54, v57  }
0x17a: {  	v61 =	vld [tilespmem:s23+$0x6D60];
	[tilespmem:s23+$0x6CF0] =	vst v2;
	v2 =	vmul.f32 v55, v57  }
0x17b: {  	v62 =	vld [tilespmem:s23+$0x6D70];
	[tilespmem:s23+$0x6D00] =	vst v3;
	v3 =	vmul.f32 v56, v57  }
0x17c: {  	v63 =	vld [tilespmem:s23+$0x6D80];
	[tilespmem:s23+$0x6D10] =	vst v2;
	v2 =	vmul.f32 v58, v57  }
0x17d: {  	v12 =	vld [tilespmem:s23+$0x6D90];
	[tilespmem:s23+$0x6D20] =	vst v3;
	v3 =	vmul.f32 v59, v57  }
0x17e: {  	v13 =	vld [tilespmem:s23+$0x6DA0];
	[tilespmem:s23+$0x6D30] =	vst v2;
	v2 =	vmul.f32 v60, v57  }
0x17f: {  	v15 =	vld [tilespmem:s23+$0x6DB0];
	v14 =	vbroadcast v1, $0xA;
	[tilespmem:s23+$0x6D40] =	vst v3;
	v3 =	vmul.f32 v61, v57  }
0x180: {  	v16 =	vld [tilespmem:s23+$0x6DC0];
	[tilespmem:s23+$0x6D50] =	vst v2;
	v2 =	vmul.f32 v62, v57  }
0x181: {  	v17 =	vld [tilespmem:s23+$0x6DD0];
	[tilespmem:s23+$0x6D60] =	vst v3;
	v3 =	vmul.f32 v63, v14  }
0x182: {  	v18 =	vld [tilespmem:s23+$0x6DE0];
	[tilespmem:s23+$0x6D70] =	vst v2;
	v2 =	vmul.f32 v12, v14  }
0x183: {  	v19 =	vld [tilespmem:s23+$0x6DF0];
	[tilespmem:s23+$0x6D80] =	vst v3;
	v3 =	vmul.f32 v13, v14  }
0x184: {  	v20 =	vld [tilespmem:s23+$0x6E00];
	[tilespmem:s23+$0x6D90] =	vst v2;
	v2 =	vmul.f32 v15, v14  }
0x185: {  	v21 =	vld [tilespmem:s23+$0x6E10];
	[tilespmem:s23+$0x6DA0] =	vst v3;
	v3 =	vmul.f32 v16, v14  }
0x186: {  	v22 =	vld [tilespmem:s23+$0x6E20];
	[tilespmem:s23+$0x6DB0] =	vst v2;
	v2 =	vmul.f32 v17, v14  }
0x187: {  	v24 =	vld [tilespmem:s23+$0x6E30];
	v23 =	vbroadcast v1, $0xB;
	[tilespmem:s23+$0x6DC0] =	vst v3;
	v3 =	vmul.f32 v18, v14  }
0x188: {  	v25 =	vld [tilespmem:s23+$0x6E40];
	[tilespmem:s23+$0x6DD0] =	vst v2;
	v2 =	vmul.f32 v19, v14  }
0x189: {  	v26 =	vld [tilespmem:s23+$0x6E50];
	[tilespmem:s23+$0x6DE0] =	vst v3;
	v3 =	vmul.f32 v20, v23  }
0x18a: {  	v27 =	vld [tilespmem:s23+$0x6E60];
	[tilespmem:s23+$0x6DF0] =	vst v2;
	v2 =	vmul.f32 v21, v23  }
0x18b: {  	v28 =	vld [tilespmem:s23+$0x6E70];
	[tilespmem:s23+$0x6E00] =	vst v3;
	v3 =	vmul.f32 v22, v23  }
0x18c: {  	v29 =	vld [tilespmem:s23+$0x6E80];
	[tilespmem:s23+$0x6E10] =	vst v2;
	v2 =	vmul.f32 v24, v23  }
0x18d: {  	v30 =	vld [tilespmem:s23+$0x6E90];
	[tilespmem:s23+$0x6E20] =	vst v3;
	v3 =	vmul.f32 v25, v23  }
0x18e: {  	v31 =	vld [tilespmem:s23+$0x6EA0];
	[tilespmem:s23+$0x6E30] =	vst v2;
	v2 =	vmul.f32 v26, v23  }
0x18f: {  	v33 =	vld [tilespmem:s23+$0x6EB0];
	v32 =	vbroadcast v1, $0xC;
	[tilespmem:s23+$0x6E40] =	vst v3;
	v3 =	vmul.f32 v27, v23  }
0x190: {  	v34 =	vld [tilespmem:s23+$0x6EC0];
	[tilespmem:s23+$0x6E50] =	vst v2;
	v2 =	vmul.f32 v28, v23  }
0x191: {  	v35 =	vld [tilespmem:s23+$0x6ED0];
	[tilespmem:s23+$0x6E60] =	vst v3;
	v3 =	vmul.f32 v29, v32  }
0x192: {  	v36 =	vld [tilespmem:s23+$0x6EE0];
	[tilespmem:s23+$0x6E70] =	vst v2;
	v2 =	vmul.f32 v30, v32  }
0x193: {  	v37 =	vld [tilespmem:s23+$0x6EF0];
	[tilespmem:s23+$0x6E80] =	vst v3;
	v3 =	vmul.f32 v31, v32  }
0x194: {  	v38 =	vld [tilespmem:s23+$0x6F00];
	[tilespmem:s23+$0x6E90] =	vst v2;
	v2 =	vmul.f32 v33, v32  }
0x195: {  	v39 =	vld [tilespmem:s23+$0x6F10];
	[tilespmem:s23+$0x6EA0] =	vst v3;
	v3 =	vmul.f32 v34, v32  }
0x196: {  	v40 =	vld [tilespmem:s23+$0x6F20];
	[tilespmem:s23+$0x6EB0] =	vst v2;
	v2 =	vmul.f32 v35, v32  }
0x197: {  	v42 =	vld [tilespmem:s23+$0x6F30];
	v41 =	vbroadcast v1, $0xD;
	[tilespmem:s23+$0x6EC0] =	vst v3;
	v3 =	vmul.f32 v36, v32  }
0x198: {  	v43 =	vld [tilespmem:s23+$0x6F40];
	[tilespmem:s23+$0x6ED0] =	vst v2;
	v2 =	vmul.f32 v37, v32  }
0x199: {  	v44 =	vld [tilespmem:s23+$0x6F50];
	[tilespmem:s23+$0x6EE0] =	vst v3;
	v3 =	vmul.f32 v38, v41  }
0x19a: {  	v45 =	vld [tilespmem:s23+$0x6F60];
	[tilespmem:s23+$0x6EF0] =	vst v2;
	v2 =	vmul.f32 v39, v41  }
0x19b: {  	v46 =	vld [tilespmem:s23+$0x6F70];
	[tilespmem:s23+$0x6F00] =	vst v3;
	v3 =	vmul.f32 v40, v41  }
0x19c: {  	v47 =	vld [tilespmem:s23+$0x6F80];
	[tilespmem:s23+$0x6F10] =	vst v2;
	v2 =	vmul.f32 v42, v41  }
0x19d: {  	v48 =	vld [tilespmem:s23+$0x6F90];
	[tilespmem:s23+$0x6F20] =	vst v3;
	v3 =	vmul.f32 v43, v41  }
0x19e: {  	v49 =	vld [tilespmem:s23+$0x6FA0];
	[tilespmem:s23+$0x6F30] =	vst v2;
	v2 =	vmul.f32 v44, v41  }
0x19f: {  	v51 =	vld [tilespmem:s23+$0x6FB0];
	v50 =	vbroadcast v1, $0xE;
	[tilespmem:s23+$0x6F40] =	vst v3;
	v3 =	vmul.f32 v45, v41  }
0x1a0: {  	v52 =	vld [tilespmem:s23+$0x6FC0];
	[tilespmem:s23+$0x6F50] =	vst v2;
	v2 =	vmul.f32 v46, v41  }
0x1a1: {  	v53 =	vld [tilespmem:s23+$0x6FD0];
	[tilespmem:s23+$0x6F60] =	vst v3;
	v3 =	vmul.f32 v47, v50  }
0x1a2: {  	v54 =	vld [tilespmem:s23+$0x6FE0];
	[tilespmem:s23+$0x6F70] =	vst v2;
	v2 =	vmul.f32 v48, v50  }
0x1a3: {  	v55 =	vld [tilespmem:s23+$0x6FF0];
	[tilespmem:s23+$0x6F80] =	vst v3;
	v3 =	vmul.f32 v49, v50  }
0x1a4: {  	v56 =	vld [tilespmem:s23+$0x7000];
	[tilespmem:s23+$0x6F90] =	vst v2;
	v2 =	vmul.f32 v51, v50  }
0x1a5: {  	v57 =	vld [tilespmem:s23+$0x7010];
	[tilespmem:s23+$0x6FA0] =	vst v3;
	v3 =	vmul.f32 v52, v50  }
0x1a6: {  	v58 =	vld [tilespmem:s23+$0x7020];
	[tilespmem:s23+$0x6FB0] =	vst v2;
	v2 =	vmul.f32 v53, v50  }
0x1a7: {  	v1 =	vbroadcast v1, $0xF;
	v59 =	vld [tilespmem:s23+$0x7030];
	[tilespmem:s23+$0x6FC0] =	vst v3;
	v3 =	vmul.f32 v54, v50  }
0x1a8: {  	v60 =	vld [tilespmem:s23+$0x7040];
	[tilespmem:s23+$0x6FD0] =	vst v2;
	v2 =	vmul.f32 v55, v50  }
0x1a9: {  	v61 =	vld [tilespmem:s23+$0x7050];
	[tilespmem:s23+$0x6FE0] =	vst v3;
	v3 =	vmul.f32 v56, v1  }
0x1aa: {  	v62 =	vld [tilespmem:s23+$0x7060];
	[tilespmem:s23+$0x6FF0] =	vst v2;
	v2 =	vmul.f32 v57, v1  }
0x1ab: {  	v63 =	vld [tilespmem:s23+$0x7070];
	[tilespmem:s23+$0x7000] =	vst v3;
	v3 =	vmul.f32 v58, v1  }
0x1ac: {  	[tilespmem:s23+$0x7010] =	vst v2;
	v2 =	vmul.f32 v59, v1  }
0x1ad: {  	s21 =	sadd.s32 $0x1, s21;
	[tilespmem:s23+$0x7020] =	vst v3;
	v3 =	vmul.f32 v60, v1  }
0x1ae: {  	p1 =	sne.s32 s21, $0x28A;
	[tilespmem:s23+$0x7030] =	vst v2;
	v2 =	vmul.f32 v61, v1  }
.Ltmp3:
0x1af: {  	[tilespmem:s23+$0x7040] =	vst v3;
	v3 =	vmul.f32 v62, v1;
	(pc) =	sbr.rel @p1 .LBB2_7-.Ltmp3, $4  }
0x1b0: {  	[tilespmem:s23+$0x7050] =	vst v2;
	v1 =	vmul.f32 v63, v1  }
0x1b1: {  	s17 =	sadd.s32 $0x20, s17;
	[tilespmem:s23+$0x7060] =	vst v3  }
0x1b2: {  	s19 =	sadd.s32 $0x200, s19;
	s22 =	sor.u32 $0x800, s22;
	s31 =	sadd.s32 $0x6080, s23;
	[tilespmem:s23+$0x7070] =	vst v1  }
0x1b3: {  	[spmem:s4] =	stream.indirect.scatter.add.f32 [tilespmem:s31], [sflag:$0x3], $0x80, s22, s16, $0xb8;
	[tilespmem:$0x1F780] =	vst v63  }
0x1b4: {  	s4 =	simm.s32 $0x3  }
0x1b5: {  	_ =	swait.ge [sflag:s4], $0x1000  }
0x1b6: {  	s30 =	simm.s32 $0x50;
	[sflag:s4] =	ssyncset.done $0x0  }
0x1b7: {  	s5 =	simm.s32 $0xB880;
	s6 =	simm.s32 $0x9080;
	[sflag:s4] =	ssyncadd.s32 $0xFFFFF000  }
0x1b8: {  	[spmem:s3] =	stream.indirect.scatter.add.f32 [tilespmem:s6], [sflag:$0x4], $0x80, s5, s30, $0xb8;
	[tilespmem:$0x1F780] =	vst v63  }
0x1b9: {  	s3 =	simm.s32 $0x4  }
0x1ba: {  	_ =	swait.ge [sflag:s3], $0x2800  }
0x1bb: {  	[sflag:s3] =	ssyncset.done $0x0  }
0x1bc: {  	[sflag:s3] =	ssyncadd.s32 $0xFFFFD800  }
0x1bd: {  	s31 =	smul.u32 $0x2780, s1;
	s4 =	simm.s32 $0x6080;
	[bflag:$0x0] =	sbarrier.arrive $0xFFFF  }
0x1be: {  	[tilespmem:s4], [sflag:$0x4] =	stream.linear.gather [spmem:s8], $0x1000, $0x38;
	[tilespmem:$0x1F780] =	vst v63  }
0x1bf: {  	_ =	swait.ge [sflag:s3], $0x1000  }
0x1c0: {  	s5 =	sadd.s32 s31, s2;
	[sflag:s3] =	ssyncset.done $0x0  }
0x1c1: {  	s6 =	simm.s32 $0x0;
	s7 =	sadd.s32 $0x0, s5;
	[sflag:s3] =	ssyncadd.s32 $0xFFFFF000  }
0x1c2: {  	[hbm4b:s7+s6] =	stream.linear.scatter [tilespmem:s4], [sflag:$0x4], $0x1000, $0x38;
	[tilespmem:$0x1F780] =	vst v63  }
0x1c3: {  	_ =	swait.ge [sflag:s3], $0x1000  }
0x1c4: {  	s7 =	simm.s32 $0x200;
	[sflag:s3] =	ssyncset.done $0x0  }
.LBB2_9:
0x1c5: {  	p1 =	sne.s32 s7, $0x2400;
	[sflag:s3] =	ssyncadd.s32 $0xFFFFF000;
	s8 =	sadd.s32 $0x1000, s8  }
0x1c6: {  	[tilespmem:s4], [sflag:$0x4] =	stream.linear.gather [spmem:s8], $0x1000, $0x38;
	[tilespmem:$0x1F780] =	vst v63  }
0x1c7: {  	s13 =	smov.u32 s7;
	s7 =	sadd.s32 $0x200, s7;
	_ =	swait.ge [sflag:s3], $0x1000  }
.Ltmp4:
0x1c8: {  	[sflag:s3] =	ssyncset.done $0x0;
	(pc) =	sbr.rel @p1 .LBB2_9-.Ltmp4, $4  }
0x1c9: {  	s13 =	sadd.s32 s13, s5;
	[sflag:s3] =	ssyncadd.s32 $0xFFFFF000  }
0x1ca: {  	[hbm4b:s13+s6] =	stream.linear.scatter [tilespmem:s4], [sflag:$0x4], $0x1000, $0x38;
	[tilespmem:$0x1F780] =	vst v63  }
0x1cb: {  	_ =	swait.ge [sflag:s3], $0x1000  }
0x1cc: {  	[sflag:s3] =	ssyncset.done $0x0  }
0x1cd: {  	[sflag:s3] =	ssyncadd.s32 $0xFFFFF000;
	s30 =	simm.s32 $0x6080;
	s4 =	simm.s32 $0x4  }
0x1ce: {  	[tilespmem:s30], [sflag:$0x4] =	stream.linear.gather [spmem:s10], $0x1000, $0x38;
	[tilespmem:$0x1F780] =	vst v63  }
0x1cf: {  	_ =	swait.ge [sflag:s4], $0x1000  }
0x1d0: {  	s5 =	sshll.u32 s9, $0x4;
	[sflag:s4] =	ssyncset.done $0x0  }
0x1d1: {  	s31 =	simm.s32 $0x0;
	s2 =	sadd.s32 s2, s5;
	[sflag:s4] =	ssyncadd.s32 $0xFFFFF000  }
0x1d2: {  	[hbm4b:s2+s31] =	stream.linear.scatter [tilespmem:s30], [sflag:$0x4], $0x1000, $0x38;
	[tilespmem:$0x1F780] =	vst v63  }
0x1d3: {  	_ =	swait.ge [sflag:s4], $0x1000  }
0x1d4: {  	p1 =	sgt.u32 s1, $0x9;
	[sflag:s4] =	ssyncset.done $0x0  }
0x1d5: {  	s1 =	simm.s32 @!p1 $0x6080;
	s2 =	simm.s32 @!p1 $0x4;
	[sflag:s4] =	ssyncadd.s32 $0xFFFFF000  }
0x1d6: {  	[tilespmem:s1], [sflag:$0x4] =	stream.linear.gather @!p1 [spmem:s12], $0x400, $0x38;
	[tilespmem:$0x1F780] =	vst v63  }
0x1d7: {  	_ =	swait.ge @!p1 [sflag:s2], $0x400  }
0x1d8: {  	[sflag:s2] =	ssyncset.done @!p1 $0x0  }
0x1d9: {  	s3 =	simm.s32 @!p1 $0x0;
	[sflag:s2] =	ssyncadd.s32 @!p1 $0xFFFFFC00  }
0x1da: {  	[hbm4b:s11+s3] =	stream.linear.scatter @!p1 [tilespmem:s1], [sflag:$0x4], $0x400, $0x38;
	[tilespmem:$0x1F780] =	vst v63  }
0x1db: {  	_ =	swait.ge @!p1 [sflag:s2], $0x400  }
0x1dc: {  	[sflag:s2] =	ssyncset.done @!p1 $0x0  }
0x1dd: {  	[sflag:s2] =	ssyncadd.s32 @!p1 $0xFFFFFC00  }
0x1de: {  	_ =	sfence.sel $0x180000  }
0x1df: {  	[bflag:$0x0] =	sbarrier.arrive $0xFFFF  }
0x1e0: {  	_ =	strace $0x90000047  }
0x1e1: {  	s0 =	sadd.s32 @!p0 $0x100000, s0;
	[bflag:$0x2] =	sbarrier.arrive $0xFFFF  }
0x1e2: {  	[sflag:s0] =	ssyncadd.tile.s32 @!p0 $0x1;
	_ =	shalt  }
.Lfunc_end2:
_tile_overlayer_lowered:
.L_overlay_start_2:
0x1e3: {  	(tag) =	ssettag $0x2  }
0x1e4: {  	s0 =	rddreg [dreg:$0x0];
	s2 =	stileid.u32  }
0x1e5: {  	s1 =	rddreg [dreg:$0x1];
	p0 =	sne.s32 s2, $0x0  }
0x1e6: {  	s3 =	rddreg [dreg:$0x2];
	[bflag:$0x3] =	sbarrier.arrive $0xFFFF;
	s2 =	simm.s32 @!p0 $0x1C04  }
0x1e7: {  	[timem:s3], [sflag:s2] =	dma.local @!p0 [hbm:s0], s1  }
0x1e8: {  	s0 =	simm.s32 @!p0 $0x4  }
0x1e9: {  	_ =	swait.ge @!p0 [sflag:s0], s1  }
0x1ea: {  	s1 =	ssub.s32 @!p0 $0x0, s1;
	[sflag:s0] =	ssyncset.done @!p0 $0x0  }
0x1eb: {  	[sflag:s0] =	ssyncadd.s32 @!p0 s1  }
0x1ec: {  	[bflag:$0x3] =	sbarrier.arrive $0xFFFF  }
0x1ed: {  	_ =	shalt  }

</sc_bundles>
